<compile_context>
chip_gen: v7x
topology: tpu7x:2x2x1
jax: 0.10.2.dev20260603
libtpu: 0.0.44.dev20260713+nightly
codegen_flags: <defaults>
</compile_context>

<pallas_src>
import functools
import math

import jax
import jax.numpy as jnp
from jax import lax
from jax.experimental import pallas as pl
from jax.experimental.pallas import tpu as pltpu
from jax.experimental.pallas import tpu_sc as plsc

K = 10
B, N, PD = 64, 1024, 96
BI = 256
KP = 16
RS = 512


def _gelu(x):
    return 0.5 * x * (1.0 + lax.erf(x * (1.0 / math.sqrt(2.0))))


def _make_sc_topk(nb):
    nw = 32
    ntasks = nb * (N // RS)
    tpw = ntasks // nw

    mesh = plsc.VectorSubcoreMesh(core_axis_name="c", subcore_axis_name="s",
                                  num_cores=2)

    @functools.partial(
        pl.kernel, mesh=mesh,
        out_type=jax.ShapeDtypeStruct((nb * N * KP,), jnp.int32),
        scratch_types=[
            pltpu.VMEM((N,), jnp.float32),
            pltpu.VMEM((N,), jnp.float32),
            pltpu.VMEM((N,), jnp.float32),
            pltpu.VMEM((RS * 16,), jnp.float32),
            pltpu.VMEM((RS * 16,), jnp.float32),
            pltpu.VMEM((RS * 16,), jnp.float32),
            pltpu.VMEM((RS * KP,), jnp.int32),
        ],
        compiler_params=pltpu.CompilerParams(needs_layout_passes=False),
    )
    def sc_topk(xgb_h, ygb_h, rb_h, xrb_h, yrb_h, ra_h, out_h,
                xg_v, yg_v, rb_v, xr_v, yr_v, ra_v, idx_v):
        wid = lax.axis_index("s") * 2 + lax.axis_index("c")
        lane = lax.iota(jnp.int32, 16)
        inf16 = jnp.full((16,), jnp.inf, dtype=jnp.float32)

        for q in range(tpw):
            task = wid * tpw + q
            b = task // (N // RS)
            half = task % (N // RS)
            gbase = b * N
            rbase = b * N + half * RS
            pltpu.sync_copy(xgb_h.at[pl.ds(gbase, N)], xg_v)
            pltpu.sync_copy(ygb_h.at[pl.ds(gbase, N)], yg_v)
            pltpu.sync_copy(rb_h.at[pl.ds(gbase, N)], rb_v)
            pltpu.sync_copy(xrb_h.at[pl.ds(rbase * 16, RS * 16)], xr_v)
            pltpu.sync_copy(yrb_h.at[pl.ds(rbase * 16, RS * 16)], yr_v)
            pltpu.sync_copy(ra_h.at[pl.ds(rbase * 16, RS * 16)], ra_v)

            nrl = 8

            def row_body(i, _):
                xis, yis, rais = [], [], []
                for u in range(nrl):
                    r0 = (i + u * (RS // nrl)) * 16
                    xis.append(xr_v[pl.ds(r0, 16)])
                    yis.append(yr_v[pl.ds(r0, 16)])
                    rais.append(ra_v[pl.ds(r0, 16)])

                def chunk_body(c, carry):
                    off = c * 16
                    xc = xg_v[pl.ds(off, 16)]
                    yc = yg_v[pl.ds(off, 16)]
                    rc = rb_v[pl.ds(off, 16)]
                    jc = lane + off
                    out = []
                    for u in range(nrl):
                        sk, sv = carry[2 * u], carry[2 * u + 1]
                        m = xis[u] * xc + yis[u] * yc
                        t = rais[u] - 2.0 * m
                        dc = (t + rc) + 1e-05
                        dk, jv = plsc.sort_key_val(dc, jc, descending=True)
                        cmp = dk < sk
                        nk = jnp.where(cmp, dk, sk)
                        nv = jnp.where(cmp, jv, sv)
                        rk, rv = plsc.sort_key_val(nk, nv, descending=False)
                        out += [rk, rv]
                    return tuple(out)

                init = (inf16, jnp.zeros((16,), jnp.int32)) * nrl
                res = lax.fori_loop(0, N // 16, chunk_body, init)
                for u in range(nrl):
                    r0 = (i + u * (RS // nrl)) * KP
                    idx_v[pl.ds(r0, KP)] = res[2 * u + 1]
                return 0

            lax.fori_loop(0, RS // nrl, row_body, 0)
            pltpu.sync_copy(idx_v, out_h.at[pl.ds(rbase * KP, RS * KP)])

    return sc_topk


def _tc_mlp_kernel(idx_ref, fr_ref, fg_ref, w1a_ref, w1d_ref, b1_ref,
                   w2_ref, b2_ref, out_ref):
    fg = fg_ref[0]
    fr = fr_ref[0]
    c = jnp.dot(fr, w1d_ref[...], preferred_element_type=jnp.float32)
    c = c + b1_ref[...]

    idx = idx_ref[0]
    iota = lax.broadcasted_iota(jnp.int32, (BI, N), 1)
    fgb = fg.astype(jnp.bfloat16)
    fks = []
    for r in range(K):
        sel = iota == idx[:, r:r + 1]
        oh = sel.astype(jnp.bfloat16)
        fks.append(jnp.dot(oh, fgb, preferred_element_type=jnp.float32))
    fk = jnp.stack(fks, axis=0).reshape(K * BI, PD)
    h = jnp.dot(fk, w1a_ref[...], preferred_element_type=jnp.float32)
    h = h.reshape(K, BI, 4 * PD) + c[None]
    h = _gelu(h).reshape(K * BI, 4 * PD)
    h2 = jnp.dot(h, w2_ref[...], preferred_element_type=jnp.float32)
    h2 = _gelu(h2 + b2_ref[...])
    out_ref[0] = jnp.max(h2.reshape(K, BI, PD), axis=0)


def _tc_mlp(nb, idx, features_reco, features_gen, w1a, w1d, b1r, W2, b2r):
    grid = (nb, N // BI)
    return pl.pallas_call(
        _tc_mlp_kernel,
        grid=grid,
        in_specs=[
            pl.BlockSpec((1, BI, KP), lambda b, i: (b, i, 0)),
            pl.BlockSpec((1, BI, PD), lambda b, i: (b, i, 0)),
            pl.BlockSpec((1, N, PD), lambda b, i: (b, 0, 0)),
            pl.BlockSpec((PD, 4 * PD), lambda b, i: (0, 0)),
            pl.BlockSpec((PD, 4 * PD), lambda b, i: (0, 0)),
            pl.BlockSpec((1, 4 * PD), lambda b, i: (0, 0)),
            pl.BlockSpec((4 * PD, PD), lambda b, i: (0, 0)),
            pl.BlockSpec((1, PD), lambda b, i: (0, 0)),
        ],
        out_specs=pl.BlockSpec((1, BI, PD), lambda b, i: (b, i, 0)),
        out_shape=jax.ShapeDtypeStruct((nb, N, PD), jnp.float32),
        compiler_params=pltpu.CompilerParams(
            dimension_semantics=("parallel", "parallel"),
        ),
    )(idx, features_reco, features_gen, w1a, w1d, b1r, W2, b2r)


@jax.jit
def kernel(points_reco, points_gen, features_reco, features_gen, W1, b1, W2, b2):
    xr = points_reco[..., 0]
    yr = points_reco[..., 1]
    xg = points_gen[..., 0]
    yg = points_gen[..., 1]
    xrh, yrh, xgh, ygh = lax.optimization_barrier(
        (xr.astype(jnp.bfloat16), yr.astype(jnp.bfloat16),
         xg.astype(jnp.bfloat16), yg.astype(jnp.bfloat16)))
    xrb = xrh.astype(jnp.float32)
    yrb = yrh.astype(jnp.float32)
    xgb = xgh.astype(jnp.float32)
    ygb = ygh.astype(jnp.float32)
    ra = xr * xr + yr * yr
    rb = xg * xg + yg * yg
    w1a = W1[:PD]
    w1d = W1[PD:] - W1[:PD]
    b1r = b1.reshape(1, 4 * PD)
    b2r = b2.reshape(1, PD)

    nh = 4
    nb = B // nh
    sc_topk = _make_sc_topk(nb)
    sl = [slice(h * nb, (h + 1) * nb) for h in range(nh)]
    xrb16 = jnp.repeat(xrb.reshape(-1), 16)
    yrb16 = jnp.repeat(yrb.reshape(-1), 16)
    ra16 = jnp.repeat(ra.reshape(-1), 16)
    sz = nb * N * 16
    idxs = [
        sc_topk(xgb[sl[h]].reshape(-1), ygb[sl[h]].reshape(-1),
                rb[sl[h]].reshape(-1),
                lax.dynamic_slice(xrb16, (h * sz,), (sz,)),
                lax.dynamic_slice(yrb16, (h * sz,), (sz,)),
                lax.dynamic_slice(ra16, (h * sz,), (sz,)))
        for h in range(nh)
    ]
    outs = [
        _tc_mlp(nb, idxs[h].reshape(nb, N, KP), features_reco[sl[h]],
                features_gen[sl[h]], w1a, w1d, b1r, W2, b2r)
        for h in range(nh)
    ]
    return jnp.concatenate(outs, axis=0)

# --- scband reference (transcript-rebuilt; emitter-appended) ---
"""Pipeline reference for scband-pet-61486751809734 (READ-ONLY COPY).

The authoritative reference and input builder live on the scoring server;
editing this copy changes nothing except your own understanding.
"""

import jax, jax.numpy as jnp
import numpy as np

K = 10
B, N, PD = 64, 1024, 96
PT = 2

def _pairwise_distance(p1, p2):
    r_A = jnp.sum(p1 * p1, axis=2, keepdims=True)
    r_B = jnp.sum(p2 * p2, axis=2, keepdims=True)
    m = jnp.einsum('bnd,bmd->bnm', p1, p2)
    return r_A - 2.0 * m + jnp.transpose(r_B, (0, 2, 1)) + 1e-05

def setup_inputs(seed: int = 0):
    key = jax.random.key(seed)
    ks = jax.random.split(key, 8)
    return {
        'points_reco': jax.random.normal(ks[0], (B, N, PT), jnp.float32),
        'points_gen': jax.random.normal(ks[1], (B, N, PT), jnp.float32),
        'features_reco': jax.random.normal(ks[2], (B, N, PD), jnp.float32),
        'features_gen': jax.random.normal(ks[3], (B, N, PD), jnp.float32),
        'W1': jax.random.normal(ks[4], (2 * PD, 4 * PD), jnp.float32) * 0.02,
        'b1': jnp.zeros((4 * PD,), jnp.float32),
        'W2': jax.random.normal(ks[5], (4 * PD, PD), jnp.float32) * 0.02,
        'b2': jnp.zeros((PD,), jnp.float32),
    }

def reference(points_reco, points_gen, features_reco, features_gen, W1, b1, W2, b2):
    # Faithful port of PET get_neighbors: pairwise L2 distance -> top-K retrieval
    # -> batched gather (knn) -> edge feature construction -> 2-layer gelu MLP -> max reduce.
    drij = _pairwise_distance(points_reco, points_gen)
    _, indices = jax.lax.top_k(-drij, K)  # [B, N, K] nearest gen points per reco point
    # knn gather: knn_fts[b, i, k, :] = features_gen[b, indices[b, i, k], :]
    knn_fts = jax.vmap(lambda f, idx: f[idx])(features_gen, indices)  # [B, N, K, PD]
    knn_fts_center = jnp.broadcast_to(features_reco[:, :, None, :], knn_fts.shape)
    local = jnp.concatenate([knn_fts - knn_fts_center, knn_fts_center], axis=-1)  # [B, N, K, 2*PD]
    local = jax.nn.gelu(local @ W1 + b1, approximate=False)
    local = jax.nn.gelu(local @ W2 + b2, approximate=False)
    return jnp.max(local, axis=-2)  # [B, N, PD]

if __name__ == "__main__":
    import jax
    _d = setup_inputs()
    print(jax.jit(kernel)(*tuple(_d.values())))

</pallas_src>

<mosaic_0001>
#map = affine_map<(d0, d1) -> (0)>
module attributes {stable_mosaic.version = 14 : i64} {
  func.func @sc_topk(%arg0: i32, %arg1: i32, %arg2: memref<16384xf32, #tpu.memory_space<hbm>>, %arg3: memref<16384xf32, #tpu.memory_space<hbm>>, %arg4: memref<16384xf32, #tpu.memory_space<hbm>>, %arg5: memref<262144xf32, #tpu.memory_space<hbm>>, %arg6: memref<262144xf32, #tpu.memory_space<hbm>>, %arg7: memref<262144xf32, #tpu.memory_space<hbm>>, %arg8: memref<262144xi32, #tpu.memory_space<hbm>>, %arg9: memref<1024xf32, #tpu.memory_space<vmem>>, %arg10: memref<1024xf32, #tpu.memory_space<vmem>>, %arg11: memref<1024xf32, #tpu.memory_space<vmem>>, %arg12: memref<8192xf32, #tpu.memory_space<vmem>>, %arg13: memref<8192xf32, #tpu.memory_space<vmem>>, %arg14: memref<8192xf32, #tpu.memory_space<vmem>>, %arg15: memref<8192xi32, #tpu.memory_space<vmem>>) attributes {dimension_semantics = [#tpu.dimension_semantics<core_parallel>, #tpu.dimension_semantics<subcore_parallel>], iteration_bounds = array<i64: 2, 16>, scalar_prefetch = 0 : i64, scratch_operands = 7 : i64, tpu.core_type = #tpu.core_type<sc_vector_subcore>, window_params = [{transform_indices = #map}, {transform_indices = #map}, {transform_indices = #map}, {transform_indices = #map}, {transform_indices = #map}, {transform_indices = #map}, {transform_indices = #map}]} {
    %mul3A = arith.constant 2 : i32
    %mul3A_0 = arith.muli %arg1, %mul3A : i32
    %add3A = arith.addi %mul3A_0, %arg0 : i32
    %iota3A = tpu.iota {dimensions = array<i32: 0>} : vector<16xi32>
    %broadcast_in_dim3A = arith.constant 0x7F800000 : f32
    %broadcast_in_dim3A_1 = vector.broadcast %broadcast_in_dim3A : f32 to vector<16xf32>
    %mul3A_2 = arith.constant 1 : i32
    %mul3A_3 = arith.muli %add3A, %mul3A_2 : i32
    %add3A_4 = arith.constant 0 : i32
    %add3A_5 = arith.addi %mul3A_3, %add3A_4 : i32
    %jit3A = arith.constant 2 : i32
    %div3A = arith.divsi %add3A_5, %jit3A : i32
    %sign3A = arith.constant 0 : i32
    %sign3A_6 = arith.cmpi sgt, %add3A_5, %sign3A : i32
    %sign3A_7 = arith.extui %sign3A_6 : i1 to i32
    %sign3A_8 = arith.constant 0 : i32
    %sign3A_9 = arith.cmpi slt, %add3A_5, %sign3A_8 : i32
    %sign3A_10 = arith.extui %sign3A_9 : i1 to i32
    %sign3A_11 = arith.subi %sign3A_7, %sign3A_10 : i32
    %sign3A_12 = arith.constant 0 : i32
    %sign3A_13 = arith.cmpi sgt, %jit3A, %sign3A_12 : i32
    %sign3A_14 = arith.extui %sign3A_13 : i1 to i32
    %sign3A_15 = arith.constant 0 : i32
    %sign3A_16 = arith.cmpi slt, %jit3A, %sign3A_15 : i32
    %sign3A_17 = arith.extui %sign3A_16 : i1 to i32
    %sign3A_18 = arith.subi %sign3A_14, %sign3A_17 : i32
    %ne3A = arith.cmpi ne, %sign3A_11, %sign3A_18 : i32
    %rem3A = arith.remsi %add3A_5, %jit3A : i32
    %ne3A_19 = arith.constant 0 : i32
    %ne3A_20 = arith.cmpi ne, %rem3A, %ne3A_19 : i32
    %and3A = arith.andi %ne3A, %ne3A_20 : i1
    %sub3A = arith.constant 1 : i32
    %sub3A_21 = arith.subi %div3A, %sub3A : i32
    %select_n3A = arith.select %and3A, %sub3A_21, %div3A : i32
    %jit3A_22 = arith.constant 2 : i32
    %eq3A = arith.constant 0 : i32
    %eq3A_23 = arith.cmpi eq, %jit3A_22, %eq3A : i32
    %jit3A_24 = arith.constant 1 : i32
    %select_n3A_25 = arith.select %eq3A_23, %jit3A_24, %jit3A_22 : i32
    %rem3A_26 = arith.remsi %add3A_5, %select_n3A_25 : i32
    %ne3A_27 = arith.constant 0 : i32
    %ne3A_28 = arith.cmpi ne, %rem3A_26, %ne3A_27 : i32
    %lt3A = arith.constant 0 : i32
    %lt3A_29 = arith.cmpi slt, %rem3A_26, %lt3A : i32
    %lt3A_30 = arith.constant 0 : i32
    %lt3A_31 = arith.cmpi slt, %select_n3A_25, %lt3A_30 : i32
    %ne3A_32 = arith.xori %lt3A_29, %lt3A_31 : i1
    %and3A_33 = arith.andi %ne3A_32, %ne3A_28 : i1
    %add3A_34 = arith.addi %rem3A_26, %select_n3A_25 : i32
    %select_n3A_35 = arith.select %and3A_33, %add3A_34, %rem3A_26 : i32
    %mul3A_36 = arith.constant 1024 : i32
    %mul3A_37 = arith.muli %select_n3A, %mul3A_36 : i32
    %mul3A_38 = arith.constant 1024 : i32
    %mul3A_39 = arith.muli %select_n3A, %mul3A_38 : i32
    %mul3A_40 = arith.constant 512 : i32
    %mul3A_41 = arith.muli %select_n3A_35, %mul3A_40 : i32
    %add3A_42 = arith.addi %mul3A_39, %mul3A_41 : i32
    "tpu.region"() ({
      %run_scoped3A = tpu.sem_alloc : memref<!tpu.dma_semaphore, #tpu.memory_space<semaphore_mem>>
      %dma_start3A = tpu.memref_slice %arg2[%mul3A_37] : memref<16384xf32, #tpu.memory_space<hbm>> -> memref<1024xf32, #tpu.memory_space<hbm>>
      %dma_start3A_57 = tpu.memref_slice %arg2[%mul3A_37] : memref<16384xf32, #tpu.memory_space<hbm>> -> memref<1024xf32, #tpu.memory_space<hbm>>
      tpu.enqueue_dma source(%dma_start3A_57 : memref<1024xf32, #tpu.memory_space<hbm>>) target(%arg9 : memref<1024xf32, #tpu.memory_space<vmem>>) target_semaphore(%run_scoped3A : memref<!tpu.dma_semaphore, #tpu.memory_space<semaphore_mem>>)
      %dma_wait3A = tpu.memref_slice %arg2[%mul3A_37] : memref<16384xf32, #tpu.memory_space<hbm>> -> memref<1024xf32, #tpu.memory_space<hbm>>
      %dma_wait3A_58 = tpu.memref_slice %arg2[%mul3A_37] : memref<16384xf32, #tpu.memory_space<hbm>> -> memref<1024xf32, #tpu.memory_space<hbm>>
      tpu.wait_dma2 semaphore(%run_scoped3A : memref<!tpu.dma_semaphore, #tpu.memory_space<semaphore_mem>>) src(%dma_wait3A_58 : memref<1024xf32, #tpu.memory_space<hbm>>) dst(%arg9 : memref<1024xf32, #tpu.memory_space<vmem>>)
      tpu.yield
    }) : () -> ()
    "tpu.region"() ({
      %run_scoped3A = tpu.sem_alloc : memref<!tpu.dma_semaphore, #tpu.memory_space<semaphore_mem>>
      %dma_start3A = tpu.memref_slice %arg3[%mul3A_37] : memref<16384xf32, #tpu.memory_space<hbm>> -> memref<1024xf32, #tpu.memory_space<hbm>>
      %dma_start3A_57 = tpu.memref_slice %arg3[%mul3A_37] : memref<16384xf32, #tpu.memory_space<hbm>> -> memref<1024xf32, #tpu.memory_space<hbm>>
      tpu.enqueue_dma source(%dma_start3A_57 : memref<1024xf32, #tpu.memory_space<hbm>>) target(%arg10 : memref<1024xf32, #tpu.memory_space<vmem>>) target_semaphore(%run_scoped3A : memref<!tpu.dma_semaphore, #tpu.memory_space<semaphore_mem>>)
      %dma_wait3A = tpu.memref_slice %arg3[%mul3A_37] : memref<16384xf32, #tpu.memory_space<hbm>> -> memref<1024xf32, #tpu.memory_space<hbm>>
      %dma_wait3A_58 = tpu.memref_slice %arg3[%mul3A_37] : memref<16384xf32, #tpu.memory_space<hbm>> -> memref<1024xf32, #tpu.memory_space<hbm>>
      tpu.wait_dma2 semaphore(%run_scoped3A : memref<!tpu.dma_semaphore, #tpu.memory_space<semaphore_mem>>) src(%dma_wait3A_58 : memref<1024xf32, #tpu.memory_space<hbm>>) dst(%arg10 : memref<1024xf32, #tpu.memory_space<vmem>>)
      tpu.yield
    }) : () -> ()
    "tpu.region"() ({
      %run_scoped3A = tpu.sem_alloc : memref<!tpu.dma_semaphore, #tpu.memory_space<semaphore_mem>>
      %dma_start3A = tpu.memref_slice %arg4[%mul3A_37] : memref<16384xf32, #tpu.memory_space<hbm>> -> memref<1024xf32, #tpu.memory_space<hbm>>
      %dma_start3A_57 = tpu.memref_slice %arg4[%mul3A_37] : memref<16384xf32, #tpu.memory_space<hbm>> -> memref<1024xf32, #tpu.memory_space<hbm>>
      tpu.enqueue_dma source(%dma_start3A_57 : memref<1024xf32, #tpu.memory_space<hbm>>) target(%arg11 : memref<1024xf32, #tpu.memory_space<vmem>>) target_semaphore(%run_scoped3A : memref<!tpu.dma_semaphore, #tpu.memory_space<semaphore_mem>>)
      %dma_wait3A = tpu.memref_slice %arg4[%mul3A_37] : memref<16384xf32, #tpu.memory_space<hbm>> -> memref<1024xf32, #tpu.memory_space<hbm>>
      %dma_wait3A_58 = tpu.memref_slice %arg4[%mul3A_37] : memref<16384xf32, #tpu.memory_space<hbm>> -> memref<1024xf32, #tpu.memory_space<hbm>>
      tpu.wait_dma2 semaphore(%run_scoped3A : memref<!tpu.dma_semaphore, #tpu.memory_space<semaphore_mem>>) src(%dma_wait3A_58 : memref<1024xf32, #tpu.memory_space<hbm>>) dst(%arg11 : memref<1024xf32, #tpu.memory_space<vmem>>)
      tpu.yield
    }) : () -> ()
    %mul3A_43 = arith.constant 16 : i32
    %mul3A_44 = arith.muli %add3A_42, %mul3A_43 : i32
    "tpu.region"() ({
      %run_scoped3A = tpu.sem_alloc : memref<!tpu.dma_semaphore, #tpu.memory_space<semaphore_mem>>
      %dma_start3A = tpu.memref_slice %arg5[%mul3A_44] : memref<262144xf32, #tpu.memory_space<hbm>> -> memref<8192xf32, #tpu.memory_space<hbm>>
      %dma_start3A_57 = tpu.memref_slice %arg5[%mul3A_44] : memref<262144xf32, #tpu.memory_space<hbm>> -> memref<8192xf32, #tpu.memory_space<hbm>>
      tpu.enqueue_dma source(%dma_start3A_57 : memref<8192xf32, #tpu.memory_space<hbm>>) target(%arg12 : memref<8192xf32, #tpu.memory_space<vmem>>) target_semaphore(%run_scoped3A : memref<!tpu.dma_semaphore, #tpu.memory_space<semaphore_mem>>)
      %dma_wait3A = tpu.memref_slice %arg5[%mul3A_44] : memref<262144xf32, #tpu.memory_space<hbm>> -> memref<8192xf32, #tpu.memory_space<hbm>>
      %dma_wait3A_58 = tpu.memref_slice %arg5[%mul3A_44] : memref<262144xf32, #tpu.memory_space<hbm>> -> memref<8192xf32, #tpu.memory_space<hbm>>
      tpu.wait_dma2 semaphore(%run_scoped3A : memref<!tpu.dma_semaphore, #tpu.memory_space<semaphore_mem>>) src(%dma_wait3A_58 : memref<8192xf32, #tpu.memory_space<hbm>>) dst(%arg12 : memref<8192xf32, #tpu.memory_space<vmem>>)
      tpu.yield
    }) : () -> ()
    %mul3A_45 = arith.constant 16 : i32
    %mul3A_46 = arith.muli %add3A_42, %mul3A_45 : i32
    "tpu.region"() ({
      %run_scoped3A = tpu.sem_alloc : memref<!tpu.dma_semaphore, #tpu.memory_space<semaphore_mem>>
      %dma_start3A = tpu.memref_slice %arg6[%mul3A_46] : memref<262144xf32, #tpu.memory_space<hbm>> -> memref<8192xf32, #tpu.memory_space<hbm>>
      %dma_start3A_57 = tpu.memref_slice %arg6[%mul3A_46] : memref<262144xf32, #tpu.memory_space<hbm>> -> memref<8192xf32, #tpu.memory_space<hbm>>
      tpu.enqueue_dma source(%dma_start3A_57 : memref<8192xf32, #tpu.memory_space<hbm>>) target(%arg13 : memref<8192xf32, #tpu.memory_space<vmem>>) target_semaphore(%run_scoped3A : memref<!tpu.dma_semaphore, #tpu.memory_space<semaphore_mem>>)
      %dma_wait3A = tpu.memref_slice %arg6[%mul3A_46] : memref<262144xf32, #tpu.memory_space<hbm>> -> memref<8192xf32, #tpu.memory_space<hbm>>
      %dma_wait3A_58 = tpu.memref_slice %arg6[%mul3A_46] : memref<262144xf32, #tpu.memory_space<hbm>> -> memref<8192xf32, #tpu.memory_space<hbm>>
      tpu.wait_dma2 semaphore(%run_scoped3A : memref<!tpu.dma_semaphore, #tpu.memory_space<semaphore_mem>>) src(%dma_wait3A_58 : memref<8192xf32, #tpu.memory_space<hbm>>) dst(%arg13 : memref<8192xf32, #tpu.memory_space<vmem>>)
      tpu.yield
    }) : () -> ()
    %mul3A_47 = arith.constant 16 : i32
    %mul3A_48 = arith.muli %add3A_42, %mul3A_47 : i32
    "tpu.region"() ({
      %run_scoped3A = tpu.sem_alloc : memref<!tpu.dma_semaphore, #tpu.memory_space<semaphore_mem>>
      %dma_start3A = tpu.memref_slice %arg7[%mul3A_48] : memref<262144xf32, #tpu.memory_space<hbm>> -> memref<8192xf32, #tpu.memory_space<hbm>>
      %dma_start3A_57 = tpu.memref_slice %arg7[%mul3A_48] : memref<262144xf32, #tpu.memory_space<hbm>> -> memref<8192xf32, #tpu.memory_space<hbm>>
      tpu.enqueue_dma source(%dma_start3A_57 : memref<8192xf32, #tpu.memory_space<hbm>>) target(%arg14 : memref<8192xf32, #tpu.memory_space<vmem>>) target_semaphore(%run_scoped3A : memref<!tpu.dma_semaphore, #tpu.memory_space<semaphore_mem>>)
      %dma_wait3A = tpu.memref_slice %arg7[%mul3A_48] : memref<262144xf32, #tpu.memory_space<hbm>> -> memref<8192xf32, #tpu.memory_space<hbm>>
      %dma_wait3A_58 = tpu.memref_slice %arg7[%mul3A_48] : memref<262144xf32, #tpu.memory_space<hbm>> -> memref<8192xf32, #tpu.memory_space<hbm>>
      tpu.wait_dma2 semaphore(%run_scoped3A : memref<!tpu.dma_semaphore, #tpu.memory_space<semaphore_mem>>) src(%dma_wait3A_58 : memref<8192xf32, #tpu.memory_space<hbm>>) dst(%arg14 : memref<8192xf32, #tpu.memory_space<vmem>>)
      tpu.yield
    }) : () -> ()
    %scan3A = arith.constant 0 : i32
    %scan3A_49 = arith.constant 0 : i32
    %scan3A_50 = arith.constant 64 : i32
    %scan3A_51 = arith.addi %scan3A_49, %scan3A_50 : i32
    %scan3A_52 = arith.constant 1 : i32
    %scan3A_53 = scf.for %scan3A_57 = %scan3A_49 to %scan3A_51 step %scan3A_52 iter_args(%scan3A_58 = %scan3A) -> (i32)  : i32 {
      %add3A_59 = arith.constant 0 : i32
      %add3A_60 = arith.addi %scan3A_57, %add3A_59 : i32
      %mul3A_61 = arith.constant 16 : i32
      %mul3A_62 = arith.muli %add3A_60, %mul3A_61 : i32
      %get3A = arith.index_cast %mul3A_62 : i32 to index
      %get3A_63 = tpu.vector_load %arg12[%get3A] {strides = array<i32>} : memref<8192xf32, #tpu.memory_space<vmem>>, vector<16xf32>,
      %get3A_64 = arith.index_cast %mul3A_62 : i32 to index
      %get3A_65 = tpu.vector_load %arg13[%get3A_64] {strides = array<i32>} : memref<8192xf32, #tpu.memory_space<vmem>>, vector<16xf32>,
      %get3A_66 = arith.index_cast %mul3A_62 : i32 to index
      %get3A_67 = tpu.vector_load %arg14[%get3A_66] {strides = array<i32>} : memref<8192xf32, #tpu.memory_space<vmem>>, vector<16xf32>,
      %add3A_68 = arith.constant 64 : i32
      %add3A_69 = arith.addi %scan3A_57, %add3A_68 : i32
      %mul3A_70 = arith.constant 16 : i32
      %mul3A_71 = arith.muli %add3A_69, %mul3A_70 : i32
      %get3A_72 = arith.index_cast %mul3A_71 : i32 to index
      %get3A_73 = tpu.vector_load %arg12[%get3A_72] {strides = array<i32>} : memref<8192xf32, #tpu.memory_space<vmem>>, vector<16xf32>,
      %get3A_74 = arith.index_cast %mul3A_71 : i32 to index
      %get3A_75 = tpu.vector_load %arg13[%get3A_74] {strides = array<i32>} : memref<8192xf32, #tpu.memory_space<vmem>>, vector<16xf32>,
      %get3A_76 = arith.index_cast %mul3A_71 : i32 to index
      %get3A_77 = tpu.vector_load %arg14[%get3A_76] {strides = array<i32>} : memref<8192xf32, #tpu.memory_space<vmem>>, vector<16xf32>,
      %add3A_78 = arith.constant 128 : i32
      %add3A_79 = arith.addi %scan3A_57, %add3A_78 : i32
      %mul3A_80 = arith.constant 16 : i32
      %mul3A_81 = arith.muli %add3A_79, %mul3A_80 : i32
      %get3A_82 = arith.index_cast %mul3A_81 : i32 to index
      %get3A_83 = tpu.vector_load %arg12[%get3A_82] {strides = array<i32>} : memref<8192xf32, #tpu.memory_space<vmem>>, vector<16xf32>,
      %get3A_84 = arith.index_cast %mul3A_81 : i32 to index
      %get3A_85 = tpu.vector_load %arg13[%get3A_84] {strides = array<i32>} : memref<8192xf32, #tpu.memory_space<vmem>>, vector<16xf32>,
      %get3A_86 = arith.index_cast %mul3A_81 : i32 to index
      %get3A_87 = tpu.vector_load %arg14[%get3A_86] {strides = array<i32>} : memref<8192xf32, #tpu.memory_space<vmem>>, vector<16xf32>,
      %add3A_88 = arith.constant 192 : i32
      %add3A_89 = arith.addi %scan3A_57, %add3A_88 : i32
      %mul3A_90 = arith.constant 16 : i32
      %mul3A_91 = arith.muli %add3A_89, %mul3A_90 : i32
      %get3A_92 = arith.index_cast %mul3A_91 : i32 to index
      %get3A_93 = tpu.vector_load %arg12[%get3A_92] {strides = array<i32>} : memref<8192xf32, #tpu.memory_space<vmem>>, vector<16xf32>,
      %get3A_94 = arith.index_cast %mul3A_91 : i32 to index
      %get3A_95 = tpu.vector_load %arg13[%get3A_94] {strides = array<i32>} : memref<8192xf32, #tpu.memory_space<vmem>>, vector<16xf32>,
      %get3A_96 = arith.index_cast %mul3A_91 : i32 to index
      %get3A_97 = tpu.vector_load %arg14[%get3A_96] {strides = array<i32>} : memref<8192xf32, #tpu.memory_space<vmem>>, vector<16xf32>,
      %add3A_98 = arith.constant 256 : i32
      %add3A_99 = arith.addi %scan3A_57, %add3A_98 : i32
      %mul3A_100 = arith.constant 16 : i32
      %mul3A_101 = arith.muli %add3A_99, %mul3A_100 : i32
      %get3A_102 = arith.index_cast %mul3A_101 : i32 to index
      %get3A_103 = tpu.vector_load %arg12[%get3A_102] {strides = array<i32>} : memref<8192xf32, #tpu.memory_space<vmem>>, vector<16xf32>,
      %get3A_104 = arith.index_cast %mul3A_101 : i32 to index
      %get3A_105 = tpu.vector_load %arg13[%get3A_104] {strides = array<i32>} : memref<8192xf32, #tpu.memory_space<vmem>>, vector<16xf32>,
      %get3A_106 = arith.index_cast %mul3A_101 : i32 to index
      %get3A_107 = tpu.vector_load %arg14[%get3A_106] {strides = array<i32>} : memref<8192xf32, #tpu.memory_space<vmem>>, vector<16xf32>,
      %add3A_108 = arith.constant 320 : i32
      %add3A_109 = arith.addi %scan3A_57, %add3A_108 : i32
      %mul3A_110 = arith.constant 16 : i32
      %mul3A_111 = arith.muli %add3A_109, %mul3A_110 : i32
      %get3A_112 = arith.index_cast %mul3A_111 : i32 to index
      %get3A_113 = tpu.vector_load %arg12[%get3A_112] {strides = array<i32>} : memref<8192xf32, #tpu.memory_space<vmem>>, vector<16xf32>,
      %get3A_114 = arith.index_cast %mul3A_111 : i32 to index
      %get3A_115 = tpu.vector_load %arg13[%get3A_114] {strides = array<i32>} : memref<8192xf32, #tpu.memory_space<vmem>>, vector<16xf32>,
      %get3A_116 = arith.index_cast %mul3A_111 : i32 to index
      %get3A_117 = tpu.vector_load %arg14[%get3A_116] {strides = array<i32>} : memref<8192xf32, #tpu.memory_space<vmem>>, vector<16xf32>,
      %add3A_118 = arith.constant 384 : i32
      %add3A_119 = arith.addi %scan3A_57, %add3A_118 : i32
      %mul3A_120 = arith.constant 16 : i32
      %mul3A_121 = arith.muli %add3A_119, %mul3A_120 : i32
      %get3A_122 = arith.index_cast %mul3A_121 : i32 to index
      %get3A_123 = tpu.vector_load %arg12[%get3A_122] {strides = array<i32>} : memref<8192xf32, #tpu.memory_space<vmem>>, vector<16xf32>,
      %get3A_124 = arith.index_cast %mul3A_121 : i32 to index
      %get3A_125 = tpu.vector_load %arg13[%get3A_124] {strides = array<i32>} : memref<8192xf32, #tpu.memory_space<vmem>>, vector<16xf32>,
      %get3A_126 = arith.index_cast %mul3A_121 : i32 to index
      %get3A_127 = tpu.vector_load %arg14[%get3A_126] {strides = array<i32>} : memref<8192xf32, #tpu.memory_space<vmem>>, vector<16xf32>,
      %add3A_128 = arith.constant 448 : i32
      %add3A_129 = arith.addi %scan3A_57, %add3A_128 : i32
      %mul3A_130 = arith.constant 16 : i32
      %mul3A_131 = arith.muli %add3A_129, %mul3A_130 : i32
      %get3A_132 = arith.index_cast %mul3A_131 : i32 to index
      %get3A_133 = tpu.vector_load %arg12[%get3A_132] {strides = array<i32>} : memref<8192xf32, #tpu.memory_space<vmem>>, vector<16xf32>,
      %get3A_134 = arith.index_cast %mul3A_131 : i32 to index
      %get3A_135 = tpu.vector_load %arg13[%get3A_134] {strides = array<i32>} : memref<8192xf32, #tpu.memory_space<vmem>>, vector<16xf32>,
      %get3A_136 = arith.index_cast %mul3A_131 : i32 to index
      %get3A_137 = tpu.vector_load %arg14[%get3A_136] {strides = array<i32>} : memref<8192xf32, #tpu.memory_space<vmem>>, vector<16xf32>,
      %broadcast_in_dim3A_138 = arith.constant 0 : i32
      %broadcast_in_dim3A_139 = vector.broadcast %broadcast_in_dim3A_138 : i32 to vector<16xi32>
      %scan3A_140 = arith.constant 0 : i32
      %scan3A_141 = arith.constant 64 : i32
      %scan3A_142 = arith.addi %scan3A_140, %scan3A_141 : i32
      %scan3A_143 = arith.constant 1 : i32
      %scan3A_144:16 = scf.for %scan3A_194 = %scan3A_140 to %scan3A_142 step %scan3A_143 iter_args(%scan3A_195 = %broadcast_in_dim3A_1, %scan3A_196 = %broadcast_in_dim3A_139, %scan3A_197 = %broadcast_in_dim3A_1, %scan3A_198 = %broadcast_in_dim3A_139, %scan3A_199 = %broadcast_in_dim3A_1, %scan3A_200 = %broadcast_in_dim3A_139, %scan3A_201 = %broadcast_in_dim3A_1, %scan3A_202 = %broadcast_in_dim3A_139, %scan3A_203 = %broadcast_in_dim3A_1, %scan3A_204 = %broadcast_in_dim3A_139, %scan3A_205 = %broadcast_in_dim3A_1, %scan3A_206 = %broadcast_in_dim3A_139, %scan3A_207 = %broadcast_in_dim3A_1, %scan3A_208 = %broadcast_in_dim3A_139, %scan3A_209 = %broadcast_in_dim3A_1, %scan3A_210 = %broadcast_in_dim3A_139) -> (vector<16xf32>, vector<16xi32>, vector<16xf32>, vector<16xi32>, vector<16xf32>, vector<16xi32>, vector<16xf32>, vector<16xi32>, vector<16xf32>, vector<16xi32>, vector<16xf32>, vector<16xi32>, vector<16xf32>, vector<16xi32>, vector<16xf32>, vector<16xi32>)  : i32 {
        %mul3A_211 = arith.constant 16 : i32
        %mul3A_212 = arith.muli %scan3A_194, %mul3A_211 : i32
        %get3A_213 = arith.index_cast %mul3A_212 : i32 to index
        %get3A_214 = tpu.vector_load %arg9[%get3A_213] {strides = array<i32>} : memref<1024xf32, #tpu.memory_space<vmem>>, vector<16xf32>,
        %get3A_215 = arith.index_cast %mul3A_212 : i32 to index
        %get3A_216 = tpu.vector_load %arg10[%get3A_215] {strides = array<i32>} : memref<1024xf32, #tpu.memory_space<vmem>>, vector<16xf32>,
        %get3A_217 = arith.index_cast %mul3A_212 : i32 to index
        %get3A_218 = tpu.vector_load %arg11[%get3A_217] {strides = array<i32>} : memref<1024xf32, #tpu.memory_space<vmem>>, vector<16xf32>,
        %add3A_219 = vector.broadcast %mul3A_212 : i32 to vector<16xi32>
        %add3A_220 = arith.addi %iota3A, %add3A_219 : vector<16xi32>
        %mul3A_221 = arith.mulf %get3A_63, %get3A_214 : vector<16xf32>
        %mul3A_222 = arith.mulf %get3A_65, %get3A_216 : vector<16xf32>
        %add3A_223 = arith.addf %mul3A_221, %mul3A_222 : vector<16xf32>
        %mul3A_224 = arith.constant 2.000000e+00 : f32
        %mul3A_225 = vector.broadcast %mul3A_224 : f32 to vector<16xf32>
        %mul3A_226 = arith.mulf %mul3A_225, %add3A_223 : vector<16xf32>
        %sub3A_227 = arith.subf %get3A_67, %mul3A_226 : vector<16xf32>
        %add3A_228 = arith.addf %sub3A_227, %get3A_218 : vector<16xf32>
        %add3A_229 = arith.constant 9.99999974E-6 : f32
        %add3A_230 = vector.broadcast %add3A_229 : f32 to vector<16xf32>
        %add3A_231 = arith.addf %add3A_228, %add3A_230 : vector<16xf32>
        %masked_sort3A = arith.constant dense<true> : vector<16xi1>
        %masked_sort3A_232, %masked_sort3A_233, %masked_sort3A_234 = tpu.sort %add3A_231, %add3A_220 masked %masked_sort3A {descending = true} : (vector<16xf32>, vector<16xi32>, vector<16xi1>) -> (vector<16xi1>, vector<16xf32>, vector<16xi32>)
        %lt3A_235 = arith.cmpf olt, %masked_sort3A_233, %scan3A_195 : vector<16xf32>
        %select_n3A_236 = arith.select %lt3A_235, %masked_sort3A_233, %scan3A_195 : vector<16xi1>, vector<16xf32>
        %select_n3A_237 = arith.select %lt3A_235, %masked_sort3A_234, %scan3A_196 : vector<16xi1>, vector<16xi32>
        %masked_sort3A_238 = arith.constant dense<true> : vector<16xi1>
        %masked_sort3A_239, %masked_sort3A_240, %masked_sort3A_241 = tpu.sort %select_n3A_236, %select_n3A_237 masked %masked_sort3A_238 : (vector<16xf32>, vector<16xi32>, vector<16xi1>) -> (vector<16xi1>, vector<16xf32>, vector<16xi32>)
        %mul3A_242 = arith.mulf %get3A_73, %get3A_214 : vector<16xf32>
        %mul3A_243 = arith.mulf %get3A_75, %get3A_216 : vector<16xf32>
        %add3A_244 = arith.addf %mul3A_242, %mul3A_243 : vector<16xf32>
        %mul3A_245 = arith.constant 2.000000e+00 : f32
        %mul3A_246 = vector.broadcast %mul3A_245 : f32 to vector<16xf32>
        %mul3A_247 = arith.mulf %mul3A_246, %add3A_244 : vector<16xf32>
        %sub3A_248 = arith.subf %get3A_77, %mul3A_247 : vector<16xf32>
        %add3A_249 = arith.addf %sub3A_248, %get3A_218 : vector<16xf32>
        %add3A_250 = arith.constant 9.99999974E-6 : f32
        %add3A_251 = vector.broadcast %add3A_250 : f32 to vector<16xf32>
        %add3A_252 = arith.addf %add3A_249, %add3A_251 : vector<16xf32>
        %masked_sort3A_253 = arith.constant dense<true> : vector<16xi1>
        %masked_sort3A_254, %masked_sort3A_255, %masked_sort3A_256 = tpu.sort %add3A_252, %add3A_220 masked %masked_sort3A_253 {descending = true} : (vector<16xf32>, vector<16xi32>, vector<16xi1>) -> (vector<16xi1>, vector<16xf32>, vector<16xi32>)
        %lt3A_257 = arith.cmpf olt, %masked_sort3A_255, %scan3A_197 : vector<16xf32>
        %select_n3A_258 = arith.select %lt3A_257, %masked_sort3A_255, %scan3A_197 : vector<16xi1>, vector<16xf32>
        %select_n3A_259 = arith.select %lt3A_257, %masked_sort3A_256, %scan3A_198 : vector<16xi1>, vector<16xi32>
        %masked_sort3A_260 = arith.constant dense<true> : vector<16xi1>
        %masked_sort3A_261, %masked_sort3A_262, %masked_sort3A_263 = tpu.sort %select_n3A_258, %select_n3A_259 masked %masked_sort3A_260 : (vector<16xf32>, vector<16xi32>, vector<16xi1>) -> (vector<16xi1>, vector<16xf32>, vector<16xi32>)
        %mul3A_264 = arith.mulf %get3A_83, %get3A_214 : vector<16xf32>
        %mul3A_265 = arith.mulf %get3A_85, %get3A_216 : vector<16xf32>
        %add3A_266 = arith.addf %mul3A_264, %mul3A_265 : vector<16xf32>
        %mul3A_267 = arith.constant 2.000000e+00 : f32
        %mul3A_268 = vector.broadcast %mul3A_267 : f32 to vector<16xf32>
        %mul3A_269 = arith.mulf %mul3A_268, %add3A_266 : vector<16xf32>
        %sub3A_270 = arith.subf %get3A_87, %mul3A_269 : vector<16xf32>
        %add3A_271 = arith.addf %sub3A_270, %get3A_218 : vector<16xf32>
        %add3A_272 = arith.constant 9.99999974E-6 : f32
        %add3A_273 = vector.broadcast %add3A_272 : f32 to vector<16xf32>
        %add3A_274 = arith.addf %add3A_271, %add3A_273 : vector<16xf32>
        %masked_sort3A_275 = arith.constant dense<true> : vector<16xi1>
        %masked_sort3A_276, %masked_sort3A_277, %masked_sort3A_278 = tpu.sort %add3A_274, %add3A_220 masked %masked_sort3A_275 {descending = true} : (vector<16xf32>, vector<16xi32>, vector<16xi1>) -> (vector<16xi1>, vector<16xf32>, vector<16xi32>)
        %lt3A_279 = arith.cmpf olt, %masked_sort3A_277, %scan3A_199 : vector<16xf32>
        %select_n3A_280 = arith.select %lt3A_279, %masked_sort3A_277, %scan3A_199 : vector<16xi1>, vector<16xf32>
        %select_n3A_281 = arith.select %lt3A_279, %masked_sort3A_278, %scan3A_200 : vector<16xi1>, vector<16xi32>
        %masked_sort3A_282 = arith.constant dense<true> : vector<16xi1>
        %masked_sort3A_283, %masked_sort3A_284, %masked_sort3A_285 = tpu.sort %select_n3A_280, %select_n3A_281 masked %masked_sort3A_282 : (vector<16xf32>, vector<16xi32>, vector<16xi1>) -> (vector<16xi1>, vector<16xf32>, vector<16xi32>)
        %mul3A_286 = arith.mulf %get3A_93, %get3A_214 : vector<16xf32>
        %mul3A_287 = arith.mulf %get3A_95, %get3A_216 : vector<16xf32>
        %add3A_288 = arith.addf %mul3A_286, %mul3A_287 : vector<16xf32>
        %mul3A_289 = arith.constant 2.000000e+00 : f32
        %mul3A_290 = vector.broadcast %mul3A_289 : f32 to vector<16xf32>
        %mul3A_291 = arith.mulf %mul3A_290, %add3A_288 : vector<16xf32>
        %sub3A_292 = arith.subf %get3A_97, %mul3A_291 : vector<16xf32>
        %add3A_293 = arith.addf %sub3A_292, %get3A_218 : vector<16xf32>
        %add3A_294 = arith.constant 9.99999974E-6 : f32
        %add3A_295 = vector.broadcast %add3A_294 : f32 to vector<16xf32>
        %add3A_296 = arith.addf %add3A_293, %add3A_295 : vector<16xf32>
        %masked_sort3A_297 = arith.constant dense<true> : vector<16xi1>
        %masked_sort3A_298, %masked_sort3A_299, %masked_sort3A_300 = tpu.sort %add3A_296, %add3A_220 masked %masked_sort3A_297 {descending = true} : (vector<16xf32>, vector<16xi32>, vector<16xi1>) -> (vector<16xi1>, vector<16xf32>, vector<16xi32>)
        %lt3A_301 = arith.cmpf olt, %masked_sort3A_299, %scan3A_201 : vector<16xf32>
        %select_n3A_302 = arith.select %lt3A_301, %masked_sort3A_299, %scan3A_201 : vector<16xi1>, vector<16xf32>
        %select_n3A_303 = arith.select %lt3A_301, %masked_sort3A_300, %scan3A_202 : vector<16xi1>, vector<16xi32>
        %masked_sort3A_304 = arith.constant dense<true> : vector<16xi1>
        %masked_sort3A_305, %masked_sort3A_306, %masked_sort3A_307 = tpu.sort %select_n3A_302, %select_n3A_303 masked %masked_sort3A_304 : (vector<16xf32>, vector<16xi32>, vector<16xi1>) -> (vector<16xi1>, vector<16xf32>, vector<16xi32>)
        %mul3A_308 = arith.mulf %get3A_103, %get3A_214 : vector<16xf32>
        %mul3A_309 = arith.mulf %get3A_105, %get3A_216 : vector<16xf32>
        %add3A_310 = arith.addf %mul3A_308, %mul3A_309 : vector<16xf32>
        %mul3A_311 = arith.constant 2.000000e+00 : f32
        %mul3A_312 = vector.broadcast %mul3A_311 : f32 to vector<16xf32>
        %mul3A_313 = arith.mulf %mul3A_312, %add3A_310 : vector<16xf32>
        %sub3A_314 = arith.subf %get3A_107, %mul3A_313 : vector<16xf32>
        %add3A_315 = arith.addf %sub3A_314, %get3A_218 : vector<16xf32>
        %add3A_316 = arith.constant 9.99999974E-6 : f32
        %add3A_317 = vector.broadcast %add3A_316 : f32 to vector<16xf32>
        %add3A_318 = arith.addf %add3A_315, %add3A_317 : vector<16xf32>
        %masked_sort3A_319 = arith.constant dense<true> : vector<16xi1>
        %masked_sort3A_320, %masked_sort3A_321, %masked_sort3A_322 = tpu.sort %add3A_318, %add3A_220 masked %masked_sort3A_319 {descending = true} : (vector<16xf32>, vector<16xi32>, vector<16xi1>) -> (vector<16xi1>, vector<16xf32>, vector<16xi32>)
        %lt3A_323 = arith.cmpf olt, %masked_sort3A_321, %scan3A_203 : vector<16xf32>
        %select_n3A_324 = arith.select %lt3A_323, %masked_sort3A_321, %scan3A_203 : vector<16xi1>, vector<16xf32>
        %select_n3A_325 = arith.select %lt3A_323, %masked_sort3A_322, %scan3A_204 : vector<16xi1>, vector<16xi32>
        %masked_sort3A_326 = arith.constant dense<true> : vector<16xi1>
        %masked_sort3A_327, %masked_sort3A_328, %masked_sort3A_329 = tpu.sort %select_n3A_324, %select_n3A_325 masked %masked_sort3A_326 : (vector<16xf32>, vector<16xi32>, vector<16xi1>) -> (vector<16xi1>, vector<16xf32>, vector<16xi32>)
        %mul3A_330 = arith.mulf %get3A_113, %get3A_214 : vector<16xf32>
        %mul3A_331 = arith.mulf %get3A_115, %get3A_216 : vector<16xf32>
        %add3A_332 = arith.addf %mul3A_330, %mul3A_331 : vector<16xf32>
        %mul3A_333 = arith.constant 2.000000e+00 : f32
        %mul3A_334 = vector.broadcast %mul3A_333 : f32 to vector<16xf32>
        %mul3A_335 = arith.mulf %mul3A_334, %add3A_332 : vector<16xf32>
        %sub3A_336 = arith.subf %get3A_117, %mul3A_335 : vector<16xf32>
        %add3A_337 = arith.addf %sub3A_336, %get3A_218 : vector<16xf32>
        %add3A_338 = arith.constant 9.99999974E-6 : f32
        %add3A_339 = vector.broadcast %add3A_338 : f32 to vector<16xf32>
        %add3A_340 = arith.addf %add3A_337, %add3A_339 : vector<16xf32>
        %masked_sort3A_341 = arith.constant dense<true> : vector<16xi1>
        %masked_sort3A_342, %masked_sort3A_343, %masked_sort3A_344 = tpu.sort %add3A_340, %add3A_220 masked %masked_sort3A_341 {descending = true} : (vector<16xf32>, vector<16xi32>, vector<16xi1>) -> (vector<16xi1>, vector<16xf32>, vector<16xi32>)
        %lt3A_345 = arith.cmpf olt, %masked_sort3A_343, %scan3A_205 : vector<16xf32>
        %select_n3A_346 = arith.select %lt3A_345, %masked_sort3A_343, %scan3A_205 : vector<16xi1>, vector<16xf32>
        %select_n3A_347 = arith.select %lt3A_345, %masked_sort3A_344, %scan3A_206 : vector<16xi1>, vector<16xi32>
        %masked_sort3A_348 = arith.constant dense<true> : vector<16xi1>
        %masked_sort3A_349, %masked_sort3A_350, %masked_sort3A_351 = tpu.sort %select_n3A_346, %select_n3A_347 masked %masked_sort3A_348 : (vector<16xf32>, vector<16xi32>, vector<16xi1>) -> (vector<16xi1>, vector<16xf32>, vector<16xi32>)
        %mul3A_352 = arith.mulf %get3A_123, %get3A_214 : vector<16xf32>
        %mul3A_353 = arith.mulf %get3A_125, %get3A_216 : vector<16xf32>
        %add3A_354 = arith.addf %mul3A_352, %mul3A_353 : vector<16xf32>
        %mul3A_355 = arith.constant 2.000000e+00 : f32
        %mul3A_356 = vector.broadcast %mul3A_355 : f32 to vector<16xf32>
        %mul3A_357 = arith.mulf %mul3A_356, %add3A_354 : vector<16xf32>
        %sub3A_358 = arith.subf %get3A_127, %mul3A_357 : vector<16xf32>
        %add3A_359 = arith.addf %sub3A_358, %get3A_218 : vector<16xf32>
        %add3A_360 = arith.constant 9.99999974E-6 : f32
        %add3A_361 = vector.broadcast %add3A_360 : f32 to vector<16xf32>
        %add3A_362 = arith.addf %add3A_359, %add3A_361 : vector<16xf32>
        %masked_sort3A_363 = arith.constant dense<true> : vector<16xi1>
        %masked_sort3A_364, %masked_sort3A_365, %masked_sort3A_366 = tpu.sort %add3A_362, %add3A_220 masked %masked_sort3A_363 {descending = true} : (vector<16xf32>, vector<16xi32>, vector<16xi1>) -> (vector<16xi1>, vector<16xf32>, vector<16xi32>)
        %lt3A_367 = arith.cmpf olt, %masked_sort3A_365, %scan3A_207 : vector<16xf32>
        %select_n3A_368 = arith.select %lt3A_367, %masked_sort3A_365, %scan3A_207 : vector<16xi1>, vector<16xf32>
        %select_n3A_369 = arith.select %lt3A_367, %masked_sort3A_366, %scan3A_208 : vector<16xi1>, vector<16xi32>
        %masked_sort3A_370 = arith.constant dense<true> : vector<16xi1>
        %masked_sort3A_371, %masked_sort3A_372, %masked_sort3A_373 = tpu.sort %select_n3A_368, %select_n3A_369 masked %masked_sort3A_370 : (vector<16xf32>, vector<16xi32>, vector<16xi1>) -> (vector<16xi1>, vector<16xf32>, vector<16xi32>)
        %mul3A_374 = arith.mulf %get3A_133, %get3A_214 : vector<16xf32>
        %mul3A_375 = arith.mulf %get3A_135, %get3A_216 : vector<16xf32>
        %add3A_376 = arith.addf %mul3A_374, %mul3A_375 : vector<16xf32>
        %mul3A_377 = arith.constant 2.000000e+00 : f32
        %mul3A_378 = vector.broadcast %mul3A_377 : f32 to vector<16xf32>
        %mul3A_379 = arith.mulf %mul3A_378, %add3A_376 : vector<16xf32>
        %sub3A_380 = arith.subf %get3A_137, %mul3A_379 : vector<16xf32>
        %add3A_381 = arith.addf %sub3A_380, %get3A_218 : vector<16xf32>
        %add3A_382 = arith.constant 9.99999974E-6 : f32
        %add3A_383 = vector.broadcast %add3A_382 : f32 to vector<16xf32>
        %add3A_384 = arith.addf %add3A_381, %add3A_383 : vector<16xf32>
        %masked_sort3A_385 = arith.constant dense<true> : vector<16xi1>
        %masked_sort3A_386, %masked_sort3A_387, %masked_sort3A_388 = tpu.sort %add3A_384, %add3A_220 masked %masked_sort3A_385 {descending = true} : (vector<16xf32>, vector<16xi32>, vector<16xi1>) -> (vector<16xi1>, vector<16xf32>, vector<16xi32>)
        %lt3A_389 = arith.cmpf olt, %masked_sort3A_387, %scan3A_209 : vector<16xf32>
        %select_n3A_390 = arith.select %lt3A_389, %masked_sort3A_387, %scan3A_209 : vector<16xi1>, vector<16xf32>
        %select_n3A_391 = arith.select %lt3A_389, %masked_sort3A_388, %scan3A_210 : vector<16xi1>, vector<16xi32>
        %masked_sort3A_392 = arith.constant dense<true> : vector<16xi1>
        %masked_sort3A_393, %masked_sort3A_394, %masked_sort3A_395 = tpu.sort %select_n3A_390, %select_n3A_391 masked %masked_sort3A_392 : (vector<16xf32>, vector<16xi32>, vector<16xi1>) -> (vector<16xi1>, vector<16xf32>, vector<16xi32>)
        scf.yield %masked_sort3A_240, %masked_sort3A_241, %masked_sort3A_262, %masked_sort3A_263, %masked_sort3A_284, %masked_sort3A_285, %masked_sort3A_306, %masked_sort3A_307, %masked_sort3A_328, %masked_sort3A_329, %masked_sort3A_350, %masked_sort3A_351, %masked_sort3A_372, %masked_sort3A_373, %masked_sort3A_394, %masked_sort3A_395 : vector<16xf32>, vector<16xi32>, vector<16xf32>, vector<16xi32>, vector<16xf32>, vector<16xi32>, vector<16xf32>, vector<16xi32>, vector<16xf32>, vector<16xi32>, vector<16xf32>, vector<16xi32>, vector<16xf32>, vector<16xi32>, vector<16xf32>, vector<16xi32>
      }
      %scan3A_145 = arith.constant 64 : i32
      %add3A_146 = arith.constant 0 : i32
      %add3A_147 = arith.addi %scan3A_57, %add3A_146 : i32
      %mul3A_148 = arith.constant 16 : i32
      %mul3A_149 = arith.muli %add3A_147, %mul3A_148 : i32
      %swap3A = arith.index_cast %mul3A_149 : i32 to index
      %swap3A_150 = tpu.vector_load %arg15[%swap3A] {strides = array<i32>} : memref<8192xi32, #tpu.memory_space<vmem>>, vector<16xi32>,
      tpu.vector_store %arg15[%swap3A], %scan3A_144#1 {strides = array<i32>} : memref<8192xi32, #tpu.memory_space<vmem>>, vector<16xi32>,
      %add3A_151 = arith.constant 64 : i32
      %add3A_152 = arith.addi %scan3A_57, %add3A_151 : i32
      %mul3A_153 = arith.constant 16 : i32
      %mul3A_154 = arith.muli %add3A_152, %mul3A_153 : i32
      %swap3A_155 = arith.index_cast %mul3A_154 : i32 to index
      %swap3A_156 = tpu.vector_load %arg15[%swap3A_155] {strides = array<i32>} : memref<8192xi32, #tpu.memory_space<vmem>>, vector<16xi32>,
      tpu.vector_store %arg15[%swap3A_155], %scan3A_144#3 {strides = array<i32>} : memref<8192xi32, #tpu.memory_space<vmem>>, vector<16xi32>,
      %add3A_157 = arith.constant 128 : i32
      %add3A_158 = arith.addi %scan3A_57, %add3A_157 : i32
      %mul3A_159 = arith.constant 16 : i32
      %mul3A_160 = arith.muli %add3A_158, %mul3A_159 : i32
      %swap3A_161 = arith.index_cast %mul3A_160 : i32 to index
      %swap3A_162 = tpu.vector_load %arg15[%swap3A_161] {strides = array<i32>} : memref<8192xi32, #tpu.memory_space<vmem>>, vector<16xi32>,
      tpu.vector_store %arg15[%swap3A_161], %scan3A_144#5 {strides = array<i32>} : memref<8192xi32, #tpu.memory_space<vmem>>, vector<16xi32>,
      %add3A_163 = arith.constant 192 : i32
      %add3A_164 = arith.addi %scan3A_57, %add3A_163 : i32
      %mul3A_165 = arith.constant 16 : i32
      %mul3A_166 = arith.muli %add3A_164, %mul3A_165 : i32
      %swap3A_167 = arith.index_cast %mul3A_166 : i32 to index
      %swap3A_168 = tpu.vector_load %arg15[%swap3A_167] {strides = array<i32>} : memref<8192xi32, #tpu.memory_space<vmem>>, vector<16xi32>,
      tpu.vector_store %arg15[%swap3A_167], %scan3A_144#7 {strides = array<i32>} : memref<8192xi32, #tpu.memory_space<vmem>>, vector<16xi32>,
      %add3A_169 = arith.constant 256 : i32
      %add3A_170 = arith.addi %scan3A_57, %add3A_169 : i32
      %mul3A_171 = arith.constant 16 : i32
      %mul3A_172 = arith.muli %add3A_170, %mul3A_171 : i32
      %swap3A_173 = arith.index_cast %mul3A_172 : i32 to index
      %swap3A_174 = tpu.vector_load %arg15[%swap3A_173] {strides = array<i32>} : memref<8192xi32, #tpu.memory_space<vmem>>, vector<16xi32>,
      tpu.vector_store %arg15[%swap3A_173], %scan3A_144#9 {strides = array<i32>} : memref<8192xi32, #tpu.memory_space<vmem>>, vector<16xi32>,
      %add3A_175 = arith.constant 320 : i32
      %add3A_176 = arith.addi %scan3A_57, %add3A_175 : i32
      %mul3A_177 = arith.constant 16 : i32
      %mul3A_178 = arith.muli %add3A_176, %mul3A_177 : i32
      %swap3A_179 = arith.index_cast %mul3A_178 : i32 to index
      %swap3A_180 = tpu.vector_load %arg15[%swap3A_179] {strides = array<i32>} : memref<8192xi32, #tpu.memory_space<vmem>>, vector<16xi32>,
      tpu.vector_store %arg15[%swap3A_179], %scan3A_144#11 {strides = array<i32>} : memref<8192xi32, #tpu.memory_space<vmem>>, vector<16xi32>,
      %add3A_181 = arith.constant 384 : i32
      %add3A_182 = arith.addi %scan3A_57, %add3A_181 : i32
      %mul3A_183 = arith.constant 16 : i32
      %mul3A_184 = arith.muli %add3A_182, %mul3A_183 : i32
      %swap3A_185 = arith.index_cast %mul3A_184 : i32 to index
      %swap3A_186 = tpu.vector_load %arg15[%swap3A_185] {strides = array<i32>} : memref<8192xi32, #tpu.memory_space<vmem>>, vector<16xi32>,
      tpu.vector_store %arg15[%swap3A_185], %scan3A_144#13 {strides = array<i32>} : memref<8192xi32, #tpu.memory_space<vmem>>, vector<16xi32>,
      %add3A_187 = arith.constant 448 : i32
      %add3A_188 = arith.addi %scan3A_57, %add3A_187 : i32
      %mul3A_189 = arith.constant 16 : i32
      %mul3A_190 = arith.muli %add3A_188, %mul3A_189 : i32
      %swap3A_191 = arith.index_cast %mul3A_190 : i32 to index
      %swap3A_192 = tpu.vector_load %arg15[%swap3A_191] {strides = array<i32>} : memref<8192xi32, #tpu.memory_space<vmem>>, vector<16xi32>,
      tpu.vector_store %arg15[%swap3A_191], %scan3A_144#15 {strides = array<i32>} : memref<8192xi32, #tpu.memory_space<vmem>>, vector<16xi32>,
      %scan3A_193 = arith.constant 0 : i32
      scf.yield %scan3A_193 : i32
    }
    %scan3A_54 = arith.constant 64 : i32
    %mul3A_55 = arith.constant 16 : i32
    %mul3A_56 = arith.muli %add3A_42, %mul3A_55 : i32
    "tpu.region"() ({
      %run_scoped3A = tpu.sem_alloc : memref<!tpu.dma_semaphore, #tpu.memory_space<semaphore_mem>>
      %dma_start3A = tpu.memref_slice %arg8[%mul3A_56] : memref<262144xi32, #tpu.memory_space<hbm>> -> memref<8192xi32, #tpu.memory_space<hbm>>
      %dma_start3A_57 = tpu.memref_slice %arg8[%mul3A_56] : memref<262144xi32, #tpu.memory_space<hbm>> -> memref<8192xi32, #tpu.memory_space<hbm>>
      tpu.enqueue_dma source(%arg15 : memref<8192xi32, #tpu.memory_space<vmem>>) target(%dma_start3A_57 : memref<8192xi32, #tpu.memory_space<hbm>>) target_semaphore(%run_scoped3A : memref<!tpu.dma_semaphore, #tpu.memory_space<semaphore_mem>>)
      %dma_wait3A = tpu.memref_slice %arg8[%mul3A_56] : memref<262144xi32, #tpu.memory_space<hbm>> -> memref<8192xi32, #tpu.memory_space<hbm>>
      %dma_wait3A_58 = tpu.memref_slice %arg8[%mul3A_56] : memref<262144xi32, #tpu.memory_space<hbm>> -> memref<8192xi32, #tpu.memory_space<hbm>>
      tpu.wait_dma2 semaphore(%run_scoped3A : memref<!tpu.dma_semaphore, #tpu.memory_space<semaphore_mem>>) src(%arg15 : memref<8192xi32, #tpu.memory_space<vmem>>) dst(%dma_wait3A_58 : memref<8192xi32, #tpu.memory_space<hbm>>)
      tpu.yield
    }) : () -> ()
    return
  }
}

#map = affine_map<(d0, d1) -> (0)>
module attributes {stable_mosaic.version = 14 : i64} {
  func.func @sc_topk(%arg0: i32, %arg1: i32, %arg2: memref<16384xf32, #tpu.memory_space<hbm>>, %arg3: memref<16384xf32, #tpu.memory_space<hbm>>, %arg4: memref<16384xf32, #tpu.memory_space<hbm>>, %arg5: memref<262144xf32, #tpu.memory_space<hbm>>, %arg6: memref<262144xf32, #tpu.memory_space<hbm>>, %arg7: memref<262144xf32, #tpu.memory_space<hbm>>, %arg8: memref<262144xi32, #tpu.memory_space<hbm>>, %arg9: memref<1024xf32, #tpu.memory_space<vmem>>, %arg10: memref<1024xf32, #tpu.memory_space<vmem>>, %arg11: memref<1024xf32, #tpu.memory_space<vmem>>, %arg12: memref<8192xf32, #tpu.memory_space<vmem>>, %arg13: memref<8192xf32, #tpu.memory_space<vmem>>, %arg14: memref<8192xf32, #tpu.memory_space<vmem>>, %arg15: memref<8192xi32, #tpu.memory_space<vmem>>) attributes {dimension_semantics = [#tpu.dimension_semantics<core_parallel>, #tpu.dimension_semantics<subcore_parallel>], iteration_bounds = array<i64: 2, 16>, scalar_prefetch = 0 : i64, scratch_operands = 7 : i64, tpu.core_type = #tpu.core_type<sc_vector_subcore>, window_params = [{transform_indices = #map}, {transform_indices = #map}, {transform_indices = #map}, {transform_indices = #map}, {transform_indices = #map}, {transform_indices = #map}, {transform_indices = #map}]} {
    %mul3A = arith.constant 2 : i32
    %mul3A_0 = arith.muli %arg1, %mul3A : i32
    %add3A = arith.addi %mul3A_0, %arg0 : i32
    %iota3A = tpu.iota {dimensions = array<i32: 0>} : vector<16xi32>
    %broadcast_in_dim3A = arith.constant 0x7F800000 : f32
    %broadcast_in_dim3A_1 = vector.broadcast %broadcast_in_dim3A : f32 to vector<16xf32>
    %mul3A_2 = arith.constant 1 : i32
    %mul3A_3 = arith.muli %add3A, %mul3A_2 : i32
    %add3A_4 = arith.constant 0 : i32
    %add3A_5 = arith.addi %mul3A_3, %add3A_4 : i32
    %jit3A = arith.constant 2 : i32
    %div3A = arith.divsi %add3A_5, %jit3A : i32
    %sign3A = arith.constant 0 : i32
    %sign3A_6 = arith.cmpi sgt, %add3A_5, %sign3A : i32
    %sign3A_7 = arith.extui %sign3A_6 : i1 to i32
    %sign3A_8 = arith.constant 0 : i32
    %sign3A_9 = arith.cmpi slt, %add3A_5, %sign3A_8 : i32
    %sign3A_10 = arith.extui %sign3A_9 : i1 to i32
    %sign3A_11 = arith.subi %sign3A_7, %sign3A_10 : i32
    %sign3A_12 = arith.constant 0 : i32
    %sign3A_13 = arith.cmpi sgt, %jit3A, %sign3A_12 : i32
    %sign3A_14 = arith.extui %sign3A_13 : i1 to i32
    %sign3A_15 = arith.constant 0 : i32
    %sign3A_16 = arith.cmpi slt, %jit3A, %sign3A_15 : i32
    %sign3A_17 = arith.extui %sign3A_16 : i1 to i32
    %sign3A_18 = arith.subi %sign3A_14, %sign3A_17 : i32
    %ne3A = arith.cmpi ne, %sign3A_11, %sign3A_18 : i32
    %rem3A = arith.remsi %add3A_5, %jit3A : i32
    %ne3A_19 = arith.constant 0 : i32
    %ne3A_20 = arith.cmpi ne, %rem3A, %ne3A_19 : i32
    %and3A = arith.andi %ne3A, %ne3A_20 : i1
    %sub3A = arith.constant 1 : i32
    %sub3A_21 = arith.subi %div3A, %sub3A : i32
    %select_n3A = arith.select %and3A, %sub3A_21, %div3A : i32
    %jit3A_22 = arith.constant 2 : i32
    %eq3A = arith.constant 0 : i32
    %eq3A_23 = arith.cmpi eq, %jit3A_22, %eq3A : i32
    %jit3A_24 = arith.constant 1 : i32
    %select_n3A_25 = arith.select %eq3A_23, %jit3A_24, %jit3A_22 : i32
    %rem3A_26 = arith.remsi %add3A_5, %select_n3A_25 : i32
    %ne3A_27 = arith.constant 0 : i32
    %ne3A_28 = arith.cmpi ne, %rem3A_26, %ne3A_27 : i32
    %lt3A = arith.constant 0 : i32
    %lt3A_29 = arith.cmpi slt, %rem3A_26, %lt3A : i32
    %lt3A_30 = arith.constant 0 : i32
    %lt3A_31 = arith.cmpi slt, %select_n3A_25, %lt3A_30 : i32
    %ne3A_32 = arith.xori %lt3A_29, %lt3A_31 : i1
    %and3A_33 = arith.andi %ne3A_32, %ne3A_28 : i1
    %add3A_34 = arith.addi %rem3A_26, %select_n3A_25 : i32
    %select_n3A_35 = arith.select %and3A_33, %add3A_34, %rem3A_26 : i32
    %mul3A_36 = arith.constant 1024 : i32
    %mul3A_37 = arith.muli %select_n3A, %mul3A_36 : i32
    %mul3A_38 = arith.constant 1024 : i32
    %mul3A_39 = arith.muli %select_n3A, %mul3A_38 : i32
    %mul3A_40 = arith.constant 512 : i32
    %mul3A_41 = arith.muli %select_n3A_35, %mul3A_40 : i32
    %add3A_42 = arith.addi %mul3A_39, %mul3A_41 : i32
    "tpu.region"() ({
      %run_scoped3A = tpu.sem_alloc : memref<!tpu.dma_semaphore, #tpu.memory_space<semaphore_mem>>
      %dma_start3A = tpu.memref_slice %arg2[%mul3A_37] : memref<16384xf32, #tpu.memory_space<hbm>> -> memref<1024xf32, #tpu.memory_space<hbm>>
      %dma_start3A_57 = tpu.memref_slice %arg2[%mul3A_37] : memref<16384xf32, #tpu.memory_space<hbm>> -> memref<1024xf32, #tpu.memory_space<hbm>>
      tpu.enqueue_dma source(%dma_start3A_57 : memref<1024xf32, #tpu.memory_space<hbm>>) target(%arg9 : memref<1024xf32, #tpu.memory_space<vmem>>) target_semaphore(%run_scoped3A : memref<!tpu.dma_semaphore, #tpu.memory_space<semaphore_mem>>)
      %dma_wait3A = tpu.memref_slice %arg2[%mul3A_37] : memref<16384xf32, #tpu.memory_space<hbm>> -> memref<1024xf32, #tpu.memory_space<hbm>>
      %dma_wait3A_58 = tpu.memref_slice %arg2[%mul3A_37] : memref<16384xf32, #tpu.memory_space<hbm>> -> memref<1024xf32, #tpu.memory_space<hbm>>
      tpu.wait_dma2 semaphore(%run_scoped3A : memref<!tpu.dma_semaphore, #tpu.memory_space<semaphore_mem>>) src(%dma_wait3A_58 : memref<1024xf32, #tpu.memory_space<hbm>>) dst(%arg9 : memref<1024xf32, #tpu.memory_space<vmem>>)
      tpu.yield
    }) : () -> ()
    "tpu.region"() ({
      %run_scoped3A = tpu.sem_alloc : memref<!tpu.dma_semaphore, #tpu.memory_space<semaphore_mem>>
      %dma_start3A = tpu.memref_slice %arg3[%mul3A_37] : memref<16384xf32, #tpu.memory_space<hbm>> -> memref<1024xf32, #tpu.memory_space<hbm>>
      %dma_start3A_57 = tpu.memref_slice %arg3[%mul3A_37] : memref<16384xf32, #tpu.memory_space<hbm>> -> memref<1024xf32, #tpu.memory_space<hbm>>
      tpu.enqueue_dma source(%dma_start3A_57 : memref<1024xf32, #tpu.memory_space<hbm>>) target(%arg10 : memref<1024xf32, #tpu.memory_space<vmem>>) target_semaphore(%run_scoped3A : memref<!tpu.dma_semaphore, #tpu.memory_space<semaphore_mem>>)
      %dma_wait3A = tpu.memref_slice %arg3[%mul3A_37] : memref<16384xf32, #tpu.memory_space<hbm>> -> memref<1024xf32, #tpu.memory_space<hbm>>
      %dma_wait3A_58 = tpu.memref_slice %arg3[%mul3A_37] : memref<16384xf32, #tpu.memory_space<hbm>> -> memref<1024xf32, #tpu.memory_space<hbm>>
      tpu.wait_dma2 semaphore(%run_scoped3A : memref<!tpu.dma_semaphore, #tpu.memory_space<semaphore_mem>>) src(%dma_wait3A_58 : memref<1024xf32, #tpu.memory_space<hbm>>) dst(%arg10 : memref<1024xf32, #tpu.memory_space<vmem>>)
      tpu.yield
    }) : () -> ()
    "tpu.region"() ({
      %run_scoped3A = tpu.sem_alloc : memref<!tpu.dma_semaphore, #tpu.memory_space<semaphore_mem>>
      %dma_start3A = tpu.memref_slice %arg4[%mul3A_37] : memref<16384xf32, #tpu.memory_space<hbm>> -> memref<1024xf32, #tpu.memory_space<hbm>>
      %dma_start3A_57 = tpu.memref_slice %arg4[%mul3A_37] : memref<16384xf32, #tpu.memory_space<hbm>> -> memref<1024xf32, #tpu.memory_space<hbm>>
      tpu.enqueue_dma source(%dma_start3A_57 : memref<1024xf32, #tpu.memory_space<hbm>>) target(%arg11 : memref<1024xf32, #tpu.memory_space<vmem>>) target_semaphore(%run_scoped3A : memref<!tpu.dma_semaphore, #tpu.memory_space<semaphore_mem>>)
      %dma_wait3A = tpu.memref_slice %arg4[%mul3A_37] : memref<16384xf32, #tpu.memory_space<hbm>> -> memref<1024xf32, #tpu.memory_space<hbm>>
      %dma_wait3A_58 = tpu.memref_slice %arg4[%mul3A_37] : memref<16384xf32, #tpu.memory_space<hbm>> -> memref<1024xf32, #tpu.memory_space<hbm>>
      tpu.wait_dma2 semaphore(%run_scoped3A : memref<!tpu.dma_semaphore, #tpu.memory_space<semaphore_mem>>) src(%dma_wait3A_58 : memref<1024xf32, #tpu.memory_space<hbm>>) dst(%arg11 : memref<1024xf32, #tpu.memory_space<vmem>>)
      tpu.yield
    }) : () -> ()
    %mul3A_43 = arith.constant 16 : i32
    %mul3A_44 = arith.muli %add3A_42, %mul3A_43 : i32
    "tpu.region"() ({
      %run_scoped3A = tpu.sem_alloc : memref<!tpu.dma_semaphore, #tpu.memory_space<semaphore_mem>>
      %dma_start3A = tpu.memref_slice %arg5[%mul3A_44] : memref<262144xf32, #tpu.memory_space<hbm>> -> memref<8192xf32, #tpu.memory_space<hbm>>
      %dma_start3A_57 = tpu.memref_slice %arg5[%mul3A_44] : memref<262144xf32, #tpu.memory_space<hbm>> -> memref<8192xf32, #tpu.memory_space<hbm>>
      tpu.enqueue_dma source(%dma_start3A_57 : memref<8192xf32, #tpu.memory_space<hbm>>) target(%arg12 : memref<8192xf32, #tpu.memory_space<vmem>>) target_semaphore(%run_scoped3A : memref<!tpu.dma_semaphore, #tpu.memory_space<semaphore_mem>>)
      %dma_wait3A = tpu.memref_slice %arg5[%mul3A_44] : memref<262144xf32, #tpu.memory_space<hbm>> -> memref<8192xf32, #tpu.memory_space<hbm>>
      %dma_wait3A_58 = tpu.memref_slice %arg5[%mul3A_44] : memref<262144xf32, #tpu.memory_space<hbm>> -> memref<8192xf32, #tpu.memory_space<hbm>>
      tpu.wait_dma2 semaphore(%run_scoped3A : memref<!tpu.dma_semaphore, #tpu.memory_space<semaphore_mem>>) src(%dma_wait3A_58 : memref<8192xf32, #tpu.memory_space<hbm>>) dst(%arg12 : memref<8192xf32, #tpu.memory_space<vmem>>)
      tpu.yield
    }) : () -> ()
    %mul3A_45 = arith.constant 16 : i32
    %mul3A_46 = arith.muli %add3A_42, %mul3A_45 : i32
    "tpu.region"() ({
      %run_scoped3A = tpu.sem_alloc : memref<!tpu.dma_semaphore, #tpu.memory_space<semaphore_mem>>
      %dma_start3A = tpu.memref_slice %arg6[%mul3A_46] : memref<262144xf32, #tpu.memory_space<hbm>> -> memref<8192xf32, #tpu.memory_space<hbm>>
      %dma_start3A_57 = tpu.memref_slice %arg6[%mul3A_46] : memref<262144xf32, #tpu.memory_space<hbm>> -> memref<8192xf32, #tpu.memory_space<hbm>>
      tpu.enqueue_dma source(%dma_start3A_57 : memref<8192xf32, #tpu.memory_space<hbm>>) target(%arg13 : memref<8192xf32, #tpu.memory_space<vmem>>) target_semaphore(%run_scoped3A : memref<!tpu.dma_semaphore, #tpu.memory_space<semaphore_mem>>)
      %dma_wait3A = tpu.memref_slice %arg6[%mul3A_46] : memref<262144xf32, #tpu.memory_space<hbm>> -> memref<8192xf32, #tpu.memory_space<hbm>>
      %dma_wait3A_58 = tpu.memref_slice %arg6[%mul3A_46] : memref<262144xf32, #tpu.memory_space<hbm>> -> memref<8192xf32, #tpu.memory_space<hbm>>
      tpu.wait_dma2 semaphore(%run_scoped3A : memref<!tpu.dma_semaphore, #tpu.memory_space<semaphore_mem>>) src(%dma_wait3A_58 : memref<8192xf32, #tpu.memory_space<hbm>>) dst(%arg13 : memref<8192xf32, #tpu.memory_space<vmem>>)
      tpu.yield
    }) : () -> ()
    %mul3A_47 = arith.constant 16 : i32
    %mul3A_48 = arith.muli %add3A_42, %mul3A_47 : i32
    "tpu.region"() ({
      %run_scoped3A = tpu.sem_alloc : memref<!tpu.dma_semaphore, #tpu.memory_space<semaphore_mem>>
      %dma_start3A = tpu.memref_slice %arg7[%mul3A_48] : memref<262144xf32, #tpu.memory_space<hbm>> -> memref<8192xf32, #tpu.memory_space<hbm>>
      %dma_start3A_57 = tpu.memref_slice %arg7[%mul3A_48] : memref<262144xf32, #tpu.memory_space<hbm>> -> memref<8192xf32, #tpu.memory_space<hbm>>
      tpu.enqueue_dma source(%dma_start3A_57 : memref<8192xf32, #tpu.memory_space<hbm>>) target(%arg14 : memref<8192xf32, #tpu.memory_space<vmem>>) target_semaphore(%run_scoped3A : memref<!tpu.dma_semaphore, #tpu.memory_space<semaphore_mem>>)
      %dma_wait3A = tpu.memref_slice %arg7[%mul3A_48] : memref<262144xf32, #tpu.memory_space<hbm>> -> memref<8192xf32, #tpu.memory_space<hbm>>
      %dma_wait3A_58 = tpu.memref_slice %arg7[%mul3A_48] : memref<262144xf32, #tpu.memory_space<hbm>> -> memref<8192xf32, #tpu.memory_space<hbm>>
      tpu.wait_dma2 semaphore(%run_scoped3A : memref<!tpu.dma_semaphore, #tpu.memory_space<semaphore_mem>>) src(%dma_wait3A_58 : memref<8192xf32, #tpu.memory_space<hbm>>) dst(%arg14 : memref<8192xf32, #tpu.memory_space<vmem>>)
      tpu.yield
    }) : () -> ()
    %scan3A = arith.constant 0 : i32
    %scan3A_49 = arith.constant 0 : i32
    %scan3A_50 = arith.constant 64 : i32
    %scan3A_51 = arith.addi %scan3A_49, %scan3A_50 : i32
    %scan3A_52 = arith.constant 1 : i32
    %scan3A_53 = scf.for %scan3A_57 = %scan3A_49 to %scan3A_51 step %scan3A_52 iter_args(%scan3A_58 = %scan3A) -> (i32)  : i32 {
      %add3A_59 = arith.constant 0 : i32
      %add3A_60 = arith.addi %scan3A_57, %add3A_59 : i32
      %mul3A_61 = arith.constant 16 : i32
      %mul3A_62 = arith.muli %add3A_60, %mul3A_61 : i32
      %get3A = arith.index_cast %mul3A_62 : i32 to index
      %get3A_63 = tpu.vector_load %arg12[%get3A] {strides = array<i32>} : memref<8192xf32, #tpu.memory_space<vmem>>, vector<16xf32>,
      %get3A_64 = arith.index_cast %mul3A_62 : i32 to index
      %get3A_65 = tpu.vector_load %arg13[%get3A_64] {strides = array<i32>} : memref<8192xf32, #tpu.memory_space<vmem>>, vector<16xf32>,
      %get3A_66 = arith.index_cast %mul3A_62 : i32 to index
      %get3A_67 = tpu.vector_load %arg14[%get3A_66] {strides = array<i32>} : memref<8192xf32, #tpu.memory_space<vmem>>, vector<16xf32>,
      %add3A_68 = arith.constant 64 : i32
      %add3A_69 = arith.addi %scan3A_57, %add3A_68 : i32
      %mul3A_70 = arith.constant 16 : i32
      %mul3A_71 = arith.muli %add3A_69, %mul3A_70 : i32
      %get3A_72 = arith.index_cast %mul3A_71 : i32 to index
      %get3A_73 = tpu.vector_load %arg12[%get3A_72] {strides = array<i32>} : memref<8192xf32, #tpu.memory_space<vmem>>, vector<16xf32>,
      %get3A_74 = arith.index_cast %mul3A_71 : i32 to index
      %get3A_75 = tpu.vector_load %arg13[%get3A_74] {strides = array<i32>} : memref<8192xf32, #tpu.memory_space<vmem>>, vector<16xf32>,
      %get3A_76 = arith.index_cast %mul3A_71 : i32 to index
      %get3A_77 = tpu.vector_load %arg14[%get3A_76] {strides = array<i32>} : memref<8192xf32, #tpu.memory_space<vmem>>, vector<16xf32>,
      %add3A_78 = arith.constant 128 : i32
      %add3A_79 = arith.addi %scan3A_57, %add3A_78 : i32
      %mul3A_80 = arith.constant 16 : i32
      %mul3A_81 = arith.muli %add3A_79, %mul3A_80 : i32
      %get3A_82 = arith.index_cast %mul3A_81 : i32 to index
      %get3A_83 = tpu.vector_load %arg12[%get3A_82] {strides = array<i32>} : memref<8192xf32, #tpu.memory_space<vmem>>, vector<16xf32>,
      %get3A_84 = arith.index_cast %mul3A_81 : i32 to index
      %get3A_85 = tpu.vector_load %arg13[%get3A_84] {strides = array<i32>} : memref<8192xf32, #tpu.memory_space<vmem>>, vector<16xf32>,
      %get3A_86 = arith.index_cast %mul3A_81 : i32 to index
      %get3A_87 = tpu.vector_load %arg14[%get3A_86] {strides = array<i32>} : memref<8192xf32, #tpu.memory_space<vmem>>, vector<16xf32>,
      %add3A_88 = arith.constant 192 : i32
      %add3A_89 = arith.addi %scan3A_57, %add3A_88 : i32
      %mul3A_90 = arith.constant 16 : i32
      %mul3A_91 = arith.muli %add3A_89, %mul3A_90 : i32
      %get3A_92 = arith.index_cast %mul3A_91 : i32 to index
      %get3A_93 = tpu.vector_load %arg12[%get3A_92] {strides = array<i32>} : memref<8192xf32, #tpu.memory_space<vmem>>, vector<16xf32>,
      %get3A_94 = arith.index_cast %mul3A_91 : i32 to index
      %get3A_95 = tpu.vector_load %arg13[%get3A_94] {strides = array<i32>} : memref<8192xf32, #tpu.memory_space<vmem>>, vector<16xf32>,
      %get3A_96 = arith.index_cast %mul3A_91 : i32 to index
      %get3A_97 = tpu.vector_load %arg14[%get3A_96] {strides = array<i32>} : memref<8192xf32, #tpu.memory_space<vmem>>, vector<16xf32>,
      %add3A_98 = arith.constant 256 : i32
      %add3A_99 = arith.addi %scan3A_57, %add3A_98 : i32
      %mul3A_100 = arith.constant 16 : i32
      %mul3A_101 = arith.muli %add3A_99, %mul3A_100 : i32
      %get3A_102 = arith.index_cast %mul3A_101 : i32 to index
      %get3A_103 = tpu.vector_load %arg12[%get3A_102] {strides = array<i32>} : memref<8192xf32, #tpu.memory_space<vmem>>, vector<16xf32>,
      %get3A_104 = arith.index_cast %mul3A_101 : i32 to index
      %get3A_105 = tpu.vector_load %arg13[%get3A_104] {strides = array<i32>} : memref<8192xf32, #tpu.memory_space<vmem>>, vector<16xf32>,
      %get3A_106 = arith.index_cast %mul3A_101 : i32 to index
      %get3A_107 = tpu.vector_load %arg14[%get3A_106] {strides = array<i32>} : memref<8192xf32, #tpu.memory_space<vmem>>, vector<16xf32>,
      %add3A_108 = arith.constant 320 : i32
      %add3A_109 = arith.addi %scan3A_57, %add3A_108 : i32
      %mul3A_110 = arith.constant 16 : i32
      %mul3A_111 = arith.muli %add3A_109, %mul3A_110 : i32
      %get3A_112 = arith.index_cast %mul3A_111 : i32 to index
      %get3A_113 = tpu.vector_load %arg12[%get3A_112] {strides = array<i32>} : memref<8192xf32, #tpu.memory_space<vmem>>, vector<16xf32>,
      %get3A_114 = arith.index_cast %mul3A_111 : i32 to index
      %get3A_115 = tpu.vector_load %arg13[%get3A_114] {strides = array<i32>} : memref<8192xf32, #tpu.memory_space<vmem>>, vector<16xf32>,
      %get3A_116 = arith.index_cast %mul3A_111 : i32 to index
      %get3A_117 = tpu.vector_load %arg14[%get3A_116] {strides = array<i32>} : memref<8192xf32, #tpu.memory_space<vmem>>, vector<16xf32>,
      %add3A_118 = arith.constant 384 : i32
      %add3A_119 = arith.addi %scan3A_57, %add3A_118 : i32
      %mul3A_120 = arith.constant 16 : i32
      %mul3A_121 = arith.muli %add3A_119, %mul3A_120 : i32
      %get3A_122 = arith.index_cast %mul3A_121 : i32 to index
      %get3A_123 = tpu.vector_load %arg12[%get3A_122] {strides = array<i32>} : memref<8192xf32, #tpu.memory_space<vmem>>, vector<16xf32>,
      %get3A_124 = arith.index_cast %mul3A_121 : i32 to index
      %get3A_125 = tpu.vector_load %arg13[%get3A_124] {strides = array<i32>} : memref<8192xf32, #tpu.memory_space<vmem>>, vector<16xf32>,
      %get3A_126 = arith.index_cast %mul3A_121 : i32 to index
      %get3A_127 = tpu.vector_load %arg14[%get3A_126] {strides = array<i32>} : memref<8192xf32, #tpu.memory_space<vmem>>, vector<16xf32>,
      %add3A_128 = arith.constant 448 : i32
      %add3A_129 = arith.addi %scan3A_57, %add3A_128 : i32
      %mul3A_130 = arith.constant 16 : i32
      %mul3A_131 = arith.muli %add3A_129, %mul3A_130 : i32
      %get3A_132 = arith.index_cast %mul3A_131 : i32 to index
      %get3A_133 = tpu.vector_load %arg12[%get3A_132] {strides = array<i32>} : memref<8192xf32, #tpu.memory_space<vmem>>, vector<16xf32>,
      %get3A_134 = arith.index_cast %mul3A_131 : i32 to index
      %get3A_135 = tpu.vector_load %arg13[%get3A_134] {strides = array<i32>} : memref<8192xf32, #tpu.memory_space<vmem>>, vector<16xf32>,
      %get3A_136 = arith.index_cast %mul3A_131 : i32 to index
      %get3A_137 = tpu.vector_load %arg14[%get3A_136] {strides = array<i32>} : memref<8192xf32, #tpu.memory_space<vmem>>, vector<16xf32>,
      %broadcast_in_dim3A_138 = arith.constant 0 : i32
      %broadcast_in_dim3A_139 = vector.broadcast %broadcast_in_dim3A_138 : i32 to vector<16xi32>
      %scan3A_140 = arith.constant 0 : i32
      %scan3A_141 = arith.constant 64 : i32
      %scan3A_142 = arith.addi %scan3A_140, %scan3A_141 : i32
      %scan3A_143 = arith.constant 1 : i32
      %scan3A_144:16 = scf.for %scan3A_194 = %scan3A_140 to %scan3A_142 step %scan3A_143 iter_args(%scan3A_195 = %broadcast_in_dim3A_1, %scan3A_196 = %broadcast_in_dim3A_139, %scan3A_197 = %broadcast_in_dim3A_1, %scan3A_198 = %broadcast_in_dim3A_139, %scan3A_199 = %broadcast_in_dim3A_1, %scan3A_200 = %broadcast_in_dim3A_139, %scan3A_201 = %broadcast_in_dim3A_1, %scan3A_202 = %broadcast_in_dim3A_139, %scan3A_203 = %broadcast_in_dim3A_1, %scan3A_204 = %broadcast_in_dim3A_139, %scan3A_205 = %broadcast_in_dim3A_1, %scan3A_206 = %broadcast_in_dim3A_139, %scan3A_207 = %broadcast_in_dim3A_1, %scan3A_208 = %broadcast_in_dim3A_139, %scan3A_209 = %broadcast_in_dim3A_1, %scan3A_210 = %broadcast_in_dim3A_139) -> (vector<16xf32>, vector<16xi32>, vector<16xf32>, vector<16xi32>, vector<16xf32>, vector<16xi32>, vector<16xf32>, vector<16xi32>, vector<16xf32>, vector<16xi32>, vector<16xf32>, vector<16xi32>, vector<16xf32>, vector<16xi32>, vector<16xf32>, vector<16xi32>)  : i32 {
        %mul3A_211 = arith.constant 16 : i32
        %mul3A_212 = arith.muli %scan3A_194, %mul3A_211 : i32
        %get3A_213 = arith.index_cast %mul3A_212 : i32 to index
        %get3A_214 = tpu.vector_load %arg9[%get3A_213] {strides = array<i32>} : memref<1024xf32, #tpu.memory_space<vmem>>, vector<16xf32>,
        %get3A_215 = arith.index_cast %mul3A_212 : i32 to index
        %get3A_216 = tpu.vector_load %arg10[%get3A_215] {strides = array<i32>} : memref<1024xf32, #tpu.memory_space<vmem>>, vector<16xf32>,
        %get3A_217 = arith.index_cast %mul3A_212 : i32 to index
        %get3A_218 = tpu.vector_load %arg11[%get3A_217] {strides = array<i32>} : memref<1024xf32, #tpu.memory_space<vmem>>, vector<16xf32>,
        %add3A_219 = vector.broadcast %mul3A_212 : i32 to vector<16xi32>
        %add3A_220 = arith.addi %iota3A, %add3A_219 : vector<16xi32>
        %mul3A_221 = arith.mulf %get3A_63, %get3A_214 : vector<16xf32>
        %mul3A_222 = arith.mulf %get3A_65, %get3A_216 : vector<16xf32>
        %add3A_223 = arith.addf %mul3A_221, %mul3A_222 : vector<16xf32>
        %mul3A_224 = arith.constant 2.000000e+00 : f32
        %mul3A_225 = vector.broadcast %mul3A_224 : f32 to vector<16xf32>
        %mul3A_226 = arith.mulf %mul3A_225, %add3A_223 : vector<16xf32>
        %sub3A_227 = arith.subf %get3A_67, %mul3A_226 : vector<16xf32>
        %add3A_228 = arith.addf %sub3A_227, %get3A_218 : vector<16xf32>
        %add3A_229 = arith.constant 9.99999974E-6 : f32
        %add3A_230 = vector.broadcast %add3A_229 : f32 to vector<16xf32>
        %add3A_231 = arith.addf %add3A_228, %add3A_230 : vector<16xf32>
        %masked_sort3A = arith.constant dense<true> : vector<16xi1>
        %masked_sort3A_232, %masked_sort3A_233, %masked_sort3A_234 = tpu.sort %add3A_231, %add3A_220 masked %masked_sort3A {descending = true} : (vector<16xf32>, vector<16xi32>, vector<16xi1>) -> (vector<16xi1>, vector<16xf32>, vector<16xi32>)
        %lt3A_235 = arith.cmpf olt, %masked_sort3A_233, %scan3A_195 : vector<16xf32>
        %select_n3A_236 = arith.select %lt3A_235, %masked_sort3A_233, %scan3A_195 : vector<16xi1>, vector<16xf32>
        %select_n3A_237 = arith.select %lt3A_235, %masked_sort3A_234, %scan3A_196 : vector<16xi1>, vector<16xi32>
        %masked_sort3A_238 = arith.constant dense<true> : vector<16xi1>
        %masked_sort3A_239, %masked_sort3A_240, %masked_sort3A_241 = tpu.sort %select_n3A_236, %select_n3A_237 masked %masked_sort3A_238 : (vector<16xf32>, vector<16xi32>, vector<16xi1>) -> (vector<16xi1>, vector<16xf32>, vector<16xi32>)
        %mul3A_242 = arith.mulf %get3A_73, %get3A_214 : vector<16xf32>
        %mul3A_243 = arith.mulf %get3A_75, %get3A_216 : vector<16xf32>
        %add3A_244 = arith.addf %mul3A_242, %mul3A_243 : vector<16xf32>
        %mul3A_245 = arith.constant 2.000000e+00 : f32
        %mul3A_246 = vector.broadcast %mul3A_245 : f32 to vector<16xf32>
        %mul3A_247 = arith.mulf %mul3A_246, %add3A_244 : vector<16xf32>
        %sub3A_248 = arith.subf %get3A_77, %mul3A_247 : vector<16xf32>
        %add3A_249 = arith.addf %sub3A_248, %get3A_218 : vector<16xf32>
        %add3A_250 = arith.constant 9.99999974E-6 : f32
        %add3A_251 = vector.broadcast %add3A_250 : f32 to vector<16xf32>
        %add3A_252 = arith.addf %add3A_249, %add3A_251 : vector<16xf32>
        %masked_sort3A_253 = arith.constant dense<true> : vector<16xi1>
        %masked_sort3A_254, %masked_sort3A_255, %masked_sort3A_256 = tpu.sort %add3A_252, %add3A_220 masked %masked_sort3A_253 {descending = true} : (vector<16xf32>, vector<16xi32>, vector<16xi1>) -> (vector<16xi1>, vector<16xf32>, vector<16xi32>)
        %lt3A_257 = arith.cmpf olt, %masked_sort3A_255, %scan3A_197 : vector<16xf32>
        %select_n3A_258 = arith.select %lt3A_257, %masked_sort3A_255, %scan3A_197 : vector<16xi1>, vector<16xf32>
        %select_n3A_259 = arith.select %lt3A_257, %masked_sort3A_256, %scan3A_198 : vector<16xi1>, vector<16xi32>
        %masked_sort3A_260 = arith.constant dense<true> : vector<16xi1>
        %masked_sort3A_261, %masked_sort3A_262, %masked_sort3A_263 = tpu.sort %select_n3A_258, %select_n3A_259 masked %masked_sort3A_260 : (vector<16xf32>, vector<16xi32>, vector<16xi1>) -> (vector<16xi1>, vector<16xf32>, vector<16xi32>)
        %mul3A_264 = arith.mulf %get3A_83, %get3A_214 : vector<16xf32>
        %mul3A_265 = arith.mulf %get3A_85, %get3A_216 : vector<16xf32>
        %add3A_266 = arith.addf %mul3A_264, %mul3A_265 : vector<16xf32>
        %mul3A_267 = arith.constant 2.000000e+00 : f32
        %mul3A_268 = vector.broadcast %mul3A_267 : f32 to vector<16xf32>
        %mul3A_269 = arith.mulf %mul3A_268, %add3A_266 : vector<16xf32>
        %sub3A_270 = arith.subf %get3A_87, %mul3A_269 : vector<16xf32>
        %add3A_271 = arith.addf %sub3A_270, %get3A_218 : vector<16xf32>
        %add3A_272 = arith.constant 9.99999974E-6 : f32
        %add3A_273 = vector.broadcast %add3A_272 : f32 to vector<16xf32>
        %add3A_274 = arith.addf %add3A_271, %add3A_273 : vector<16xf32>
        %masked_sort3A_275 = arith.constant dense<true> : vector<16xi1>
        %masked_sort3A_276, %masked_sort3A_277, %masked_sort3A_278 = tpu.sort %add3A_274, %add3A_220 masked %masked_sort3A_275 {descending = true} : (vector<16xf32>, vector<16xi32>, vector<16xi1>) -> (vector<16xi1>, vector<16xf32>, vector<16xi32>)
        %lt3A_279 = arith.cmpf olt, %masked_sort3A_277, %scan3A_199 : vector<16xf32>
        %select_n3A_280 = arith.select %lt3A_279, %masked_sort3A_277, %scan3A_199 : vector<16xi1>, vector<16xf32>
        %select_n3A_281 = arith.select %lt3A_279, %masked_sort3A_278, %scan3A_200 : vector<16xi1>, vector<16xi32>
        %masked_sort3A_282 = arith.constant dense<true> : vector<16xi1>
        %masked_sort3A_283, %masked_sort3A_284, %masked_sort3A_285 = tpu.sort %select_n3A_280, %select_n3A_281 masked %masked_sort3A_282 : (vector<16xf32>, vector<16xi32>, vector<16xi1>) -> (vector<16xi1>, vector<16xf32>, vector<16xi32>)
        %mul3A_286 = arith.mulf %get3A_93, %get3A_214 : vector<16xf32>
        %mul3A_287 = arith.mulf %get3A_95, %get3A_216 : vector<16xf32>
        %add3A_288 = arith.addf %mul3A_286, %mul3A_287 : vector<16xf32>
        %mul3A_289 = arith.constant 2.000000e+00 : f32
        %mul3A_290 = vector.broadcast %mul3A_289 : f32 to vector<16xf32>
        %mul3A_291 = arith.mulf %mul3A_290, %add3A_288 : vector<16xf32>
        %sub3A_292 = arith.subf %get3A_97, %mul3A_291 : vector<16xf32>
        %add3A_293 = arith.addf %sub3A_292, %get3A_218 : vector<16xf32>
        %add3A_294 = arith.constant 9.99999974E-6 : f32
        %add3A_295 = vector.broadcast %add3A_294 : f32 to vector<16xf32>
        %add3A_296 = arith.addf %add3A_293, %add3A_295 : vector<16xf32>
        %masked_sort3A_297 = arith.constant dense<true> : vector<16xi1>
        %masked_sort3A_298, %masked_sort3A_299, %masked_sort3A_300 = tpu.sort %add3A_296, %add3A_220 masked %masked_sort3A_297 {descending = true} : (vector<16xf32>, vector<16xi32>, vector<16xi1>) -> (vector<16xi1>, vector<16xf32>, vector<16xi32>)
        %lt3A_301 = arith.cmpf olt, %masked_sort3A_299, %scan3A_201 : vector<16xf32>
        %select_n3A_302 = arith.select %lt3A_301, %masked_sort3A_299, %scan3A_201 : vector<16xi1>, vector<16xf32>
        %select_n3A_303 = arith.select %lt3A_301, %masked_sort3A_300, %scan3A_202 : vector<16xi1>, vector<16xi32>
        %masked_sort3A_304 = arith.constant dense<true> : vector<16xi1>
        %masked_sort3A_305, %masked_sort3A_306, %masked_sort3A_307 = tpu.sort %select_n3A_302, %select_n3A_303 masked %masked_sort3A_304 : (vector<16xf32>, vector<16xi32>, vector<16xi1>) -> (vector<16xi1>, vector<16xf32>, vector<16xi32>)
        %mul3A_308 = arith.mulf %get3A_103, %get3A_214 : vector<16xf32>
        %mul3A_309 = arith.mulf %get3A_105, %get3A_216 : vector<16xf32>
        %add3A_310 = arith.addf %mul3A_308, %mul3A_309 : vector<16xf32>
        %mul3A_311 = arith.constant 2.000000e+00 : f32
        %mul3A_312 = vector.broadcast %mul3A_311 : f32 to vector<16xf32>
        %mul3A_313 = arith.mulf %mul3A_312, %add3A_310 : vector<16xf32>
        %sub3A_314 = arith.subf %get3A_107, %mul3A_313 : vector<16xf32>
        %add3A_315 = arith.addf %sub3A_314, %get3A_218 : vector<16xf32>
        %add3A_316 = arith.constant 9.99999974E-6 : f32
        %add3A_317 = vector.broadcast %add3A_316 : f32 to vector<16xf32>
        %add3A_318 = arith.addf %add3A_315, %add3A_317 : vector<16xf32>
        %masked_sort3A_319 = arith.constant dense<true> : vector<16xi1>
        %masked_sort3A_320, %masked_sort3A_321, %masked_sort3A_322 = tpu.sort %add3A_318, %add3A_220 masked %masked_sort3A_319 {descending = true} : (vector<16xf32>, vector<16xi32>, vector<16xi1>) -> (vector<16xi1>, vector<16xf32>, vector<16xi32>)
        %lt3A_323 = arith.cmpf olt, %masked_sort3A_321, %scan3A_203 : vector<16xf32>
        %select_n3A_324 = arith.select %lt3A_323, %masked_sort3A_321, %scan3A_203 : vector<16xi1>, vector<16xf32>
        %select_n3A_325 = arith.select %lt3A_323, %masked_sort3A_322, %scan3A_204 : vector<16xi1>, vector<16xi32>
        %masked_sort3A_326 = arith.constant dense<true> : vector<16xi1>
        %masked_sort3A_327, %masked_sort3A_328, %masked_sort3A_329 = tpu.sort %select_n3A_324, %select_n3A_325 masked %masked_sort3A_326 : (vector<16xf32>, vector<16xi32>, vector<16xi1>) -> (vector<16xi1>, vector<16xf32>, vector<16xi32>)
        %mul3A_330 = arith.mulf %get3A_113, %get3A_214 : vector<16xf32>
        %mul3A_331 = arith.mulf %get3A_115, %get3A_216 : vector<16xf32>
        %add3A_332 = arith.addf %mul3A_330, %mul3A_331 : vector<16xf32>
        %mul3A_333 = arith.constant 2.000000e+00 : f32
        %mul3A_334 = vector.broadcast %mul3A_333 : f32 to vector<16xf32>
        %mul3A_335 = arith.mulf %mul3A_334, %add3A_332 : vector<16xf32>
        %sub3A_336 = arith.subf %get3A_117, %mul3A_335 : vector<16xf32>
        %add3A_337 = arith.addf %sub3A_336, %get3A_218 : vector<16xf32>
        %add3A_338 = arith.constant 9.99999974E-6 : f32
        %add3A_339 = vector.broadcast %add3A_338 : f32 to vector<16xf32>
        %add3A_340 = arith.addf %add3A_337, %add3A_339 : vector<16xf32>
        %masked_sort3A_341 = arith.constant dense<true> : vector<16xi1>
        %masked_sort3A_342, %masked_sort3A_343, %masked_sort3A_344 = tpu.sort %add3A_340, %add3A_220 masked %masked_sort3A_341 {descending = true} : (vector<16xf32>, vector<16xi32>, vector<16xi1>) -> (vector<16xi1>, vector<16xf32>, vector<16xi32>)
        %lt3A_345 = arith.cmpf olt, %masked_sort3A_343, %scan3A_205 : vector<16xf32>
        %select_n3A_346 = arith.select %lt3A_345, %masked_sort3A_343, %scan3A_205 : vector<16xi1>, vector<16xf32>
        %select_n3A_347 = arith.select %lt3A_345, %masked_sort3A_344, %scan3A_206 : vector<16xi1>, vector<16xi32>
        %masked_sort3A_348 = arith.constant dense<true> : vector<16xi1>
        %masked_sort3A_349, %masked_sort3A_350, %masked_sort3A_351 = tpu.sort %select_n3A_346, %select_n3A_347 masked %masked_sort3A_348 : (vector<16xf32>, vector<16xi32>, vector<16xi1>) -> (vector<16xi1>, vector<16xf32>, vector<16xi32>)
        %mul3A_352 = arith.mulf %get3A_123, %get3A_214 : vector<16xf32>
        %mul3A_353 = arith.mulf %get3A_125, %get3A_216 : vector<16xf32>
        %add3A_354 = arith.addf %mul3A_352, %mul3A_353 : vector<16xf32>
        %mul3A_355 = arith.constant 2.000000e+00 : f32
        %mul3A_356 = vector.broadcast %mul3A_355 : f32 to vector<16xf32>
        %mul3A_357 = arith.mulf %mul3A_356, %add3A_354 : vector<16xf32>
        %sub3A_358 = arith.subf %get3A_127, %mul3A_357 : vector<16xf32>
        %add3A_359 = arith.addf %sub3A_358, %get3A_218 : vector<16xf32>
        %add3A_360 = arith.constant 9.99999974E-6 : f32
        %add3A_361 = vector.broadcast %add3A_360 : f32 to vector<16xf32>
        %add3A_362 = arith.addf %add3A_359, %add3A_361 : vector<16xf32>
        %masked_sort3A_363 = arith.constant dense<true> : vector<16xi1>
        %masked_sort3A_364, %masked_sort3A_365, %masked_sort3A_366 = tpu.sort %add3A_362, %add3A_220 masked %masked_sort3A_363 {descending = true} : (vector<16xf32>, vector<16xi32>, vector<16xi1>) -> (vector<16xi1>, vector<16xf32>, vector<16xi32>)
        %lt3A_367 = arith.cmpf olt, %masked_sort3A_365, %scan3A_207 : vector<16xf32>
        %select_n3A_368 = arith.select %lt3A_367, %masked_sort3A_365, %scan3A_207 : vector<16xi1>, vector<16xf32>
        %select_n3A_369 = arith.select %lt3A_367, %masked_sort3A_366, %scan3A_208 : vector<16xi1>, vector<16xi32>
        %masked_sort3A_370 = arith.constant dense<true> : vector<16xi1>
        %masked_sort3A_371, %masked_sort3A_372, %masked_sort3A_373 = tpu.sort %select_n3A_368, %select_n3A_369 masked %masked_sort3A_370 : (vector<16xf32>, vector<16xi32>, vector<16xi1>) -> (vector<16xi1>, vector<16xf32>, vector<16xi32>)
        %mul3A_374 = arith.mulf %get3A_133, %get3A_214 : vector<16xf32>
        %mul3A_375 = arith.mulf %get3A_135, %get3A_216 : vector<16xf32>
        %add3A_376 = arith.addf %mul3A_374, %mul3A_375 : vector<16xf32>
        %mul3A_377 = arith.constant 2.000000e+00 : f32
        %mul3A_378 = vector.broadcast %mul3A_377 : f32 to vector<16xf32>
        %mul3A_379 = arith.mulf %mul3A_378, %add3A_376 : vector<16xf32>
        %sub3A_380 = arith.subf %get3A_137, %mul3A_379 : vector<16xf32>
        %add3A_381 = arith.addf %sub3A_380, %get3A_218 : vector<16xf32>
        %add3A_382 = arith.constant 9.99999974E-6 : f32
        %add3A_383 = vector.broadcast %add3A_382 : f32 to vector<16xf32>
        %add3A_384 = arith.addf %add3A_381, %add3A_383 : vector<16xf32>
        %masked_sort3A_385 = arith.constant dense<true> : vector<16xi1>
        %masked_sort3A_386, %masked_sort3A_387, %masked_sort3A_388 = tpu.sort %add3A_384, %add3A_220 masked %masked_sort3A_385 {descending = true} : (vector<16xf32>, vector<16xi32>, vector<16xi1>) -> (vector<16xi1>, vector<16xf32>, vector<16xi32>)
        %lt3A_389 = arith.cmpf olt, %masked_sort3A_387, %scan3A_209 : vector<16xf32>
        %select_n3A_390 = arith.select %lt3A_389, %masked_sort3A_387, %scan3A_209 : vector<16xi1>, vector<16xf32>
        %select_n3A_391 = arith.select %lt3A_389, %masked_sort3A_388, %scan3A_210 : vector<16xi1>, vector<16xi32>
        %masked_sort3A_392 = arith.constant dense<true> : vector<16xi1>
        %masked_sort3A_393, %masked_sort3A_394, %masked_sort3A_395 = tpu.sort %select_n3A_390, %select_n3A_391 masked %masked_sort3A_392 : (vector<16xf32>, vector<16xi32>, vector<16xi1>) -> (vector<16xi1>, vector<16xf32>, vector<16xi32>)
        scf.yield %masked_sort3A_240, %masked_sort3A_241, %masked_sort3A_262, %masked_sort3A_263, %masked_sort3A_284, %masked_sort3A_285, %masked_sort3A_306, %masked_sort3A_307, %masked_sort3A_328, %masked_sort3A_329, %masked_sort3A_350, %masked_sort3A_351, %masked_sort3A_372, %masked_sort3A_373, %masked_sort3A_394, %masked_sort3A_395 : vector<16xf32>, vector<16xi32>, vector<16xf32>, vector<16xi32>, vector<16xf32>, vector<16xi32>, vector<16xf32>, vector<16xi32>, vector<16xf32>, vector<16xi32>, vector<16xf32>, vector<16xi32>, vector<16xf32>, vector<16xi32>, vector<16xf32>, vector<16xi32>
      }
      %scan3A_145 = arith.constant 64 : i32
      %add3A_146 = arith.constant 0 : i32
      %add3A_147 = arith.addi %scan3A_57, %add3A_146 : i32
      %mul3A_148 = arith.constant 16 : i32
      %mul3A_149 = arith.muli %add3A_147, %mul3A_148 : i32
      %swap3A = arith.index_cast %mul3A_149 : i32 to index
      %swap3A_150 = tpu.vector_load %arg15[%swap3A] {strides = array<i32>} : memref<8192xi32, #tpu.memory_space<vmem>>, vector<16xi32>,
      tpu.vector_store %arg15[%swap3A], %scan3A_144#1 {strides = array<i32>} : memref<8192xi32, #tpu.memory_space<vmem>>, vector<16xi32>,
      %add3A_151 = arith.constant 64 : i32
      %add3A_152 = arith.addi %scan3A_57, %add3A_151 : i32
      %mul3A_153 = arith.constant 16 : i32
      %mul3A_154 = arith.muli %add3A_152, %mul3A_153 : i32
      %swap3A_155 = arith.index_cast %mul3A_154 : i32 to index
      %swap3A_156 = tpu.vector_load %arg15[%swap3A_155] {strides = array<i32>} : memref<8192xi32, #tpu.memory_space<vmem>>, vector<16xi32>,
      tpu.vector_store %arg15[%swap3A_155], %scan3A_144#3 {strides = array<i32>} : memref<8192xi32, #tpu.memory_space<vmem>>, vector<16xi32>,
      %add3A_157 = arith.constant 128 : i32
      %add3A_158 = arith.addi %scan3A_57, %add3A_157 : i32
      %mul3A_159 = arith.constant 16 : i32
      %mul3A_160 = arith.muli %add3A_158, %mul3A_159 : i32
      %swap3A_161 = arith.index_cast %mul3A_160 : i32 to index
      %swap3A_162 = tpu.vector_load %arg15[%swap3A_161] {strides = array<i32>} : memref<8192xi32, #tpu.memory_space<vmem>>, vector<16xi32>,
      tpu.vector_store %arg15[%swap3A_161], %scan3A_144#5 {strides = array<i32>} : memref<8192xi32, #tpu.memory_space<vmem>>, vector<16xi32>,
      %add3A_163 = arith.constant 192 : i32
      %add3A_164 = arith.addi %scan3A_57, %add3A_163 : i32
      %mul3A_165 = arith.constant 16 : i32
      %mul3A_166 = arith.muli %add3A_164, %mul3A_165 : i32
      %swap3A_167 = arith.index_cast %mul3A_166 : i32 to index
      %swap3A_168 = tpu.vector_load %arg15[%swap3A_167] {strides = array<i32>} : memref<8192xi32, #tpu.memory_space<vmem>>, vector<16xi32>,
      tpu.vector_store %arg15[%swap3A_167], %scan3A_144#7 {strides = array<i32>} : memref<8192xi32, #tpu.memory_space<vmem>>, vector<16xi32>,
      %add3A_169 = arith.constant 256 : i32
      %add3A_170 = arith.addi %scan3A_57, %add3A_169 : i32
      %mul3A_171 = arith.constant 16 : i32
      %mul3A_172 = arith.muli %add3A_170, %mul3A_171 : i32
      %swap3A_173 = arith.index_cast %mul3A_172 : i32 to index
      %swap3A_174 = tpu.vector_load %arg15[%swap3A_173] {strides = array<i32>} : memref<8192xi32, #tpu.memory_space<vmem>>, vector<16xi32>,
      tpu.vector_store %arg15[%swap3A_173], %scan3A_144#9 {strides = array<i32>} : memref<8192xi32, #tpu.memory_space<vmem>>, vector<16xi32>,
      %add3A_175 = arith.constant 320 : i32
      %add3A_176 = arith.addi %scan3A_57, %add3A_175 : i32
      %mul3A_177 = arith.constant 16 : i32
      %mul3A_178 = arith.muli %add3A_176, %mul3A_177 : i32
      %swap3A_179 = arith.index_cast %mul3A_178 : i32 to index
      %swap3A_180 = tpu.vector_load %arg15[%swap3A_179] {strides = array<i32>} : memref<8192xi32, #tpu.memory_space<vmem>>, vector<16xi32>,
      tpu.vector_store %arg15[%swap3A_179], %scan3A_144#11 {strides = array<i32>} : memref<8192xi32, #tpu.memory_space<vmem>>, vector<16xi32>,
      %add3A_181 = arith.constant 384 : i32
      %add3A_182 = arith.addi %scan3A_57, %add3A_181 : i32
      %mul3A_183 = arith.constant 16 : i32
      %mul3A_184 = arith.muli %add3A_182, %mul3A_183 : i32
      %swap3A_185 = arith.index_cast %mul3A_184 : i32 to index
      %swap3A_186 = tpu.vector_load %arg15[%swap3A_185] {strides = array<i32>} : memref<8192xi32, #tpu.memory_space<vmem>>, vector<16xi32>,
      tpu.vector_store %arg15[%swap3A_185], %scan3A_144#13 {strides = array<i32>} : memref<8192xi32, #tpu.memory_space<vmem>>, vector<16xi32>,
      %add3A_187 = arith.constant 448 : i32
      %add3A_188 = arith.addi %scan3A_57, %add3A_187 : i32
      %mul3A_189 = arith.constant 16 : i32
      %mul3A_190 = arith.muli %add3A_188, %mul3A_189 : i32
      %swap3A_191 = arith.index_cast %mul3A_190 : i32 to index
      %swap3A_192 = tpu.vector_load %arg15[%swap3A_191] {strides = array<i32>} : memref<8192xi32, #tpu.memory_space<vmem>>, vector<16xi32>,
      tpu.vector_store %arg15[%swap3A_191], %scan3A_144#15 {strides = array<i32>} : memref<8192xi32, #tpu.memory_space<vmem>>, vector<16xi32>,
      %scan3A_193 = arith.constant 0 : i32
      scf.yield %scan3A_193 : i32
    }
    %scan3A_54 = arith.constant 64 : i32
    %mul3A_55 = arith.constant 16 : i32
    %mul3A_56 = arith.muli %add3A_42, %mul3A_55 : i32
    "tpu.region"() ({
      %run_scoped3A = tpu.sem_alloc : memref<!tpu.dma_semaphore, #tpu.memory_space<semaphore_mem>>
      %dma_start3A = tpu.memref_slice %arg8[%mul3A_56] : memref<262144xi32, #tpu.memory_space<hbm>> -> memref<8192xi32, #tpu.memory_space<hbm>>
      %dma_start3A_57 = tpu.memref_slice %arg8[%mul3A_56] : memref<262144xi32, #tpu.memory_space<hbm>> -> memref<8192xi32, #tpu.memory_space<hbm>>
      tpu.enqueue_dma source(%arg15 : memref<8192xi32, #tpu.memory_space<vmem>>) target(%dma_start3A_57 : memref<8192xi32, #tpu.memory_space<hbm>>) target_semaphore(%run_scoped3A : memref<!tpu.dma_semaphore, #tpu.memory_space<semaphore_mem>>)
      %dma_wait3A = tpu.memref_slice %arg8[%mul3A_56] : memref<262144xi32, #tpu.memory_space<hbm>> -> memref<8192xi32, #tpu.memory_space<hbm>>
      %dma_wait3A_58 = tpu.memref_slice %arg8[%mul3A_56] : memref<262144xi32, #tpu.memory_space<hbm>> -> memref<8192xi32, #tpu.memory_space<hbm>>
      tpu.wait_dma2 semaphore(%run_scoped3A : memref<!tpu.dma_semaphore, #tpu.memory_space<semaphore_mem>>) src(%arg15 : memref<8192xi32, #tpu.memory_space<vmem>>) dst(%dma_wait3A_58 : memref<8192xi32, #tpu.memory_space<hbm>>)
      tpu.yield
    }) : () -> ()
    return
  }
}

#map = affine_map<(d0, d1) -> (0)>
module attributes {stable_mosaic.version = 14 : i64} {
  func.func @sc_topk(%arg0: i32, %arg1: i32, %arg2: memref<16384xf32, #tpu.memory_space<hbm>>, %arg3: memref<16384xf32, #tpu.memory_space<hbm>>, %arg4: memref<16384xf32, #tpu.memory_space<hbm>>, %arg5: memref<262144xf32, #tpu.memory_space<hbm>>, %arg6: memref<262144xf32, #tpu.memory_space<hbm>>, %arg7: memref<262144xf32, #tpu.memory_space<hbm>>, %arg8: memref<262144xi32, #tpu.memory_space<hbm>>, %arg9: memref<1024xf32, #tpu.memory_space<vmem>>, %arg10: memref<1024xf32, #tpu.memory_space<vmem>>, %arg11: memref<1024xf32, #tpu.memory_space<vmem>>, %arg12: memref<8192xf32, #tpu.memory_space<vmem>>, %arg13: memref<8192xf32, #tpu.memory_space<vmem>>, %arg14: memref<8192xf32, #tpu.memory_space<vmem>>, %arg15: memref<8192xi32, #tpu.memory_space<vmem>>) attributes {dimension_semantics = [#tpu.dimension_semantics<core_parallel>, #tpu.dimension_semantics<subcore_parallel>], iteration_bounds = array<i64: 2, 16>, scalar_prefetch = 0 : i64, scratch_operands = 7 : i64, tpu.core_type = #tpu.core_type<sc_vector_subcore>, window_params = [{transform_indices = #map}, {transform_indices = #map}, {transform_indices = #map}, {transform_indices = #map}, {transform_indices = #map}, {transform_indices = #map}, {transform_indices = #map}]} {
    %mul3A = arith.constant 2 : i32
    %mul3A_0 = arith.muli %arg1, %mul3A : i32
    %add3A = arith.addi %mul3A_0, %arg0 : i32
    %iota3A = tpu.iota {dimensions = array<i32: 0>} : vector<16xi32>
    %broadcast_in_dim3A = arith.constant 0x7F800000 : f32
    %broadcast_in_dim3A_1 = vector.broadcast %broadcast_in_dim3A : f32 to vector<16xf32>
    %mul3A_2 = arith.constant 1 : i32
    %mul3A_3 = arith.muli %add3A, %mul3A_2 : i32
    %add3A_4 = arith.constant 0 : i32
    %add3A_5 = arith.addi %mul3A_3, %add3A_4 : i32
    %jit3A = arith.constant 2 : i32
    %div3A = arith.divsi %add3A_5, %jit3A : i32
    %sign3A = arith.constant 0 : i32
    %sign3A_6 = arith.cmpi sgt, %add3A_5, %sign3A : i32
    %sign3A_7 = arith.extui %sign3A_6 : i1 to i32
    %sign3A_8 = arith.constant 0 : i32
    %sign3A_9 = arith.cmpi slt, %add3A_5, %sign3A_8 : i32
    %sign3A_10 = arith.extui %sign3A_9 : i1 to i32
    %sign3A_11 = arith.subi %sign3A_7, %sign3A_10 : i32
    %sign3A_12 = arith.constant 0 : i32
    %sign3A_13 = arith.cmpi sgt, %jit3A, %sign3A_12 : i32
    %sign3A_14 = arith.extui %sign3A_13 : i1 to i32
    %sign3A_15 = arith.constant 0 : i32
    %sign3A_16 = arith.cmpi slt, %jit3A, %sign3A_15 : i32
    %sign3A_17 = arith.extui %sign3A_16 : i1 to i32
    %sign3A_18 = arith.subi %sign3A_14, %sign3A_17 : i32
    %ne3A = arith.cmpi ne, %sign3A_11, %sign3A_18 : i32
    %rem3A = arith.remsi %add3A_5, %jit3A : i32
    %ne3A_19 = arith.constant 0 : i32
    %ne3A_20 = arith.cmpi ne, %rem3A, %ne3A_19 : i32
    %and3A = arith.andi %ne3A, %ne3A_20 : i1
    %sub3A = arith.constant 1 : i32
    %sub3A_21 = arith.subi %div3A, %sub3A : i32
    %select_n3A = arith.select %and3A, %sub3A_21, %div3A : i32
    %jit3A_22 = arith.constant 2 : i32
    %eq3A = arith.constant 0 : i32
    %eq3A_23 = arith.cmpi eq, %jit3A_22, %eq3A : i32
    %jit3A_24 = arith.constant 1 : i32
    %select_n3A_25 = arith.select %eq3A_23, %jit3A_24, %jit3A_22 : i32
    %rem3A_26 = arith.remsi %add3A_5, %select_n3A_25 : i32
    %ne3A_27 = arith.constant 0 : i32
    %ne3A_28 = arith.cmpi ne, %rem3A_26, %ne3A_27 : i32
    %lt3A = arith.constant 0 : i32
    %lt3A_29 = arith.cmpi slt, %rem3A_26, %lt3A : i32
    %lt3A_30 = arith.constant 0 : i32
    %lt3A_31 = arith.cmpi slt, %select_n3A_25, %lt3A_30 : i32
    %ne3A_32 = arith.xori %lt3A_29, %lt3A_31 : i1
    %and3A_33 = arith.andi %ne3A_32, %ne3A_28 : i1
    %add3A_34 = arith.addi %rem3A_26, %select_n3A_25 : i32
    %select_n3A_35 = arith.select %and3A_33, %add3A_34, %rem3A_26 : i32
    %mul3A_36 = arith.constant 1024 : i32
    %mul3A_37 = arith.muli %select_n3A, %mul3A_36 : i32
    %mul3A_38 = arith.constant 1024 : i32
    %mul3A_39 = arith.muli %select_n3A, %mul3A_38 : i32
    %mul3A_40 = arith.constant 512 : i32
    %mul3A_41 = arith.muli %select_n3A_35, %mul3A_40 : i32
    %add3A_42 = arith.addi %mul3A_39, %mul3A_41 : i32
    "tpu.region"() ({
      %run_scoped3A = tpu.sem_alloc : memref<!tpu.dma_semaphore, #tpu.memory_space<semaphore_mem>>
      %dma_start3A = tpu.memref_slice %arg2[%mul3A_37] : memref<16384xf32, #tpu.memory_space<hbm>> -> memref<1024xf32, #tpu.memory_space<hbm>>
      %dma_start3A_57 = tpu.memref_slice %arg2[%mul3A_37] : memref<16384xf32, #tpu.memory_space<hbm>> -> memref<1024xf32, #tpu.memory_space<hbm>>
      tpu.enqueue_dma source(%dma_start3A_57 : memref<1024xf32, #tpu.memory_space<hbm>>) target(%arg9 : memref<1024xf32, #tpu.memory_space<vmem>>) target_semaphore(%run_scoped3A : memref<!tpu.dma_semaphore, #tpu.memory_space<semaphore_mem>>)
      %dma_wait3A = tpu.memref_slice %arg2[%mul3A_37] : memref<16384xf32, #tpu.memory_space<hbm>> -> memref<1024xf32, #tpu.memory_space<hbm>>
      %dma_wait3A_58 = tpu.memref_slice %arg2[%mul3A_37] : memref<16384xf32, #tpu.memory_space<hbm>> -> memref<1024xf32, #tpu.memory_space<hbm>>
      tpu.wait_dma2 semaphore(%run_scoped3A : memref<!tpu.dma_semaphore, #tpu.memory_space<semaphore_mem>>) src(%dma_wait3A_58 : memref<1024xf32, #tpu.memory_space<hbm>>) dst(%arg9 : memref<1024xf32, #tpu.memory_space<vmem>>)
      tpu.yield
    }) : () -> ()
    "tpu.region"() ({
      %run_scoped3A = tpu.sem_alloc : memref<!tpu.dma_semaphore, #tpu.memory_space<semaphore_mem>>
      %dma_start3A = tpu.memref_slice %arg3[%mul3A_37] : memref<16384xf32, #tpu.memory_space<hbm>> -> memref<1024xf32, #tpu.memory_space<hbm>>
      %dma_start3A_57 = tpu.memref_slice %arg3[%mul3A_37] : memref<16384xf32, #tpu.memory_space<hbm>> -> memref<1024xf32, #tpu.memory_space<hbm>>
      tpu.enqueue_dma source(%dma_start3A_57 : memref<1024xf32, #tpu.memory_space<hbm>>) target(%arg10 : memref<1024xf32, #tpu.memory_space<vmem>>) target_semaphore(%run_scoped3A : memref<!tpu.dma_semaphore, #tpu.memory_space<semaphore_mem>>)
      %dma_wait3A = tpu.memref_slice %arg3[%mul3A_37] : memref<16384xf32, #tpu.memory_space<hbm>> -> memref<1024xf32, #tpu.memory_space<hbm>>
      %dma_wait3A_58 = tpu.memref_slice %arg3[%mul3A_37] : memref<16384xf32, #tpu.memory_space<hbm>> -> memref<1024xf32, #tpu.memory_space<hbm>>
      tpu.wait_dma2 semaphore(%run_scoped3A : memref<!tpu.dma_semaphore, #tpu.memory_space<semaphore_mem>>) src(%dma_wait3A_58 : memref<1024xf32, #tpu.memory_space<hbm>>) dst(%arg10 : memref<1024xf32, #tpu.memory_space<vmem>>)
      tpu.yield
    }) : () -> ()
    "tpu.region"() ({
      %run_scoped3A = tpu.sem_alloc : memref<!tpu.dma_semaphore, #tpu.memory_space<semaphore_mem>>
      %dma_start3A = tpu.memref_slice %arg4[%mul3A_37] : memref<16384xf32, #tpu.memory_space<hbm>> -> memref<1024xf32, #tpu.memory_space<hbm>>
      %dma_start3A_57 = tpu.memref_slice %arg4[%mul3A_37] : memref<16384xf32, #tpu.memory_space<hbm>> -> memref<1024xf32, #tpu.memory_space<hbm>>
      tpu.enqueue_dma source(%dma_start3A_57 : memref<1024xf32, #tpu.memory_space<hbm>>) target(%arg11 : memref<1024xf32, #tpu.memory_space<vmem>>) target_semaphore(%run_scoped3A : memref<!tpu.dma_semaphore, #tpu.memory_space<semaphore_mem>>)
      %dma_wait3A = tpu.memref_slice %arg4[%mul3A_37] : memref<16384xf32, #tpu.memory_space<hbm>> -> memref<1024xf32, #tpu.memory_space<hbm>>
      %dma_wait3A_58 = tpu.memref_slice %arg4[%mul3A_37] : memref<16384xf32, #tpu.memory_space<hbm>> -> memref<1024xf32, #tpu.memory_space<hbm>>
      tpu.wait_dma2 semaphore(%run_scoped3A : memref<!tpu.dma_semaphore, #tpu.memory_space<semaphore_mem>>) src(%dma_wait3A_58 : memref<1024xf32, #tpu.memory_space<hbm>>) dst(%arg11 : memref<1024xf32, #tpu.memory_space<vmem>>)
      tpu.yield
    }) : () -> ()
    %mul3A_43 = arith.constant 16 : i32
    %mul3A_44 = arith.muli %add3A_42, %mul3A_43 : i32
    "tpu.region"() ({
      %run_scoped3A = tpu.sem_alloc : memref<!tpu.dma_semaphore, #tpu.memory_space<semaphore_mem>>
      %dma_start3A = tpu.memref_slice %arg5[%mul3A_44] : memref<262144xf32, #tpu.memory_space<hbm>> -> memref<8192xf32, #tpu.memory_space<hbm>>
      %dma_start3A_57 = tpu.memref_slice %arg5[%mul3A_44] : memref<262144xf32, #tpu.memory_space<hbm>> -> memref<8192xf32, #tpu.memory_space<hbm>>
      tpu.enqueue_dma source(%dma_start3A_57 : memref<8192xf32, #tpu.memory_space<hbm>>) target(%arg12 : memref<8192xf32, #tpu.memory_space<vmem>>) target_semaphore(%run_scoped3A : memref<!tpu.dma_semaphore, #tpu.memory_space<semaphore_mem>>)
      %dma_wait3A = tpu.memref_slice %arg5[%mul3A_44] : memref<262144xf32, #tpu.memory_space<hbm>> -> memref<8192xf32, #tpu.memory_space<hbm>>
      %dma_wait3A_58 = tpu.memref_slice %arg5[%mul3A_44] : memref<262144xf32, #tpu.memory_space<hbm>> -> memref<8192xf32, #tpu.memory_space<hbm>>
      tpu.wait_dma2 semaphore(%run_scoped3A : memref<!tpu.dma_semaphore, #tpu.memory_space<semaphore_mem>>) src(%dma_wait3A_58 : memref<8192xf32, #tpu.memory_space<hbm>>) dst(%arg12 : memref<8192xf32, #tpu.memory_space<vmem>>)
      tpu.yield
    }) : () -> ()
    %mul3A_45 = arith.constant 16 : i32
    %mul3A_46 = arith.muli %add3A_42, %mul3A_45 : i32
    "tpu.region"() ({
      %run_scoped3A = tpu.sem_alloc : memref<!tpu.dma_semaphore, #tpu.memory_space<semaphore_mem>>
      %dma_start3A = tpu.memref_slice %arg6[%mul3A_46] : memref<262144xf32, #tpu.memory_space<hbm>> -> memref<8192xf32, #tpu.memory_space<hbm>>
      %dma_start3A_57 = tpu.memref_slice %arg6[%mul3A_46] : memref<262144xf32, #tpu.memory_space<hbm>> -> memref<8192xf32, #tpu.memory_space<hbm>>
      tpu.enqueue_dma source(%dma_start3A_57 : memref<8192xf32, #tpu.memory_space<hbm>>) target(%arg13 : memref<8192xf32, #tpu.memory_space<vmem>>) target_semaphore(%run_scoped3A : memref<!tpu.dma_semaphore, #tpu.memory_space<semaphore_mem>>)
      %dma_wait3A = tpu.memref_slice %arg6[%mul3A_46] : memref<262144xf32, #tpu.memory_space<hbm>> -> memref<8192xf32, #tpu.memory_space<hbm>>
      %dma_wait3A_58 = tpu.memref_slice %arg6[%mul3A_46] : memref<262144xf32, #tpu.memory_space<hbm>> -> memref<8192xf32, #tpu.memory_space<hbm>>
      tpu.wait_dma2 semaphore(%run_scoped3A : memref<!tpu.dma_semaphore, #tpu.memory_space<semaphore_mem>>) src(%dma_wait3A_58 : memref<8192xf32, #tpu.memory_space<hbm>>) dst(%arg13 : memref<8192xf32, #tpu.memory_space<vmem>>)
      tpu.yield
    }) : () -> ()
    %mul3A_47 = arith.constant 16 : i32
    %mul3A_48 = arith.muli %add3A_42, %mul3A_47 : i32
    "tpu.region"() ({
      %run_scoped3A = tpu.sem_alloc : memref<!tpu.dma_semaphore, #tpu.memory_space<semaphore_mem>>
      %dma_start3A = tpu.memref_slice %arg7[%mul3A_48] : memref<262144xf32, #tpu.memory_space<hbm>> -> memref<8192xf32, #tpu.memory_space<hbm>>
      %dma_start3A_57 = tpu.memref_slice %arg7[%mul3A_48] : memref<262144xf32, #tpu.memory_space<hbm>> -> memref<8192xf32, #tpu.memory_space<hbm>>
      tpu.enqueue_dma source(%dma_start3A_57 : memref<8192xf32, #tpu.memory_space<hbm>>) target(%arg14 : memref<8192xf32, #tpu.memory_space<vmem>>) target_semaphore(%run_scoped3A : memref<!tpu.dma_semaphore, #tpu.memory_space<semaphore_mem>>)
      %dma_wait3A = tpu.memref_slice %arg7[%mul3A_48] : memref<262144xf32, #tpu.memory_space<hbm>> -> memref<8192xf32, #tpu.memory_space<hbm>>
      %dma_wait3A_58 = tpu.memref_slice %arg7[%mul3A_48] : memref<262144xf32, #tpu.memory_space<hbm>> -> memref<8192xf32, #tpu.memory_space<hbm>>
      tpu.wait_dma2 semaphore(%run_scoped3A : memref<!tpu.dma_semaphore, #tpu.memory_space<semaphore_mem>>) src(%dma_wait3A_58 : memref<8192xf32, #tpu.memory_space<hbm>>) dst(%arg14 : memref<8192xf32, #tpu.memory_space<vmem>>)
      tpu.yield
    }) : () -> ()
    %scan3A = arith.constant 0 : i32
    %scan3A_49 = arith.constant 0 : i32
    %scan3A_50 = arith.constant 64 : i32
    %scan3A_51 = arith.addi %scan3A_49, %scan3A_50 : i32
    %scan3A_52 = arith.constant 1 : i32
    %scan3A_53 = scf.for %scan3A_57 = %scan3A_49 to %scan3A_51 step %scan3A_52 iter_args(%scan3A_58 = %scan3A) -> (i32)  : i32 {
      %add3A_59 = arith.constant 0 : i32
      %add3A_60 = arith.addi %scan3A_57, %add3A_59 : i32
      %mul3A_61 = arith.constant 16 : i32
      %mul3A_62 = arith.muli %add3A_60, %mul3A_61 : i32
      %get3A = arith.index_cast %mul3A_62 : i32 to index
      %get3A_63 = tpu.vector_load %arg12[%get3A] {strides = array<i32>} : memref<8192xf32, #tpu.memory_space<vmem>>, vector<16xf32>,
      %get3A_64 = arith.index_cast %mul3A_62 : i32 to index
      %get3A_65 = tpu.vector_load %arg13[%get3A_64] {strides = array<i32>} : memref<8192xf32, #tpu.memory_space<vmem>>, vector<16xf32>,
      %get3A_66 = arith.index_cast %mul3A_62 : i32 to index
      %get3A_67 = tpu.vector_load %arg14[%get3A_66] {strides = array<i32>} : memref<8192xf32, #tpu.memory_space<vmem>>, vector<16xf32>,
      %add3A_68 = arith.constant 64 : i32
      %add3A_69 = arith.addi %scan3A_57, %add3A_68 : i32
      %mul3A_70 = arith.constant 16 : i32
      %mul3A_71 = arith.muli %add3A_69, %mul3A_70 : i32
      %get3A_72 = arith.index_cast %mul3A_71 : i32 to index
      %get3A_73 = tpu.vector_load %arg12[%get3A_72] {strides = array<i32>} : memref<8192xf32, #tpu.memory_space<vmem>>, vector<16xf32>,
      %get3A_74 = arith.index_cast %mul3A_71 : i32 to index
      %get3A_75 = tpu.vector_load %arg13[%get3A_74] {strides = array<i32>} : memref<8192xf32, #tpu.memory_space<vmem>>, vector<16xf32>,
      %get3A_76 = arith.index_cast %mul3A_71 : i32 to index
      %get3A_77 = tpu.vector_load %arg14[%get3A_76] {strides = array<i32>} : memref<8192xf32, #tpu.memory_space<vmem>>, vector<16xf32>,
      %add3A_78 = arith.constant 128 : i32
      %add3A_79 = arith.addi %scan3A_57, %add3A_78 : i32
      %mul3A_80 = arith.constant 16 : i32
      %mul3A_81 = arith.muli %add3A_79, %mul3A_80 : i32
      %get3A_82 = arith.index_cast %mul3A_81 : i32 to index
      %get3A_83 = tpu.vector_load %arg12[%get3A_82] {strides = array<i32>} : memref<8192xf32, #tpu.memory_space<vmem>>, vector<16xf32>,
      %get3A_84 = arith.index_cast %mul3A_81 : i32 to index
      %get3A_85 = tpu.vector_load %arg13[%get3A_84] {strides = array<i32>} : memref<8192xf32, #tpu.memory_space<vmem>>, vector<16xf32>,
      %get3A_86 = arith.index_cast %mul3A_81 : i32 to index
      %get3A_87 = tpu.vector_load %arg14[%get3A_86] {strides = array<i32>} : memref<8192xf32, #tpu.memory_space<vmem>>, vector<16xf32>,
      %add3A_88 = arith.constant 192 : i32
      %add3A_89 = arith.addi %scan3A_57, %add3A_88 : i32
      %mul3A_90 = arith.constant 16 : i32
      %mul3A_91 = arith.muli %add3A_89, %mul3A_90 : i32
      %get3A_92 = arith.index_cast %mul3A_91 : i32 to index
      %get3A_93 = tpu.vector_load %arg12[%get3A_92] {strides = array<i32>} : memref<8192xf32, #tpu.memory_space<vmem>>, vector<16xf32>,
      %get3A_94 = arith.index_cast %mul3A_91 : i32 to index
      %get3A_95 = tpu.vector_load %arg13[%get3A_94] {strides = array<i32>} : memref<8192xf32, #tpu.memory_space<vmem>>, vector<16xf32>,
      %get3A_96 = arith.index_cast %mul3A_91 : i32 to index
      %get3A_97 = tpu.vector_load %arg14[%get3A_96] {strides = array<i32>} : memref<8192xf32, #tpu.memory_space<vmem>>, vector<16xf32>,
      %add3A_98 = arith.constant 256 : i32
      %add3A_99 = arith.addi %scan3A_57, %add3A_98 : i32
      %mul3A_100 = arith.constant 16 : i32
      %mul3A_101 = arith.muli %add3A_99, %mul3A_100 : i32
      %get3A_102 = arith.index_cast %mul3A_101 : i32 to index
      %get3A_103 = tpu.vector_load %arg12[%get3A_102] {strides = array<i32>} : memref<8192xf32, #tpu.memory_space<vmem>>, vector<16xf32>,
      %get3A_104 = arith.index_cast %mul3A_101 : i32 to index
      %get3A_105 = tpu.vector_load %arg13[%get3A_104] {strides = array<i32>} : memref<8192xf32, #tpu.memory_space<vmem>>, vector<16xf32>,
      %get3A_106 = arith.index_cast %mul3A_101 : i32 to index
      %get3A_107 = tpu.vector_load %arg14[%get3A_106] {strides = array<i32>} : memref<8192xf32, #tpu.memory_space<vmem>>, vector<16xf32>,
      %add3A_108 = arith.constant 320 : i32
      %add3A_109 = arith.addi %scan3A_57, %add3A_108 : i32
      %mul3A_110 = arith.constant 16 : i32
      %mul3A_111 = arith.muli %add3A_109, %mul3A_110 : i32
      %get3A_112 = arith.index_cast %mul3A_111 : i32 to index
      %get3A_113 = tpu.vector_load %arg12[%get3A_112] {strides = array<i32>} : memref<8192xf32, #tpu.memory_space<vmem>>, vector<16xf32>,
      %get3A_114 = arith.index_cast %mul3A_111 : i32 to index
      %get3A_115 = tpu.vector_load %arg13[%get3A_114] {strides = array<i32>} : memref<8192xf32, #tpu.memory_space<vmem>>, vector<16xf32>,
      %get3A_116 = arith.index_cast %mul3A_111 : i32 to index
      %get3A_117 = tpu.vector_load %arg14[%get3A_116] {strides = array<i32>} : memref<8192xf32, #tpu.memory_space<vmem>>, vector<16xf32>,
      %add3A_118 = arith.constant 384 : i32
      %add3A_119 = arith.addi %scan3A_57, %add3A_118 : i32
      %mul3A_120 = arith.constant 16 : i32
      %mul3A_121 = arith.muli %add3A_119, %mul3A_120 : i32
      %get3A_122 = arith.index_cast %mul3A_121 : i32 to index
      %get3A_123 = tpu.vector_load %arg12[%get3A_122] {strides = array<i32>} : memref<8192xf32, #tpu.memory_space<vmem>>, vector<16xf32>,
      %get3A_124 = arith.index_cast %mul3A_121 : i32 to index
      %get3A_125 = tpu.vector_load %arg13[%get3A_124] {strides = array<i32>} : memref<8192xf32, #tpu.memory_space<vmem>>, vector<16xf32>,
      %get3A_126 = arith.index_cast %mul3A_121 : i32 to index
      %get3A_127 = tpu.vector_load %arg14[%get3A_126] {strides = array<i32>} : memref<8192xf32, #tpu.memory_space<vmem>>, vector<16xf32>,
      %add3A_128 = arith.constant 448 : i32
      %add3A_129 = arith.addi %scan3A_57, %add3A_128 : i32
      %mul3A_130 = arith.constant 16 : i32
      %mul3A_131 = arith.muli %add3A_129, %mul3A_130 : i32
      %get3A_132 = arith.index_cast %mul3A_131 : i32 to index
      %get3A_133 = tpu.vector_load %arg12[%get3A_132] {strides = array<i32>} : memref<8192xf32, #tpu.memory_space<vmem>>, vector<16xf32>,
      %get3A_134 = arith.index_cast %mul3A_131 : i32 to index
      %get3A_135 = tpu.vector_load %arg13[%get3A_134] {strides = array<i32>} : memref<8192xf32, #tpu.memory_space<vmem>>, vector<16xf32>,
      %get3A_136 = arith.index_cast %mul3A_131 : i32 to index
      %get3A_137 = tpu.vector_load %arg14[%get3A_136] {strides = array<i32>} : memref<8192xf32, #tpu.memory_space<vmem>>, vector<16xf32>,
      %broadcast_in_dim3A_138 = arith.constant 0 : i32
      %broadcast_in_dim3A_139 = vector.broadcast %broadcast_in_dim3A_138 : i32 to vector<16xi32>
      %scan3A_140 = arith.constant 0 : i32
      %scan3A_141 = arith.constant 64 : i32
      %scan3A_142 = arith.addi %scan3A_140, %scan3A_141 : i32
      %scan3A_143 = arith.constant 1 : i32
      %scan3A_144:16 = scf.for %scan3A_194 = %scan3A_140 to %scan3A_142 step %scan3A_143 iter_args(%scan3A_195 = %broadcast_in_dim3A_1, %scan3A_196 = %broadcast_in_dim3A_139, %scan3A_197 = %broadcast_in_dim3A_1, %scan3A_198 = %broadcast_in_dim3A_139, %scan3A_199 = %broadcast_in_dim3A_1, %scan3A_200 = %broadcast_in_dim3A_139, %scan3A_201 = %broadcast_in_dim3A_1, %scan3A_202 = %broadcast_in_dim3A_139, %scan3A_203 = %broadcast_in_dim3A_1, %scan3A_204 = %broadcast_in_dim3A_139, %scan3A_205 = %broadcast_in_dim3A_1, %scan3A_206 = %broadcast_in_dim3A_139, %scan3A_207 = %broadcast_in_dim3A_1, %scan3A_208 = %broadcast_in_dim3A_139, %scan3A_209 = %broadcast_in_dim3A_1, %scan3A_210 = %broadcast_in_dim3A_139) -> (vector<16xf32>, vector<16xi32>, vector<16xf32>, vector<16xi32>, vector<16xf32>, vector<16xi32>, vector<16xf32>, vector<16xi32>, vector<16xf32>, vector<16xi32>, vector<16xf32>, vector<16xi32>, vector<16xf32>, vector<16xi32>, vector<16xf32>, vector<16xi32>)  : i32 {
        %mul3A_211 = arith.constant 16 : i32
        %mul3A_212 = arith.muli %scan3A_194, %mul3A_211 : i32
        %get3A_213 = arith.index_cast %mul3A_212 : i32 to index
        %get3A_214 = tpu.vector_load %arg9[%get3A_213] {strides = array<i32>} : memref<1024xf32, #tpu.memory_space<vmem>>, vector<16xf32>,
        %get3A_215 = arith.index_cast %mul3A_212 : i32 to index
        %get3A_216 = tpu.vector_load %arg10[%get3A_215] {strides = array<i32>} : memref<1024xf32, #tpu.memory_space<vmem>>, vector<16xf32>,
        %get3A_217 = arith.index_cast %mul3A_212 : i32 to index
        %get3A_218 = tpu.vector_load %arg11[%get3A_217] {strides = array<i32>} : memref<1024xf32, #tpu.memory_space<vmem>>, vector<16xf32>,
        %add3A_219 = vector.broadcast %mul3A_212 : i32 to vector<16xi32>
        %add3A_220 = arith.addi %iota3A, %add3A_219 : vector<16xi32>
        %mul3A_221 = arith.mulf %get3A_63, %get3A_214 : vector<16xf32>
        %mul3A_222 = arith.mulf %get3A_65, %get3A_216 : vector<16xf32>
        %add3A_223 = arith.addf %mul3A_221, %mul3A_222 : vector<16xf32>
        %mul3A_224 = arith.constant 2.000000e+00 : f32
        %mul3A_225 = vector.broadcast %mul3A_224 : f32 to vector<16xf32>
        %mul3A_226 = arith.mulf %mul3A_225, %add3A_223 : vector<16xf32>
        %sub3A_227 = arith.subf %get3A_67, %mul3A_226 : vector<16xf32>
        %add3A_228 = arith.addf %sub3A_227, %get3A_218 : vector<16xf32>
        %add3A_229 = arith.constant 9.99999974E-6 : f32
        %add3A_230 = vector.broadcast %add3A_229 : f32 to vector<16xf32>
        %add3A_231 = arith.addf %add3A_228, %add3A_230 : vector<16xf32>
        %masked_sort3A = arith.constant dense<true> : vector<16xi1>
        %masked_sort3A_232, %masked_sort3A_233, %masked_sort3A_234 = tpu.sort %add3A_231, %add3A_220 masked %masked_sort3A {descending = true} : (vector<16xf32>, vector<16xi32>, vector<16xi1>) -> (vector<16xi1>, vector<16xf32>, vector<16xi32>)
        %lt3A_235 = arith.cmpf olt, %masked_sort3A_233, %scan3A_195 : vector<16xf32>
        %select_n3A_236 = arith.select %lt3A_235, %masked_sort3A_233, %scan3A_195 : vector<16xi1>, vector<16xf32>
        %select_n3A_237 = arith.select %lt3A_235, %masked_sort3A_234, %scan3A_196 : vector<16xi1>, vector<16xi32>
        %masked_sort3A_238 = arith.constant dense<true> : vector<16xi1>
        %masked_sort3A_239, %masked_sort3A_240, %masked_sort3A_241 = tpu.sort %select_n3A_236, %select_n3A_237 masked %masked_sort3A_238 : (vector<16xf32>, vector<16xi32>, vector<16xi1>) -> (vector<16xi1>, vector<16xf32>, vector<16xi32>)
        %mul3A_242 = arith.mulf %get3A_73, %get3A_214 : vector<16xf32>
        %mul3A_243 = arith.mulf %get3A_75, %get3A_216 : vector<16xf32>
        %add3A_244 = arith.addf %mul3A_242, %mul3A_243 : vector<16xf32>
        %mul3A_245 = arith.constant 2.000000e+00 : f32
        %mul3A_246 = vector.broadcast %mul3A_245 : f32 to vector<16xf32>
        %mul3A_247 = arith.mulf %mul3A_246, %add3A_244 : vector<16xf32>
        %sub3A_248 = arith.subf %get3A_77, %mul3A_247 : vector<16xf32>
        %add3A_249 = arith.addf %sub3A_248, %get3A_218 : vector<16xf32>
        %add3A_250 = arith.constant 9.99999974E-6 : f32
        %add3A_251 = vector.broadcast %add3A_250 : f32 to vector<16xf32>
        %add3A_252 = arith.addf %add3A_249, %add3A_251 : vector<16xf32>
        %masked_sort3A_253 = arith.constant dense<true> : vector<16xi1>
        %masked_sort3A_254, %masked_sort3A_255, %masked_sort3A_256 = tpu.sort %add3A_252, %add3A_220 masked %masked_sort3A_253 {descending = true} : (vector<16xf32>, vector<16xi32>, vector<16xi1>) -> (vector<16xi1>, vector<16xf32>, vector<16xi32>)
        %lt3A_257 = arith.cmpf olt, %masked_sort3A_255, %scan3A_197 : vector<16xf32>
        %select_n3A_258 = arith.select %lt3A_257, %masked_sort3A_255, %scan3A_197 : vector<16xi1>, vector<16xf32>
        %select_n3A_259 = arith.select %lt3A_257, %masked_sort3A_256, %scan3A_198 : vector<16xi1>, vector<16xi32>
        %masked_sort3A_260 = arith.constant dense<true> : vector<16xi1>
        %masked_sort3A_261, %masked_sort3A_262, %masked_sort3A_263 = tpu.sort %select_n3A_258, %select_n3A_259 masked %masked_sort3A_260 : (vector<16xf32>, vector<16xi32>, vector<16xi1>) -> (vector<16xi1>, vector<16xf32>, vector<16xi32>)
        %mul3A_264 = arith.mulf %get3A_83, %get3A_214 : vector<16xf32>
        %mul3A_265 = arith.mulf %get3A_85, %get3A_216 : vector<16xf32>
        %add3A_266 = arith.addf %mul3A_264, %mul3A_265 : vector<16xf32>
        %mul3A_267 = arith.constant 2.000000e+00 : f32
        %mul3A_268 = vector.broadcast %mul3A_267 : f32 to vector<16xf32>
        %mul3A_269 = arith.mulf %mul3A_268, %add3A_266 : vector<16xf32>
        %sub3A_270 = arith.subf %get3A_87, %mul3A_269 : vector<16xf32>
        %add3A_271 = arith.addf %sub3A_270, %get3A_218 : vector<16xf32>
        %add3A_272 = arith.constant 9.99999974E-6 : f32
        %add3A_273 = vector.broadcast %add3A_272 : f32 to vector<16xf32>
        %add3A_274 = arith.addf %add3A_271, %add3A_273 : vector<16xf32>
        %masked_sort3A_275 = arith.constant dense<true> : vector<16xi1>
        %masked_sort3A_276, %masked_sort3A_277, %masked_sort3A_278 = tpu.sort %add3A_274, %add3A_220 masked %masked_sort3A_275 {descending = true} : (vector<16xf32>, vector<16xi32>, vector<16xi1>) -> (vector<16xi1>, vector<16xf32>, vector<16xi32>)
        %lt3A_279 = arith.cmpf olt, %masked_sort3A_277, %scan3A_199 : vector<16xf32>
        %select_n3A_280 = arith.select %lt3A_279, %masked_sort3A_277, %scan3A_199 : vector<16xi1>, vector<16xf32>
        %select_n3A_281 = arith.select %lt3A_279, %masked_sort3A_278, %scan3A_200 : vector<16xi1>, vector<16xi32>
        %masked_sort3A_282 = arith.constant dense<true> : vector<16xi1>
        %masked_sort3A_283, %masked_sort3A_284, %masked_sort3A_285 = tpu.sort %select_n3A_280, %select_n3A_281 masked %masked_sort3A_282 : (vector<16xf32>, vector<16xi32>, vector<16xi1>) -> (vector<16xi1>, vector<16xf32>, vector<16xi32>)
        %mul3A_286 = arith.mulf %get3A_93, %get3A_214 : vector<16xf32>
        %mul3A_287 = arith.mulf %get3A_95, %get3A_216 : vector<16xf32>
        %add3A_288 = arith.addf %mul3A_286, %mul3A_287 : vector<16xf32>
        %mul3A_289 = arith.constant 2.000000e+00 : f32
        %mul3A_290 = vector.broadcast %mul3A_289 : f32 to vector<16xf32>
        %mul3A_291 = arith.mulf %mul3A_290, %add3A_288 : vector<16xf32>
        %sub3A_292 = arith.subf %get3A_97, %mul3A_291 : vector<16xf32>
        %add3A_293 = arith.addf %sub3A_292, %get3A_218 : vector<16xf32>
        %add3A_294 = arith.constant 9.99999974E-6 : f32
        %add3A_295 = vector.broadcast %add3A_294 : f32 to vector<16xf32>
        %add3A_296 = arith.addf %add3A_293, %add3A_295 : vector<16xf32>
        %masked_sort3A_297 = arith.constant dense<true> : vector<16xi1>
        %masked_sort3A_298, %masked_sort3A_299, %masked_sort3A_300 = tpu.sort %add3A_296, %add3A_220 masked %masked_sort3A_297 {descending = true} : (vector<16xf32>, vector<16xi32>, vector<16xi1>) -> (vector<16xi1>, vector<16xf32>, vector<16xi32>)
        %lt3A_301 = arith.cmpf olt, %masked_sort3A_299, %scan3A_201 : vector<16xf32>
        %select_n3A_302 = arith.select %lt3A_301, %masked_sort3A_299, %scan3A_201 : vector<16xi1>, vector<16xf32>
        %select_n3A_303 = arith.select %lt3A_301, %masked_sort3A_300, %scan3A_202 : vector<16xi1>, vector<16xi32>
        %masked_sort3A_304 = arith.constant dense<true> : vector<16xi1>
        %masked_sort3A_305, %masked_sort3A_306, %masked_sort3A_307 = tpu.sort %select_n3A_302, %select_n3A_303 masked %masked_sort3A_304 : (vector<16xf32>, vector<16xi32>, vector<16xi1>) -> (vector<16xi1>, vector<16xf32>, vector<16xi32>)
        %mul3A_308 = arith.mulf %get3A_103, %get3A_214 : vector<16xf32>
        %mul3A_309 = arith.mulf %get3A_105, %get3A_216 : vector<16xf32>
        %add3A_310 = arith.addf %mul3A_308, %mul3A_309 : vector<16xf32>
        %mul3A_311 = arith.constant 2.000000e+00 : f32
        %mul3A_312 = vector.broadcast %mul3A_311 : f32 to vector<16xf32>
        %mul3A_313 = arith.mulf %mul3A_312, %add3A_310 : vector<16xf32>
        %sub3A_314 = arith.subf %get3A_107, %mul3A_313 : vector<16xf32>
        %add3A_315 = arith.addf %sub3A_314, %get3A_218 : vector<16xf32>
        %add3A_316 = arith.constant 9.99999974E-6 : f32
        %add3A_317 = vector.broadcast %add3A_316 : f32 to vector<16xf32>
        %add3A_318 = arith.addf %add3A_315, %add3A_317 : vector<16xf32>
        %masked_sort3A_319 = arith.constant dense<true> : vector<16xi1>
        %masked_sort3A_320, %masked_sort3A_321, %masked_sort3A_322 = tpu.sort %add3A_318, %add3A_220 masked %masked_sort3A_319 {descending = true} : (vector<16xf32>, vector<16xi32>, vector<16xi1>) -> (vector<16xi1>, vector<16xf32>, vector<16xi32>)
        %lt3A_323 = arith.cmpf olt, %masked_sort3A_321, %scan3A_203 : vector<16xf32>
        %select_n3A_324 = arith.select %lt3A_323, %masked_sort3A_321, %scan3A_203 : vector<16xi1>, vector<16xf32>
        %select_n3A_325 = arith.select %lt3A_323, %masked_sort3A_322, %scan3A_204 : vector<16xi1>, vector<16xi32>
        %masked_sort3A_326 = arith.constant dense<true> : vector<16xi1>
        %masked_sort3A_327, %masked_sort3A_328, %masked_sort3A_329 = tpu.sort %select_n3A_324, %select_n3A_325 masked %masked_sort3A_326 : (vector<16xf32>, vector<16xi32>, vector<16xi1>) -> (vector<16xi1>, vector<16xf32>, vector<16xi32>)
        %mul3A_330 = arith.mulf %get3A_113, %get3A_214 : vector<16xf32>
        %mul3A_331 = arith.mulf %get3A_115, %get3A_216 : vector<16xf32>
        %add3A_332 = arith.addf %mul3A_330, %mul3A_331 : vector<16xf32>
        %mul3A_333 = arith.constant 2.000000e+00 : f32
        %mul3A_334 = vector.broadcast %mul3A_333 : f32 to vector<16xf32>
        %mul3A_335 = arith.mulf %mul3A_334, %add3A_332 : vector<16xf32>
        %sub3A_336 = arith.subf %get3A_117, %mul3A_335 : vector<16xf32>
        %add3A_337 = arith.addf %sub3A_336, %get3A_218 : vector<16xf32>
        %add3A_338 = arith.constant 9.99999974E-6 : f32
        %add3A_339 = vector.broadcast %add3A_338 : f32 to vector<16xf32>
        %add3A_340 = arith.addf %add3A_337, %add3A_339 : vector<16xf32>
        %masked_sort3A_341 = arith.constant dense<true> : vector<16xi1>
        %masked_sort3A_342, %masked_sort3A_343, %masked_sort3A_344 = tpu.sort %add3A_340, %add3A_220 masked %masked_sort3A_341 {descending = true} : (vector<16xf32>, vector<16xi32>, vector<16xi1>) -> (vector<16xi1>, vector<16xf32>, vector<16xi32>)
        %lt3A_345 = arith.cmpf olt, %masked_sort3A_343, %scan3A_205 : vector<16xf32>
        %select_n3A_346 = arith.select %lt3A_345, %masked_sort3A_343, %scan3A_205 : vector<16xi1>, vector<16xf32>
        %select_n3A_347 = arith.select %lt3A_345, %masked_sort3A_344, %scan3A_206 : vector<16xi1>, vector<16xi32>
        %masked_sort3A_348 = arith.constant dense<true> : vector<16xi1>
        %masked_sort3A_349, %masked_sort3A_350, %masked_sort3A_351 = tpu.sort %select_n3A_346, %select_n3A_347 masked %masked_sort3A_348 : (vector<16xf32>, vector<16xi32>, vector<16xi1>) -> (vector<16xi1>, vector<16xf32>, vector<16xi32>)
        %mul3A_352 = arith.mulf %get3A_123, %get3A_214 : vector<16xf32>
        %mul3A_353 = arith.mulf %get3A_125, %get3A_216 : vector<16xf32>
        %add3A_354 = arith.addf %mul3A_352, %mul3A_353 : vector<16xf32>
        %mul3A_355 = arith.constant 2.000000e+00 : f32
        %mul3A_356 = vector.broadcast %mul3A_355 : f32 to vector<16xf32>
        %mul3A_357 = arith.mulf %mul3A_356, %add3A_354 : vector<16xf32>
        %sub3A_358 = arith.subf %get3A_127, %mul3A_357 : vector<16xf32>
        %add3A_359 = arith.addf %sub3A_358, %get3A_218 : vector<16xf32>
        %add3A_360 = arith.constant 9.99999974E-6 : f32
        %add3A_361 = vector.broadcast %add3A_360 : f32 to vector<16xf32>
        %add3A_362 = arith.addf %add3A_359, %add3A_361 : vector<16xf32>
        %masked_sort3A_363 = arith.constant dense<true> : vector<16xi1>
        %masked_sort3A_364, %masked_sort3A_365, %masked_sort3A_366 = tpu.sort %add3A_362, %add3A_220 masked %masked_sort3A_363 {descending = true} : (vector<16xf32>, vector<16xi32>, vector<16xi1>) -> (vector<16xi1>, vector<16xf32>, vector<16xi32>)
        %lt3A_367 = arith.cmpf olt, %masked_sort3A_365, %scan3A_207 : vector<16xf32>
        %select_n3A_368 = arith.select %lt3A_367, %masked_sort3A_365, %scan3A_207 : vector<16xi1>, vector<16xf32>
        %select_n3A_369 = arith.select %lt3A_367, %masked_sort3A_366, %scan3A_208 : vector<16xi1>, vector<16xi32>
        %masked_sort3A_370 = arith.constant dense<true> : vector<16xi1>
        %masked_sort3A_371, %masked_sort3A_372, %masked_sort3A_373 = tpu.sort %select_n3A_368, %select_n3A_369 masked %masked_sort3A_370 : (vector<16xf32>, vector<16xi32>, vector<16xi1>) -> (vector<16xi1>, vector<16xf32>, vector<16xi32>)
        %mul3A_374 = arith.mulf %get3A_133, %get3A_214 : vector<16xf32>
        %mul3A_375 = arith.mulf %get3A_135, %get3A_216 : vector<16xf32>
        %add3A_376 = arith.addf %mul3A_374, %mul3A_375 : vector<16xf32>
        %mul3A_377 = arith.constant 2.000000e+00 : f32
        %mul3A_378 = vector.broadcast %mul3A_377 : f32 to vector<16xf32>
        %mul3A_379 = arith.mulf %mul3A_378, %add3A_376 : vector<16xf32>
        %sub3A_380 = arith.subf %get3A_137, %mul3A_379 : vector<16xf32>
        %add3A_381 = arith.addf %sub3A_380, %get3A_218 : vector<16xf32>
        %add3A_382 = arith.constant 9.99999974E-6 : f32
        %add3A_383 = vector.broadcast %add3A_382 : f32 to vector<16xf32>
        %add3A_384 = arith.addf %add3A_381, %add3A_383 : vector<16xf32>
        %masked_sort3A_385 = arith.constant dense<true> : vector<16xi1>
        %masked_sort3A_386, %masked_sort3A_387, %masked_sort3A_388 = tpu.sort %add3A_384, %add3A_220 masked %masked_sort3A_385 {descending = true} : (vector<16xf32>, vector<16xi32>, vector<16xi1>) -> (vector<16xi1>, vector<16xf32>, vector<16xi32>)
        %lt3A_389 = arith.cmpf olt, %masked_sort3A_387, %scan3A_209 : vector<16xf32>
        %select_n3A_390 = arith.select %lt3A_389, %masked_sort3A_387, %scan3A_209 : vector<16xi1>, vector<16xf32>
        %select_n3A_391 = arith.select %lt3A_389, %masked_sort3A_388, %scan3A_210 : vector<16xi1>, vector<16xi32>
        %masked_sort3A_392 = arith.constant dense<true> : vector<16xi1>
        %masked_sort3A_393, %masked_sort3A_394, %masked_sort3A_395 = tpu.sort %select_n3A_390, %select_n3A_391 masked %masked_sort3A_392 : (vector<16xf32>, vector<16xi32>, vector<16xi1>) -> (vector<16xi1>, vector<16xf32>, vector<16xi32>)
        scf.yield %masked_sort3A_240, %masked_sort3A_241, %masked_sort3A_262, %masked_sort3A_263, %masked_sort3A_284, %masked_sort3A_285, %masked_sort3A_306, %masked_sort3A_307, %masked_sort3A_328, %masked_sort3A_329, %masked_sort3A_350, %masked_sort3A_351, %masked_sort3A_372, %masked_sort3A_373, %masked_sort3A_394, %masked_sort3A_395 : vector<16xf32>, vector<16xi32>, vector<16xf32>, vector<16xi32>, vector<16xf32>, vector<16xi32>, vector<16xf32>, vector<16xi32>, vector<16xf32>, vector<16xi32>, vector<16xf32>, vector<16xi32>, vector<16xf32>, vector<16xi32>, vector<16xf32>, vector<16xi32>
      }
      %scan3A_145 = arith.constant 64 : i32
      %add3A_146 = arith.constant 0 : i32
      %add3A_147 = arith.addi %scan3A_57, %add3A_146 : i32
      %mul3A_148 = arith.constant 16 : i32
      %mul3A_149 = arith.muli %add3A_147, %mul3A_148 : i32
      %swap3A = arith.index_cast %mul3A_149 : i32 to index
      %swap3A_150 = tpu.vector_load %arg15[%swap3A] {strides = array<i32>} : memref<8192xi32, #tpu.memory_space<vmem>>, vector<16xi32>,
      tpu.vector_store %arg15[%swap3A], %scan3A_144#1 {strides = array<i32>} : memref<8192xi32, #tpu.memory_space<vmem>>, vector<16xi32>,
      %add3A_151 = arith.constant 64 : i32
      %add3A_152 = arith.addi %scan3A_57, %add3A_151 : i32
      %mul3A_153 = arith.constant 16 : i32
      %mul3A_154 = arith.muli %add3A_152, %mul3A_153 : i32
      %swap3A_155 = arith.index_cast %mul3A_154 : i32 to index
      %swap3A_156 = tpu.vector_load %arg15[%swap3A_155] {strides = array<i32>} : memref<8192xi32, #tpu.memory_space<vmem>>, vector<16xi32>,
      tpu.vector_store %arg15[%swap3A_155], %scan3A_144#3 {strides = array<i32>} : memref<8192xi32, #tpu.memory_space<vmem>>, vector<16xi32>,
      %add3A_157 = arith.constant 128 : i32
      %add3A_158 = arith.addi %scan3A_57, %add3A_157 : i32
      %mul3A_159 = arith.constant 16 : i32
      %mul3A_160 = arith.muli %add3A_158, %mul3A_159 : i32
      %swap3A_161 = arith.index_cast %mul3A_160 : i32 to index
      %swap3A_162 = tpu.vector_load %arg15[%swap3A_161] {strides = array<i32>} : memref<8192xi32, #tpu.memory_space<vmem>>, vector<16xi32>,
      tpu.vector_store %arg15[%swap3A_161], %scan3A_144#5 {strides = array<i32>} : memref<8192xi32, #tpu.memory_space<vmem>>, vector<16xi32>,
      %add3A_163 = arith.constant 192 : i32
      %add3A_164 = arith.addi %scan3A_57, %add3A_163 : i32
      %mul3A_165 = arith.constant 16 : i32
      %mul3A_166 = arith.muli %add3A_164, %mul3A_165 : i32
      %swap3A_167 = arith.index_cast %mul3A_166 : i32 to index
      %swap3A_168 = tpu.vector_load %arg15[%swap3A_167] {strides = array<i32>} : memref<8192xi32, #tpu.memory_space<vmem>>, vector<16xi32>,
      tpu.vector_store %arg15[%swap3A_167], %scan3A_144#7 {strides = array<i32>} : memref<8192xi32, #tpu.memory_space<vmem>>, vector<16xi32>,
      %add3A_169 = arith.constant 256 : i32
      %add3A_170 = arith.addi %scan3A_57, %add3A_169 : i32
      %mul3A_171 = arith.constant 16 : i32
      %mul3A_172 = arith.muli %add3A_170, %mul3A_171 : i32
      %swap3A_173 = arith.index_cast %mul3A_172 : i32 to index
      %swap3A_174 = tpu.vector_load %arg15[%swap3A_173] {strides = array<i32>} : memref<8192xi32, #tpu.memory_space<vmem>>, vector<16xi32>,
      tpu.vector_store %arg15[%swap3A_173], %scan3A_144#9 {strides = array<i32>} : memref<8192xi32, #tpu.memory_space<vmem>>, vector<16xi32>,
      %add3A_175 = arith.constant 320 : i32
      %add3A_176 = arith.addi %scan3A_57, %add3A_175 : i32
      %mul3A_177 = arith.constant 16 : i32
      %mul3A_178 = arith.muli %add3A_176, %mul3A_177 : i32
      %swap3A_179 = arith.index_cast %mul3A_178 : i32 to index
      %swap3A_180 = tpu.vector_load %arg15[%swap3A_179] {strides = array<i32>} : memref<8192xi32, #tpu.memory_space<vmem>>, vector<16xi32>,
      tpu.vector_store %arg15[%swap3A_179], %scan3A_144#11 {strides = array<i32>} : memref<8192xi32, #tpu.memory_space<vmem>>, vector<16xi32>,
      %add3A_181 = arith.constant 384 : i32
      %add3A_182 = arith.addi %scan3A_57, %add3A_181 : i32
      %mul3A_183 = arith.constant 16 : i32
      %mul3A_184 = arith.muli %add3A_182, %mul3A_183 : i32
      %swap3A_185 = arith.index_cast %mul3A_184 : i32 to index
      %swap3A_186 = tpu.vector_load %arg15[%swap3A_185] {strides = array<i32>} : memref<8192xi32, #tpu.memory_space<vmem>>, vector<16xi32>,
      tpu.vector_store %arg15[%swap3A_185], %scan3A_144#13 {strides = array<i32>} : memref<8192xi32, #tpu.memory_space<vmem>>, vector<16xi32>,
      %add3A_187 = arith.constant 448 : i32
      %add3A_188 = arith.addi %scan3A_57, %add3A_187 : i32
      %mul3A_189 = arith.constant 16 : i32
      %mul3A_190 = arith.muli %add3A_188, %mul3A_189 : i32
      %swap3A_191 = arith.index_cast %mul3A_190 : i32 to index
      %swap3A_192 = tpu.vector_load %arg15[%swap3A_191] {strides = array<i32>} : memref<8192xi32, #tpu.memory_space<vmem>>, vector<16xi32>,
      tpu.vector_store %arg15[%swap3A_191], %scan3A_144#15 {strides = array<i32>} : memref<8192xi32, #tpu.memory_space<vmem>>, vector<16xi32>,
      %scan3A_193 = arith.constant 0 : i32
      scf.yield %scan3A_193 : i32
    }
    %scan3A_54 = arith.constant 64 : i32
    %mul3A_55 = arith.constant 16 : i32
    %mul3A_56 = arith.muli %add3A_42, %mul3A_55 : i32
    "tpu.region"() ({
      %run_scoped3A = tpu.sem_alloc : memref<!tpu.dma_semaphore, #tpu.memory_space<semaphore_mem>>
      %dma_start3A = tpu.memref_slice %arg8[%mul3A_56] : memref<262144xi32, #tpu.memory_space<hbm>> -> memref<8192xi32, #tpu.memory_space<hbm>>
      %dma_start3A_57 = tpu.memref_slice %arg8[%mul3A_56] : memref<262144xi32, #tpu.memory_space<hbm>> -> memref<8192xi32, #tpu.memory_space<hbm>>
      tpu.enqueue_dma source(%arg15 : memref<8192xi32, #tpu.memory_space<vmem>>) target(%dma_start3A_57 : memref<8192xi32, #tpu.memory_space<hbm>>) target_semaphore(%run_scoped3A : memref<!tpu.dma_semaphore, #tpu.memory_space<semaphore_mem>>)
      %dma_wait3A = tpu.memref_slice %arg8[%mul3A_56] : memref<262144xi32, #tpu.memory_space<hbm>> -> memref<8192xi32, #tpu.memory_space<hbm>>
      %dma_wait3A_58 = tpu.memref_slice %arg8[%mul3A_56] : memref<262144xi32, #tpu.memory_space<hbm>> -> memref<8192xi32, #tpu.memory_space<hbm>>
      tpu.wait_dma2 semaphore(%run_scoped3A : memref<!tpu.dma_semaphore, #tpu.memory_space<semaphore_mem>>) src(%arg15 : memref<8192xi32, #tpu.memory_space<vmem>>) dst(%dma_wait3A_58 : memref<8192xi32, #tpu.memory_space<hbm>>)
      tpu.yield
    }) : () -> ()
    return
  }
}

#map = affine_map<(d0, d1) -> (0)>
module attributes {stable_mosaic.version = 14 : i64} {
  func.func @sc_topk(%arg0: i32, %arg1: i32, %arg2: memref<16384xf32, #tpu.memory_space<hbm>>, %arg3: memref<16384xf32, #tpu.memory_space<hbm>>, %arg4: memref<16384xf32, #tpu.memory_space<hbm>>, %arg5: memref<262144xf32, #tpu.memory_space<hbm>>, %arg6: memref<262144xf32, #tpu.memory_space<hbm>>, %arg7: memref<262144xf32, #tpu.memory_space<hbm>>, %arg8: memref<262144xi32, #tpu.memory_space<hbm>>, %arg9: memref<1024xf32, #tpu.memory_space<vmem>>, %arg10: memref<1024xf32, #tpu.memory_space<vmem>>, %arg11: memref<1024xf32, #tpu.memory_space<vmem>>, %arg12: memref<8192xf32, #tpu.memory_space<vmem>>, %arg13: memref<8192xf32, #tpu.memory_space<vmem>>, %arg14: memref<8192xf32, #tpu.memory_space<vmem>>, %arg15: memref<8192xi32, #tpu.memory_space<vmem>>) attributes {dimension_semantics = [#tpu.dimension_semantics<core_parallel>, #tpu.dimension_semantics<subcore_parallel>], iteration_bounds = array<i64: 2, 16>, scalar_prefetch = 0 : i64, scratch_operands = 7 : i64, tpu.core_type = #tpu.core_type<sc_vector_subcore>, window_params = [{transform_indices = #map}, {transform_indices = #map}, {transform_indices = #map}, {transform_indices = #map}, {transform_indices = #map}, {transform_indices = #map}, {transform_indices = #map}]} {
    %mul3A = arith.constant 2 : i32
    %mul3A_0 = arith.muli %arg1, %mul3A : i32
    %add3A = arith.addi %mul3A_0, %arg0 : i32
    %iota3A = tpu.iota {dimensions = array<i32: 0>} : vector<16xi32>
    %broadcast_in_dim3A = arith.constant 0x7F800000 : f32
    %broadcast_in_dim3A_1 = vector.broadcast %broadcast_in_dim3A : f32 to vector<16xf32>
    %mul3A_2 = arith.constant 1 : i32
    %mul3A_3 = arith.muli %add3A, %mul3A_2 : i32
    %add3A_4 = arith.constant 0 : i32
    %add3A_5 = arith.addi %mul3A_3, %add3A_4 : i32
    %jit3A = arith.constant 2 : i32
    %div3A = arith.divsi %add3A_5, %jit3A : i32
    %sign3A = arith.constant 0 : i32
    %sign3A_6 = arith.cmpi sgt, %add3A_5, %sign3A : i32
    %sign3A_7 = arith.extui %sign3A_6 : i1 to i32
    %sign3A_8 = arith.constant 0 : i32
    %sign3A_9 = arith.cmpi slt, %add3A_5, %sign3A_8 : i32
    %sign3A_10 = arith.extui %sign3A_9 : i1 to i32
    %sign3A_11 = arith.subi %sign3A_7, %sign3A_10 : i32
    %sign3A_12 = arith.constant 0 : i32
    %sign3A_13 = arith.cmpi sgt, %jit3A, %sign3A_12 : i32
    %sign3A_14 = arith.extui %sign3A_13 : i1 to i32
    %sign3A_15 = arith.constant 0 : i32
    %sign3A_16 = arith.cmpi slt, %jit3A, %sign3A_15 : i32
    %sign3A_17 = arith.extui %sign3A_16 : i1 to i32
    %sign3A_18 = arith.subi %sign3A_14, %sign3A_17 : i32
    %ne3A = arith.cmpi ne, %sign3A_11, %sign3A_18 : i32
    %rem3A = arith.remsi %add3A_5, %jit3A : i32
    %ne3A_19 = arith.constant 0 : i32
    %ne3A_20 = arith.cmpi ne, %rem3A, %ne3A_19 : i32
    %and3A = arith.andi %ne3A, %ne3A_20 : i1
    %sub3A = arith.constant 1 : i32
    %sub3A_21 = arith.subi %div3A, %sub3A : i32
    %select_n3A = arith.select %and3A, %sub3A_21, %div3A : i32
    %jit3A_22 = arith.constant 2 : i32
    %eq3A = arith.constant 0 : i32
    %eq3A_23 = arith.cmpi eq, %jit3A_22, %eq3A : i32
    %jit3A_24 = arith.constant 1 : i32
    %select_n3A_25 = arith.select %eq3A_23, %jit3A_24, %jit3A_22 : i32
    %rem3A_26 = arith.remsi %add3A_5, %select_n3A_25 : i32
    %ne3A_27 = arith.constant 0 : i32
    %ne3A_28 = arith.cmpi ne, %rem3A_26, %ne3A_27 : i32
    %lt3A = arith.constant 0 : i32
    %lt3A_29 = arith.cmpi slt, %rem3A_26, %lt3A : i32
    %lt3A_30 = arith.constant 0 : i32
    %lt3A_31 = arith.cmpi slt, %select_n3A_25, %lt3A_30 : i32
    %ne3A_32 = arith.xori %lt3A_29, %lt3A_31 : i1
    %and3A_33 = arith.andi %ne3A_32, %ne3A_28 : i1
    %add3A_34 = arith.addi %rem3A_26, %select_n3A_25 : i32
    %select_n3A_35 = arith.select %and3A_33, %add3A_34, %rem3A_26 : i32
    %mul3A_36 = arith.constant 1024 : i32
    %mul3A_37 = arith.muli %select_n3A, %mul3A_36 : i32
    %mul3A_38 = arith.constant 1024 : i32
    %mul3A_39 = arith.muli %select_n3A, %mul3A_38 : i32
    %mul3A_40 = arith.constant 512 : i32
    %mul3A_41 = arith.muli %select_n3A_35, %mul3A_40 : i32
    %add3A_42 = arith.addi %mul3A_39, %mul3A_41 : i32
    "tpu.region"() ({
      %run_scoped3A = tpu.sem_alloc : memref<!tpu.dma_semaphore, #tpu.memory_space<semaphore_mem>>
      %dma_start3A = tpu.memref_slice %arg2[%mul3A_37] : memref<16384xf32, #tpu.memory_space<hbm>> -> memref<1024xf32, #tpu.memory_space<hbm>>
      %dma_start3A_57 = tpu.memref_slice %arg2[%mul3A_37] : memref<16384xf32, #tpu.memory_space<hbm>> -> memref<1024xf32, #tpu.memory_space<hbm>>
      tpu.enqueue_dma source(%dma_start3A_57 : memref<1024xf32, #tpu.memory_space<hbm>>) target(%arg9 : memref<1024xf32, #tpu.memory_space<vmem>>) target_semaphore(%run_scoped3A : memref<!tpu.dma_semaphore, #tpu.memory_space<semaphore_mem>>)
      %dma_wait3A = tpu.memref_slice %arg2[%mul3A_37] : memref<16384xf32, #tpu.memory_space<hbm>> -> memref<1024xf32, #tpu.memory_space<hbm>>
      %dma_wait3A_58 = tpu.memref_slice %arg2[%mul3A_37] : memref<16384xf32, #tpu.memory_space<hbm>> -> memref<1024xf32, #tpu.memory_space<hbm>>
      tpu.wait_dma2 semaphore(%run_scoped3A : memref<!tpu.dma_semaphore, #tpu.memory_space<semaphore_mem>>) src(%dma_wait3A_58 : memref<1024xf32, #tpu.memory_space<hbm>>) dst(%arg9 : memref<1024xf32, #tpu.memory_space<vmem>>)
      tpu.yield
    }) : () -> ()
    "tpu.region"() ({
      %run_scoped3A = tpu.sem_alloc : memref<!tpu.dma_semaphore, #tpu.memory_space<semaphore_mem>>
      %dma_start3A = tpu.memref_slice %arg3[%mul3A_37] : memref<16384xf32, #tpu.memory_space<hbm>> -> memref<1024xf32, #tpu.memory_space<hbm>>
      %dma_start3A_57 = tpu.memref_slice %arg3[%mul3A_37] : memref<16384xf32, #tpu.memory_space<hbm>> -> memref<1024xf32, #tpu.memory_space<hbm>>
      tpu.enqueue_dma source(%dma_start3A_57 : memref<1024xf32, #tpu.memory_space<hbm>>) target(%arg10 : memref<1024xf32, #tpu.memory_space<vmem>>) target_semaphore(%run_scoped3A : memref<!tpu.dma_semaphore, #tpu.memory_space<semaphore_mem>>)
      %dma_wait3A = tpu.memref_slice %arg3[%mul3A_37] : memref<16384xf32, #tpu.memory_space<hbm>> -> memref<1024xf32, #tpu.memory_space<hbm>>
      %dma_wait3A_58 = tpu.memref_slice %arg3[%mul3A_37] : memref<16384xf32, #tpu.memory_space<hbm>> -> memref<1024xf32, #tpu.memory_space<hbm>>
      tpu.wait_dma2 semaphore(%run_scoped3A : memref<!tpu.dma_semaphore, #tpu.memory_space<semaphore_mem>>) src(%dma_wait3A_58 : memref<1024xf32, #tpu.memory_space<hbm>>) dst(%arg10 : memref<1024xf32, #tpu.memory_space<vmem>>)
      tpu.yield
    }) : () -> ()
    "tpu.region"() ({
      %run_scoped3A = tpu.sem_alloc : memref<!tpu.dma_semaphore, #tpu.memory_space<semaphore_mem>>
      %dma_start3A = tpu.memref_slice %arg4[%mul3A_37] : memref<16384xf32, #tpu.memory_space<hbm>> -> memref<1024xf32, #tpu.memory_space<hbm>>
      %dma_start3A_57 = tpu.memref_slice %arg4[%mul3A_37] : memref<16384xf32, #tpu.memory_space<hbm>> -> memref<1024xf32, #tpu.memory_space<hbm>>
      tpu.enqueue_dma source(%dma_start3A_57 : memref<1024xf32, #tpu.memory_space<hbm>>) target(%arg11 : memref<1024xf32, #tpu.memory_space<vmem>>) target_semaphore(%run_scoped3A : memref<!tpu.dma_semaphore, #tpu.memory_space<semaphore_mem>>)
      %dma_wait3A = tpu.memref_slice %arg4[%mul3A_37] : memref<16384xf32, #tpu.memory_space<hbm>> -> memref<1024xf32, #tpu.memory_space<hbm>>
      %dma_wait3A_58 = tpu.memref_slice %arg4[%mul3A_37] : memref<16384xf32, #tpu.memory_space<hbm>> -> memref<1024xf32, #tpu.memory_space<hbm>>
      tpu.wait_dma2 semaphore(%run_scoped3A : memref<!tpu.dma_semaphore, #tpu.memory_space<semaphore_mem>>) src(%dma_wait3A_58 : memref<1024xf32, #tpu.memory_space<hbm>>) dst(%arg11 : memref<1024xf32, #tpu.memory_space<vmem>>)
      tpu.yield
    }) : () -> ()
    %mul3A_43 = arith.constant 16 : i32
    %mul3A_44 = arith.muli %add3A_42, %mul3A_43 : i32
    "tpu.region"() ({
      %run_scoped3A = tpu.sem_alloc : memref<!tpu.dma_semaphore, #tpu.memory_space<semaphore_mem>>
      %dma_start3A = tpu.memref_slice %arg5[%mul3A_44] : memref<262144xf32, #tpu.memory_space<hbm>> -> memref<8192xf32, #tpu.memory_space<hbm>>
      %dma_start3A_57 = tpu.memref_slice %arg5[%mul3A_44] : memref<262144xf32, #tpu.memory_space<hbm>> -> memref<8192xf32, #tpu.memory_space<hbm>>
      tpu.enqueue_dma source(%dma_start3A_57 : memref<8192xf32, #tpu.memory_space<hbm>>) target(%arg12 : memref<8192xf32, #tpu.memory_space<vmem>>) target_semaphore(%run_scoped3A : memref<!tpu.dma_semaphore, #tpu.memory_space<semaphore_mem>>)
      %dma_wait3A = tpu.memref_slice %arg5[%mul3A_44] : memref<262144xf32, #tpu.memory_space<hbm>> -> memref<8192xf32, #tpu.memory_space<hbm>>
      %dma_wait3A_58 = tpu.memref_slice %arg5[%mul3A_44] : memref<262144xf32, #tpu.memory_space<hbm>> -> memref<8192xf32, #tpu.memory_space<hbm>>
      tpu.wait_dma2 semaphore(%run_scoped3A : memref<!tpu.dma_semaphore, #tpu.memory_space<semaphore_mem>>) src(%dma_wait3A_58 : memref<8192xf32, #tpu.memory_space<hbm>>) dst(%arg12 : memref<8192xf32, #tpu.memory_space<vmem>>)
      tpu.yield
    }) : () -> ()
    %mul3A_45 = arith.constant 16 : i32
    %mul3A_46 = arith.muli %add3A_42, %mul3A_45 : i32
    "tpu.region"() ({
      %run_scoped3A = tpu.sem_alloc : memref<!tpu.dma_semaphore, #tpu.memory_space<semaphore_mem>>
      %dma_start3A = tpu.memref_slice %arg6[%mul3A_46] : memref<262144xf32, #tpu.memory_space<hbm>> -> memref<8192xf32, #tpu.memory_space<hbm>>
      %dma_start3A_57 = tpu.memref_slice %arg6[%mul3A_46] : memref<262144xf32, #tpu.memory_space<hbm>> -> memref<8192xf32, #tpu.memory_space<hbm>>
      tpu.enqueue_dma source(%dma_start3A_57 : memref<8192xf32, #tpu.memory_space<hbm>>) target(%arg13 : memref<8192xf32, #tpu.memory_space<vmem>>) target_semaphore(%run_scoped3A : memref<!tpu.dma_semaphore, #tpu.memory_space<semaphore_mem>>)
      %dma_wait3A = tpu.memref_slice %arg6[%mul3A_46] : memref<262144xf32, #tpu.memory_space<hbm>> -> memref<8192xf32, #tpu.memory_space<hbm>>
      %dma_wait3A_58 = tpu.memref_slice %arg6[%mul3A_46] : memref<262144xf32, #tpu.memory_space<hbm>> -> memref<8192xf32, #tpu.memory_space<hbm>>
      tpu.wait_dma2 semaphore(%run_scoped3A : memref<!tpu.dma_semaphore, #tpu.memory_space<semaphore_mem>>) src(%dma_wait3A_58 : memref<8192xf32, #tpu.memory_space<hbm>>) dst(%arg13 : memref<8192xf32, #tpu.memory_space<vmem>>)
      tpu.yield
    }) : () -> ()
    %mul3A_47 = arith.constant 16 : i32
    %mul3A_48 = arith.muli %add3A_42, %mul3A_47 : i32
    "tpu.region"() ({
      %run_scoped3A = tpu.sem_alloc : memref<!tpu.dma_semaphore, #tpu.memory_space<semaphore_mem>>
      %dma_start3A = tpu.memref_slice %arg7[%mul3A_48] : memref<262144xf32, #tpu.memory_space<hbm>> -> memref<8192xf32, #tpu.memory_space<hbm>>
      %dma_start3A_57 = tpu.memref_slice %arg7[%mul3A_48] : memref<262144xf32, #tpu.memory_space<hbm>> -> memref<8192xf32, #tpu.memory_space<hbm>>
      tpu.enqueue_dma source(%dma_start3A_57 : memref<8192xf32, #tpu.memory_space<hbm>>) target(%arg14 : memref<8192xf32, #tpu.memory_space<vmem>>) target_semaphore(%run_scoped3A : memref<!tpu.dma_semaphore, #tpu.memory_space<semaphore_mem>>)
      %dma_wait3A = tpu.memref_slice %arg7[%mul3A_48] : memref<262144xf32, #tpu.memory_space<hbm>> -> memref<8192xf32, #tpu.memory_space<hbm>>
      %dma_wait3A_58 = tpu.memref_slice %arg7[%mul3A_48] : memref<262144xf32, #tpu.memory_space<hbm>> -> memref<8192xf32, #tpu.memory_space<hbm>>
      tpu.wait_dma2 semaphore(%run_scoped3A : memref<!tpu.dma_semaphore, #tpu.memory_space<semaphore_mem>>) src(%dma_wait3A_58 : memref<8192xf32, #tpu.memory_space<hbm>>) dst(%arg14 : memref<8192xf32, #tpu.memory_space<vmem>>)
      tpu.yield
    }) : () -> ()
    %scan3A = arith.constant 0 : i32
    %scan3A_49 = arith.constant 0 : i32
    %scan3A_50 = arith.constant 64 : i32
    %scan3A_51 = arith.addi %scan3A_49, %scan3A_50 : i32
    %scan3A_52 = arith.constant 1 : i32
    %scan3A_53 = scf.for %scan3A_57 = %scan3A_49 to %scan3A_51 step %scan3A_52 iter_args(%scan3A_58 = %scan3A) -> (i32)  : i32 {
      %add3A_59 = arith.constant 0 : i32
      %add3A_60 = arith.addi %scan3A_57, %add3A_59 : i32
      %mul3A_61 = arith.constant 16 : i32
      %mul3A_62 = arith.muli %add3A_60, %mul3A_61 : i32
      %get3A = arith.index_cast %mul3A_62 : i32 to index
      %get3A_63 = tpu.vector_load %arg12[%get3A] {strides = array<i32>} : memref<8192xf32, #tpu.memory_space<vmem>>, vector<16xf32>,
      %get3A_64 = arith.index_cast %mul3A_62 : i32 to index
      %get3A_65 = tpu.vector_load %arg13[%get3A_64] {strides = array<i32>} : memref<8192xf32, #tpu.memory_space<vmem>>, vector<16xf32>,
      %get3A_66 = arith.index_cast %mul3A_62 : i32 to index
      %get3A_67 = tpu.vector_load %arg14[%get3A_66] {strides = array<i32>} : memref<8192xf32, #tpu.memory_space<vmem>>, vector<16xf32>,
      %add3A_68 = arith.constant 64 : i32
      %add3A_69 = arith.addi %scan3A_57, %add3A_68 : i32
      %mul3A_70 = arith.constant 16 : i32
      %mul3A_71 = arith.muli %add3A_69, %mul3A_70 : i32
      %get3A_72 = arith.index_cast %mul3A_71 : i32 to index
      %get3A_73 = tpu.vector_load %arg12[%get3A_72] {strides = array<i32>} : memref<8192xf32, #tpu.memory_space<vmem>>, vector<16xf32>,
      %get3A_74 = arith.index_cast %mul3A_71 : i32 to index
      %get3A_75 = tpu.vector_load %arg13[%get3A_74] {strides = array<i32>} : memref<8192xf32, #tpu.memory_space<vmem>>, vector<16xf32>,
      %get3A_76 = arith.index_cast %mul3A_71 : i32 to index
      %get3A_77 = tpu.vector_load %arg14[%get3A_76] {strides = array<i32>} : memref<8192xf32, #tpu.memory_space<vmem>>, vector<16xf32>,
      %add3A_78 = arith.constant 128 : i32
      %add3A_79 = arith.addi %scan3A_57, %add3A_78 : i32
      %mul3A_80 = arith.constant 16 : i32
      %mul3A_81 = arith.muli %add3A_79, %mul3A_80 : i32
      %get3A_82 = arith.index_cast %mul3A_81 : i32 to index
      %get3A_83 = tpu.vector_load %arg12[%get3A_82] {strides = array<i32>} : memref<8192xf32, #tpu.memory_space<vmem>>, vector<16xf32>,
      %get3A_84 = arith.index_cast %mul3A_81 : i32 to index
      %get3A_85 = tpu.vector_load %arg13[%get3A_84] {strides = array<i32>} : memref<8192xf32, #tpu.memory_space<vmem>>, vector<16xf32>,
      %get3A_86 = arith.index_cast %mul3A_81 : i32 to index
      %get3A_87 = tpu.vector_load %arg14[%get3A_86] {strides = array<i32>} : memref<8192xf32, #tpu.memory_space<vmem>>, vector<16xf32>,
      %add3A_88 = arith.constant 192 : i32
      %add3A_89 = arith.addi %scan3A_57, %add3A_88 : i32
      %mul3A_90 = arith.constant 16 : i32
      %mul3A_91 = arith.muli %add3A_89, %mul3A_90 : i32
      %get3A_92 = arith.index_cast %mul3A_91 : i32 to index
      %get3A_93 = tpu.vector_load %arg12[%get3A_92] {strides = array<i32>} : memref<8192xf32, #tpu.memory_space<vmem>>, vector<16xf32>,
      %get3A_94 = arith.index_cast %mul3A_91 : i32 to index
      %get3A_95 = tpu.vector_load %arg13[%get3A_94] {strides = array<i32>} : memref<8192xf32, #tpu.memory_space<vmem>>, vector<16xf32>,
      %get3A_96 = arith.index_cast %mul3A_91 : i32 to index
      %get3A_97 = tpu.vector_load %arg14[%get3A_96] {strides = array<i32>} : memref<8192xf32, #tpu.memory_space<vmem>>, vector<16xf32>,
      %add3A_98 = arith.constant 256 : i32
      %add3A_99 = arith.addi %scan3A_57, %add3A_98 : i32
      %mul3A_100 = arith.constant 16 : i32
      %mul3A_101 = arith.muli %add3A_99, %mul3A_100 : i32
      %get3A_102 = arith.index_cast %mul3A_101 : i32 to index
      %get3A_103 = tpu.vector_load %arg12[%get3A_102] {strides = array<i32>} : memref<8192xf32, #tpu.memory_space<vmem>>, vector<16xf32>,
      %get3A_104 = arith.index_cast %mul3A_101 : i32 to index
      %get3A_105 = tpu.vector_load %arg13[%get3A_104] {strides = array<i32>} : memref<8192xf32, #tpu.memory_space<vmem>>, vector<16xf32>,
      %get3A_106 = arith.index_cast %mul3A_101 : i32 to index
      %get3A_107 = tpu.vector_load %arg14[%get3A_106] {strides = array<i32>} : memref<8192xf32, #tpu.memory_space<vmem>>, vector<16xf32>,
      %add3A_108 = arith.constant 320 : i32
      %add3A_109 = arith.addi %scan3A_57, %add3A_108 : i32
      %mul3A_110 = arith.constant 16 : i32
      %mul3A_111 = arith.muli %add3A_109, %mul3A_110 : i32
      %get3A_112 = arith.index_cast %mul3A_111 : i32 to index
      %get3A_113 = tpu.vector_load %arg12[%get3A_112] {strides = array<i32>} : memref<8192xf32, #tpu.memory_space<vmem>>, vector<16xf32>,
      %get3A_114 = arith.index_cast %mul3A_111 : i32 to index
      %get3A_115 = tpu.vector_load %arg13[%get3A_114] {strides = array<i32>} : memref<8192xf32, #tpu.memory_space<vmem>>, vector<16xf32>,
      %get3A_116 = arith.index_cast %mul3A_111 : i32 to index
      %get3A_117 = tpu.vector_load %arg14[%get3A_116] {strides = array<i32>} : memref<8192xf32, #tpu.memory_space<vmem>>, vector<16xf32>,
      %add3A_118 = arith.constant 384 : i32
      %add3A_119 = arith.addi %scan3A_57, %add3A_118 : i32
      %mul3A_120 = arith.constant 16 : i32
      %mul3A_121 = arith.muli %add3A_119, %mul3A_120 : i32
      %get3A_122 = arith.index_cast %mul3A_121 : i32 to index
      %get3A_123 = tpu.vector_load %arg12[%get3A_122] {strides = array<i32>} : memref<8192xf32, #tpu.memory_space<vmem>>, vector<16xf32>,
      %get3A_124 = arith.index_cast %mul3A_121 : i32 to index
      %get3A_125 = tpu.vector_load %arg13[%get3A_124] {strides = array<i32>} : memref<8192xf32, #tpu.memory_space<vmem>>, vector<16xf32>,
      %get3A_126 = arith.index_cast %mul3A_121 : i32 to index
      %get3A_127 = tpu.vector_load %arg14[%get3A_126] {strides = array<i32>} : memref<8192xf32, #tpu.memory_space<vmem>>, vector<16xf32>,
      %add3A_128 = arith.constant 448 : i32
      %add3A_129 = arith.addi %scan3A_57, %add3A_128 : i32
      %mul3A_130 = arith.constant 16 : i32
      %mul3A_131 = arith.muli %add3A_129, %mul3A_130 : i32
      %get3A_132 = arith.index_cast %mul3A_131 : i32 to index
      %get3A_133 = tpu.vector_load %arg12[%get3A_132] {strides = array<i32>} : memref<8192xf32, #tpu.memory_space<vmem>>, vector<16xf32>,
      %get3A_134 = arith.index_cast %mul3A_131 : i32 to index
      %get3A_135 = tpu.vector_load %arg13[%get3A_134] {strides = array<i32>} : memref<8192xf32, #tpu.memory_space<vmem>>, vector<16xf32>,
      %get3A_136 = arith.index_cast %mul3A_131 : i32 to index
      %get3A_137 = tpu.vector_load %arg14[%get3A_136] {strides = array<i32>} : memref<8192xf32, #tpu.memory_space<vmem>>, vector<16xf32>,
      %broadcast_in_dim3A_138 = arith.constant 0 : i32
      %broadcast_in_dim3A_139 = vector.broadcast %broadcast_in_dim3A_138 : i32 to vector<16xi32>
      %scan3A_140 = arith.constant 0 : i32
      %scan3A_141 = arith.constant 64 : i32
      %scan3A_142 = arith.addi %scan3A_140, %scan3A_141 : i32
      %scan3A_143 = arith.constant 1 : i32
      %scan3A_144:16 = scf.for %scan3A_194 = %scan3A_140 to %scan3A_142 step %scan3A_143 iter_args(%scan3A_195 = %broadcast_in_dim3A_1, %scan3A_196 = %broadcast_in_dim3A_139, %scan3A_197 = %broadcast_in_dim3A_1, %scan3A_198 = %broadcast_in_dim3A_139, %scan3A_199 = %broadcast_in_dim3A_1, %scan3A_200 = %broadcast_in_dim3A_139, %scan3A_201 = %broadcast_in_dim3A_1, %scan3A_202 = %broadcast_in_dim3A_139, %scan3A_203 = %broadcast_in_dim3A_1, %scan3A_204 = %broadcast_in_dim3A_139, %scan3A_205 = %broadcast_in_dim3A_1, %scan3A_206 = %broadcast_in_dim3A_139, %scan3A_207 = %broadcast_in_dim3A_1, %scan3A_208 = %broadcast_in_dim3A_139, %scan3A_209 = %broadcast_in_dim3A_1, %scan3A_210 = %broadcast_in_dim3A_139) -> (vector<16xf32>, vector<16xi32>, vector<16xf32>, vector<16xi32>, vector<16xf32>, vector<16xi32>, vector<16xf32>, vector<16xi32>, vector<16xf32>, vector<16xi32>, vector<16xf32>, vector<16xi32>, vector<16xf32>, vector<16xi32>, vector<16xf32>, vector<16xi32>)  : i32 {
        %mul3A_211 = arith.constant 16 : i32
        %mul3A_212 = arith.muli %scan3A_194, %mul3A_211 : i32
        %get3A_213 = arith.index_cast %mul3A_212 : i32 to index
        %get3A_214 = tpu.vector_load %arg9[%get3A_213] {strides = array<i32>} : memref<1024xf32, #tpu.memory_space<vmem>>, vector<16xf32>,
        %get3A_215 = arith.index_cast %mul3A_212 : i32 to index
        %get3A_216 = tpu.vector_load %arg10[%get3A_215] {strides = array<i32>} : memref<1024xf32, #tpu.memory_space<vmem>>, vector<16xf32>,
        %get3A_217 = arith.index_cast %mul3A_212 : i32 to index
        %get3A_218 = tpu.vector_load %arg11[%get3A_217] {strides = array<i32>} : memref<1024xf32, #tpu.memory_space<vmem>>, vector<16xf32>,
        %add3A_219 = vector.broadcast %mul3A_212 : i32 to vector<16xi32>
        %add3A_220 = arith.addi %iota3A, %add3A_219 : vector<16xi32>
        %mul3A_221 = arith.mulf %get3A_63, %get3A_214 : vector<16xf32>
        %mul3A_222 = arith.mulf %get3A_65, %get3A_216 : vector<16xf32>
        %add3A_223 = arith.addf %mul3A_221, %mul3A_222 : vector<16xf32>
        %mul3A_224 = arith.constant 2.000000e+00 : f32
        %mul3A_225 = vector.broadcast %mul3A_224 : f32 to vector<16xf32>
        %mul3A_226 = arith.mulf %mul3A_225, %add3A_223 : vector<16xf32>
        %sub3A_227 = arith.subf %get3A_67, %mul3A_226 : vector<16xf32>
        %add3A_228 = arith.addf %sub3A_227, %get3A_218 : vector<16xf32>
        %add3A_229 = arith.constant 9.99999974E-6 : f32
        %add3A_230 = vector.broadcast %add3A_229 : f32 to vector<16xf32>
        %add3A_231 = arith.addf %add3A_228, %add3A_230 : vector<16xf32>
        %masked_sort3A = arith.constant dense<true> : vector<16xi1>
        %masked_sort3A_232, %masked_sort3A_233, %masked_sort3A_234 = tpu.sort %add3A_231, %add3A_220 masked %masked_sort3A {descending = true} : (vector<16xf32>, vector<16xi32>, vector<16xi1>) -> (vector<16xi1>, vector<16xf32>, vector<16xi32>)
        %lt3A_235 = arith.cmpf olt, %masked_sort3A_233, %scan3A_195 : vector<16xf32>
        %select_n3A_236 = arith.select %lt3A_235, %masked_sort3A_233, %scan3A_195 : vector<16xi1>, vector<16xf32>
        %select_n3A_237 = arith.select %lt3A_235, %masked_sort3A_234, %scan3A_196 : vector<16xi1>, vector<16xi32>
        %masked_sort3A_238 = arith.constant dense<true> : vector<16xi1>
        %masked_sort3A_239, %masked_sort3A_240, %masked_sort3A_241 = tpu.sort %select_n3A_236, %select_n3A_237 masked %masked_sort3A_238 : (vector<16xf32>, vector<16xi32>, vector<16xi1>) -> (vector<16xi1>, vector<16xf32>, vector<16xi32>)
        %mul3A_242 = arith.mulf %get3A_73, %get3A_214 : vector<16xf32>
        %mul3A_243 = arith.mulf %get3A_75, %get3A_216 : vector<16xf32>
        %add3A_244 = arith.addf %mul3A_242, %mul3A_243 : vector<16xf32>
        %mul3A_245 = arith.constant 2.000000e+00 : f32
        %mul3A_246 = vector.broadcast %mul3A_245 : f32 to vector<16xf32>
        %mul3A_247 = arith.mulf %mul3A_246, %add3A_244 : vector<16xf32>
        %sub3A_248 = arith.subf %get3A_77, %mul3A_247 : vector<16xf32>
        %add3A_249 = arith.addf %sub3A_248, %get3A_218 : vector<16xf32>
        %add3A_250 = arith.constant 9.99999974E-6 : f32
        %add3A_251 = vector.broadcast %add3A_250 : f32 to vector<16xf32>
        %add3A_252 = arith.addf %add3A_249, %add3A_251 : vector<16xf32>
        %masked_sort3A_253 = arith.constant dense<true> : vector<16xi1>
        %masked_sort3A_254, %masked_sort3A_255, %masked_sort3A_256 = tpu.sort %add3A_252, %add3A_220 masked %masked_sort3A_253 {descending = true} : (vector<16xf32>, vector<16xi32>, vector<16xi1>) -> (vector<16xi1>, vector<16xf32>, vector<16xi32>)
        %lt3A_257 = arith.cmpf olt, %masked_sort3A_255, %scan3A_197 : vector<16xf32>
        %select_n3A_258 = arith.select %lt3A_257, %masked_sort3A_255, %scan3A_197 : vector<16xi1>, vector<16xf32>
        %select_n3A_259 = arith.select %lt3A_257, %masked_sort3A_256, %scan3A_198 : vector<16xi1>, vector<16xi32>
        %masked_sort3A_260 = arith.constant dense<true> : vector<16xi1>
        %masked_sort3A_261, %masked_sort3A_262, %masked_sort3A_263 = tpu.sort %select_n3A_258, %select_n3A_259 masked %masked_sort3A_260 : (vector<16xf32>, vector<16xi32>, vector<16xi1>) -> (vector<16xi1>, vector<16xf32>, vector<16xi32>)
        %mul3A_264 = arith.mulf %get3A_83, %get3A_214 : vector<16xf32>
        %mul3A_265 = arith.mulf %get3A_85, %get3A_216 : vector<16xf32>
        %add3A_266 = arith.addf %mul3A_264, %mul3A_265 : vector<16xf32>
        %mul3A_267 = arith.constant 2.000000e+00 : f32
        %mul3A_268 = vector.broadcast %mul3A_267 : f32 to vector<16xf32>
        %mul3A_269 = arith.mulf %mul3A_268, %add3A_266 : vector<16xf32>
        %sub3A_270 = arith.subf %get3A_87, %mul3A_269 : vector<16xf32>
        %add3A_271 = arith.addf %sub3A_270, %get3A_218 : vector<16xf32>
        %add3A_272 = arith.constant 9.99999974E-6 : f32
        %add3A_273 = vector.broadcast %add3A_272 : f32 to vector<16xf32>
        %add3A_274 = arith.addf %add3A_271, %add3A_273 : vector<16xf32>
        %masked_sort3A_275 = arith.constant dense<true> : vector<16xi1>
        %masked_sort3A_276, %masked_sort3A_277, %masked_sort3A_278 = tpu.sort %add3A_274, %add3A_220 masked %masked_sort3A_275 {descending = true} : (vector<16xf32>, vector<16xi32>, vector<16xi1>) -> (vector<16xi1>, vector<16xf32>, vector<16xi32>)
        %lt3A_279 = arith.cmpf olt, %masked_sort3A_277, %scan3A_199 : vector<16xf32>
        %select_n3A_280 = arith.select %lt3A_279, %masked_sort3A_277, %scan3A_199 : vector<16xi1>, vector<16xf32>
        %select_n3A_281 = arith.select %lt3A_279, %masked_sort3A_278, %scan3A_200 : vector<16xi1>, vector<16xi32>
        %masked_sort3A_282 = arith.constant dense<true> : vector<16xi1>
        %masked_sort3A_283, %masked_sort3A_284, %masked_sort3A_285 = tpu.sort %select_n3A_280, %select_n3A_281 masked %masked_sort3A_282 : (vector<16xf32>, vector<16xi32>, vector<16xi1>) -> (vector<16xi1>, vector<16xf32>, vector<16xi32>)
        %mul3A_286 = arith.mulf %get3A_93, %get3A_214 : vector<16xf32>
        %mul3A_287 = arith.mulf %get3A_95, %get3A_216 : vector<16xf32>
        %add3A_288 = arith.addf %mul3A_286, %mul3A_287 : vector<16xf32>
        %mul3A_289 = arith.constant 2.000000e+00 : f32
        %mul3A_290 = vector.broadcast %mul3A_289 : f32 to vector<16xf32>
        %mul3A_291 = arith.mulf %mul3A_290, %add3A_288 : vector<16xf32>
        %sub3A_292 = arith.subf %get3A_97, %mul3A_291 : vector<16xf32>
        %add3A_293 = arith.addf %sub3A_292, %get3A_218 : vector<16xf32>
        %add3A_294 = arith.constant 9.99999974E-6 : f32
        %add3A_295 = vector.broadcast %add3A_294 : f32 to vector<16xf32>
        %add3A_296 = arith.addf %add3A_293, %add3A_295 : vector<16xf32>
        %masked_sort3A_297 = arith.constant dense<true> : vector<16xi1>
        %masked_sort3A_298, %masked_sort3A_299, %masked_sort3A_300 = tpu.sort %add3A_296, %add3A_220 masked %masked_sort3A_297 {descending = true} : (vector<16xf32>, vector<16xi32>, vector<16xi1>) -> (vector<16xi1>, vector<16xf32>, vector<16xi32>)
        %lt3A_301 = arith.cmpf olt, %masked_sort3A_299, %scan3A_201 : vector<16xf32>
        %select_n3A_302 = arith.select %lt3A_301, %masked_sort3A_299, %scan3A_201 : vector<16xi1>, vector<16xf32>
        %select_n3A_303 = arith.select %lt3A_301, %masked_sort3A_300, %scan3A_202 : vector<16xi1>, vector<16xi32>
        %masked_sort3A_304 = arith.constant dense<true> : vector<16xi1>
        %masked_sort3A_305, %masked_sort3A_306, %masked_sort3A_307 = tpu.sort %select_n3A_302, %select_n3A_303 masked %masked_sort3A_304 : (vector<16xf32>, vector<16xi32>, vector<16xi1>) -> (vector<16xi1>, vector<16xf32>, vector<16xi32>)
        %mul3A_308 = arith.mulf %get3A_103, %get3A_214 : vector<16xf32>
        %mul3A_309 = arith.mulf %get3A_105, %get3A_216 : vector<16xf32>
        %add3A_310 = arith.addf %mul3A_308, %mul3A_309 : vector<16xf32>
        %mul3A_311 = arith.constant 2.000000e+00 : f32
        %mul3A_312 = vector.broadcast %mul3A_311 : f32 to vector<16xf32>
        %mul3A_313 = arith.mulf %mul3A_312, %add3A_310 : vector<16xf32>
        %sub3A_314 = arith.subf %get3A_107, %mul3A_313 : vector<16xf32>
        %add3A_315 = arith.addf %sub3A_314, %get3A_218 : vector<16xf32>
        %add3A_316 = arith.constant 9.99999974E-6 : f32
        %add3A_317 = vector.broadcast %add3A_316 : f32 to vector<16xf32>
        %add3A_318 = arith.addf %add3A_315, %add3A_317 : vector<16xf32>
        %masked_sort3A_319 = arith.constant dense<true> : vector<16xi1>
        %masked_sort3A_320, %masked_sort3A_321, %masked_sort3A_322 = tpu.sort %add3A_318, %add3A_220 masked %masked_sort3A_319 {descending = true} : (vector<16xf32>, vector<16xi32>, vector<16xi1>) -> (vector<16xi1>, vector<16xf32>, vector<16xi32>)
        %lt3A_323 = arith.cmpf olt, %masked_sort3A_321, %scan3A_203 : vector<16xf32>
        %select_n3A_324 = arith.select %lt3A_323, %masked_sort3A_321, %scan3A_203 : vector<16xi1>, vector<16xf32>
        %select_n3A_325 = arith.select %lt3A_323, %masked_sort3A_322, %scan3A_204 : vector<16xi1>, vector<16xi32>
        %masked_sort3A_326 = arith.constant dense<true> : vector<16xi1>
        %masked_sort3A_327, %masked_sort3A_328, %masked_sort3A_329 = tpu.sort %select_n3A_324, %select_n3A_325 masked %masked_sort3A_326 : (vector<16xf32>, vector<16xi32>, vector<16xi1>) -> (vector<16xi1>, vector<16xf32>, vector<16xi32>)
        %mul3A_330 = arith.mulf %get3A_113, %get3A_214 : vector<16xf32>
        %mul3A_331 = arith.mulf %get3A_115, %get3A_216 : vector<16xf32>
        %add3A_332 = arith.addf %mul3A_330, %mul3A_331 : vector<16xf32>
        %mul3A_333 = arith.constant 2.000000e+00 : f32
        %mul3A_334 = vector.broadcast %mul3A_333 : f32 to vector<16xf32>
        %mul3A_335 = arith.mulf %mul3A_334, %add3A_332 : vector<16xf32>
        %sub3A_336 = arith.subf %get3A_117, %mul3A_335 : vector<16xf32>
        %add3A_337 = arith.addf %sub3A_336, %get3A_218 : vector<16xf32>
        %add3A_338 = arith.constant 9.99999974E-6 : f32
        %add3A_339 = vector.broadcast %add3A_338 : f32 to vector<16xf32>
        %add3A_340 = arith.addf %add3A_337, %add3A_339 : vector<16xf32>
        %masked_sort3A_341 = arith.constant dense<true> : vector<16xi1>
        %masked_sort3A_342, %masked_sort3A_343, %masked_sort3A_344 = tpu.sort %add3A_340, %add3A_220 masked %masked_sort3A_341 {descending = true} : (vector<16xf32>, vector<16xi32>, vector<16xi1>) -> (vector<16xi1>, vector<16xf32>, vector<16xi32>)
        %lt3A_345 = arith.cmpf olt, %masked_sort3A_343, %scan3A_205 : vector<16xf32>
        %select_n3A_346 = arith.select %lt3A_345, %masked_sort3A_343, %scan3A_205 : vector<16xi1>, vector<16xf32>
        %select_n3A_347 = arith.select %lt3A_345, %masked_sort3A_344, %scan3A_206 : vector<16xi1>, vector<16xi32>
        %masked_sort3A_348 = arith.constant dense<true> : vector<16xi1>
        %masked_sort3A_349, %masked_sort3A_350, %masked_sort3A_351 = tpu.sort %select_n3A_346, %select_n3A_347 masked %masked_sort3A_348 : (vector<16xf32>, vector<16xi32>, vector<16xi1>) -> (vector<16xi1>, vector<16xf32>, vector<16xi32>)
        %mul3A_352 = arith.mulf %get3A_123, %get3A_214 : vector<16xf32>
        %mul3A_353 = arith.mulf %get3A_125, %get3A_216 : vector<16xf32>
        %add3A_354 = arith.addf %mul3A_352, %mul3A_353 : vector<16xf32>
        %mul3A_355 = arith.constant 2.000000e+00 : f32
        %mul3A_356 = vector.broadcast %mul3A_355 : f32 to vector<16xf32>
        %mul3A_357 = arith.mulf %mul3A_356, %add3A_354 : vector<16xf32>
        %sub3A_358 = arith.subf %get3A_127, %mul3A_357 : vector<16xf32>
        %add3A_359 = arith.addf %sub3A_358, %get3A_218 : vector<16xf32>
        %add3A_360 = arith.constant 9.99999974E-6 : f32
        %add3A_361 = vector.broadcast %add3A_360 : f32 to vector<16xf32>
        %add3A_362 = arith.addf %add3A_359, %add3A_361 : vector<16xf32>
        %masked_sort3A_363 = arith.constant dense<true> : vector<16xi1>
        %masked_sort3A_364, %masked_sort3A_365, %masked_sort3A_366 = tpu.sort %add3A_362, %add3A_220 masked %masked_sort3A_363 {descending = true} : (vector<16xf32>, vector<16xi32>, vector<16xi1>) -> (vector<16xi1>, vector<16xf32>, vector<16xi32>)
        %lt3A_367 = arith.cmpf olt, %masked_sort3A_365, %scan3A_207 : vector<16xf32>
        %select_n3A_368 = arith.select %lt3A_367, %masked_sort3A_365, %scan3A_207 : vector<16xi1>, vector<16xf32>
        %select_n3A_369 = arith.select %lt3A_367, %masked_sort3A_366, %scan3A_208 : vector<16xi1>, vector<16xi32>
        %masked_sort3A_370 = arith.constant dense<true> : vector<16xi1>
        %masked_sort3A_371, %masked_sort3A_372, %masked_sort3A_373 = tpu.sort %select_n3A_368, %select_n3A_369 masked %masked_sort3A_370 : (vector<16xf32>, vector<16xi32>, vector<16xi1>) -> (vector<16xi1>, vector<16xf32>, vector<16xi32>)
        %mul3A_374 = arith.mulf %get3A_133, %get3A_214 : vector<16xf32>
        %mul3A_375 = arith.mulf %get3A_135, %get3A_216 : vector<16xf32>
        %add3A_376 = arith.addf %mul3A_374, %mul3A_375 : vector<16xf32>
        %mul3A_377 = arith.constant 2.000000e+00 : f32
        %mul3A_378 = vector.broadcast %mul3A_377 : f32 to vector<16xf32>
        %mul3A_379 = arith.mulf %mul3A_378, %add3A_376 : vector<16xf32>
        %sub3A_380 = arith.subf %get3A_137, %mul3A_379 : vector<16xf32>
        %add3A_381 = arith.addf %sub3A_380, %get3A_218 : vector<16xf32>
        %add3A_382 = arith.constant 9.99999974E-6 : f32
        %add3A_383 = vector.broadcast %add3A_382 : f32 to vector<16xf32>
        %add3A_384 = arith.addf %add3A_381, %add3A_383 : vector<16xf32>
        %masked_sort3A_385 = arith.constant dense<true> : vector<16xi1>
        %masked_sort3A_386, %masked_sort3A_387, %masked_sort3A_388 = tpu.sort %add3A_384, %add3A_220 masked %masked_sort3A_385 {descending = true} : (vector<16xf32>, vector<16xi32>, vector<16xi1>) -> (vector<16xi1>, vector<16xf32>, vector<16xi32>)
        %lt3A_389 = arith.cmpf olt, %masked_sort3A_387, %scan3A_209 : vector<16xf32>
        %select_n3A_390 = arith.select %lt3A_389, %masked_sort3A_387, %scan3A_209 : vector<16xi1>, vector<16xf32>
        %select_n3A_391 = arith.select %lt3A_389, %masked_sort3A_388, %scan3A_210 : vector<16xi1>, vector<16xi32>
        %masked_sort3A_392 = arith.constant dense<true> : vector<16xi1>
        %masked_sort3A_393, %masked_sort3A_394, %masked_sort3A_395 = tpu.sort %select_n3A_390, %select_n3A_391 masked %masked_sort3A_392 : (vector<16xf32>, vector<16xi32>, vector<16xi1>) -> (vector<16xi1>, vector<16xf32>, vector<16xi32>)
        scf.yield %masked_sort3A_240, %masked_sort3A_241, %masked_sort3A_262, %masked_sort3A_263, %masked_sort3A_284, %masked_sort3A_285, %masked_sort3A_306, %masked_sort3A_307, %masked_sort3A_328, %masked_sort3A_329, %masked_sort3A_350, %masked_sort3A_351, %masked_sort3A_372, %masked_sort3A_373, %masked_sort3A_394, %masked_sort3A_395 : vector<16xf32>, vector<16xi32>, vector<16xf32>, vector<16xi32>, vector<16xf32>, vector<16xi32>, vector<16xf32>, vector<16xi32>, vector<16xf32>, vector<16xi32>, vector<16xf32>, vector<16xi32>, vector<16xf32>, vector<16xi32>, vector<16xf32>, vector<16xi32>
      }
      %scan3A_145 = arith.constant 64 : i32
      %add3A_146 = arith.constant 0 : i32
      %add3A_147 = arith.addi %scan3A_57, %add3A_146 : i32
      %mul3A_148 = arith.constant 16 : i32
      %mul3A_149 = arith.muli %add3A_147, %mul3A_148 : i32
      %swap3A = arith.index_cast %mul3A_149 : i32 to index
      %swap3A_150 = tpu.vector_load %arg15[%swap3A] {strides = array<i32>} : memref<8192xi32, #tpu.memory_space<vmem>>, vector<16xi32>,
      tpu.vector_store %arg15[%swap3A], %scan3A_144#1 {strides = array<i32>} : memref<8192xi32, #tpu.memory_space<vmem>>, vector<16xi32>,
      %add3A_151 = arith.constant 64 : i32
      %add3A_152 = arith.addi %scan3A_57, %add3A_151 : i32
      %mul3A_153 = arith.constant 16 : i32
      %mul3A_154 = arith.muli %add3A_152, %mul3A_153 : i32
      %swap3A_155 = arith.index_cast %mul3A_154 : i32 to index
      %swap3A_156 = tpu.vector_load %arg15[%swap3A_155] {strides = array<i32>} : memref<8192xi32, #tpu.memory_space<vmem>>, vector<16xi32>,
      tpu.vector_store %arg15[%swap3A_155], %scan3A_144#3 {strides = array<i32>} : memref<8192xi32, #tpu.memory_space<vmem>>, vector<16xi32>,
      %add3A_157 = arith.constant 128 : i32
      %add3A_158 = arith.addi %scan3A_57, %add3A_157 : i32
      %mul3A_159 = arith.constant 16 : i32
      %mul3A_160 = arith.muli %add3A_158, %mul3A_159 : i32
      %swap3A_161 = arith.index_cast %mul3A_160 : i32 to index
      %swap3A_162 = tpu.vector_load %arg15[%swap3A_161] {strides = array<i32>} : memref<8192xi32, #tpu.memory_space<vmem>>, vector<16xi32>,
      tpu.vector_store %arg15[%swap3A_161], %scan3A_144#5 {strides = array<i32>} : memref<8192xi32, #tpu.memory_space<vmem>>, vector<16xi32>,
      %add3A_163 = arith.constant 192 : i32
      %add3A_164 = arith.addi %scan3A_57, %add3A_163 : i32
      %mul3A_165 = arith.constant 16 : i32
      %mul3A_166 = arith.muli %add3A_164, %mul3A_165 : i32
      %swap3A_167 = arith.index_cast %mul3A_166 : i32 to index
      %swap3A_168 = tpu.vector_load %arg15[%swap3A_167] {strides = array<i32>} : memref<8192xi32, #tpu.memory_space<vmem>>, vector<16xi32>,
      tpu.vector_store %arg15[%swap3A_167], %scan3A_144#7 {strides = array<i32>} : memref<8192xi32, #tpu.memory_space<vmem>>, vector<16xi32>,
      %add3A_169 = arith.constant 256 : i32
      %add3A_170 = arith.addi %scan3A_57, %add3A_169 : i32
      %mul3A_171 = arith.constant 16 : i32
      %mul3A_172 = arith.muli %add3A_170, %mul3A_171 : i32
      %swap3A_173 = arith.index_cast %mul3A_172 : i32 to index
      %swap3A_174 = tpu.vector_load %arg15[%swap3A_173] {strides = array<i32>} : memref<8192xi32, #tpu.memory_space<vmem>>, vector<16xi32>,
      tpu.vector_store %arg15[%swap3A_173], %scan3A_144#9 {strides = array<i32>} : memref<8192xi32, #tpu.memory_space<vmem>>, vector<16xi32>,
      %add3A_175 = arith.constant 320 : i32
      %add3A_176 = arith.addi %scan3A_57, %add3A_175 : i32
      %mul3A_177 = arith.constant 16 : i32
      %mul3A_178 = arith.muli %add3A_176, %mul3A_177 : i32
      %swap3A_179 = arith.index_cast %mul3A_178 : i32 to index
      %swap3A_180 = tpu.vector_load %arg15[%swap3A_179] {strides = array<i32>} : memref<8192xi32, #tpu.memory_space<vmem>>, vector<16xi32>,
      tpu.vector_store %arg15[%swap3A_179], %scan3A_144#11 {strides = array<i32>} : memref<8192xi32, #tpu.memory_space<vmem>>, vector<16xi32>,
      %add3A_181 = arith.constant 384 : i32
      %add3A_182 = arith.addi %scan3A_57, %add3A_181 : i32
      %mul3A_183 = arith.constant 16 : i32
      %mul3A_184 = arith.muli %add3A_182, %mul3A_183 : i32
      %swap3A_185 = arith.index_cast %mul3A_184 : i32 to index
      %swap3A_186 = tpu.vector_load %arg15[%swap3A_185] {strides = array<i32>} : memref<8192xi32, #tpu.memory_space<vmem>>, vector<16xi32>,
      tpu.vector_store %arg15[%swap3A_185], %scan3A_144#13 {strides = array<i32>} : memref<8192xi32, #tpu.memory_space<vmem>>, vector<16xi32>,
      %add3A_187 = arith.constant 448 : i32
      %add3A_188 = arith.addi %scan3A_57, %add3A_187 : i32
      %mul3A_189 = arith.constant 16 : i32
      %mul3A_190 = arith.muli %add3A_188, %mul3A_189 : i32
      %swap3A_191 = arith.index_cast %mul3A_190 : i32 to index
      %swap3A_192 = tpu.vector_load %arg15[%swap3A_191] {strides = array<i32>} : memref<8192xi32, #tpu.memory_space<vmem>>, vector<16xi32>,
      tpu.vector_store %arg15[%swap3A_191], %scan3A_144#15 {strides = array<i32>} : memref<8192xi32, #tpu.memory_space<vmem>>, vector<16xi32>,
      %scan3A_193 = arith.constant 0 : i32
      scf.yield %scan3A_193 : i32
    }
    %scan3A_54 = arith.constant 64 : i32
    %mul3A_55 = arith.constant 16 : i32
    %mul3A_56 = arith.muli %add3A_42, %mul3A_55 : i32
    "tpu.region"() ({
      %run_scoped3A = tpu.sem_alloc : memref<!tpu.dma_semaphore, #tpu.memory_space<semaphore_mem>>
      %dma_start3A = tpu.memref_slice %arg8[%mul3A_56] : memref<262144xi32, #tpu.memory_space<hbm>> -> memref<8192xi32, #tpu.memory_space<hbm>>
      %dma_start3A_57 = tpu.memref_slice %arg8[%mul3A_56] : memref<262144xi32, #tpu.memory_space<hbm>> -> memref<8192xi32, #tpu.memory_space<hbm>>
      tpu.enqueue_dma source(%arg15 : memref<8192xi32, #tpu.memory_space<vmem>>) target(%dma_start3A_57 : memref<8192xi32, #tpu.memory_space<hbm>>) target_semaphore(%run_scoped3A : memref<!tpu.dma_semaphore, #tpu.memory_space<semaphore_mem>>)
      %dma_wait3A = tpu.memref_slice %arg8[%mul3A_56] : memref<262144xi32, #tpu.memory_space<hbm>> -> memref<8192xi32, #tpu.memory_space<hbm>>
      %dma_wait3A_58 = tpu.memref_slice %arg8[%mul3A_56] : memref<262144xi32, #tpu.memory_space<hbm>> -> memref<8192xi32, #tpu.memory_space<hbm>>
      tpu.wait_dma2 semaphore(%run_scoped3A : memref<!tpu.dma_semaphore, #tpu.memory_space<semaphore_mem>>) src(%arg15 : memref<8192xi32, #tpu.memory_space<vmem>>) dst(%dma_wait3A_58 : memref<8192xi32, #tpu.memory_space<hbm>>)
      tpu.yield
    }) : () -> ()
    return
  }
}

module attributes {stable_mosaic.version = 14 : i64} {
  func.func @_tc_mlp_kernel(%arg0: i32, %arg1: i32, %arg2: memref<1x256x16xi32, #tpu.memory_space<vmem>>, %arg3: memref<1x256x96xf32, #tpu.memory_space<vmem>>, %arg4: memref<1x1024x96xf32, #tpu.memory_space<vmem>>, %arg5: memref<96x384xf32, #tpu.memory_space<vmem>>, %arg6: memref<96x384xf32, #tpu.memory_space<vmem>>, %arg7: memref<1x384xf32, #tpu.memory_space<vmem>>, %arg8: memref<384x96xf32, #tpu.memory_space<vmem>>, %arg9: memref<1x96xf32, #tpu.memory_space<vmem>>, %arg10: memref<1x256x96xf32, #tpu.memory_space<vmem>>) attributes {dimension_semantics = [#tpu.dimension_semantics<parallel>, #tpu.dimension_semantics<parallel>], iteration_bounds = array<i64: 16, 4>, scalar_prefetch = 0 : i64, scratch_operands = 0 : i64, tpu.core_type = #tpu.core_type<tc>, window_params = [{transform_indices = @transform_0, window_bounds = array<i64: 1, 256, 16>}, {transform_indices = @transform_1, window_bounds = array<i64: 1, 256, 96>}, {transform_indices = @transform_2, window_bounds = array<i64: 1, 1024, 96>}, {pipeline_mode = #tpu.pipeline_mode<synchronous>, transform_indices = @transform_3, window_bounds = array<i64: 96, 384>}, {pipeline_mode = #tpu.pipeline_mode<synchronous>, transform_indices = @transform_4, window_bounds = array<i64: 96, 384>}, {pipeline_mode = #tpu.pipeline_mode<synchronous>, transform_indices = @transform_5, window_bounds = array<i64: 1, 384>}, {pipeline_mode = #tpu.pipeline_mode<synchronous>, transform_indices = @transform_6, window_bounds = array<i64: 384, 96>}, {pipeline_mode = #tpu.pipeline_mode<synchronous>, transform_indices = @transform_7, window_bounds = array<i64: 1, 96>}, {transform_indices = @transform_8, window_bounds = array<i64: 1, 256, 96>}]} {
    %get3A = arith.constant 0 : index
    %get3A_0 = arith.constant 0 : index
    %get3A_1 = arith.constant 0 : index
    %get3A_2 = vector.load %arg4[%get3A, %get3A_0, %get3A_1] : memref<1x1024x96xf32, #tpu.memory_space<vmem>>, vector<1x1024x96xf32>
    %get3A_3 = vector.shape_cast %get3A_2 : vector<1x1024x96xf32> to vector<1024x96xf32>
    %get3A_4 = arith.constant 0 : index
    %get3A_5 = arith.constant 0 : index
    %get3A_6 = arith.constant 0 : index
    %get3A_7 = vector.load %arg3[%get3A_4, %get3A_5, %get3A_6] : memref<1x256x96xf32, #tpu.memory_space<vmem>>, vector<1x256x96xf32>
    %get3A_8 = vector.shape_cast %get3A_7 : vector<1x256x96xf32> to vector<256x96xf32>
    %get3A_9 = arith.constant 0 : index
    %get3A_10 = arith.constant 0 : index
    %get3A_11 = vector.load %arg6[%get3A_9, %get3A_10] : memref<96x384xf32, #tpu.memory_space<vmem>>, vector<96x384xf32>
    %dot_general3A = arith.constant dense<0.000000e+00> : vector<256x384xf32>
    %dot_general3A_12 = tpu.matmul %get3A_8, %get3A_11, %dot_general3A {dimension_numbers = #tpu.dot_dimension_numbers<[1], [0], [0], [1], [0, 0, 1, 1], [], []>, transpose_lhs_hint = false} : vector<256x96xf32>, vector<96x384xf32>, vector<256x384xf32> -> vector<256x384xf32>
    %get3A_13 = arith.constant 0 : index
    %get3A_14 = arith.constant 0 : index
    %get3A_15 = vector.load %arg7[%get3A_13, %get3A_14] : memref<1x384xf32, #tpu.memory_space<vmem>>, vector<1x384xf32>
    %add3A = vector.broadcast %get3A_15 : vector<1x384xf32> to vector<256x384xf32>
    %add3A_16 = arith.addf %dot_general3A_12, %add3A : vector<256x384xf32>
    %get3A_17 = arith.constant 0 : index
    %get3A_18 = arith.constant 0 : index
    %get3A_19 = arith.constant 0 : index
    %get3A_20 = vector.load %arg2[%get3A_17, %get3A_18, %get3A_19] : memref<1x256x16xi32, #tpu.memory_space<vmem>>, vector<1x256x16xi32>
    %get3A_21 = vector.shape_cast %get3A_20 : vector<1x256x16xi32> to vector<256x16xi32>
    %iota3A = tpu.iota {dimensions = array<i32: 1>} : vector<256x1024xi32>
    %convert_element_type3A = arith.truncf %get3A_3 : vector<1024x96xf32> to vector<1024x96xbf16>
    %slice3A = vector.extract_strided_slice %get3A_21 {offsets = [0, 0], sizes = [256, 1], strides = [1, 1]} : vector<256x16xi32> to vector<256x1xi32>
    %eq3A = vector.broadcast %slice3A : vector<256x1xi32> to vector<256x1024xi32>
    %eq3A_22 = arith.cmpi eq, %iota3A, %eq3A : vector<256x1024xi32>
    %convert_element_type3A_23 = arith.extui %eq3A_22 : vector<256x1024xi1> to vector<256x1024xi32>
    %convert_element_type3A_24 = arith.sitofp %convert_element_type3A_23 : vector<256x1024xi32> to vector<256x1024xf32>
    %convert_element_type3A_25 = arith.truncf %convert_element_type3A_24 : vector<256x1024xf32> to vector<256x1024xbf16>
    %dot_general3A_26 = arith.constant dense<0.000000e+00> : vector<256x96xf32>
    %dot_general3A_27 = tpu.matmul %convert_element_type3A_25, %convert_element_type3A, %dot_general3A_26 {dimension_numbers = #tpu.dot_dimension_numbers<[1], [0], [0], [1], [0, 0, 1, 1], [], []>, transpose_lhs_hint = false} : vector<256x1024xbf16>, vector<1024x96xbf16>, vector<256x96xf32> -> vector<256x96xf32>
    %slice3A_28 = vector.extract_strided_slice %get3A_21 {offsets = [0, 1], sizes = [256, 1], strides = [1, 1]} : vector<256x16xi32> to vector<256x1xi32>
    %eq3A_29 = vector.broadcast %slice3A_28 : vector<256x1xi32> to vector<256x1024xi32>
    %eq3A_30 = arith.cmpi eq, %iota3A, %eq3A_29 : vector<256x1024xi32>
    %convert_element_type3A_31 = arith.extui %eq3A_30 : vector<256x1024xi1> to vector<256x1024xi32>
    %convert_element_type3A_32 = arith.sitofp %convert_element_type3A_31 : vector<256x1024xi32> to vector<256x1024xf32>
    %convert_element_type3A_33 = arith.truncf %convert_element_type3A_32 : vector<256x1024xf32> to vector<256x1024xbf16>
    %dot_general3A_34 = arith.constant dense<0.000000e+00> : vector<256x96xf32>
    %dot_general3A_35 = tpu.matmul %convert_element_type3A_33, %convert_element_type3A, %dot_general3A_34 {dimension_numbers = #tpu.dot_dimension_numbers<[1], [0], [0], [1], [0, 0, 1, 1], [], []>, transpose_lhs_hint = false} : vector<256x1024xbf16>, vector<1024x96xbf16>, vector<256x96xf32> -> vector<256x96xf32>
    %slice3A_36 = vector.extract_strided_slice %get3A_21 {offsets = [0, 2], sizes = [256, 1], strides = [1, 1]} : vector<256x16xi32> to vector<256x1xi32>
    %eq3A_37 = vector.broadcast %slice3A_36 : vector<256x1xi32> to vector<256x1024xi32>
    %eq3A_38 = arith.cmpi eq, %iota3A, %eq3A_37 : vector<256x1024xi32>
    %convert_element_type3A_39 = arith.extui %eq3A_38 : vector<256x1024xi1> to vector<256x1024xi32>
    %convert_element_type3A_40 = arith.sitofp %convert_element_type3A_39 : vector<256x1024xi32> to vector<256x1024xf32>
    %convert_element_type3A_41 = arith.truncf %convert_element_type3A_40 : vector<256x1024xf32> to vector<256x1024xbf16>
    %dot_general3A_42 = arith.constant dense<0.000000e+00> : vector<256x96xf32>
    %dot_general3A_43 = tpu.matmul %convert_element_type3A_41, %convert_element_type3A, %dot_general3A_42 {dimension_numbers = #tpu.dot_dimension_numbers<[1], [0], [0], [1], [0, 0, 1, 1], [], []>, transpose_lhs_hint = false} : vector<256x1024xbf16>, vector<1024x96xbf16>, vector<256x96xf32> -> vector<256x96xf32>
    %slice3A_44 = vector.extract_strided_slice %get3A_21 {offsets = [0, 3], sizes = [256, 1], strides = [1, 1]} : vector<256x16xi32> to vector<256x1xi32>
    %eq3A_45 = vector.broadcast %slice3A_44 : vector<256x1xi32> to vector<256x1024xi32>
    %eq3A_46 = arith.cmpi eq, %iota3A, %eq3A_45 : vector<256x1024xi32>
    %convert_element_type3A_47 = arith.extui %eq3A_46 : vector<256x1024xi1> to vector<256x1024xi32>
    %convert_element_type3A_48 = arith.sitofp %convert_element_type3A_47 : vector<256x1024xi32> to vector<256x1024xf32>
    %convert_element_type3A_49 = arith.truncf %convert_element_type3A_48 : vector<256x1024xf32> to vector<256x1024xbf16>
    %dot_general3A_50 = arith.constant dense<0.000000e+00> : vector<256x96xf32>
    %dot_general3A_51 = tpu.matmul %convert_element_type3A_49, %convert_element_type3A, %dot_general3A_50 {dimension_numbers = #tpu.dot_dimension_numbers<[1], [0], [0], [1], [0, 0, 1, 1], [], []>, transpose_lhs_hint = false} : vector<256x1024xbf16>, vector<1024x96xbf16>, vector<256x96xf32> -> vector<256x96xf32>
    %slice3A_52 = vector.extract_strided_slice %get3A_21 {offsets = [0, 4], sizes = [256, 1], strides = [1, 1]} : vector<256x16xi32> to vector<256x1xi32>
    %eq3A_53 = vector.broadcast %slice3A_52 : vector<256x1xi32> to vector<256x1024xi32>
    %eq3A_54 = arith.cmpi eq, %iota3A, %eq3A_53 : vector<256x1024xi32>
    %convert_element_type3A_55 = arith.extui %eq3A_54 : vector<256x1024xi1> to vector<256x1024xi32>
    %convert_element_type3A_56 = arith.sitofp %convert_element_type3A_55 : vector<256x1024xi32> to vector<256x1024xf32>
    %convert_element_type3A_57 = arith.truncf %convert_element_type3A_56 : vector<256x1024xf32> to vector<256x1024xbf16>
    %dot_general3A_58 = arith.constant dense<0.000000e+00> : vector<256x96xf32>
    %dot_general3A_59 = tpu.matmul %convert_element_type3A_57, %convert_element_type3A, %dot_general3A_58 {dimension_numbers = #tpu.dot_dimension_numbers<[1], [0], [0], [1], [0, 0, 1, 1], [], []>, transpose_lhs_hint = false} : vector<256x1024xbf16>, vector<1024x96xbf16>, vector<256x96xf32> -> vector<256x96xf32>
    %slice3A_60 = vector.extract_strided_slice %get3A_21 {offsets = [0, 5], sizes = [256, 1], strides = [1, 1]} : vector<256x16xi32> to vector<256x1xi32>
    %eq3A_61 = vector.broadcast %slice3A_60 : vector<256x1xi32> to vector<256x1024xi32>
    %eq3A_62 = arith.cmpi eq, %iota3A, %eq3A_61 : vector<256x1024xi32>
    %convert_element_type3A_63 = arith.extui %eq3A_62 : vector<256x1024xi1> to vector<256x1024xi32>
    %convert_element_type3A_64 = arith.sitofp %convert_element_type3A_63 : vector<256x1024xi32> to vector<256x1024xf32>
    %convert_element_type3A_65 = arith.truncf %convert_element_type3A_64 : vector<256x1024xf32> to vector<256x1024xbf16>
    %dot_general3A_66 = arith.constant dense<0.000000e+00> : vector<256x96xf32>
    %dot_general3A_67 = tpu.matmul %convert_element_type3A_65, %convert_element_type3A, %dot_general3A_66 {dimension_numbers = #tpu.dot_dimension_numbers<[1], [0], [0], [1], [0, 0, 1, 1], [], []>, transpose_lhs_hint = false} : vector<256x1024xbf16>, vector<1024x96xbf16>, vector<256x96xf32> -> vector<256x96xf32>
    %slice3A_68 = vector.extract_strided_slice %get3A_21 {offsets = [0, 6], sizes = [256, 1], strides = [1, 1]} : vector<256x16xi32> to vector<256x1xi32>
    %eq3A_69 = vector.broadcast %slice3A_68 : vector<256x1xi32> to vector<256x1024xi32>
    %eq3A_70 = arith.cmpi eq, %iota3A, %eq3A_69 : vector<256x1024xi32>
    %convert_element_type3A_71 = arith.extui %eq3A_70 : vector<256x1024xi1> to vector<256x1024xi32>
    %convert_element_type3A_72 = arith.sitofp %convert_element_type3A_71 : vector<256x1024xi32> to vector<256x1024xf32>
    %convert_element_type3A_73 = arith.truncf %convert_element_type3A_72 : vector<256x1024xf32> to vector<256x1024xbf16>
    %dot_general3A_74 = arith.constant dense<0.000000e+00> : vector<256x96xf32>
    %dot_general3A_75 = tpu.matmul %convert_element_type3A_73, %convert_element_type3A, %dot_general3A_74 {dimension_numbers = #tpu.dot_dimension_numbers<[1], [0], [0], [1], [0, 0, 1, 1], [], []>, transpose_lhs_hint = false} : vector<256x1024xbf16>, vector<1024x96xbf16>, vector<256x96xf32> -> vector<256x96xf32>
    %slice3A_76 = vector.extract_strided_slice %get3A_21 {offsets = [0, 7], sizes = [256, 1], strides = [1, 1]} : vector<256x16xi32> to vector<256x1xi32>
    %eq3A_77 = vector.broadcast %slice3A_76 : vector<256x1xi32> to vector<256x1024xi32>
    %eq3A_78 = arith.cmpi eq, %iota3A, %eq3A_77 : vector<256x1024xi32>
    %convert_element_type3A_79 = arith.extui %eq3A_78 : vector<256x1024xi1> to vector<256x1024xi32>
    %convert_element_type3A_80 = arith.sitofp %convert_element_type3A_79 : vector<256x1024xi32> to vector<256x1024xf32>
    %convert_element_type3A_81 = arith.truncf %convert_element_type3A_80 : vector<256x1024xf32> to vector<256x1024xbf16>
    %dot_general3A_82 = arith.constant dense<0.000000e+00> : vector<256x96xf32>
    %dot_general3A_83 = tpu.matmul %convert_element_type3A_81, %convert_element_type3A, %dot_general3A_82 {dimension_numbers = #tpu.dot_dimension_numbers<[1], [0], [0], [1], [0, 0, 1, 1], [], []>, transpose_lhs_hint = false} : vector<256x1024xbf16>, vector<1024x96xbf16>, vector<256x96xf32> -> vector<256x96xf32>
    %slice3A_84 = vector.extract_strided_slice %get3A_21 {offsets = [0, 8], sizes = [256, 1], strides = [1, 1]} : vector<256x16xi32> to vector<256x1xi32>
    %eq3A_85 = vector.broadcast %slice3A_84 : vector<256x1xi32> to vector<256x1024xi32>
    %eq3A_86 = arith.cmpi eq, %iota3A, %eq3A_85 : vector<256x1024xi32>
    %convert_element_type3A_87 = arith.extui %eq3A_86 : vector<256x1024xi1> to vector<256x1024xi32>
    %convert_element_type3A_88 = arith.sitofp %convert_element_type3A_87 : vector<256x1024xi32> to vector<256x1024xf32>
    %convert_element_type3A_89 = arith.truncf %convert_element_type3A_88 : vector<256x1024xf32> to vector<256x1024xbf16>
    %dot_general3A_90 = arith.constant dense<0.000000e+00> : vector<256x96xf32>
    %dot_general3A_91 = tpu.matmul %convert_element_type3A_89, %convert_element_type3A, %dot_general3A_90 {dimension_numbers = #tpu.dot_dimension_numbers<[1], [0], [0], [1], [0, 0, 1, 1], [], []>, transpose_lhs_hint = false} : vector<256x1024xbf16>, vector<1024x96xbf16>, vector<256x96xf32> -> vector<256x96xf32>
    %slice3A_92 = vector.extract_strided_slice %get3A_21 {offsets = [0, 9], sizes = [256, 1], strides = [1, 1]} : vector<256x16xi32> to vector<256x1xi32>
    %eq3A_93 = vector.broadcast %slice3A_92 : vector<256x1xi32> to vector<256x1024xi32>
    %eq3A_94 = arith.cmpi eq, %iota3A, %eq3A_93 : vector<256x1024xi32>
    %convert_element_type3A_95 = arith.extui %eq3A_94 : vector<256x1024xi1> to vector<256x1024xi32>
    %convert_element_type3A_96 = arith.sitofp %convert_element_type3A_95 : vector<256x1024xi32> to vector<256x1024xf32>
    %convert_element_type3A_97 = arith.truncf %convert_element_type3A_96 : vector<256x1024xf32> to vector<256x1024xbf16>
    %dot_general3A_98 = arith.constant dense<0.000000e+00> : vector<256x96xf32>
    %dot_general3A_99 = tpu.matmul %convert_element_type3A_97, %convert_element_type3A, %dot_general3A_98 {dimension_numbers = #tpu.dot_dimension_numbers<[1], [0], [0], [1], [0, 0, 1, 1], [], []>, transpose_lhs_hint = false} : vector<256x1024xbf16>, vector<1024x96xbf16>, vector<256x96xf32> -> vector<256x96xf32>
    %stack3A = vector.shape_cast %dot_general3A_27 : vector<256x96xf32> to vector<1x256x96xf32>
    %stack3A_100 = vector.shape_cast %dot_general3A_35 : vector<256x96xf32> to vector<1x256x96xf32>
    %stack3A_101 = vector.shape_cast %dot_general3A_43 : vector<256x96xf32> to vector<1x256x96xf32>
    %stack3A_102 = vector.shape_cast %dot_general3A_51 : vector<256x96xf32> to vector<1x256x96xf32>
    %stack3A_103 = vector.shape_cast %dot_general3A_59 : vector<256x96xf32> to vector<1x256x96xf32>
    %stack3A_104 = vector.shape_cast %dot_general3A_67 : vector<256x96xf32> to vector<1x256x96xf32>
    %stack3A_105 = vector.shape_cast %dot_general3A_75 : vector<256x96xf32> to vector<1x256x96xf32>
    %stack3A_106 = vector.shape_cast %dot_general3A_83 : vector<256x96xf32> to vector<1x256x96xf32>
    %stack3A_107 = vector.shape_cast %dot_general3A_91 : vector<256x96xf32> to vector<1x256x96xf32>
    %stack3A_108 = vector.shape_cast %dot_general3A_99 : vector<256x96xf32> to vector<1x256x96xf32>
    %stack3A_109 = tpu.concatenate %stack3A, %stack3A_100, %stack3A_101, %stack3A_102, %stack3A_103, %stack3A_104, %stack3A_105, %stack3A_106, %stack3A_107, %stack3A_108 in 0 : vector<1x256x96xf32>, vector<1x256x96xf32>, vector<1x256x96xf32>, vector<1x256x96xf32>, vector<1x256x96xf32>, vector<1x256x96xf32>, vector<1x256x96xf32>, vector<1x256x96xf32>, vector<1x256x96xf32>, vector<1x256x96xf32> -> vector<10x256x96xf32>
    %reshape3A = vector.shape_cast %stack3A_109 : vector<10x256x96xf32> to vector<2560x96xf32>
    %get3A_110 = arith.constant 0 : index
    %get3A_111 = arith.constant 0 : index
    %get3A_112 = vector.load %arg5[%get3A_110, %get3A_111] : memref<96x384xf32, #tpu.memory_space<vmem>>, vector<96x384xf32>
    %dot_general3A_113 = arith.constant dense<0.000000e+00> : vector<2560x384xf32>
    %dot_general3A_114 = tpu.matmul %reshape3A, %get3A_112, %dot_general3A_113 {dimension_numbers = #tpu.dot_dimension_numbers<[1], [0], [0], [1], [0, 0, 1, 1], [], []>, transpose_lhs_hint = false} : vector<2560x96xf32>, vector<96x384xf32>, vector<2560x384xf32> -> vector<2560x384xf32>
    %reshape3A_115 = vector.shape_cast %dot_general3A_114 : vector<2560x384xf32> to vector<10x256x384xf32>
    %broadcast_in_dim3A = vector.shape_cast %add3A_16 : vector<256x384xf32> to vector<1x256x384xf32>
    %add3A_116 = vector.broadcast %broadcast_in_dim3A : vector<1x256x384xf32> to vector<10x256x384xf32>
    %add3A_117 = arith.addf %reshape3A_115, %add3A_116 : vector<10x256x384xf32>
    %mul3A = arith.constant 5.000000e-01 : f32
    %mul3A_118 = vector.broadcast %mul3A : f32 to vector<10x256x384xf32>
    %mul3A_119 = arith.mulf %mul3A_118, %add3A_117 : vector<10x256x384xf32>
    %mul3A_120 = arith.constant 0.707106769 : f32
    %mul3A_121 = vector.broadcast %mul3A_120 : f32 to vector<10x256x384xf32>
    %mul3A_122 = arith.mulf %add3A_117, %mul3A_121 : vector<10x256x384xf32>
    %erf3A = math.erf %mul3A_122 : vector<10x256x384xf32>
    %add3A_123 = arith.constant 1.000000e+00 : f32
    %add3A_124 = vector.broadcast %add3A_123 : f32 to vector<10x256x384xf32>
    %add3A_125 = arith.addf %add3A_124, %erf3A : vector<10x256x384xf32>
    %mul3A_126 = arith.mulf %mul3A_119, %add3A_125 : vector<10x256x384xf32>
    %reshape3A_127 = vector.shape_cast %mul3A_126 : vector<10x256x384xf32> to vector<2560x384xf32>
    %get3A_128 = arith.constant 0 : index
    %get3A_129 = arith.constant 0 : index
    %get3A_130 = vector.load %arg8[%get3A_128, %get3A_129] : memref<384x96xf32, #tpu.memory_space<vmem>>, vector<384x96xf32>
    %dot_general3A_131 = arith.constant dense<0.000000e+00> : vector<2560x96xf32>
    %dot_general3A_132 = tpu.matmul %reshape3A_127, %get3A_130, %dot_general3A_131 {dimension_numbers = #tpu.dot_dimension_numbers<[1], [0], [0], [1], [0, 0, 1, 1], [], []>, transpose_lhs_hint = false} : vector<2560x384xf32>, vector<384x96xf32>, vector<2560x96xf32> -> vector<2560x96xf32>
    %get3A_133 = arith.constant 0 : index
    %get3A_134 = arith.constant 0 : index
    %get3A_135 = vector.load %arg9[%get3A_133, %get3A_134] : memref<1x96xf32, #tpu.memory_space<vmem>>, vector<1x96xf32>
    %add3A_136 = vector.broadcast %get3A_135 : vector<1x96xf32> to vector<2560x96xf32>
    %add3A_137 = arith.addf %dot_general3A_132, %add3A_136 : vector<2560x96xf32>
    %mul3A_138 = arith.constant 5.000000e-01 : f32
    %mul3A_139 = vector.broadcast %mul3A_138 : f32 to vector<2560x96xf32>
    %mul3A_140 = arith.mulf %mul3A_139, %add3A_137 : vector<2560x96xf32>
    %mul3A_141 = arith.constant 0.707106769 : f32
    %mul3A_142 = vector.broadcast %mul3A_141 : f32 to vector<2560x96xf32>
    %mul3A_143 = arith.mulf %add3A_137, %mul3A_142 : vector<2560x96xf32>
    %erf3A_144 = math.erf %mul3A_143 : vector<2560x96xf32>
    %add3A_145 = arith.constant 1.000000e+00 : f32
    %add3A_146 = vector.broadcast %add3A_145 : f32 to vector<2560x96xf32>
    %add3A_147 = arith.addf %add3A_146, %erf3A_144 : vector<2560x96xf32>
    %mul3A_148 = arith.mulf %mul3A_140, %add3A_147 : vector<2560x96xf32>
    %reshape3A_149 = vector.shape_cast %mul3A_148 : vector<2560x96xf32> to vector<10x256x96xf32>
    %reduce_max3A = arith.constant dense<0xFF800000> : vector<256x96xf32>
    %reduce_max3A_150 = vector.multi_reduction <maximumf>, %reshape3A_149, %reduce_max3A [0] : vector<10x256x96xf32> to vector<256x96xf32>
    %swap3A = arith.constant 0 : index
    %swap3A_151 = arith.constant 0 : index
    %swap3A_152 = arith.constant 0 : index
    %swap3A_153 = vector.load %arg10[%swap3A, %swap3A_151, %swap3A_152] : memref<1x256x96xf32, #tpu.memory_space<vmem>>, vector<1x256x96xf32>
    %swap3A_154 = vector.shape_cast %swap3A_153 : vector<1x256x96xf32> to vector<256x96xf32>
    %swap3A_155 = vector.shape_cast %reduce_max3A_150 : vector<256x96xf32> to vector<1x256x96xf32>
    tpu.vector_store %arg10[%swap3A, %swap3A_151, %swap3A_152], %swap3A_155 {strides = array<i32>} : memref<1x256x96xf32, #tpu.memory_space<vmem>>, vector<1x256x96xf32>,
    return
  }
  func.func @transform_0(%arg0: i32, %arg1: i32) -> (i32, i32, i32) {
    %c0_i32 = arith.constant 0 : i32
    %c0_i32_0 = arith.constant 0 : i32
    return %arg0, %arg1, %c0_i32 : i32, i32, i32
  }
  func.func @transform_1(%arg0: i32, %arg1: i32) -> (i32, i32, i32) {
    %c0_i32 = arith.constant 0 : i32
    %c0_i32_0 = arith.constant 0 : i32
    return %arg0, %arg1, %c0_i32 : i32, i32, i32
  }
  func.func @transform_2(%arg0: i32, %arg1: i32) -> (i32, i32, i32) {
    %c0_i32 = arith.constant 0 : i32
    %c0_i32_0 = arith.constant 0 : i32
    %c0_i32_1 = arith.constant 0 : i32
    return %arg0, %c0_i32, %c0_i32_0 : i32, i32, i32
  }
  func.func @transform_3(%arg0: i32, %arg1: i32) -> (i32, i32) {
    %c0_i32 = arith.constant 0 : i32
    %c0_i32_0 = arith.constant 0 : i32
    %c0_i32_1 = arith.constant 0 : i32
    return %c0_i32, %c0_i32_0 : i32, i32
  }
  func.func @transform_4(%arg0: i32, %arg1: i32) -> (i32, i32) {
    %c0_i32 = arith.constant 0 : i32
    %c0_i32_0 = arith.constant 0 : i32
    %c0_i32_1 = arith.constant 0 : i32
    return %c0_i32, %c0_i32_0 : i32, i32
  }
  func.func @transform_5(%arg0: i32, %arg1: i32) -> (i32, i32) {
    %c0_i32 = arith.constant 0 : i32
    %c0_i32_0 = arith.constant 0 : i32
    %c0_i32_1 = arith.constant 0 : i32
    return %c0_i32, %c0_i32_0 : i32, i32
  }
  func.func @transform_6(%arg0: i32, %arg1: i32) -> (i32, i32) {
    %c0_i32 = arith.constant 0 : i32
    %c0_i32_0 = arith.constant 0 : i32
    %c0_i32_1 = arith.constant 0 : i32
    return %c0_i32, %c0_i32_0 : i32, i32
  }
  func.func @transform_7(%arg0: i32, %arg1: i32) -> (i32, i32) {
    %c0_i32 = arith.constant 0 : i32
    %c0_i32_0 = arith.constant 0 : i32
    %c0_i32_1 = arith.constant 0 : i32
    return %c0_i32, %c0_i32_0 : i32, i32
  }
  func.func @transform_8(%arg0: i32, %arg1: i32) -> (i32, i32, i32) {
    %c0_i32 = arith.constant 0 : i32
    %c0_i32_0 = arith.constant 0 : i32
    return %arg0, %arg1, %c0_i32 : i32, i32, i32
  }
}

</mosaic_0001>

<sc_bundles>
// kernel: kernel.10.cloned.1.call-start
scs
__scs_entry_jumppad:
0x0: {  	(pc) =	sbr.rel $0x88, $3  }
0x1: {  	(tag) =	ssettag $0x0;
	lr =	simm.s32 $0x1  }
0x2: {  	[smem:$0x3F99] =	sst lr;
	_ =	strace $0xD0000000  }
0x3: {  	_ = 	snop  }
0x4: {  	_ = 	snop  }
0x5: {  	_ = 	snop  }
0x6: {  	_ = 	snop  }
0x7: {  	_ = 	snop  }
__scs_overlays_trampoline_lowered:
0x8: {  	[smem:$0x3FA8] =	sst s0  }
0x9: {  	[smem:$0x3FA9] =	sst s1  }
0xa: {  	[smem:$0x3FAA] =	sst s2  }
0xb: {  	[smem:$0x3FAB] =	sst s3  }
0xc: {  	[smem:$0x3FAC] =	sst s4  }
0xd: {  	[smem:$0x3FAD] =	sst s5  }
0xe: {  	[smem:$0x3FAE] =	sst s6  }
0xf: {  	[smem:$0x3FAF] =	sst s7  }
0x10: {  	[smem:$0x3FB0] =	sst s8  }
0x11: {  	[smem:$0x3FB1] =	sst s9;
	s0 =	simm.s32 @!p0 $0x0  }
0x12: {  	s1 =	sld [smem:$0x3F97];
	s0 =	simm.s32 @p0 $0x1  }
0x13: {  	[smem:$0x3FB2] =	sst s0;
	s0 =	simm.s32 @!p1 $0x0  }
0x14: {  	s2 =	sld [smem:$0x3F96];
	s0 =	simm.s32 @p1 $0x1  }
0x15: {  	[smem:$0x3FB3] =	sst s0;
	s0 =	simm.s32 @!p2 $0x0  }
0x16: {  	s3 =	sld [smem:$0x3FDB];
	s0 =	simm.s32 @p2 $0x1  }
0x17: {  	s4 =	simm.s32 $0x1BF5;
	[smem:$0x3FB5] =	sst s0  }
0x18: {  	s0 =	sld [smem:$0x3F98];
	_ =	swait.ge [sflag:s4], $0x0  }
0x19: {  	s7 =	sld [smem:$0x3F99]  }
0x1a: {  	s8 =	sadd.s32 $0xFFFFE003, lr  }
0x1b: {  	s9 =	sadd.s32 $0xFFFFFEF7, lr;
	s5 =	simm.s32 $0xFFFFFFFF;
	p2 =	slt.u32 s8, $0xFFFFF086  }
0x1c: {  	p1 =	slt.u32 s9, $0xF7A;
	s5 =	simm.s32 @!p2 $0x0  }
0x1d: {  	s5 =	simm.s32 @p1 $0x1;
	p0 =	seq.s32 s7, s2  }
0x1e: {  	s7 =	smul.u32 @!p0 $0xF7A, s2;
	p2 =	seq.s32 @!p0 s5, $0x0  }
0x1f: {  	s9 =	smul.u32 $0xF7A, s1;
	s8 =	simm.s32 @!p0 $0x1BF5;
	p2 =	por !p2, p0  }
0x20: {  	[sflag:s8] =	ssyncset.s32 @!p0 $0xFFFFF086;
	s6 =	sadd.s32 @!p0 s3, s7;
	s7 =	simm.s32 @!p0 $0x108  }
0x21: {  	s3 =	sadd.s32 s3, s9;
	s6 =	sadd.s32 @!p0 $0x88, s6;
	s7 =	simm.s32 @p2 $0x1082  }
0x22: {  	[simem:s7], [sflag:s8] =	dma.local @!p0 [hbm:s6], $0xF7A  }
0x23: {  	s9 =	sor.u32 $0xD0000000, s2;
	s6 =	simm.s32 $0x108;
	_ =	swait.ge @!p0 [sflag:s8], $0x0  }
0x24: {  	s3 =	sadd.s32 $0x88, s3;
	s6 =	simm.s32 @!p1 $0x1082;
	[sflag:s4] =	ssyncset.s32 $0xFFFFF086  }
0x25: {  	[simem:s6], [sflag:s4] =	dma.local [hbm:s3], $0xF7A  }
0x26: {  	[smem:$0x3F99] =	sst s1;
	(tag) =	ssettag s2;
	_ =	strace s9  }
0x27: {  	s1 =	sld [smem:$0x3FA9]  }
0x28: {  	s2 =	sld [smem:$0x3FAA]  }
0x29: {  	s4 =	sld [smem:$0x3FAC]  }
0x2a: {  	p0 =	seq.s32 s5, $0x0;
	s5 =	sld [smem:$0x3FAD]  }
0x2b: {  	s6 =	sld [smem:$0x3FAE]  }
0x2c: {  	s7 =	sld [smem:$0x3FAF]  }
0x2d: {  	s3 =	simm.s32 $0x108;
	s8 =	sld [smem:$0x3FB0]  }
0x2e: {  	s3 =	simm.s32 @!p0 $0x1082;
	s9 =	sld [smem:$0x3FB1]  }
0x2f: {  	lr =	sadd.s32 s0, s3;
	s0 =	sld [smem:$0x3FA8]  }
0x30: {  	s3 =	sld [smem:$0x3FAB]  }
0x31: {  	[smem:$0x3FB4] =	sst s10  }
0x32: {  	s10 =	sld [smem:$0x3FB2];
	_ =	sdelay $0x3  }
0x33: {  	p0 =	seq.s32 s10, $0x1;
	s10 =	sld [smem:$0x3FB4];
	_ =	sdelay $0x3  }
0x34: {  	[smem:$0x3FB4] =	sst s10  }
0x35: {  	s10 =	sld [smem:$0x3FB3];
	_ =	sdelay $0x3  }
0x36: {  	p1 =	seq.s32 s10, $0x1;
	s10 =	sld [smem:$0x3FB4];
	_ =	sdelay $0x3  }
0x37: {  	[smem:$0x3FB4] =	sst s10  }
0x38: {  	s10 =	sld [smem:$0x3FB5]  }
0x39: {  	_ = 	snop;
	(pc) =	sbr.ind lr, $3  }
0x3a: {  	_ = 	snop  }
0x3b: {  	_ = 	snop  }
0x3c: {  	p2 =	seq.s32 s10, $0x1;
	s10 =	sld [smem:$0x3FB4]  }
0x3d: {  	_ =	shalt  }
0x3e: {  	_ =	shalt  }
0x3f: {  	_ =	shalt  }
0x40: {  	_ =	shalt  }
0x41: {  	_ =	shalt  }
0x42: {  	_ =	shalt  }
0x43: {  	_ =	shalt  }
0x44: {  	_ =	shalt  }
0x45: {  	_ =	shalt  }
0x46: {  	_ =	shalt  }
0x47: {  	_ =	shalt  }
0x48: {  	_ =	shalt  }
0x49: {  	_ =	shalt  }
0x4a: {  	_ =	shalt  }
0x4b: {  	_ =	shalt  }
0x4c: {  	_ =	shalt  }
0x4d: {  	_ =	shalt  }
0x4e: {  	_ =	shalt  }
0x4f: {  	_ =	shalt  }
0x50: {  	_ =	shalt  }
0x51: {  	_ =	shalt  }
0x52: {  	_ =	shalt  }
0x53: {  	_ =	shalt  }
0x54: {  	_ =	shalt  }
0x55: {  	_ =	shalt  }
0x56: {  	_ =	shalt  }
0x57: {  	_ =	shalt  }
0x58: {  	_ =	shalt  }
0x59: {  	_ =	shalt  }
0x5a: {  	_ =	shalt  }
0x5b: {  	_ =	shalt  }
0x5c: {  	_ =	shalt  }
0x5d: {  	_ =	shalt  }
0x5e: {  	_ =	shalt  }
0x5f: {  	_ =	shalt  }
0x60: {  	_ =	shalt  }
0x61: {  	_ =	shalt  }
0x62: {  	_ =	shalt  }
0x63: {  	_ =	shalt  }
0x64: {  	_ =	shalt  }
0x65: {  	_ =	shalt  }
0x66: {  	_ =	shalt  }
0x67: {  	_ =	shalt  }
0x68: {  	_ =	shalt  }
0x69: {  	_ =	shalt  }
0x6a: {  	_ =	shalt  }
0x6b: {  	_ =	shalt  }
0x6c: {  	_ =	shalt  }
0x6d: {  	_ =	shalt  }
0x6e: {  	_ =	shalt  }
0x6f: {  	_ =	shalt  }
0x70: {  	_ =	shalt  }
0x71: {  	_ =	shalt  }
0x72: {  	_ =	shalt  }
0x73: {  	_ =	shalt  }
0x74: {  	_ =	shalt  }
0x75: {  	_ =	shalt  }
0x76: {  	_ =	shalt  }
0x77: {  	_ =	shalt  }
0x78: {  	_ =	shalt  }
0x79: {  	_ =	shalt  }
0x7a: {  	_ =	shalt  }
0x7b: {  	_ =	shalt  }
0x7c: {  	_ =	shalt  }
0x7d: {  	_ =	shalt  }
0x7e: {  	_ =	shalt  }
0x7f: {  	_ =	shalt  }
0x80: {  	_ =	shalt  }
0x81: {  	_ =	shalt  }
0x82: {  	_ =	shalt  }
0x83: {  	_ =	shalt  }
0x84: {  	_ =	shalt  }
0x85: {  	_ =	shalt  }
0x86: {  	_ =	shalt  }
0x87: {  	_ =	shalt  }
.Lfunc_end0:
.L_simem_size_0:
called_computation_lowered:
.L_overlay_start_0:
0x88: {  	s2 =	sld [smem:$0x3FD9]  }
0x89: {  	s3 =	sld [smem:$0x3FFE];
	_ =	sdelay $0x1  }
0x8a: {  	s1 =	srdreg.scid  }
0x8b: {  	s0 =	sand.u32 $0x1, s1  }
0x8c: {  	s17 =	sshll.u32 s0, $0xA;
	s2 =	sadd.s32 s3, s2  }
0x8d: {  	s2 =	sadd.s32 s2, s17  }
0x8e: {  	[smem:$0x3FC0] =	sst s2  }
0x8f: {  	_ = 	snop  }
0x90: {  	(tm) =	ssettm $0x1  }
0x91: {  	s18 =	sld [smem:$0x3FFB];
	_ =	sdelay $0x3  }
0x92: {  	_ =	strace s18  }
0x93: {  	s2 =	sld [smem:$0x3FFC];
	_ =	sdelay $0x3  }
0x94: {  	_ =	strace s2  }
0x95: {  	s2 =	sld [smem:$0x3FFD];
	_ =	sdelay $0x3  }
0x96: {  	_ =	strace s2  }
0x97: {  	_ =	strace $0x8FFFFFFF  }
0x98: {  	s19 =	sld [smem:$0x3FDB];
	_ =	sdelay $0x1  }
0x99: {  	s20 =	simm.s32 $_scs_section_size  }
0x9a: {  	s4 =	simm.s32 $_size__tile_overlayer_lowered;
	s5 =	simm.s32 $_tile_overlayer_lowered  }
0x9b: {  	s6 =	simm.s32 $0x1BFF;
	s21 =	sshll.u32 s5, $0x1;
	s3 =	sadd.s32 s20, s19  }
0x9c: {  	s22 =	simm.s32 $0x0;
	s4 =	sshll.u32 s4, $0x1;
	s5 =	sadd.s32 s21, s3  }
0x9d: {  	[timem:s22], [sflag:s6] =	dma.local [hbm:s5], s4  }
0x9e: {  	_ =	swait.ge [sflag:s6], s4  }
0x9f: {  	s4 =	ssub.s32 $0x0, s4;
	[sflag:s6] =	ssyncset.done $0x0  }
0xa0: {  	[sflag:s6] =	ssyncadd.s32 s4;
	_ =	sdelay $0x1  }
0xa1: {  	s23 =	simm.s32 $0x1B8B  }
0xa2: {  	_ =	swait.ge [sflag:s23], $0x1  }
0xa3: {  	[sflag:s23] =	ssyncset.done $0x0  }
0xa4: {  	[sflag:s23] =	ssyncadd.s32 $0xFFFFFFFF  }
0xa5: {  	s4 =	sld [smem:$0x0]  }
0xa6: {  	s5 =	sand.u32 $0xFFFFFFFE, s1  }
0xa7: {  	p0 =	sne.s32 s1, s5  }
0xa8: {  	s5 =	sshll.u32 @p0 s5, $0xE  }
0xa9: {  	s5 =	sadd.s32 @p0 $0x11B8D, s5;
	s6 =	sshll.u32 @p0 s4, $0x11  }
0xaa: {  	s5 =	sor.u32 @p0 s6, s5  }
0xab: {  	[sflag:s5] =	ssyncadd.remote.s32 @p0 $0x1;
	_ =	sdelay $0x1  }
0xac: {  	s5 =	simm.s32 @p0 $0x1B8D  }
0xad: {  	_ =	swait.eq @p0 [sflag:s5], $0x1  }
0xae: {  	[sflag:s5] =	ssyncadd.s32 @p0 $0xFFFFFFFF  }
0xaf: {  	s6 =	sshll.u32 @!p0 s1, $0xE  }
0xb0: {  	s6 =	sor.u32 @!p0 $0x4000, s6;
	s5 =	simm.s32 @!p0 $0x1B8D  }
0xb1: {  	s4 =	sshll.u32 @!p0 s4, $0x11;
	s6 =	sadd.s32 @!p0 $0x11B8D, s6;
	_ =	swait.eq @!p0 [sflag:s5], $0x1  }
0xb2: {  	s4 =	sor.u32 @!p0 s4, s6;
	[sflag:s5] =	ssyncadd.s32 @!p0 $0xFFFFFFFF  }
0xb3: {  	s25 =	simm.s32 $0x1B8E;
	s24 =	sld [smem:$0x3FFE];
	[sflag:s4] =	ssyncadd.remote.s32 @!p0 $0x1  }
0xb4: {  	s26 =	simm.s32 $execute0_lowered;
	[smem:$0x3FD2] =	sst s25  }
0xb5: {  	s5 =	sshll.u32 s26, $0x1;
	_ =	strace $0x8000004F;
	[dreg:$0x1] =	wrdreg $0xFFFFFFFF  }
0xb6: {  	s28 =	simm.s32 $_size_execute0_lowered;
	s3 =	sadd.s32 s3, s5;
	[dreg:$0x0] =	wrdreg $0x0  }
0xb7: {  	s5 =	sshll.u32 s28, $0x1;
	[dreg:$0x2] =	wrdreg s3  }
0xb8: {  	[dreg:$0x3] =	wrdreg s5  }
0xb9: {  	[dreg:$0x4] =	wrdreg $0xC0  }
0xba: {  	_ =	task [dreg:s22], $0x5FFFF  }
0xbb: {  	[dreg:$0x1] =	wrdreg $0xFFFFFFFF  }
0xbc: {  	[dreg:$0x0] =	wrdreg $0x60  }
0xbd: {  	[dreg:$0x2] =	wrdreg s24  }
0xbe: {  	[dreg:$0x3] =	wrdreg $0x9  }
0xbf: {  	_ =	task.clear_ibuf [dreg:s22], $0x4FFFF;
	_ =	strace $0x9000004F  }
0xc0: {  	s29 =	simm.s32 $0x9;
	_ =	strace $0x80000051  }
0xc1: {  	_ =	swait.ge [sflag:s29], $0x1  }
0xc2: {  	[sflag:s29] =	ssyncadd.s32 $0xFFFFFFFF  }
0xc3: {  	_ =	strace $0x90000051  }
0xc4: {  	_ =	sfence  }
0xc5: {  	s30 =	sld [smem:$0x0];
	_ =	sdelay $0x2  }
0xc6: {  	s31 =	sshll.u32 s1, $0xD;
	s1 =	sshrl.u32 s1, $0x2  }
0xc7: {  	s4 =	sand.u32 $0x4000, s31;
	s1 =	sadd.s32 s1, s30  }
0xc8: {  	s0 =	sor.u32 s4, s0;
	s1 =	sshll.u32 s1, $0x11  }
0xc9: {  	s0 =	sor.u32 s1, s0  }
0xca: {  	s0 =	sadd.s32 $0x8F2B, s0  }
0xcb: {  	[sflag:s0] =	ssyncadd.remote.s32 $0x1  }
0xcc: {  	_ =	sfence.sel $0xFFFF  }
0xcd: {  	[dreg:$0x0] =	wrdreg $0xFFFFFFFF;
	(pc) =	sbr.abs _section_cstart, $3  }
0xce: {  	[dreg:$0x1] =	wrdreg $0xFFFFFFFF  }
0xcf: {  	_ =	task.clear_ibuf [dreg:s22], $0x2FFFF;
	_ =	strace $0x9FFFFFFF  }
0xd0: {  	(tm) =	ssettm $0x7FFFFFFF  }
0xd1: {  	_ =	shalt  }
tec
execute0_lowered:
.L_overlay_start_1:
0x0: {  	(tag) =	ssettag $0x1  }
0x1: {  	s0 =	srdreg.scid  }
0x2: {  	s3 =	stileid.u32;
	s4 =	rddreg [dreg:$0x0]  }
0x3: {  	s2 =	simm.s32 $0x0;
	s12 =	simm.s32 $0x400;
	s0 =	sand.u32 $0x1, s0  }
0x4: {  	s13 =	simm.s32 $0x800;
	s14 =	simm.s32 $0xC00;
	s1 =	sor.u32 s0, s3  }
0x5: {  	s15 =	simm.s32 $0x2C00;
	p1 =	seq.s32 s0, $0x1;
	p0 =	seq.s32 s1, $0x0  }
0x6: {  	s16 =	simm.s32 $0x4C00;
	s17 =	simm.s32 $0x6C00;
	p0 =	por !p0, !p1  }
0x7: {  	[smem:$0x7FF] =	sst s2;
	s1 =	simm.s32 $0x1;
	p0 =	por !p0, !p0  }
0x8: {  	s18 =	simm.s32 $0x0;
	_ =	strace $0x80000050;
	s1 =	simm.s32 @!p0 $0x0  }
0x9: {  	s6 =	sshll.u32 s0, $0xA;
	s0 =	ssub.s32 $0x2, s0;
	s1 =	ssub.s32 s3, s1  }
0xa: {  	s31 =	sshrl.u32 s0, $0x1;
	s5 =	sshll.u32 s1, $0x7;
	s1 =	sshll.u32 s1, $0xB  }
0xb: {  	s0 =	ssub.s32 s0, s31;
	s1 =	sand.u32 $0x1FFFF800, s1;
	s5 =	sand.u32 $0x1FFFFF80, s5  }
0xc: {  	s11 =	smax.u32 s0, $0x1;
	s1 =	sor.u32 s6, s1;
	s7 =	sadd.s32 s5, s4  }
0xd: {  	s3 =	simm.s32 $0x1;
	s1 =	sadd.s32 s1, s4;
	s4 =	sadd.s32 $0x68200, s7  }
0xe: {  	s5 =	sadd.s32 $0x68A00, s7;
	s6 =	sadd.s32 $0x81200, s7;
	s7 =	sadd.s32 $0x69200, s1  }
0xf: {  	v0 =	vlaneseq.u32;
	s8 =	sadd.s32 $0x71200, s1;
	s9 =	sadd.s32 $0x79200, s1;
	s10 =	sadd.s32 $0x81A00, s1  }
.LBB2_1:
0x10: {  	[tilespmem:s2], [sflag:$0x1] =	stream.linear.gather [hbm4b:s4+s2], $0x400, $0x38;
	[tilespmem:$0x8C00] =	vst v63  }
0x11: {  	_ =	swait.ge [sflag:s3], $0x400  }
0x12: {  	[sflag:s3] =	ssyncset.done $0x0  }
0x13: {  	[sflag:s3] =	ssyncadd.s32 $0xFFFFFC00  }
0x14: {  	[tilespmem:s12], [sflag:$0x1] =	stream.linear.gather [hbm4b:s5+s2], $0x400, $0x38;
	[tilespmem:$0x8C00] =	vst v63  }
0x15: {  	_ =	swait.ge [sflag:s3], $0x400  }
0x16: {  	[sflag:s3] =	ssyncset.done $0x0  }
0x17: {  	[sflag:s3] =	ssyncadd.s32 $0xFFFFFC00  }
0x18: {  	[tilespmem:s13], [sflag:$0x1] =	stream.linear.gather [hbm4b:s6+s2], $0x400, $0x38;
	[tilespmem:$0x8C00] =	vst v63  }
0x19: {  	_ =	swait.ge [sflag:s3], $0x400  }
0x1a: {  	[sflag:s3] =	ssyncset.done $0x0  }
0x1b: {  	[sflag:s3] =	ssyncadd.s32 $0xFFFFFC00  }
0x1c: {  	[tilespmem:s14], [sflag:$0x1] =	stream.linear.gather [hbm4b:s7+s2], $0x2000, $0x38;
	[tilespmem:$0x8C00] =	vst v63  }
0x1d: {  	_ =	swait.ge [sflag:s3], $0x2000  }
0x1e: {  	[sflag:s3] =	ssyncset.done $0x0  }
0x1f: {  	[sflag:s3] =	ssyncadd.s32 $0xFFFFE000  }
0x20: {  	[tilespmem:s15], [sflag:$0x1] =	stream.linear.gather [hbm4b:s8+s2], $0x2000, $0x38;
	[tilespmem:$0x8C00] =	vst v63  }
0x21: {  	_ =	swait.ge [sflag:s3], $0x2000  }
0x22: {  	[sflag:s3] =	ssyncset.done $0x0  }
0x23: {  	[sflag:s3] =	ssyncadd.s32 $0xFFFFE000  }
0x24: {  	[tilespmem:s16], [sflag:$0x1] =	stream.linear.gather [hbm4b:s9+s2], $0x2000, $0x38;
	[tilespmem:$0x8C00] =	vst v63  }
0x25: {  	_ =	swait.ge [sflag:s3], $0x2000  }
0x26: {  	[sflag:s3] =	ssyncset.done $0x0  }
0x27: {  	s19 =	simm.s32 $0x0;
	[sflag:s3] =	ssyncadd.s32 $0xFFFFE000  }
.LBB2_2:
0x28: {  	s20 =	sshll.u32 s19, $0x4  }
0x29: {  	v1 =	vld [tilespmem:s20+$0x1800]  }
0x2a: {  	s0 =	simm.s32 $0x400;
	v2 =	vld [tilespmem:s20+$0x3800]  }
0x2b: {  	s1 =	simm.s32 $0x0;
	v23 =	vld [tilespmem:s0+$0x0]  }
0x2c: {  	v24 =	vld [tilespmem:s1+$0x0];
	_ =	sdelay $0x2  }
0x2d: {  	v3 =	vld [tilespmem:s20+$0x1000]  }
0x2e: {  	v4 =	vld [tilespmem:s20+$0x3000]  }
0x2f: {  	v55 =	vld [tilespmem:s20+$0x5800];
	v8 =	vmul.f32 v24, v1;
	v9 =	vmul.f32 v23, v2  }
0x30: {  	v51 =	vld [tilespmem:s20+$0x2000]  }
0x31: {  	s21 =	simm.s32 $0x800;
	v5 =	vld [tilespmem:s20+$0x4000];
	v9 =	vadd.f32 v9, v8  }
0x32: {  	v27 =	vld [tilespmem:s21+$0x0]  }
0x33: {  	v12 =	vld [tilespmem:s20+$0x2800];
	v11 =	vadd.f32 v9, v9  }
0x34: {  	s22 =	simm.s32 $0x410;
	v58 =	vld [tilespmem:s20+$0x4800]  }
0x35: {  	s23 =	simm.s32 $0x10;
	v35 =	vld [tilespmem:s22+$0x0];
	v13 =	vsub.f32 v55, v11  }
0x36: {  	v36 =	vld [tilespmem:s23+$0x0]  }
0x37: {  	v56 =	vld [tilespmem:s20+$0x4400];
	v16 =	vmul.f32 v23, v5;
	v15 =	vadd.f32 v13, v27  }
0x38: {  	v6 =	vld [tilespmem:s20+$0x3400];
	v17 =	vmul.f32 v24, v51;
	v25 =	vmul.f32 v24, v12  }
0x39: {  	v60 =	vld [tilespmem:s20+$0x6000];
	v28 =	vmul.f32 v23, v58;
	v30 =	vmul.f32 v23, v4;
	v20 =	vadd.f32 $9.999999740e-06, v15  }
0x3a: {  	v26 =	vor.u32 s1, v0;
	v32 =	vmul.f32 v24, v3;
	v38 =	vmul.f32 v35, v5;
	v8 =	vld [tilespmem:s20+$0x2400]  }
0x3b: {  	v61 =	vld [tilespmem:s20+$0x6400];
	v42 =	vmul.f32 v36, v1;
	v43 =	vmul.f32 v35, v2;
	(xrf1) =	vsort.dscd.msk.f32 $0xffff, v20, v26  }
0x3c: {  	v14 =	vld [tilespmem:s20+$0x6800];
	v48 =	vmul.f32 v36, v51;
	v21 =	vadd.f32 v16, v17;
	v25 =	vadd.f32 v28, v25  }
0x3d: {  	v10 =	vld [tilespmem:s20+$0x5000];
	v19 =	vmul.f32 v23, v56;
	v30 =	vadd.f32 v30, v32;
	v42 =	vadd.f32 v43, v42  }
0x3e: {  	v7 =	vld [tilespmem:s20+$0x3C00];
	v52 =	vmul.f32 v35, v56;
	v38 =	vadd.f32 v38, v48;
	v21 =	vadd.f32 v21, v21  }
0x3f: {  	v9 =	vld [tilespmem:s20+$0x1400];
	v25 =	vadd.f32 v25, v25;
	v32 =	vadd.f32 v30, v30;
	v18 =	vmul.f32 v24, v8  }
0x40: {  	v53 =	vmul.f32 v35, v6;
	v50 =	vadd.f32 v42, v42;
	v38 =	vadd.f32 v38, v38;
	v11 =	vld [tilespmem:s20+$0xC00]  }
0x41: {  	v63 =	vld [tilespmem:s20+$0x1C00];
	v54 =	vmul.f32 v36, v3;
	v21 =	vsub.f32 v60, v21;
	v19 =	vadd.f32 v19, v18  }
0x42: {  	v45 =	vmul.f32 v36, v12;
	v25 =	vsub.f32 v14, v25;
	v46 =	vsub.f32 v10, v32  }
0x43: {  	v62 =	vld [tilespmem:s20+$0x2C00];
	v30 =	vimm.f32 $+Inf;
	v38 =	vsub.f32 v60, v38;
	v29 =	vadd.f32 v19, v19  }
0x44: {  	v32 =	vimm.s32 $0x0;
	v33 =	vadd.f32 v21, v27;
	v25 =	vadd.f32 v25, v27  }
0x45: {  	v22 =	vmul.f32 v24, v9;
	v34 =	vmul.f32 v24, v11;
	v28 =	vsub.f32 v61, v29  }
0x46: {  	v47 =	vadd.f32 v46, v27;
	v24 =	vmul.f32 v24, v63;
	v29 =	vmul.f32 v23, v7  }
0x47: {  	v33 =	vadd.f32 $9.999999740e-06, v33;
	v20 =	vmul.f32 v23, v6;
	v28 =	vadd.f32 v28, v27  }
0x48: {  	v15 =	vld [tilespmem:s20+$0x5C00];
	v44 =	vadd.f32 $9.999999740e-06, v47;
	v23 =	vmul.f32 v23, v62;
	v29 =	vadd.f32 v29, v24  }
0x49: {  	s24 =	simm.s32 $0x810;
	v13 =	vld [tilespmem:s20+$0x5400];
	v47 =	vmul.f32 v35, v58;
	(xrf1) =	vsort.dscd.msk.f32 $0xffff, v33, v26;
	v31 =	vadd.f32 v20, v22;
	v28 =	vadd.f32 $9.999999740e-06, v28;
	v40, v41, _ =	vpop (xrf1)  }
0x4a: {  	v33 =	vld [tilespmem:s24+$0x0];
	v23 =	vadd.f32 v23, v34;
	v29 =	vadd.f32 v29, v29;
	vm0 =	vlt.f32 v40, v30  }
0x4b: {  	v46 =	vadd.f32 $9.999999740e-06, v25;
	(xrf1) =	vsort.dscd.msk.f32 $0xffff, v28, v26;
	v41 =	vsel vm0, v41, v32;
	v40 =	vsel vm0, v40, v30  }
0x4c: {  	v45 =	vadd.f32 v47, v45;
	v31 =	vadd.f32 v31, v31;
	(xrf1) =	vsort.ascd.msk.f32 $0xffff, v40, v41  }
0x4d: {  	v16 =	vld [tilespmem:s20+$0x4C00];
	v37 =	vadd.f32 v23, v23;
	v29 =	vsub.f32 v15, v29;
	(xrf1) =	vsort.dscd.msk.f32 $0xffff, v44, v26  }
0x4e: {  	v49 =	vmul.f32 v36, v8;
	v31 =	vsub.f32 v13, v31;
	v41 =	vsub.f32 v55, v50  }
0x4f: {  	v57 =	vmul.f32 v36, v9;
	v38 =	vadd.f32 v38, v33;
	v29 =	vadd.f32 v29, v27  }
0x50: {  	v25 =	vor.u32 s23, v0;
	v31 =	vadd.f32 v31, v27;
	v41 =	vadd.f32 v41, v33  }
0x51: {  	v39 =	vmul.f32 v36, v11;
	v29 =	vadd.f32 $9.999999740e-06, v29;
	v40 =	vadd.f32 v52, v49  }
0x52: {  	v28 =	vmul.f32 v35, v4;
	v37 =	vsub.f32 v16, v37;
	v41 =	vadd.f32 $9.999999740e-06, v41  }
0x53: {  	v34 =	vmul.f32 v35, v7;
	v31 =	vadd.f32 $9.999999740e-06, v31;
	v40 =	vadd.f32 v40, v40;
	(xrf1) =	vsort.dscd.msk.f32 $0xffff, v29, v26  }
0x54: {  	v35 =	vmul.f32 v35, v62;
	v38 =	vadd.f32 $9.999999740e-06, v38;
	v28 =	vadd.f32 v28, v54;
	(xrf1) =	vsort.dscd.msk.f32 $0xffff, v41, v25  }
0x55: {  	s26 =	simm.s32 $0x20;
	v27 =	vadd.f32 v37, v27;
	v40 =	vsub.f32 v61, v40;
	(xrf1) =	vsort.dscd.msk.f32 $0xffff, v31, v26  }
0x56: {  	v35 =	vadd.f32 v35, v39;
	v28 =	vadd.f32 v28, v28;
	(xrf1) =	vsort.dscd.msk.f32 $0xffff, v46, v26;
	v46 =	vld [tilespmem:s26+$0x0]  }
0x57: {  	v36 =	vmul.f32 v36, v63;
	v42, v43, _ =	vpop (xrf1);
	v50 =	vadd.f32 v45, v45;
	v40 =	vadd.f32 v40, v33  }
0x58: {  	v35 =	vadd.f32 v35, v35;
	vm9 =	vlt.f32 v42, v30;
	v29 =	vadd.f32 v53, v57  }
0x59: {  	v49 =	vsel vm9, v43, v32;
	v52 =	vsub.f32 v14, v50;
	v48, v59, _ =	vpop (xrf1);
	v40 =	vadd.f32 $9.999999740e-06, v40  }
0x5a: {  	v27 =	vadd.f32 $9.999999740e-06, v27;
	v29 =	vadd.f32 v29, v29;
	vm1 =	vlt.f32 v48, v30;
	v39, v44, _ =	vpop (xrf1);
	(xrf1) =	vsort.dscd.msk.f32 $0xffff, v38, v25  }
0x5b: {  	s25 =	simm.s32 $0x420;
	v17 =	vmov v60;
	v31 =	vsel vm9, v42, v30;
	v47 =	vmul.f32 v46, v8;
	v53, v45, _ =	vpop (xrf1);
	(xrf1) =	vsort.dscd.msk.f32 $0xffff, v40, v25  }
0x5c: {  	v21 =	vmovc v62;
	v38 =	vmul.f32 v46, v3;
	v40 =	vld [tilespmem:s25+$0x0];
	(xrf1) =	vsort.dscd.msk.f32 $0xffff, v27, v26;
	v26 =	vsub.f32 v10, v28  }
0x5d: {  	v18 =	vmovc v61;
	vm10 =	vlt.f32 v53, v30;
	v27 =	vadd.f32 v34, v36;
	v28 =	vsub.f32 v13, v29  }
0x5e: {  	[tilespmem:$0x1FFE0] =	vst v13;
	v34 =	vadd.f32 v52, v33;
	v29 =	vsel vm1, v48, v30;
	(xrf1) =	vsort.ascd.msk.f32 $0xffff, v31, v49  }
0x5f: {  	v19 =	vmovc v7;
	v54 =	vsel vm10, v45, v32;
	v43 =	vsel vm10, v53, v30;
	v45 =	vsub.f32 v16, v35  }
0x60: {  	v24 =	vmovc v16;
	v49 =	vmul.f32 v46, v1;
	v26 =	vadd.f32 v26, v33;
	v31 =	vadd.f32 v27, v27  }
0x61: {  	v13 =	vmovc v9;
	v27 =	vsel vm1, v59, v32;
	v36 =	vadd.f32 v28, v33;
	v28 =	vmul.f32 v40, v5  }
0x62: {  	(xrf1) =	vsort.ascd.msk.f32 $0xffff, v29, v27;
	v42 =	vmul.f32 v40, v4;
	v48 =	vmul.f32 v40, v6;
	v50 =	vadd.f32 $9.999999740e-06, v26  }
0x63: {  	v37, v29, _ =	vpop (xrf1);
	(xrf1) =	vsort.ascd.msk.f32 $0xffff, v43, v54;
	v26 =	vmul.f32 v40, v2;
	v43 =	vmul.f32 v46, v9;
	v9 =	vmov v51  }
0x64: {  	[tilespmem:$0x1FFF0] =	vst v14;
	v51 =	vmul.f32 v46, v51;
	v31 =	vsub.f32 v15, v31;
	v54 =	vmul.f32 v46, v12;
	v59, v57, _ =	vpop (xrf1)  }
0x65: {  	v16 =	vmovc v58;
	v58 =	vmul.f32 v40, v58;
	vm11 =	vlt.f32 v37, v30;
	vm2 =	vlt.f32 v59, v39  }
0x66: {  	s29 =	simm.s32 $0x820;
	v22 =	vmovc v63;
	v49 =	vadd.f32 v26, v49;
	v31 =	vadd.f32 v31, v33;
	v44 =	vsel vm2, v57, v44  }
0x67: {  	[tilespmem:$0x1FFD0] =	vst v10;
	v52, v53, _ =	vpop (xrf1);
	v26 =	vld [tilespmem:s29+$0x0];
	v28 =	vadd.f32 v28, v51;
	v35 =	vsel vm11, v29, v32;
	v39 =	vsel vm2, v59, v39  }
0x68: {  	v20 =	vmovc v11;
	v43 =	vadd.f32 v48, v43;
	vm12 =	vlt.f32 v52, v30;
	v49 =	vadd.f32 v49, v49  }
0x69: {  	v23 =	vmovc v15;
	(xrf1) =	vsort.ascd.msk.f32 $0xffff, v39, v44;
	v51 =	vsel vm12, v52, v30;
	v52 =	vmul.f32 v40, v56  }
0x6a: {  	v14 =	vmov v6;
	v54 =	vadd.f32 v58, v54;
	v29 =	vsub.f32 v55, v49;
	v39, v44, _ =	vpop (xrf1);
	(xrf1) =	vsort.dscd.msk.f32 $0xffff, v50, v25  }
0x6b: {  	v41 =	vmul.f32 v46, v11;
	v11 =	vmovc v8;
	v33 =	vadd.f32 v45, v33;
	v47 =	vadd.f32 v52, v47  }
0x6c: {  	v8 =	vmovc v55;
	v27 =	vmul.f32 v40, v7;
	v42 =	vadd.f32 v42, v38;
	v57 =	vadd.f32 v29, v26  }
0x6d: {  	v10 =	vmovc v5;
	v7 =	vmovc v4;
	v37 =	vsel vm11, v37, v30;
	v49 =	vadd.f32 $9.999999740e-06, v31;
	v47 =	vadd.f32 v47, v47  }
0x6e: {  	v15 =	vmovc v12;
	v12 =	vmovc v56;
	v45 =	vmul.f32 v46, v63;
	v56 =	vadd.f32 v28, v28;
	v48 =	vadd.f32 $9.999999740e-06, v57  }
0x6f: {  	v28 =	vor.u32 s26, v0;
	v46 =	vadd.f32 v42, v42;
	(xrf1) =	vsort.dscd.msk.f32 $0xffff, v49, v25;
	v47 =	vsub.f32 v61, v47  }
0x70: {  	v36 =	vadd.f32 $9.999999740e-06, v36;
	v56 =	vsub.f32 v60, v56;
	v50, v55, _ =	vpop (xrf1);
	vm13 =	vlt.f32 v39, v30;
	(xrf1) =	vsort.dscd.msk.f32 $0xffff, v48, v28  }
0x71: {  	v4 =	vmovc v1;
	(xrf1) =	vsort.ascd.msk.f32 $0xffff, v37, v35;
	v37 =	vadd.f32 v43, v43;
	v43 =	vadd.f32 v47, v26  }
0x72: {  	v60 =	vsel vm12, v53, v32;
	v53 =	vadd.f32 $9.999999740e-06, v34;
	v44 =	vsel vm13, v44, v32;
	v31, v29, _ =	vpop (xrf1);
	(xrf1) =	vsort.dscd.msk.f32 $0xffff, v36, v25  }
0x73: {  	v0 =	vld [tilespmem:$0x1FFF0];
	v58 =	vsel vm13, v39, v30;
	v61 =	vadd.f32 v56, v26;
	v52, v59, _ =	vpop (xrf1);
	(xrf1) =	vsort.ascd.msk.f32 $0xffff, v51, v60;
	v43 =	vadd.f32 $9.999999740e-06, v43  }
0x74: {  	v5 =	vmov v2;
	v56 =	vmul.f32 v40, v62;
	v49, v57, _ =	vpop (xrf1);
	vm15 =	vlt.f32 v52, v30;
	(xrf1) =	vsort.ascd.msk.f32 $0xffff, v58, v44  }
0x75: {  	s30 =	simm.s32 $0x30;
	v61 =	vadd.f32 $9.999999740e-06, v61;
	v30 =	vsel vm15, v52, v30;
	v35, v34, _ =	vpop (xrf1);
	v60 =	vsel vm15, v59, v32;
	(xrf1) =	vsort.dscd.msk.f32 $0xffff, v53, v25  }
0x76: {  	s31 =	simm.s32 $0x30;
	s21 =	sor.u32 $0x400, s20;
	s22 =	sor.u32 $0x800, s20;
	v6 =	vmov v3;
	v62 =	vadd.f32 v54, v54;
	vm14 =	vlt.f32 v50, v49;
	v32, v36, _ =	vpop (xrf1);
	(xrf1) =	vsort.ascd.msk.f32 $0xffff, v30, v60  }
0x77: {  	s28 =	sor.u32 $0x1400, s20;
	s1 =	simm.s32 $0x430;
	s23 =	sor.u32 $0xC00, s20;
	v41 =	vadd.f32 v56, v41;
	v39 =	vsel vm14, v50, v49;
	v30 =	vadd.f32 $9.999999740e-06, v33;
	v33, v38, _ =	vpop (xrf1);
	(xrf1) =	vsort.dscd.msk.f32 $0xffff, v61, v28  }
0x78: {  	s24 =	sor.u32 $0x1000, s20;
	s25 =	sor.u32 $0x1C00, s20;
	s26 =	sor.u32 $0x1800, s20;
	v3 =	vmov v0;
	v40 =	vsel vm14, v55, v57;
	v44 =	vsub.f32 v0, v62;
	(xrf1) =	vsort.dscd.msk.f32 $0xffff, v43, v28;
	v42, v43, _ =	vpop (xrf1)  }
.LBB2_3:
0x79: {  	v47 =	vld [tilespmem:s1+$0x0]  }
0x7a: {  	v0 =	vld [tilespmem:$0x1FFD0];
	_ =	sdelay $0x1  }
0x7b: {  	vm0 =	vlt.f32 v42, v32;
	vm1 =	vlt.f32 v31, v35;
	v27 =	vadd.f32 v27, v45  }
0x7c: {  	(xrf1) =	vsort.dscd.msk.f32 $0xffff, v30, v25;
	v30 =	vld [tilespmem:s31+$0x0];
	v31 =	vsel vm1, v31, v35;
	v1 =	vsel vm0, v43, v36  }
0x7d: {  	v63 =	vadd.f32 v27, v27;
	v27 =	vsel vm1, v29, v34;
	v29 =	vadd.f32 v41, v41  }
0x7e: {  	v25 =	vmovc v28;
	v28 =	vsub.f32 v0, v46;
	v0 =	vld [tilespmem:$0x1FFE0];
	v48 =	vmul.f32 v47, v7;
	v50 =	vmul.f32 v47, v14  }
0x7f: {  	v45, v46, _ =	vpop (xrf1);
	(xrf1) =	vsort.ascd.msk.f32 $0xffff, v39, v40;
	v52 =	vmul.f32 v47, v5;
	v2 =	vmul.f32 v47, v16  }
0x80: {  	v34, v57, _ =	vpop (xrf1);
	(xrf1) =	vsort.ascd.msk.f32 $0xffff, v31, v27;
	v27 =	vmul.f32 v47, v19;
	v31 =	vmul.f32 v47, v10  }
0x81: {  	v39 =	vadd.f32 v44, v26;
	v44 =	vmul.f32 v30, v20;
	v51 =	vmul.f32 v30, v4  }
0x82: {  	v35 =	vsub.f32 v23, v63;
	v54 =	vmul.f32 v30, v6;
	v55 =	vmul.f32 v30, v13  }
0x83: {  	v59 =	vmul.f32 v30, v11;
	v41, v43, _ =	vpop (xrf1);
	v37 =	vsub.f32 v0, v37;
	v0 =	vsel vm0, v42, v32  }
0x84: {  	v60 =	vmul.f32 v30, v15;
	vm2 =	vlt.f32 v34, v33;
	v42, v49, _ =	vpop (xrf1);
	(xrf1) =	vsort.ascd.msk.f32 $0xffff, v0, v1  }
0x85: {  	v28 =	vadd.f32 v28, v26;
	vm11 =	vlt.f32 v45, v41;
	v38 =	vsel vm2, v57, v38;
	v32, v36, _ =	vpop (xrf1)  }
0x86: {  	v51 =	vadd.f32 v52, v51;
	v33 =	vsel vm2, v34, v33;
	v34 =	vadd.f32 v35, v26;
	v40, v56, _ =	vpop (xrf1)  }
0x87: {  	s29 =	sadd.s32 $0x10, s29;
	v52 =	vmul.f32 v30, v9;
	v50 =	vadd.f32 v50, v55;
	v2 =	vadd.f32 v2, v60;
	v57, v58, _ =	vpop (xrf1)  }
0x88: {  	v53 =	vld [tilespmem:s29+$0x0];
	v28 =	vadd.f32 $9.999999740e-06, v28;
	v43 =	vsel vm11, v46, v43;
	v51 =	vadd.f32 v51, v51;
	v61, v62, _ =	vpop (xrf1)  }
0x89: {  	v41 =	vsel vm11, v45, v41;
	v35 =	vadd.f32 v31, v52;
	v52 =	vsub.f32 v24, v29;
	v63, v0, _ =	vpop (xrf1)  }
0x8a: {  	v37 =	vadd.f32 v37, v26;
	vm12 =	vlt.f32 v42, v32;
	v31, v29, _ =	vpop (xrf1);
	(xrf1) =	vsort.ascd.msk.f32 $0xffff, v33, v38  }
0x8b: {  	v34 =	vadd.f32 $9.999999740e-06, v34;
	v46 =	vsub.f32 v8, v51;
	v33 =	vsel vm12, v42, v32;
	v38, v42, _ =	vpop (xrf1);
	(xrf1) =	vsort.dscd.msk.f32 $0xffff, v28, v25  }
0x8c: {  	v51 =	vadd.f32 $9.999999740e-06, v39;
	v32 =	vadd.f32 v35, v35;
	v35 =	vmul.f32 v47, v12  }
0x8d: {  	v49 =	vsel vm12, v49, v36;
	v46 =	vadd.f32 v46, v53;
	vm13 =	vlt.f32 v57, v40  }
0x8e: {  	v56 =	vsel vm13, v58, v56;
	v40 =	vsel vm13, v57, v40;
	v59 =	vadd.f32 v35, v59  }
0x8f: {  	s0 =	smov.u32 s30;
	v46 =	vadd.f32 $9.999999740e-06, v46;
	v28 =	vlaneseq.u32;
	v60 =	vsub.f32 v17, v32  }
0x90: {  	v28 =	vor.u32 s0, v28;
	vm15 =	vlt.f32 v38, v61;
	v39, v1, _ =	vpop (xrf1);
	(xrf1) =	vsort.dscd.msk.f32 $0xffff, v34, v25;
	v58 =	vadd.f32 v59, v59  }
0x91: {  	v42 =	vsel vm15, v42, v62;
	v62 =	vsel vm15, v38, v61;
	v35, v34, _ =	vpop (xrf1);
	(xrf1) =	vsort.dscd.msk.f32 $0xffff, v46, v28;
	v59 =	vadd.f32 $9.999999740e-06, v37  }
0x92: {  	vm14 =	vlt.f32 v63, v39;
	v45 =	vsub.f32 v18, v58;
	v32, v36, _ =	vpop (xrf1);
	(xrf1) =	vsort.ascd.msk.f32 $0xffff, v41, v43  }
0x93: {  	v37 =	vadd.f32 v50, v50;
	v55 =	vadd.f32 v60, v53;
	(xrf1) =	vsort.dscd.msk.f32 $0xffff, v59, v25  }
0x94: {  	p0 =	sne.s32 s30, $0x3F0;
	v39 =	vsel vm14, v63, v39;
	v57 =	vadd.f32 v45, v53;
	(xrf1) =	vsort.ascd.msk.f32 $0xffff, v33, v49  }
.Ltmp0:
0x95: {  	v63 =	vadd.f32 v52, v26;
	v58 =	vmul.f32 v47, v21;
	(xrf1) =	vsort.ascd.msk.f32 $0xffff, v40, v56;
	(pc) =	sbr.rel @p0 .LBB2_3-.Ltmp0, $4  }
0x96: {  	v59 =	vadd.f32 $9.999999740e-06, v55;
	v60 =	vadd.f32 $9.999999740e-06, v57;
	v40 =	vsel vm14, v0, v1;
	(xrf1) =	vsort.dscd.msk.f32 $0xffff, v51, v25  }
0x97: {  	v0 =	vadd.f32 v48, v54;
	v1 =	vadd.f32 v2, v2;
	(xrf1) =	vsort.ascd.msk.f32 $0xffff, v62, v42  }
0x98: {  	v45 =	vmul.f32 v30, v22;
	v30 =	vadd.f32 $9.999999740e-06, v63;
	v41 =	vadd.f32 v58, v44;
	v33, v38, _ =	vpop (xrf1);
	(xrf1) =	vsort.dscd.msk.f32 $0xffff, v59, v28  }
0x99: {  	s30 =	sadd.s32 $0x10, s30;
	s1 =	sadd.s32 $0x10, s1;
	s31 =	sadd.s32 $0x10, s31;
	v26 =	vmov v53;
	v46 =	vadd.f32 v0, v0;
	v44 =	vsub.f32 v3, v1;
	v42, v43, _ =	vpop (xrf1);
	(xrf1) =	vsort.dscd.msk.f32 $0xffff, v60, v28  }
0x9a: {  	v1 =	vld [tilespmem:$0x1FFD0];
	_ =	sdelay $0x1  }
0x9b: {  	(xrf1) =	vsort.dscd.msk.f32 $0xffff, v30, v25;
	v0 =	vadd.f32 v27, v45;
	v4 =	vld [tilespmem:$0x1FFE0]  }
0x9c: {  	vm0 =	vlt.f32 v42, v32  }
0x9d: {  	vm1 =	vlt.f32 v31, v35;
	(xrf1) =	vsort.ascd.msk.f32 $0xffff, v39, v40;
	v0 =	vadd.f32 v0, v0  }
0x9e: {  	v6 =	vsel vm1, v31, v35;
	v12 =	vsel vm0, v42, v32;
	v2, v3, _ =	vpop (xrf1);
	v1 =	vsub.f32 v1, v46  }
0x9f: {  	v7 =	vsel vm1, v29, v34;
	v36 =	vsel vm0, v43, v36;
	v0 =	vsub.f32 v23, v0;
	v8, v9, _ =	vpop (xrf1)  }
0xa0: {  	v4 =	vsub.f32 v4, v37;
	v37, v11, _ =	vpop (xrf1);
	vm5 =	vlt.f32 v8, v33;
	v1 =	vadd.f32 v1, v26  }
0xa1: {  	(xrf1) =	vsort.ascd.msk.f32 $0xffff, v6, v7;
	v0 =	vadd.f32 v0, v26;
	v13, v14, _ =	vpop (xrf1);
	v9 =	vsel vm5, v9, v38  }
0xa2: {  	v10 =	vadd.f32 v41, v41;
	(xrf1) =	vsort.ascd.msk.f32 $0xffff, v12, v36;
	v8 =	vsel vm5, v8, v33;
	v6, v12, _ =	vpop (xrf1);
	v1 =	vadd.f32 $9.999999740e-06, v1  }
0xa3: {  	v4 =	vadd.f32 v4, v26;
	vm6 =	vlt.f32 v2, v37;
	v0 =	vadd.f32 $9.999999740e-06, v0;
	v15, v16, _ =	vpop (xrf1);
	(xrf1) =	vsort.ascd.msk.f32 $0xffff, v8, v9  }
0xa4: {  	v3 =	vsel vm6, v3, v11;
	(xrf1) =	vsort.dscd.msk.f32 $0xffff, v1, v28  }
0xa5: {  	v10 =	vsub.f32 v24, v10;
	v8, v9, _ =	vpop (xrf1);
	(xrf1) =	vsort.dscd.msk.f32 $0xffff, v0, v28;
	v0 =	vsel vm6, v2, v37;
	v2 =	vadd.f32 $9.999999740e-06, v4  }
0xa6: {  	v1, v17, _ =	vpop (xrf1)  }
0xa7: {  	v5 =	vadd.f32 v44, v26;
	v42 =	vadd.f32 v10, v26;
	vm7 =	vlt.f32 v13, v6;
	v39, v38, _ =	vpop (xrf1)  }
0xa8: {  	v6 =	vsel vm7, v13, v6;
	vm8 =	vlt.f32 v8, v15;
	(xrf1) =	vsort.ascd.msk.f32 $0xffff, v0, v3;
	v0, v3, _ =	vpop (xrf1)  }
0xa9: {  	v40 =	vsel vm7, v14, v12;
	v9 =	vsel vm8, v9, v16;
	(xrf1) =	vsort.dscd.msk.f32 $0xffff, v2, v28;
	v2, v41, _ =	vpop (xrf1)  }
0xaa: {  	v5 =	vadd.f32 $9.999999740e-06, v5;
	v8 =	vsel vm8, v8, v15;
	(xrf1) =	vsort.ascd.msk.f32 $0xffff, v6, v40;
	vm9 =	vlt.f32 v2, v1  }
0xab: {  	(xrf1) =	vsort.ascd.msk.f32 $0xffff, v8, v9;
	v1 =	vsel vm9, v2, v1;
	v2 =	vadd.f32 $9.999999740e-06, v42  }
0xac: {  	(xrf1) =	vsort.dscd.msk.f32 $0xffff, v5, v28;
	v43 =	vsel vm9, v41, v17  }
0xad: {  	(xrf1) =	vsort.ascd.msk.f32 $0xffff, v1, v43  }
0xae: {  	(xrf1) =	vsort.dscd.msk.f32 $0xffff, v2, v28;
	_ =	sdelay $0x1  }
0xaf: {  	v1, v2, _ =	vpop (xrf1)  }
0xb0: {  	v44, v45, _ =	vpop (xrf1)  }
0xb1: {  	vm10 =	vlt.f32 v39, v1;
	v47, v46, _ =	vpop (xrf1)  }
0xb2: {  	v1 =	vsel vm10, v39, v1;
	v2 =	vsel vm10, v38, v2;
	vm11 =	vlt.f32 v0, v44;
	v49, v48, _ =	vpop (xrf1)  }
0xb3: {  	(xrf1) =	vsort.ascd.msk.f32 $0xffff, v1, v2;
	v1 =	vsel vm11, v3, v45;
	v10, v50, _ =	vpop (xrf1)  }
0xb4: {  	v0 =	vsel vm11, v0, v44;
	v51, v52, _ =	vpop (xrf1)  }
0xb5: {  	v53, v54, _ =	vpop (xrf1)  }
0xb6: {  	v2, v3, _ =	vpop (xrf1)  }
0xb7: {  	(xrf1) =	vsort.ascd.msk.f32 $0xffff, v0, v1;
	vm12 =	vlt.f32 v10, v47;
	v0, v1, _ =	vpop (xrf1)  }
0xb8: {  	v55 =	vsel vm12, v50, v46;
	v56 =	vsel vm12, v10, v47;
	vm13 =	vlt.f32 v51, v53;
	v58, v57, _ =	vpop (xrf1)  }
0xb9: {  	(xrf1) =	vsort.ascd.msk.f32 $0xffff, v56, v55;
	v7 =	vsel vm13, v52, v54;
	vm14 =	vlt.f32 v2, v0;
	v5, v6, _ =	vpop (xrf1)  }
0xba: {  	v0 =	vsel vm14, v2, v0;
	v2 =	vsel vm13, v51, v53;
	v60, v59, _ =	vpop (xrf1);
	vm2 =	vlt.f32 v5, v58  }
0xbb: {  	v1 =	vsel vm14, v3, v1;
	(xrf1) =	vsort.ascd.msk.f32 $0xffff, v2, v7;
	v4, v13, _ =	vpop (xrf1);
	v6 =	vsel vm2, v6, v57  }
0xbc: {  	v2 =	vsel vm2, v5, v58;
	(xrf1) =	vsort.ascd.msk.f32 $0xffff, v0, v1;
	vm15 =	vlt.f32 v4, v60  }
0xbd: {  	(xrf1) =	vsort.ascd.msk.f32 $0xffff, v2, v6;
	v0 =	vsel vm15, v13, v59;
	v1 =	vsel vm15, v4, v60  }
0xbe: {  	(xrf1) =	vsort.ascd.msk.f32 $0xffff, v1, v0;
	_ =	sdelay $0x7  }
0xbf: {  	[tilespmem:s23+$0x6C00] =	vst v48;
	v0, v1, _ =	vpop (xrf1)  }
0xc0: {  	s19 =	sadd.s32 $0x1, s19;
	v0, v2, _ =	vpop (xrf1);
	[tilespmem:s28+$0x6C00] =	vst v1  }
0xc1: {  	p0 =	sne.s32 s19, $0x40;
	[tilespmem:s26+$0x6C00] =	vst v2;
	v0, v3, _ =	vpop (xrf1)  }
.Ltmp1:
0xc2: {  	[tilespmem:s21+$0x6C00] =	vst v3;
	v0, v61, _ =	vpop (xrf1);
	(pc) =	sbr.rel @p0 .LBB2_2-.Ltmp1, $4  }
0xc3: {  	v0, v62, _ =	vpop (xrf1);
	[tilespmem:s24+$0x6C00] =	vst v61  }
0xc4: {  	v0, v6, _ =	vpop (xrf1);
	[tilespmem:s22+$0x6C00] =	vst v62  }
0xc5: {  	[tilespmem:s25+$0x6C00] =	vst v6;
	v0, v63, _ =	vpop (xrf1)  }
0xc6: {  	[tilespmem:s20+$0x6C00] =	vst v63;
	v0 =	vlaneseq.u32  }
0xc7: {  	s18 =	sadd.s32 $0x1, s18  }
0xc8: {  	p0 =	sne.s32 s18, s11  }
.Ltmp2:
0xc9: {  	_ = 	snop;
	(pc) =	sbr.rel @p0 .LBB2_1-.Ltmp2, $4  }
0xca: {  	[hbm4b:s10+s2] =	stream.linear.scatter [tilespmem:s17], [sflag:$0x1], $0x2000, $0x38;
	[tilespmem:$0x8C00] =	vst v63  }
0xcb: {  	_ =	swait.ge [sflag:s3], $0x2000  }
0xcc: {  	[sflag:s3] =	ssyncset.done $0x0  }
0xcd: {  	[sflag:s3] =	ssyncadd.s32 $0xFFFFE000  }
0xce: {  	_ =	sfence.sel $0x180000  }
0xcf: {  	[bflag:$0x0] =	sbarrier.arrive $0xFFFF  }
0xd0: {  	_ =	strace $0x90000050  }
0xd1: {  	s0 =	stileid.u32;
	[bflag:$0x2] =	sbarrier.arrive $0xFFFF  }
0xd2: {  	p0 =	sne.s32 s0, $0x0;
	s0 =	rddreg [dreg:$0x1]  }
0xd3: {  	s0 =	sadd.s32 @!p0 $0x100000, s0  }
0xd4: {  	[sflag:s0] =	ssyncadd.tile.s32 @!p0 $0x1;
	_ =	shalt  }
.Lfunc_end2:
_tile_overlayer_lowered:
.L_overlay_start_2:
0xd5: {  	(tag) =	ssettag $0x2  }
0xd6: {  	s0 =	rddreg [dreg:$0x0];
	s2 =	stileid.u32  }
0xd7: {  	s1 =	rddreg [dreg:$0x1];
	p0 =	sne.s32 s2, $0x0  }
0xd8: {  	s3 =	rddreg [dreg:$0x2];
	[bflag:$0x3] =	sbarrier.arrive $0xFFFF;
	s2 =	simm.s32 @!p0 $0x1C01  }
0xd9: {  	[timem:s3], [sflag:s2] =	dma.local @!p0 [hbm:s0], s1  }
0xda: {  	s0 =	simm.s32 @!p0 $0x1  }
0xdb: {  	_ =	swait.ge @!p0 [sflag:s0], s1  }
0xdc: {  	s1 =	ssub.s32 @!p0 $0x0, s1;
	[sflag:s0] =	ssyncset.done @!p0 $0x0  }
0xdd: {  	[sflag:s0] =	ssyncadd.s32 @!p0 s1  }
0xde: {  	[bflag:$0x3] =	sbarrier.arrive $0xFFFF  }
0xdf: {  	_ =	shalt  }

// kernel: kernel.13.cloned.1.call-start
scs
__scs_entry_jumppad:
0x0: {  	(pc) =	sbr.rel $0x88, $3  }
0x1: {  	(tag) =	ssettag $0x0;
	lr =	simm.s32 $0x1  }
0x2: {  	[smem:$0x3F99] =	sst lr;
	_ =	strace $0xD0000000  }
0x3: {  	_ = 	snop  }
0x4: {  	_ = 	snop  }
0x5: {  	_ = 	snop  }
0x6: {  	_ = 	snop  }
0x7: {  	_ = 	snop  }
__scs_overlays_trampoline_lowered:
0x8: {  	[smem:$0x3FA8] =	sst s0  }
0x9: {  	[smem:$0x3FA9] =	sst s1  }
0xa: {  	[smem:$0x3FAA] =	sst s2  }
0xb: {  	[smem:$0x3FAB] =	sst s3  }
0xc: {  	[smem:$0x3FAC] =	sst s4  }
0xd: {  	[smem:$0x3FAD] =	sst s5  }
0xe: {  	[smem:$0x3FAE] =	sst s6  }
0xf: {  	[smem:$0x3FAF] =	sst s7  }
0x10: {  	[smem:$0x3FB0] =	sst s8  }
0x11: {  	[smem:$0x3FB1] =	sst s9;
	s0 =	simm.s32 @!p0 $0x0  }
0x12: {  	s1 =	sld [smem:$0x3F97];
	s0 =	simm.s32 @p0 $0x1  }
0x13: {  	[smem:$0x3FB2] =	sst s0;
	s0 =	simm.s32 @!p1 $0x0  }
0x14: {  	s2 =	sld [smem:$0x3F96];
	s0 =	simm.s32 @p1 $0x1  }
0x15: {  	[smem:$0x3FB3] =	sst s0;
	s0 =	simm.s32 @!p2 $0x0  }
0x16: {  	s3 =	sld [smem:$0x3FDB];
	s0 =	simm.s32 @p2 $0x1  }
0x17: {  	s4 =	simm.s32 $0x1BF5;
	[smem:$0x3FB5] =	sst s0  }
0x18: {  	s0 =	sld [smem:$0x3F98];
	_ =	swait.ge [sflag:s4], $0x0  }
0x19: {  	s7 =	sld [smem:$0x3F99]  }
0x1a: {  	s8 =	sadd.s32 $0xFFFFE003, lr  }
0x1b: {  	s9 =	sadd.s32 $0xFFFFFEF7, lr;
	s5 =	simm.s32 $0xFFFFFFFF;
	p2 =	slt.u32 s8, $0xFFFFF086  }
0x1c: {  	p1 =	slt.u32 s9, $0xF7A;
	s5 =	simm.s32 @!p2 $0x0  }
0x1d: {  	s5 =	simm.s32 @p1 $0x1;
	p0 =	seq.s32 s7, s2  }
0x1e: {  	s7 =	smul.u32 @!p0 $0xF7A, s2;
	p2 =	seq.s32 @!p0 s5, $0x0  }
0x1f: {  	s9 =	smul.u32 $0xF7A, s1;
	s8 =	simm.s32 @!p0 $0x1BF5;
	p2 =	por !p2, p0  }
0x20: {  	[sflag:s8] =	ssyncset.s32 @!p0 $0xFFFFF086;
	s6 =	sadd.s32 @!p0 s3, s7;
	s7 =	simm.s32 @!p0 $0x108  }
0x21: {  	s3 =	sadd.s32 s3, s9;
	s6 =	sadd.s32 @!p0 $0x88, s6;
	s7 =	simm.s32 @p2 $0x1082  }
0x22: {  	[simem:s7], [sflag:s8] =	dma.local @!p0 [hbm:s6], $0xF7A  }
0x23: {  	s9 =	sor.u32 $0xD0000000, s2;
	s6 =	simm.s32 $0x108;
	_ =	swait.ge @!p0 [sflag:s8], $0x0  }
0x24: {  	s3 =	sadd.s32 $0x88, s3;
	s6 =	simm.s32 @!p1 $0x1082;
	[sflag:s4] =	ssyncset.s32 $0xFFFFF086  }
0x25: {  	[simem:s6], [sflag:s4] =	dma.local [hbm:s3], $0xF7A  }
0x26: {  	[smem:$0x3F99] =	sst s1;
	(tag) =	ssettag s2;
	_ =	strace s9  }
0x27: {  	s1 =	sld [smem:$0x3FA9]  }
0x28: {  	s2 =	sld [smem:$0x3FAA]  }
0x29: {  	s4 =	sld [smem:$0x3FAC]  }
0x2a: {  	p0 =	seq.s32 s5, $0x0;
	s5 =	sld [smem:$0x3FAD]  }
0x2b: {  	s6 =	sld [smem:$0x3FAE]  }
0x2c: {  	s7 =	sld [smem:$0x3FAF]  }
0x2d: {  	s3 =	simm.s32 $0x108;
	s8 =	sld [smem:$0x3FB0]  }
0x2e: {  	s3 =	simm.s32 @!p0 $0x1082;
	s9 =	sld [smem:$0x3FB1]  }
0x2f: {  	lr =	sadd.s32 s0, s3;
	s0 =	sld [smem:$0x3FA8]  }
0x30: {  	s3 =	sld [smem:$0x3FAB]  }
0x31: {  	[smem:$0x3FB4] =	sst s10  }
0x32: {  	s10 =	sld [smem:$0x3FB2];
	_ =	sdelay $0x3  }
0x33: {  	p0 =	seq.s32 s10, $0x1;
	s10 =	sld [smem:$0x3FB4];
	_ =	sdelay $0x3  }
0x34: {  	[smem:$0x3FB4] =	sst s10  }
0x35: {  	s10 =	sld [smem:$0x3FB3];
	_ =	sdelay $0x3  }
0x36: {  	p1 =	seq.s32 s10, $0x1;
	s10 =	sld [smem:$0x3FB4];
	_ =	sdelay $0x3  }
0x37: {  	[smem:$0x3FB4] =	sst s10  }
0x38: {  	s10 =	sld [smem:$0x3FB5]  }
0x39: {  	_ = 	snop;
	(pc) =	sbr.ind lr, $3  }
0x3a: {  	_ = 	snop  }
0x3b: {  	_ = 	snop  }
0x3c: {  	p2 =	seq.s32 s10, $0x1;
	s10 =	sld [smem:$0x3FB4]  }
0x3d: {  	_ =	shalt  }
0x3e: {  	_ =	shalt  }
0x3f: {  	_ =	shalt  }
0x40: {  	_ =	shalt  }
0x41: {  	_ =	shalt  }
0x42: {  	_ =	shalt  }
0x43: {  	_ =	shalt  }
0x44: {  	_ =	shalt  }
0x45: {  	_ =	shalt  }
0x46: {  	_ =	shalt  }
0x47: {  	_ =	shalt  }
0x48: {  	_ =	shalt  }
0x49: {  	_ =	shalt  }
0x4a: {  	_ =	shalt  }
0x4b: {  	_ =	shalt  }
0x4c: {  	_ =	shalt  }
0x4d: {  	_ =	shalt  }
0x4e: {  	_ =	shalt  }
0x4f: {  	_ =	shalt  }
0x50: {  	_ =	shalt  }
0x51: {  	_ =	shalt  }
0x52: {  	_ =	shalt  }
0x53: {  	_ =	shalt  }
0x54: {  	_ =	shalt  }
0x55: {  	_ =	shalt  }
0x56: {  	_ =	shalt  }
0x57: {  	_ =	shalt  }
0x58: {  	_ =	shalt  }
0x59: {  	_ =	shalt  }
0x5a: {  	_ =	shalt  }
0x5b: {  	_ =	shalt  }
0x5c: {  	_ =	shalt  }
0x5d: {  	_ =	shalt  }
0x5e: {  	_ =	shalt  }
0x5f: {  	_ =	shalt  }
0x60: {  	_ =	shalt  }
0x61: {  	_ =	shalt  }
0x62: {  	_ =	shalt  }
0x63: {  	_ =	shalt  }
0x64: {  	_ =	shalt  }
0x65: {  	_ =	shalt  }
0x66: {  	_ =	shalt  }
0x67: {  	_ =	shalt  }
0x68: {  	_ =	shalt  }
0x69: {  	_ =	shalt  }
0x6a: {  	_ =	shalt  }
0x6b: {  	_ =	shalt  }
0x6c: {  	_ =	shalt  }
0x6d: {  	_ =	shalt  }
0x6e: {  	_ =	shalt  }
0x6f: {  	_ =	shalt  }
0x70: {  	_ =	shalt  }
0x71: {  	_ =	shalt  }
0x72: {  	_ =	shalt  }
0x73: {  	_ =	shalt  }
0x74: {  	_ =	shalt  }
0x75: {  	_ =	shalt  }
0x76: {  	_ =	shalt  }
0x77: {  	_ =	shalt  }
0x78: {  	_ =	shalt  }
0x79: {  	_ =	shalt  }
0x7a: {  	_ =	shalt  }
0x7b: {  	_ =	shalt  }
0x7c: {  	_ =	shalt  }
0x7d: {  	_ =	shalt  }
0x7e: {  	_ =	shalt  }
0x7f: {  	_ =	shalt  }
0x80: {  	_ =	shalt  }
0x81: {  	_ =	shalt  }
0x82: {  	_ =	shalt  }
0x83: {  	_ =	shalt  }
0x84: {  	_ =	shalt  }
0x85: {  	_ =	shalt  }
0x86: {  	_ =	shalt  }
0x87: {  	_ =	shalt  }
.Lfunc_end0:
.L_simem_size_0:
called_computation.1_lowered:
.L_overlay_start_0:
0x88: {  	s2 =	sld [smem:$0x3FD9]  }
0x89: {  	s3 =	sld [smem:$0x3FFE];
	_ =	sdelay $0x1  }
0x8a: {  	s1 =	srdreg.scid  }
0x8b: {  	s0 =	sand.u32 $0x1, s1  }
0x8c: {  	s16 =	sshll.u32 s0, $0xA;
	s2 =	sadd.s32 s3, s2  }
0x8d: {  	s2 =	sadd.s32 s2, s16  }
0x8e: {  	[smem:$0x3FC0] =	sst s2  }
0x8f: {  	_ = 	snop  }
0x90: {  	(tm) =	ssettm $0x1  }
0x91: {  	s17 =	sld [smem:$0x3FFB];
	_ =	sdelay $0x3  }
0x92: {  	_ =	strace s17  }
0x93: {  	s2 =	sld [smem:$0x3FFC];
	_ =	sdelay $0x3  }
0x94: {  	_ =	strace s2  }
0x95: {  	s2 =	sld [smem:$0x3FFD];
	_ =	sdelay $0x3  }
0x96: {  	_ =	strace s2  }
0x97: {  	_ =	strace $0x8FFFFFFF  }
0x98: {  	s18 =	sld [smem:$0x3FDB];
	_ =	sdelay $0x1  }
0x99: {  	s19 =	simm.s32 $_scs_section_size  }
0x9a: {  	s4 =	simm.s32 $_size__tile_overlayer_lowered;
	s5 =	simm.s32 $_tile_overlayer_lowered  }
0x9b: {  	s22 =	simm.s32 $0x1BFF;
	s21 =	sshll.u32 s5, $0x1;
	s2 =	sadd.s32 s19, s18  }
0x9c: {  	s6 =	simm.s32 $0x0;
	s20 =	sshll.u32 s4, $0x1;
	s4 =	sadd.s32 s21, s2  }
0x9d: {  	[timem:s6], [sflag:s22] =	dma.local [hbm:s4], s20  }
0x9e: {  	_ =	swait.ge [sflag:s22], s20  }
0x9f: {  	s3 =	ssub.s32 $0x0, s20;
	[sflag:s22] =	ssyncset.done $0x0  }
0xa0: {  	[sflag:s22] =	ssyncadd.s32 s3;
	_ =	sdelay $0x1  }
0xa1: {  	s23 =	simm.s32 $0x1B8B  }
0xa2: {  	_ =	swait.ge [sflag:s23], $0x1  }
0xa3: {  	[sflag:s23] =	ssyncset.done $0x0  }
0xa4: {  	s25 =	simm.s32 $0x1B8E;
	s24 =	sld [smem:$0x3FFE];
	[sflag:s23] =	ssyncadd.s32 $0xFFFFFFFF  }
0xa5: {  	s26 =	simm.s32 $execute0_lowered;
	[smem:$0x3FD2] =	sst s25  }
0xa6: {  	s4 =	sshll.u32 s26, $0x1;
	_ =	strace $0x80000046;
	[dreg:$0x1] =	wrdreg $0xFFFFFFFF  }
0xa7: {  	s28 =	simm.s32 $_size_execute0_lowered;
	s2 =	sadd.s32 s2, s4;
	[dreg:$0x0] =	wrdreg $0x0  }
0xa8: {  	s4 =	sshll.u32 s28, $0x1;
	[dreg:$0x2] =	wrdreg s2  }
0xa9: {  	[dreg:$0x3] =	wrdreg s4  }
0xaa: {  	[dreg:$0x4] =	wrdreg $0xC0  }
0xab: {  	_ =	task [dreg:s6], $0x5FFFF  }
0xac: {  	[dreg:$0x1] =	wrdreg $0xFFFFFFFF  }
0xad: {  	[dreg:$0x0] =	wrdreg $0x60  }
0xae: {  	[dreg:$0x2] =	wrdreg s24  }
0xaf: {  	[dreg:$0x3] =	wrdreg $0xA  }
0xb0: {  	_ =	task.clear_ibuf [dreg:s6], $0x4FFFF;
	_ =	strace $0x90000046  }
0xb1: {  	s29 =	simm.s32 $0xA;
	_ =	strace $0x80000048  }
0xb2: {  	_ =	swait.ge [sflag:s29], $0x1  }
0xb3: {  	[sflag:s29] =	ssyncadd.s32 $0xFFFFFFFF  }
0xb4: {  	_ =	strace $0x90000048  }
0xb5: {  	_ =	sfence  }
0xb6: {  	s30 =	sld [smem:$0x0];
	_ =	sdelay $0x2  }
0xb7: {  	s31 =	sshll.u32 s1, $0xD;
	s1 =	sshrl.u32 s1, $0x2  }
0xb8: {  	s3 =	sand.u32 $0x4000, s31;
	s1 =	sadd.s32 s1, s30  }
0xb9: {  	s0 =	sor.u32 s3, s0;
	s1 =	sshll.u32 s1, $0x11  }
0xba: {  	s0 =	sor.u32 s1, s0  }
0xbb: {  	s0 =	sadd.s32 $0x8F2B, s0  }
0xbc: {  	[sflag:s0] =	ssyncadd.remote.s32 $0x1  }
0xbd: {  	_ =	sfence.sel $0xFFFF  }
0xbe: {  	[dreg:$0x0] =	wrdreg $0xFFFFFFFF;
	(pc) =	sbr.abs _section_cstart, $3  }
0xbf: {  	[dreg:$0x1] =	wrdreg $0xFFFFFFFF  }
0xc0: {  	_ =	task.clear_ibuf [dreg:s6], $0x2FFFF;
	_ =	strace $0x9FFFFFFF  }
0xc1: {  	(tm) =	ssettm $0x7FFFFFFF  }
tec
execute0_lowered:
.L_overlay_start_1:
0x0: {  	(tag) =	ssettag $0x1  }
0x1: {  	s0 =	srdreg.scid  }
0x2: {  	s3 =	stileid.u32;
	s4 =	rddreg [dreg:$0x0]  }
0x3: {  	s2 =	simm.s32 $0x0;
	s12 =	simm.s32 $0x400;
	s0 =	sand.u32 $0x1, s0  }
0x4: {  	s13 =	simm.s32 $0x800;
	s14 =	simm.s32 $0xC00;
	s1 =	sor.u32 s0, s3  }
0x5: {  	s15 =	simm.s32 $0x2C00;
	p1 =	seq.s32 s0, $0x1;
	p0 =	seq.s32 s1, $0x0  }
0x6: {  	s16 =	simm.s32 $0x4C00;
	s17 =	simm.s32 $0x6C00;
	p0 =	por !p0, !p1  }
0x7: {  	[smem:$0x7FF] =	sst s2;
	s1 =	simm.s32 $0x1;
	p0 =	por !p0, !p0  }
0x8: {  	s18 =	simm.s32 $0x0;
	_ =	strace $0x80000047;
	s1 =	simm.s32 @!p0 $0x0  }
0x9: {  	s6 =	sshll.u32 s0, $0xA;
	s0 =	ssub.s32 $0x2, s0;
	s1 =	ssub.s32 s3, s1  }
0xa: {  	s31 =	sshrl.u32 s0, $0x1;
	s5 =	sshll.u32 s1, $0x7;
	s1 =	sshll.u32 s1, $0xB  }
0xb: {  	s0 =	ssub.s32 s0, s31;
	s1 =	sand.u32 $0x1FFFF800, s1;
	s5 =	sand.u32 $0x1FFFFF80, s5  }
0xc: {  	s11 =	smax.u32 s0, $0x1;
	s1 =	sor.u32 s6, s1;
	s7 =	sadd.s32 s5, s4  }
0xd: {  	s3 =	simm.s32 $0x1;
	s1 =	sadd.s32 s1, s4;
	s4 =	sadd.s32 $0x33A00, s7  }
0xe: {  	s5 =	sadd.s32 $0x34200, s7;
	s6 =	sadd.s32 $0x4CA00, s7;
	s7 =	sadd.s32 $0x1BA00, s1  }
0xf: {  	v0 =	vlaneseq.u32;
	s8 =	sadd.s32 $0x3A00, s1;
	s9 =	sadd.s32 $0x34A00, s1;
	s10 =	sadd.s32 $0x4D200, s1  }
.LBB2_1:
0x10: {  	[tilespmem:s2], [sflag:$0x1] =	stream.linear.gather [hbm4b:s4+s2], $0x400, $0x38;
	[tilespmem:$0x8C00] =	vst v63  }
0x11: {  	_ =	swait.ge [sflag:s3], $0x400  }
0x12: {  	[sflag:s3] =	ssyncset.done $0x0  }
0x13: {  	[sflag:s3] =	ssyncadd.s32 $0xFFFFFC00  }
0x14: {  	[tilespmem:s12], [sflag:$0x1] =	stream.linear.gather [hbm4b:s5+s2], $0x400, $0x38;
	[tilespmem:$0x8C00] =	vst v63  }
0x15: {  	_ =	swait.ge [sflag:s3], $0x400  }
0x16: {  	[sflag:s3] =	ssyncset.done $0x0  }
0x17: {  	[sflag:s3] =	ssyncadd.s32 $0xFFFFFC00  }
0x18: {  	[tilespmem:s13], [sflag:$0x1] =	stream.linear.gather [hbm4b:s6+s2], $0x400, $0x38;
	[tilespmem:$0x8C00] =	vst v63  }
0x19: {  	_ =	swait.ge [sflag:s3], $0x400  }
0x1a: {  	[sflag:s3] =	ssyncset.done $0x0  }
0x1b: {  	[sflag:s3] =	ssyncadd.s32 $0xFFFFFC00  }
0x1c: {  	[tilespmem:s14], [sflag:$0x1] =	stream.linear.gather [hbm4b:s7+s2], $0x2000, $0x38;
	[tilespmem:$0x8C00] =	vst v63  }
0x1d: {  	_ =	swait.ge [sflag:s3], $0x2000  }
0x1e: {  	[sflag:s3] =	ssyncset.done $0x0  }
0x1f: {  	[sflag:s3] =	ssyncadd.s32 $0xFFFFE000  }
0x20: {  	[tilespmem:s15], [sflag:$0x1] =	stream.linear.gather [hbm4b:s8+s2], $0x2000, $0x38;
	[tilespmem:$0x8C00] =	vst v63  }
0x21: {  	_ =	swait.ge [sflag:s3], $0x2000  }
0x22: {  	[sflag:s3] =	ssyncset.done $0x0  }
0x23: {  	[sflag:s3] =	ssyncadd.s32 $0xFFFFE000  }
0x24: {  	[tilespmem:s16], [sflag:$0x1] =	stream.linear.gather [hbm4b:s9+s2], $0x2000, $0x38;
	[tilespmem:$0x8C00] =	vst v63  }
0x25: {  	_ =	swait.ge [sflag:s3], $0x2000  }
0x26: {  	[sflag:s3] =	ssyncset.done $0x0  }
0x27: {  	s19 =	simm.s32 $0x0;
	[sflag:s3] =	ssyncadd.s32 $0xFFFFE000  }
.LBB2_2:
0x28: {  	s20 =	sshll.u32 s19, $0x4  }
0x29: {  	v1 =	vld [tilespmem:s20+$0x1800]  }
0x2a: {  	s0 =	simm.s32 $0x400;
	v2 =	vld [tilespmem:s20+$0x3800]  }
0x2b: {  	s1 =	simm.s32 $0x0;
	v23 =	vld [tilespmem:s0+$0x0]  }
0x2c: {  	v24 =	vld [tilespmem:s1+$0x0];
	_ =	sdelay $0x2  }
0x2d: {  	v3 =	vld [tilespmem:s20+$0x1000]  }
0x2e: {  	v4 =	vld [tilespmem:s20+$0x3000]  }
0x2f: {  	v55 =	vld [tilespmem:s20+$0x5800];
	v8 =	vmul.f32 v24, v1;
	v9 =	vmul.f32 v23, v2  }
0x30: {  	v51 =	vld [tilespmem:s20+$0x2000]  }
0x31: {  	s21 =	simm.s32 $0x800;
	v5 =	vld [tilespmem:s20+$0x4000];
	v9 =	vadd.f32 v9, v8  }
0x32: {  	v27 =	vld [tilespmem:s21+$0x0]  }
0x33: {  	v12 =	vld [tilespmem:s20+$0x2800];
	v11 =	vadd.f32 v9, v9  }
0x34: {  	s22 =	simm.s32 $0x410;
	v58 =	vld [tilespmem:s20+$0x4800]  }
0x35: {  	s23 =	simm.s32 $0x10;
	v35 =	vld [tilespmem:s22+$0x0];
	v13 =	vsub.f32 v55, v11  }
0x36: {  	v36 =	vld [tilespmem:s23+$0x0]  }
0x37: {  	v56 =	vld [tilespmem:s20+$0x4400];
	v16 =	vmul.f32 v23, v5;
	v15 =	vadd.f32 v13, v27  }
0x38: {  	v6 =	vld [tilespmem:s20+$0x3400];
	v17 =	vmul.f32 v24, v51;
	v25 =	vmul.f32 v24, v12  }
0x39: {  	v60 =	vld [tilespmem:s20+$0x6000];
	v28 =	vmul.f32 v23, v58;
	v30 =	vmul.f32 v23, v4;
	v20 =	vadd.f32 $9.999999740e-06, v15  }
0x3a: {  	v26 =	vor.u32 s1, v0;
	v32 =	vmul.f32 v24, v3;
	v38 =	vmul.f32 v35, v5;
	v8 =	vld [tilespmem:s20+$0x2400]  }
0x3b: {  	v61 =	vld [tilespmem:s20+$0x6400];
	v42 =	vmul.f32 v36, v1;
	v43 =	vmul.f32 v35, v2;
	(xrf1) =	vsort.dscd.msk.f32 $0xffff, v20, v26  }
0x3c: {  	v14 =	vld [tilespmem:s20+$0x6800];
	v48 =	vmul.f32 v36, v51;
	v21 =	vadd.f32 v16, v17;
	v25 =	vadd.f32 v28, v25  }
0x3d: {  	v10 =	vld [tilespmem:s20+$0x5000];
	v19 =	vmul.f32 v23, v56;
	v30 =	vadd.f32 v30, v32;
	v42 =	vadd.f32 v43, v42  }
0x3e: {  	v7 =	vld [tilespmem:s20+$0x3C00];
	v52 =	vmul.f32 v35, v56;
	v38 =	vadd.f32 v38, v48;
	v21 =	vadd.f32 v21, v21  }
0x3f: {  	v9 =	vld [tilespmem:s20+$0x1400];
	v25 =	vadd.f32 v25, v25;
	v32 =	vadd.f32 v30, v30;
	v18 =	vmul.f32 v24, v8  }
0x40: {  	v53 =	vmul.f32 v35, v6;
	v50 =	vadd.f32 v42, v42;
	v38 =	vadd.f32 v38, v38;
	v11 =	vld [tilespmem:s20+$0xC00]  }
0x41: {  	v63 =	vld [tilespmem:s20+$0x1C00];
	v54 =	vmul.f32 v36, v3;
	v21 =	vsub.f32 v60, v21;
	v19 =	vadd.f32 v19, v18  }
0x42: {  	v45 =	vmul.f32 v36, v12;
	v25 =	vsub.f32 v14, v25;
	v46 =	vsub.f32 v10, v32  }
0x43: {  	v62 =	vld [tilespmem:s20+$0x2C00];
	v30 =	vimm.f32 $+Inf;
	v38 =	vsub.f32 v60, v38;
	v29 =	vadd.f32 v19, v19  }
0x44: {  	v32 =	vimm.s32 $0x0;
	v33 =	vadd.f32 v21, v27;
	v25 =	vadd.f32 v25, v27  }
0x45: {  	v22 =	vmul.f32 v24, v9;
	v34 =	vmul.f32 v24, v11;
	v28 =	vsub.f32 v61, v29  }
0x46: {  	v47 =	vadd.f32 v46, v27;
	v24 =	vmul.f32 v24, v63;
	v29 =	vmul.f32 v23, v7  }
0x47: {  	v33 =	vadd.f32 $9.999999740e-06, v33;
	v20 =	vmul.f32 v23, v6;
	v28 =	vadd.f32 v28, v27  }
0x48: {  	v15 =	vld [tilespmem:s20+$0x5C00];
	v44 =	vadd.f32 $9.999999740e-06, v47;
	v23 =	vmul.f32 v23, v62;
	v29 =	vadd.f32 v29, v24  }
0x49: {  	s24 =	simm.s32 $0x810;
	v13 =	vld [tilespmem:s20+$0x5400];
	v47 =	vmul.f32 v35, v58;
	(xrf1) =	vsort.dscd.msk.f32 $0xffff, v33, v26;
	v31 =	vadd.f32 v20, v22;
	v28 =	vadd.f32 $9.999999740e-06, v28;
	v40, v41, _ =	vpop (xrf1)  }
0x4a: {  	v33 =	vld [tilespmem:s24+$0x0];
	v23 =	vadd.f32 v23, v34;
	v29 =	vadd.f32 v29, v29;
	vm0 =	vlt.f32 v40, v30  }
0x4b: {  	v46 =	vadd.f32 $9.999999740e-06, v25;
	(xrf1) =	vsort.dscd.msk.f32 $0xffff, v28, v26;
	v41 =	vsel vm0, v41, v32;
	v40 =	vsel vm0, v40, v30  }
0x4c: {  	v45 =	vadd.f32 v47, v45;
	v31 =	vadd.f32 v31, v31;
	(xrf1) =	vsort.ascd.msk.f32 $0xffff, v40, v41  }
0x4d: {  	v16 =	vld [tilespmem:s20+$0x4C00];
	v37 =	vadd.f32 v23, v23;
	v29 =	vsub.f32 v15, v29;
	(xrf1) =	vsort.dscd.msk.f32 $0xffff, v44, v26  }
0x4e: {  	v49 =	vmul.f32 v36, v8;
	v31 =	vsub.f32 v13, v31;
	v41 =	vsub.f32 v55, v50  }
0x4f: {  	v57 =	vmul.f32 v36, v9;
	v38 =	vadd.f32 v38, v33;
	v29 =	vadd.f32 v29, v27  }
0x50: {  	v25 =	vor.u32 s23, v0;
	v31 =	vadd.f32 v31, v27;
	v41 =	vadd.f32 v41, v33  }
0x51: {  	v39 =	vmul.f32 v36, v11;
	v29 =	vadd.f32 $9.999999740e-06, v29;
	v40 =	vadd.f32 v52, v49  }
0x52: {  	v28 =	vmul.f32 v35, v4;
	v37 =	vsub.f32 v16, v37;
	v41 =	vadd.f32 $9.999999740e-06, v41  }
0x53: {  	v34 =	vmul.f32 v35, v7;
	v31 =	vadd.f32 $9.999999740e-06, v31;
	v40 =	vadd.f32 v40, v40;
	(xrf1) =	vsort.dscd.msk.f32 $0xffff, v29, v26  }
0x54: {  	v35 =	vmul.f32 v35, v62;
	v38 =	vadd.f32 $9.999999740e-06, v38;
	v28 =	vadd.f32 v28, v54;
	(xrf1) =	vsort.dscd.msk.f32 $0xffff, v41, v25  }
0x55: {  	s26 =	simm.s32 $0x20;
	v27 =	vadd.f32 v37, v27;
	v40 =	vsub.f32 v61, v40;
	(xrf1) =	vsort.dscd.msk.f32 $0xffff, v31, v26  }
0x56: {  	v35 =	vadd.f32 v35, v39;
	v28 =	vadd.f32 v28, v28;
	(xrf1) =	vsort.dscd.msk.f32 $0xffff, v46, v26;
	v46 =	vld [tilespmem:s26+$0x0]  }
0x57: {  	v36 =	vmul.f32 v36, v63;
	v42, v43, _ =	vpop (xrf1);
	v50 =	vadd.f32 v45, v45;
	v40 =	vadd.f32 v40, v33  }
0x58: {  	v35 =	vadd.f32 v35, v35;
	vm9 =	vlt.f32 v42, v30;
	v29 =	vadd.f32 v53, v57  }
0x59: {  	v49 =	vsel vm9, v43, v32;
	v52 =	vsub.f32 v14, v50;
	v48, v59, _ =	vpop (xrf1);
	v40 =	vadd.f32 $9.999999740e-06, v40  }
0x5a: {  	v27 =	vadd.f32 $9.999999740e-06, v27;
	v29 =	vadd.f32 v29, v29;
	vm1 =	vlt.f32 v48, v30;
	v39, v44, _ =	vpop (xrf1);
	(xrf1) =	vsort.dscd.msk.f32 $0xffff, v38, v25  }
0x5b: {  	s25 =	simm.s32 $0x420;
	v17 =	vmov v60;
	v31 =	vsel vm9, v42, v30;
	v47 =	vmul.f32 v46, v8;
	v53, v45, _ =	vpop (xrf1);
	(xrf1) =	vsort.dscd.msk.f32 $0xffff, v40, v25  }
0x5c: {  	v21 =	vmovc v62;
	v38 =	vmul.f32 v46, v3;
	v40 =	vld [tilespmem:s25+$0x0];
	(xrf1) =	vsort.dscd.msk.f32 $0xffff, v27, v26;
	v26 =	vsub.f32 v10, v28  }
0x5d: {  	v18 =	vmovc v61;
	vm10 =	vlt.f32 v53, v30;
	v27 =	vadd.f32 v34, v36;
	v28 =	vsub.f32 v13, v29  }
0x5e: {  	[tilespmem:$0x1FFE0] =	vst v13;
	v34 =	vadd.f32 v52, v33;
	v29 =	vsel vm1, v48, v30;
	(xrf1) =	vsort.ascd.msk.f32 $0xffff, v31, v49  }
0x5f: {  	v19 =	vmovc v7;
	v54 =	vsel vm10, v45, v32;
	v43 =	vsel vm10, v53, v30;
	v45 =	vsub.f32 v16, v35  }
0x60: {  	v24 =	vmovc v16;
	v49 =	vmul.f32 v46, v1;
	v26 =	vadd.f32 v26, v33;
	v31 =	vadd.f32 v27, v27  }
0x61: {  	v13 =	vmovc v9;
	v27 =	vsel vm1, v59, v32;
	v36 =	vadd.f32 v28, v33;
	v28 =	vmul.f32 v40, v5  }
0x62: {  	(xrf1) =	vsort.ascd.msk.f32 $0xffff, v29, v27;
	v42 =	vmul.f32 v40, v4;
	v48 =	vmul.f32 v40, v6;
	v50 =	vadd.f32 $9.999999740e-06, v26  }
0x63: {  	v37, v29, _ =	vpop (xrf1);
	(xrf1) =	vsort.ascd.msk.f32 $0xffff, v43, v54;
	v26 =	vmul.f32 v40, v2;
	v43 =	vmul.f32 v46, v9;
	v9 =	vmov v51  }
0x64: {  	[tilespmem:$0x1FFF0] =	vst v14;
	v51 =	vmul.f32 v46, v51;
	v31 =	vsub.f32 v15, v31;
	v54 =	vmul.f32 v46, v12;
	v59, v57, _ =	vpop (xrf1)  }
0x65: {  	v16 =	vmovc v58;
	v58 =	vmul.f32 v40, v58;
	vm11 =	vlt.f32 v37, v30;
	vm2 =	vlt.f32 v59, v39  }
0x66: {  	s29 =	simm.s32 $0x820;
	v22 =	vmovc v63;
	v49 =	vadd.f32 v26, v49;
	v31 =	vadd.f32 v31, v33;
	v44 =	vsel vm2, v57, v44  }
0x67: {  	[tilespmem:$0x1FFD0] =	vst v10;
	v52, v53, _ =	vpop (xrf1);
	v26 =	vld [tilespmem:s29+$0x0];
	v28 =	vadd.f32 v28, v51;
	v35 =	vsel vm11, v29, v32;
	v39 =	vsel vm2, v59, v39  }
0x68: {  	v20 =	vmovc v11;
	v43 =	vadd.f32 v48, v43;
	vm12 =	vlt.f32 v52, v30;
	v49 =	vadd.f32 v49, v49  }
0x69: {  	v23 =	vmovc v15;
	(xrf1) =	vsort.ascd.msk.f32 $0xffff, v39, v44;
	v51 =	vsel vm12, v52, v30;
	v52 =	vmul.f32 v40, v56  }
0x6a: {  	v14 =	vmov v6;
	v54 =	vadd.f32 v58, v54;
	v29 =	vsub.f32 v55, v49;
	v39, v44, _ =	vpop (xrf1);
	(xrf1) =	vsort.dscd.msk.f32 $0xffff, v50, v25  }
0x6b: {  	v41 =	vmul.f32 v46, v11;
	v11 =	vmovc v8;
	v33 =	vadd.f32 v45, v33;
	v47 =	vadd.f32 v52, v47  }
0x6c: {  	v8 =	vmovc v55;
	v27 =	vmul.f32 v40, v7;
	v42 =	vadd.f32 v42, v38;
	v57 =	vadd.f32 v29, v26  }
0x6d: {  	v10 =	vmovc v5;
	v7 =	vmovc v4;
	v37 =	vsel vm11, v37, v30;
	v49 =	vadd.f32 $9.999999740e-06, v31;
	v47 =	vadd.f32 v47, v47  }
0x6e: {  	v15 =	vmovc v12;
	v12 =	vmovc v56;
	v45 =	vmul.f32 v46, v63;
	v56 =	vadd.f32 v28, v28;
	v48 =	vadd.f32 $9.999999740e-06, v57  }
0x6f: {  	v28 =	vor.u32 s26, v0;
	v46 =	vadd.f32 v42, v42;
	(xrf1) =	vsort.dscd.msk.f32 $0xffff, v49, v25;
	v47 =	vsub.f32 v61, v47  }
0x70: {  	v36 =	vadd.f32 $9.999999740e-06, v36;
	v56 =	vsub.f32 v60, v56;
	v50, v55, _ =	vpop (xrf1);
	vm13 =	vlt.f32 v39, v30;
	(xrf1) =	vsort.dscd.msk.f32 $0xffff, v48, v28  }
0x71: {  	v4 =	vmovc v1;
	(xrf1) =	vsort.ascd.msk.f32 $0xffff, v37, v35;
	v37 =	vadd.f32 v43, v43;
	v43 =	vadd.f32 v47, v26  }
0x72: {  	v60 =	vsel vm12, v53, v32;
	v53 =	vadd.f32 $9.999999740e-06, v34;
	v44 =	vsel vm13, v44, v32;
	v31, v29, _ =	vpop (xrf1);
	(xrf1) =	vsort.dscd.msk.f32 $0xffff, v36, v25  }
0x73: {  	v0 =	vld [tilespmem:$0x1FFF0];
	v58 =	vsel vm13, v39, v30;
	v61 =	vadd.f32 v56, v26;
	v52, v59, _ =	vpop (xrf1);
	(xrf1) =	vsort.ascd.msk.f32 $0xffff, v51, v60;
	v43 =	vadd.f32 $9.999999740e-06, v43  }
0x74: {  	v5 =	vmov v2;
	v56 =	vmul.f32 v40, v62;
	v49, v57, _ =	vpop (xrf1);
	vm15 =	vlt.f32 v52, v30;
	(xrf1) =	vsort.ascd.msk.f32 $0xffff, v58, v44  }
0x75: {  	s30 =	simm.s32 $0x30;
	v61 =	vadd.f32 $9.999999740e-06, v61;
	v30 =	vsel vm15, v52, v30;
	v35, v34, _ =	vpop (xrf1);
	v60 =	vsel vm15, v59, v32;
	(xrf1) =	vsort.dscd.msk.f32 $0xffff, v53, v25  }
0x76: {  	s31 =	simm.s32 $0x30;
	s21 =	sor.u32 $0x400, s20;
	s22 =	sor.u32 $0x800, s20;
	v6 =	vmov v3;
	v62 =	vadd.f32 v54, v54;
	vm14 =	vlt.f32 v50, v49;
	v32, v36, _ =	vpop (xrf1);
	(xrf1) =	vsort.ascd.msk.f32 $0xffff, v30, v60  }
0x77: {  	s28 =	sor.u32 $0x1400, s20;
	s1 =	simm.s32 $0x430;
	s23 =	sor.u32 $0xC00, s20;
	v41 =	vadd.f32 v56, v41;
	v39 =	vsel vm14, v50, v49;
	v30 =	vadd.f32 $9.999999740e-06, v33;
	v33, v38, _ =	vpop (xrf1);
	(xrf1) =	vsort.dscd.msk.f32 $0xffff, v61, v28  }
0x78: {  	s24 =	sor.u32 $0x1000, s20;
	s25 =	sor.u32 $0x1C00, s20;
	s26 =	sor.u32 $0x1800, s20;
	v3 =	vmov v0;
	v40 =	vsel vm14, v55, v57;
	v44 =	vsub.f32 v0, v62;
	(xrf1) =	vsort.dscd.msk.f32 $0xffff, v43, v28;
	v42, v43, _ =	vpop (xrf1)  }
.LBB2_3:
0x79: {  	v47 =	vld [tilespmem:s1+$0x0]  }
0x7a: {  	v0 =	vld [tilespmem:$0x1FFD0];
	_ =	sdelay $0x1  }
0x7b: {  	vm0 =	vlt.f32 v42, v32;
	vm1 =	vlt.f32 v31, v35;
	v27 =	vadd.f32 v27, v45  }
0x7c: {  	(xrf1) =	vsort.dscd.msk.f32 $0xffff, v30, v25;
	v30 =	vld [tilespmem:s31+$0x0];
	v31 =	vsel vm1, v31, v35;
	v1 =	vsel vm0, v43, v36  }
0x7d: {  	v63 =	vadd.f32 v27, v27;
	v27 =	vsel vm1, v29, v34;
	v29 =	vadd.f32 v41, v41  }
0x7e: {  	v25 =	vmovc v28;
	v28 =	vsub.f32 v0, v46;
	v0 =	vld [tilespmem:$0x1FFE0];
	v48 =	vmul.f32 v47, v7;
	v50 =	vmul.f32 v47, v14  }
0x7f: {  	v45, v46, _ =	vpop (xrf1);
	(xrf1) =	vsort.ascd.msk.f32 $0xffff, v39, v40;
	v52 =	vmul.f32 v47, v5;
	v2 =	vmul.f32 v47, v16  }
0x80: {  	v34, v57, _ =	vpop (xrf1);
	(xrf1) =	vsort.ascd.msk.f32 $0xffff, v31, v27;
	v27 =	vmul.f32 v47, v19;
	v31 =	vmul.f32 v47, v10  }
0x81: {  	v39 =	vadd.f32 v44, v26;
	v44 =	vmul.f32 v30, v20;
	v51 =	vmul.f32 v30, v4  }
0x82: {  	v35 =	vsub.f32 v23, v63;
	v54 =	vmul.f32 v30, v6;
	v55 =	vmul.f32 v30, v13  }
0x83: {  	v59 =	vmul.f32 v30, v11;
	v41, v43, _ =	vpop (xrf1);
	v37 =	vsub.f32 v0, v37;
	v0 =	vsel vm0, v42, v32  }
0x84: {  	v60 =	vmul.f32 v30, v15;
	vm2 =	vlt.f32 v34, v33;
	v42, v49, _ =	vpop (xrf1);
	(xrf1) =	vsort.ascd.msk.f32 $0xffff, v0, v1  }
0x85: {  	v28 =	vadd.f32 v28, v26;
	vm11 =	vlt.f32 v45, v41;
	v38 =	vsel vm2, v57, v38;
	v32, v36, _ =	vpop (xrf1)  }
0x86: {  	v51 =	vadd.f32 v52, v51;
	v33 =	vsel vm2, v34, v33;
	v34 =	vadd.f32 v35, v26;
	v40, v56, _ =	vpop (xrf1)  }
0x87: {  	s29 =	sadd.s32 $0x10, s29;
	v52 =	vmul.f32 v30, v9;
	v50 =	vadd.f32 v50, v55;
	v2 =	vadd.f32 v2, v60;
	v57, v58, _ =	vpop (xrf1)  }
0x88: {  	v53 =	vld [tilespmem:s29+$0x0];
	v28 =	vadd.f32 $9.999999740e-06, v28;
	v43 =	vsel vm11, v46, v43;
	v51 =	vadd.f32 v51, v51;
	v61, v62, _ =	vpop (xrf1)  }
0x89: {  	v41 =	vsel vm11, v45, v41;
	v35 =	vadd.f32 v31, v52;
	v52 =	vsub.f32 v24, v29;
	v63, v0, _ =	vpop (xrf1)  }
0x8a: {  	v37 =	vadd.f32 v37, v26;
	vm12 =	vlt.f32 v42, v32;
	v31, v29, _ =	vpop (xrf1);
	(xrf1) =	vsort.ascd.msk.f32 $0xffff, v33, v38  }
0x8b: {  	v34 =	vadd.f32 $9.999999740e-06, v34;
	v46 =	vsub.f32 v8, v51;
	v33 =	vsel vm12, v42, v32;
	v38, v42, _ =	vpop (xrf1);
	(xrf1) =	vsort.dscd.msk.f32 $0xffff, v28, v25  }
0x8c: {  	v51 =	vadd.f32 $9.999999740e-06, v39;
	v32 =	vadd.f32 v35, v35;
	v35 =	vmul.f32 v47, v12  }
0x8d: {  	v49 =	vsel vm12, v49, v36;
	v46 =	vadd.f32 v46, v53;
	vm13 =	vlt.f32 v57, v40  }
0x8e: {  	v56 =	vsel vm13, v58, v56;
	v40 =	vsel vm13, v57, v40;
	v59 =	vadd.f32 v35, v59  }
0x8f: {  	s0 =	smov.u32 s30;
	v46 =	vadd.f32 $9.999999740e-06, v46;
	v28 =	vlaneseq.u32;
	v60 =	vsub.f32 v17, v32  }
0x90: {  	v28 =	vor.u32 s0, v28;
	vm15 =	vlt.f32 v38, v61;
	v39, v1, _ =	vpop (xrf1);
	(xrf1) =	vsort.dscd.msk.f32 $0xffff, v34, v25;
	v58 =	vadd.f32 v59, v59  }
0x91: {  	v42 =	vsel vm15, v42, v62;
	v62 =	vsel vm15, v38, v61;
	v35, v34, _ =	vpop (xrf1);
	(xrf1) =	vsort.dscd.msk.f32 $0xffff, v46, v28;
	v59 =	vadd.f32 $9.999999740e-06, v37  }
0x92: {  	vm14 =	vlt.f32 v63, v39;
	v45 =	vsub.f32 v18, v58;
	v32, v36, _ =	vpop (xrf1);
	(xrf1) =	vsort.ascd.msk.f32 $0xffff, v41, v43  }
0x93: {  	v37 =	vadd.f32 v50, v50;
	v55 =	vadd.f32 v60, v53;
	(xrf1) =	vsort.dscd.msk.f32 $0xffff, v59, v25  }
0x94: {  	p0 =	sne.s32 s30, $0x3F0;
	v39 =	vsel vm14, v63, v39;
	v57 =	vadd.f32 v45, v53;
	(xrf1) =	vsort.ascd.msk.f32 $0xffff, v33, v49  }
.Ltmp0:
0x95: {  	v63 =	vadd.f32 v52, v26;
	v58 =	vmul.f32 v47, v21;
	(xrf1) =	vsort.ascd.msk.f32 $0xffff, v40, v56;
	(pc) =	sbr.rel @p0 .LBB2_3-.Ltmp0, $4  }
0x96: {  	v59 =	vadd.f32 $9.999999740e-06, v55;
	v60 =	vadd.f32 $9.999999740e-06, v57;
	v40 =	vsel vm14, v0, v1;
	(xrf1) =	vsort.dscd.msk.f32 $0xffff, v51, v25  }
0x97: {  	v0 =	vadd.f32 v48, v54;
	v1 =	vadd.f32 v2, v2;
	(xrf1) =	vsort.ascd.msk.f32 $0xffff, v62, v42  }
0x98: {  	v45 =	vmul.f32 v30, v22;
	v30 =	vadd.f32 $9.999999740e-06, v63;
	v41 =	vadd.f32 v58, v44;
	v33, v38, _ =	vpop (xrf1);
	(xrf1) =	vsort.dscd.msk.f32 $0xffff, v59, v28  }
0x99: {  	s30 =	sadd.s32 $0x10, s30;
	s1 =	sadd.s32 $0x10, s1;
	s31 =	sadd.s32 $0x10, s31;
	v26 =	vmov v53;
	v46 =	vadd.f32 v0, v0;
	v44 =	vsub.f32 v3, v1;
	v42, v43, _ =	vpop (xrf1);
	(xrf1) =	vsort.dscd.msk.f32 $0xffff, v60, v28  }
0x9a: {  	v1 =	vld [tilespmem:$0x1FFD0];
	_ =	sdelay $0x1  }
0x9b: {  	(xrf1) =	vsort.dscd.msk.f32 $0xffff, v30, v25;
	v0 =	vadd.f32 v27, v45;
	v4 =	vld [tilespmem:$0x1FFE0]  }
0x9c: {  	vm0 =	vlt.f32 v42, v32  }
0x9d: {  	vm1 =	vlt.f32 v31, v35;
	(xrf1) =	vsort.ascd.msk.f32 $0xffff, v39, v40;
	v0 =	vadd.f32 v0, v0  }
0x9e: {  	v6 =	vsel vm1, v31, v35;
	v12 =	vsel vm0, v42, v32;
	v2, v3, _ =	vpop (xrf1);
	v1 =	vsub.f32 v1, v46  }
0x9f: {  	v7 =	vsel vm1, v29, v34;
	v36 =	vsel vm0, v43, v36;
	v0 =	vsub.f32 v23, v0;
	v8, v9, _ =	vpop (xrf1)  }
0xa0: {  	v4 =	vsub.f32 v4, v37;
	v37, v11, _ =	vpop (xrf1);
	vm5 =	vlt.f32 v8, v33;
	v1 =	vadd.f32 v1, v26  }
0xa1: {  	(xrf1) =	vsort.ascd.msk.f32 $0xffff, v6, v7;
	v0 =	vadd.f32 v0, v26;
	v13, v14, _ =	vpop (xrf1);
	v9 =	vsel vm5, v9, v38  }
0xa2: {  	v10 =	vadd.f32 v41, v41;
	(xrf1) =	vsort.ascd.msk.f32 $0xffff, v12, v36;
	v8 =	vsel vm5, v8, v33;
	v6, v12, _ =	vpop (xrf1);
	v1 =	vadd.f32 $9.999999740e-06, v1  }
0xa3: {  	v4 =	vadd.f32 v4, v26;
	vm6 =	vlt.f32 v2, v37;
	v0 =	vadd.f32 $9.999999740e-06, v0;
	v15, v16, _ =	vpop (xrf1);
	(xrf1) =	vsort.ascd.msk.f32 $0xffff, v8, v9  }
0xa4: {  	v3 =	vsel vm6, v3, v11;
	(xrf1) =	vsort.dscd.msk.f32 $0xffff, v1, v28  }
0xa5: {  	v10 =	vsub.f32 v24, v10;
	v8, v9, _ =	vpop (xrf1);
	(xrf1) =	vsort.dscd.msk.f32 $0xffff, v0, v28;
	v0 =	vsel vm6, v2, v37;
	v2 =	vadd.f32 $9.999999740e-06, v4  }
0xa6: {  	v1, v17, _ =	vpop (xrf1)  }
0xa7: {  	v5 =	vadd.f32 v44, v26;
	v42 =	vadd.f32 v10, v26;
	vm7 =	vlt.f32 v13, v6;
	v39, v38, _ =	vpop (xrf1)  }
0xa8: {  	v6 =	vsel vm7, v13, v6;
	vm8 =	vlt.f32 v8, v15;
	(xrf1) =	vsort.ascd.msk.f32 $0xffff, v0, v3;
	v0, v3, _ =	vpop (xrf1)  }
0xa9: {  	v40 =	vsel vm7, v14, v12;
	v9 =	vsel vm8, v9, v16;
	(xrf1) =	vsort.dscd.msk.f32 $0xffff, v2, v28;
	v2, v41, _ =	vpop (xrf1)  }
0xaa: {  	v5 =	vadd.f32 $9.999999740e-06, v5;
	v8 =	vsel vm8, v8, v15;
	(xrf1) =	vsort.ascd.msk.f32 $0xffff, v6, v40;
	vm9 =	vlt.f32 v2, v1  }
0xab: {  	(xrf1) =	vsort.ascd.msk.f32 $0xffff, v8, v9;
	v1 =	vsel vm9, v2, v1;
	v2 =	vadd.f32 $9.999999740e-06, v42  }
0xac: {  	(xrf1) =	vsort.dscd.msk.f32 $0xffff, v5, v28;
	v43 =	vsel vm9, v41, v17  }
0xad: {  	(xrf1) =	vsort.ascd.msk.f32 $0xffff, v1, v43  }
0xae: {  	(xrf1) =	vsort.dscd.msk.f32 $0xffff, v2, v28;
	_ =	sdelay $0x1  }
0xaf: {  	v1, v2, _ =	vpop (xrf1)  }
0xb0: {  	v44, v45, _ =	vpop (xrf1)  }
0xb1: {  	vm10 =	vlt.f32 v39, v1;
	v47, v46, _ =	vpop (xrf1)  }
0xb2: {  	v1 =	vsel vm10, v39, v1;
	v2 =	vsel vm10, v38, v2;
	vm11 =	vlt.f32 v0, v44;
	v49, v48, _ =	vpop (xrf1)  }
0xb3: {  	(xrf1) =	vsort.ascd.msk.f32 $0xffff, v1, v2;
	v1 =	vsel vm11, v3, v45;
	v10, v50, _ =	vpop (xrf1)  }
0xb4: {  	v0 =	vsel vm11, v0, v44;
	v51, v52, _ =	vpop (xrf1)  }
0xb5: {  	v53, v54, _ =	vpop (xrf1)  }
0xb6: {  	v2, v3, _ =	vpop (xrf1)  }
0xb7: {  	(xrf1) =	vsort.ascd.msk.f32 $0xffff, v0, v1;
	vm12 =	vlt.f32 v10, v47;
	v0, v1, _ =	vpop (xrf1)  }
0xb8: {  	v55 =	vsel vm12, v50, v46;
	v56 =	vsel vm12, v10, v47;
	vm13 =	vlt.f32 v51, v53;
	v58, v57, _ =	vpop (xrf1)  }
0xb9: {  	(xrf1) =	vsort.ascd.msk.f32 $0xffff, v56, v55;
	v7 =	vsel vm13, v52, v54;
	vm14 =	vlt.f32 v2, v0;
	v5, v6, _ =	vpop (xrf1)  }
0xba: {  	v0 =	vsel vm14, v2, v0;
	v2 =	vsel vm13, v51, v53;
	v60, v59, _ =	vpop (xrf1);
	vm2 =	vlt.f32 v5, v58  }
0xbb: {  	v1 =	vsel vm14, v3, v1;
	(xrf1) =	vsort.ascd.msk.f32 $0xffff, v2, v7;
	v4, v13, _ =	vpop (xrf1);
	v6 =	vsel vm2, v6, v57  }
0xbc: {  	v2 =	vsel vm2, v5, v58;
	(xrf1) =	vsort.ascd.msk.f32 $0xffff, v0, v1;
	vm15 =	vlt.f32 v4, v60  }
0xbd: {  	(xrf1) =	vsort.ascd.msk.f32 $0xffff, v2, v6;
	v0 =	vsel vm15, v13, v59;
	v1 =	vsel vm15, v4, v60  }
0xbe: {  	(xrf1) =	vsort.ascd.msk.f32 $0xffff, v1, v0;
	_ =	sdelay $0x7  }
0xbf: {  	[tilespmem:s23+$0x6C00] =	vst v48;
	v0, v1, _ =	vpop (xrf1)  }
0xc0: {  	s19 =	sadd.s32 $0x1, s19;
	v0, v2, _ =	vpop (xrf1);
	[tilespmem:s28+$0x6C00] =	vst v1  }
0xc1: {  	p0 =	sne.s32 s19, $0x40;
	[tilespmem:s26+$0x6C00] =	vst v2;
	v0, v3, _ =	vpop (xrf1)  }
.Ltmp1:
0xc2: {  	[tilespmem:s21+$0x6C00] =	vst v3;
	v0, v61, _ =	vpop (xrf1);
	(pc) =	sbr.rel @p0 .LBB2_2-.Ltmp1, $4  }
0xc3: {  	v0, v62, _ =	vpop (xrf1);
	[tilespmem:s24+$0x6C00] =	vst v61  }
0xc4: {  	v0, v6, _ =	vpop (xrf1);
	[tilespmem:s22+$0x6C00] =	vst v62  }
0xc5: {  	[tilespmem:s25+$0x6C00] =	vst v6;
	v0, v63, _ =	vpop (xrf1)  }
0xc6: {  	[tilespmem:s20+$0x6C00] =	vst v63;
	v0 =	vlaneseq.u32  }
0xc7: {  	s18 =	sadd.s32 $0x1, s18  }
0xc8: {  	p0 =	sne.s32 s18, s11  }
.Ltmp2:
0xc9: {  	_ = 	snop;
	(pc) =	sbr.rel @p0 .LBB2_1-.Ltmp2, $4  }
0xca: {  	[hbm4b:s10+s2] =	stream.linear.scatter [tilespmem:s17], [sflag:$0x1], $0x2000, $0x38;
	[tilespmem:$0x8C00] =	vst v63  }
0xcb: {  	_ =	swait.ge [sflag:s3], $0x2000  }
0xcc: {  	[sflag:s3] =	ssyncset.done $0x0  }
0xcd: {  	[sflag:s3] =	ssyncadd.s32 $0xFFFFE000  }
0xce: {  	_ =	sfence.sel $0x180000  }
0xcf: {  	[bflag:$0x0] =	sbarrier.arrive $0xFFFF  }
0xd0: {  	_ =	strace $0x90000047  }
0xd1: {  	s0 =	stileid.u32;
	[bflag:$0x2] =	sbarrier.arrive $0xFFFF  }
0xd2: {  	p0 =	sne.s32 s0, $0x0;
	s0 =	rddreg [dreg:$0x1]  }
0xd3: {  	s0 =	sadd.s32 @!p0 $0x100000, s0  }
0xd4: {  	[sflag:s0] =	ssyncadd.tile.s32 @!p0 $0x1;
	_ =	shalt  }
.Lfunc_end2:
_tile_overlayer_lowered:
.L_overlay_start_2:
0xd5: {  	(tag) =	ssettag $0x2  }
0xd6: {  	s0 =	rddreg [dreg:$0x0];
	s2 =	stileid.u32  }
0xd7: {  	s1 =	rddreg [dreg:$0x1];
	p0 =	sne.s32 s2, $0x0  }
0xd8: {  	s3 =	rddreg [dreg:$0x2];
	[bflag:$0x3] =	sbarrier.arrive $0xFFFF;
	s2 =	simm.s32 @!p0 $0x1C01  }
0xd9: {  	[timem:s3], [sflag:s2] =	dma.local @!p0 [hbm:s0], s1  }
0xda: {  	s0 =	simm.s32 @!p0 $0x1  }
0xdb: {  	_ =	swait.ge @!p0 [sflag:s0], s1  }
0xdc: {  	s1 =	ssub.s32 @!p0 $0x0, s1;
	[sflag:s0] =	ssyncset.done @!p0 $0x0  }
0xdd: {  	[sflag:s0] =	ssyncadd.s32 @!p0 s1  }
0xde: {  	[bflag:$0x3] =	sbarrier.arrive $0xFFFF  }
0xdf: {  	_ =	shalt  }

// kernel: kernel.16.cloned.1.call-start
scs
__scs_entry_jumppad:
0x0: {  	(pc) =	sbr.rel $0x88, $3  }
0x1: {  	(tag) =	ssettag $0x0;
	lr =	simm.s32 $0x1  }
0x2: {  	[smem:$0x3F99] =	sst lr;
	_ =	strace $0xD0000000  }
0x3: {  	_ = 	snop  }
0x4: {  	_ = 	snop  }
0x5: {  	_ = 	snop  }
0x6: {  	_ = 	snop  }
0x7: {  	_ = 	snop  }
__scs_overlays_trampoline_lowered:
0x8: {  	[smem:$0x3FA8] =	sst s0  }
0x9: {  	[smem:$0x3FA9] =	sst s1  }
0xa: {  	[smem:$0x3FAA] =	sst s2  }
0xb: {  	[smem:$0x3FAB] =	sst s3  }
0xc: {  	[smem:$0x3FAC] =	sst s4  }
0xd: {  	[smem:$0x3FAD] =	sst s5  }
0xe: {  	[smem:$0x3FAE] =	sst s6  }
0xf: {  	[smem:$0x3FAF] =	sst s7  }
0x10: {  	[smem:$0x3FB0] =	sst s8  }
0x11: {  	[smem:$0x3FB1] =	sst s9;
	s0 =	simm.s32 @!p0 $0x0  }
0x12: {  	s1 =	sld [smem:$0x3F97];
	s0 =	simm.s32 @p0 $0x1  }
0x13: {  	[smem:$0x3FB2] =	sst s0;
	s0 =	simm.s32 @!p1 $0x0  }
0x14: {  	s2 =	sld [smem:$0x3F96];
	s0 =	simm.s32 @p1 $0x1  }
0x15: {  	[smem:$0x3FB3] =	sst s0;
	s0 =	simm.s32 @!p2 $0x0  }
0x16: {  	s3 =	sld [smem:$0x3FDB];
	s0 =	simm.s32 @p2 $0x1  }
0x17: {  	s4 =	simm.s32 $0x1BF5;
	[smem:$0x3FB5] =	sst s0  }
0x18: {  	s0 =	sld [smem:$0x3F98];
	_ =	swait.ge [sflag:s4], $0x0  }
0x19: {  	s7 =	sld [smem:$0x3F99]  }
0x1a: {  	s8 =	sadd.s32 $0xFFFFE003, lr  }
0x1b: {  	s9 =	sadd.s32 $0xFFFFFEF7, lr;
	s5 =	simm.s32 $0xFFFFFFFF;
	p2 =	slt.u32 s8, $0xFFFFF086  }
0x1c: {  	p1 =	slt.u32 s9, $0xF7A;
	s5 =	simm.s32 @!p2 $0x0  }
0x1d: {  	s5 =	simm.s32 @p1 $0x1;
	p0 =	seq.s32 s7, s2  }
0x1e: {  	s7 =	smul.u32 @!p0 $0xF7A, s2;
	p2 =	seq.s32 @!p0 s5, $0x0  }
0x1f: {  	s9 =	smul.u32 $0xF7A, s1;
	s8 =	simm.s32 @!p0 $0x1BF5;
	p2 =	por !p2, p0  }
0x20: {  	[sflag:s8] =	ssyncset.s32 @!p0 $0xFFFFF086;
	s6 =	sadd.s32 @!p0 s3, s7;
	s7 =	simm.s32 @!p0 $0x108  }
0x21: {  	s3 =	sadd.s32 s3, s9;
	s6 =	sadd.s32 @!p0 $0x88, s6;
	s7 =	simm.s32 @p2 $0x1082  }
0x22: {  	[simem:s7], [sflag:s8] =	dma.local @!p0 [hbm:s6], $0xF7A  }
0x23: {  	s9 =	sor.u32 $0xD0000000, s2;
	s6 =	simm.s32 $0x108;
	_ =	swait.ge @!p0 [sflag:s8], $0x0  }
0x24: {  	s3 =	sadd.s32 $0x88, s3;
	s6 =	simm.s32 @!p1 $0x1082;
	[sflag:s4] =	ssyncset.s32 $0xFFFFF086  }
0x25: {  	[simem:s6], [sflag:s4] =	dma.local [hbm:s3], $0xF7A  }
0x26: {  	[smem:$0x3F99] =	sst s1;
	(tag) =	ssettag s2;
	_ =	strace s9  }
0x27: {  	s1 =	sld [smem:$0x3FA9]  }
0x28: {  	s2 =	sld [smem:$0x3FAA]  }
0x29: {  	s4 =	sld [smem:$0x3FAC]  }
0x2a: {  	p0 =	seq.s32 s5, $0x0;
	s5 =	sld [smem:$0x3FAD]  }
0x2b: {  	s6 =	sld [smem:$0x3FAE]  }
0x2c: {  	s7 =	sld [smem:$0x3FAF]  }
0x2d: {  	s3 =	simm.s32 $0x108;
	s8 =	sld [smem:$0x3FB0]  }
0x2e: {  	s3 =	simm.s32 @!p0 $0x1082;
	s9 =	sld [smem:$0x3FB1]  }
0x2f: {  	lr =	sadd.s32 s0, s3;
	s0 =	sld [smem:$0x3FA8]  }
0x30: {  	s3 =	sld [smem:$0x3FAB]  }
0x31: {  	[smem:$0x3FB4] =	sst s10  }
0x32: {  	s10 =	sld [smem:$0x3FB2];
	_ =	sdelay $0x3  }
0x33: {  	p0 =	seq.s32 s10, $0x1;
	s10 =	sld [smem:$0x3FB4];
	_ =	sdelay $0x3  }
0x34: {  	[smem:$0x3FB4] =	sst s10  }
0x35: {  	s10 =	sld [smem:$0x3FB3];
	_ =	sdelay $0x3  }
0x36: {  	p1 =	seq.s32 s10, $0x1;
	s10 =	sld [smem:$0x3FB4];
	_ =	sdelay $0x3  }
0x37: {  	[smem:$0x3FB4] =	sst s10  }
0x38: {  	s10 =	sld [smem:$0x3FB5]  }
0x39: {  	_ = 	snop;
	(pc) =	sbr.ind lr, $3  }
0x3a: {  	_ = 	snop  }
0x3b: {  	_ = 	snop  }
0x3c: {  	p2 =	seq.s32 s10, $0x1;
	s10 =	sld [smem:$0x3FB4]  }
0x3d: {  	_ =	shalt  }
0x3e: {  	_ =	shalt  }
0x3f: {  	_ =	shalt  }
0x40: {  	_ =	shalt  }
0x41: {  	_ =	shalt  }
0x42: {  	_ =	shalt  }
0x43: {  	_ =	shalt  }
0x44: {  	_ =	shalt  }
0x45: {  	_ =	shalt  }
0x46: {  	_ =	shalt  }
0x47: {  	_ =	shalt  }
0x48: {  	_ =	shalt  }
0x49: {  	_ =	shalt  }
0x4a: {  	_ =	shalt  }
0x4b: {  	_ =	shalt  }
0x4c: {  	_ =	shalt  }
0x4d: {  	_ =	shalt  }
0x4e: {  	_ =	shalt  }
0x4f: {  	_ =	shalt  }
0x50: {  	_ =	shalt  }
0x51: {  	_ =	shalt  }
0x52: {  	_ =	shalt  }
0x53: {  	_ =	shalt  }
0x54: {  	_ =	shalt  }
0x55: {  	_ =	shalt  }
0x56: {  	_ =	shalt  }
0x57: {  	_ =	shalt  }
0x58: {  	_ =	shalt  }
0x59: {  	_ =	shalt  }
0x5a: {  	_ =	shalt  }
0x5b: {  	_ =	shalt  }
0x5c: {  	_ =	shalt  }
0x5d: {  	_ =	shalt  }
0x5e: {  	_ =	shalt  }
0x5f: {  	_ =	shalt  }
0x60: {  	_ =	shalt  }
0x61: {  	_ =	shalt  }
0x62: {  	_ =	shalt  }
0x63: {  	_ =	shalt  }
0x64: {  	_ =	shalt  }
0x65: {  	_ =	shalt  }
0x66: {  	_ =	shalt  }
0x67: {  	_ =	shalt  }
0x68: {  	_ =	shalt  }
0x69: {  	_ =	shalt  }
0x6a: {  	_ =	shalt  }
0x6b: {  	_ =	shalt  }
0x6c: {  	_ =	shalt  }
0x6d: {  	_ =	shalt  }
0x6e: {  	_ =	shalt  }
0x6f: {  	_ =	shalt  }
0x70: {  	_ =	shalt  }
0x71: {  	_ =	shalt  }
0x72: {  	_ =	shalt  }
0x73: {  	_ =	shalt  }
0x74: {  	_ =	shalt  }
0x75: {  	_ =	shalt  }
0x76: {  	_ =	shalt  }
0x77: {  	_ =	shalt  }
0x78: {  	_ =	shalt  }
0x79: {  	_ =	shalt  }
0x7a: {  	_ =	shalt  }
0x7b: {  	_ =	shalt  }
0x7c: {  	_ =	shalt  }
0x7d: {  	_ =	shalt  }
0x7e: {  	_ =	shalt  }
0x7f: {  	_ =	shalt  }
0x80: {  	_ =	shalt  }
0x81: {  	_ =	shalt  }
0x82: {  	_ =	shalt  }
0x83: {  	_ =	shalt  }
0x84: {  	_ =	shalt  }
0x85: {  	_ =	shalt  }
0x86: {  	_ =	shalt  }
0x87: {  	_ =	shalt  }
.Lfunc_end0:
.L_simem_size_0:
called_computation.2_lowered:
.L_overlay_start_0:
0x88: {  	s2 =	sld [smem:$0x3FD9]  }
0x89: {  	s3 =	sld [smem:$0x3FFE];
	_ =	sdelay $0x1  }
0x8a: {  	s1 =	srdreg.scid  }
0x8b: {  	s0 =	sand.u32 $0x1, s1  }
0x8c: {  	s17 =	sshll.u32 s0, $0xA;
	s2 =	sadd.s32 s3, s2  }
0x8d: {  	s2 =	sadd.s32 s2, s17  }
0x8e: {  	[smem:$0x3FC0] =	sst s2  }
0x8f: {  	_ = 	snop  }
0x90: {  	(tm) =	ssettm $0x1  }
0x91: {  	s18 =	sld [smem:$0x3FFB];
	_ =	sdelay $0x3  }
0x92: {  	_ =	strace s18  }
0x93: {  	s2 =	sld [smem:$0x3FFC];
	_ =	sdelay $0x3  }
0x94: {  	_ =	strace s2  }
0x95: {  	s2 =	sld [smem:$0x3FFD];
	_ =	sdelay $0x3  }
0x96: {  	_ =	strace s2  }
0x97: {  	_ =	strace $0x8FFFFFFF  }
0x98: {  	s19 =	sld [smem:$0x3FDB];
	_ =	sdelay $0x1  }
0x99: {  	s20 =	simm.s32 $_scs_section_size  }
0x9a: {  	s4 =	simm.s32 $_size__tile_overlayer_lowered;
	s5 =	simm.s32 $_tile_overlayer_lowered  }
0x9b: {  	s6 =	simm.s32 $0x1BFF;
	s21 =	sshll.u32 s5, $0x1;
	s3 =	sadd.s32 s20, s19  }
0x9c: {  	s22 =	simm.s32 $0x0;
	s4 =	sshll.u32 s4, $0x1;
	s5 =	sadd.s32 s21, s3  }
0x9d: {  	[timem:s22], [sflag:s6] =	dma.local [hbm:s5], s4  }
0x9e: {  	_ =	swait.ge [sflag:s6], s4  }
0x9f: {  	s4 =	ssub.s32 $0x0, s4;
	[sflag:s6] =	ssyncset.done $0x0  }
0xa0: {  	[sflag:s6] =	ssyncadd.s32 s4;
	_ =	sdelay $0x1  }
0xa1: {  	s23 =	simm.s32 $0x1B8B  }
0xa2: {  	_ =	swait.ge [sflag:s23], $0x1  }
0xa3: {  	[sflag:s23] =	ssyncset.done $0x0  }
0xa4: {  	[sflag:s23] =	ssyncadd.s32 $0xFFFFFFFF  }
0xa5: {  	s4 =	sld [smem:$0x0]  }
0xa6: {  	s5 =	sand.u32 $0xFFFFFFFE, s1  }
0xa7: {  	p0 =	sne.s32 s1, s5  }
0xa8: {  	s5 =	sshll.u32 @p0 s5, $0xE  }
0xa9: {  	s5 =	sadd.s32 @p0 $0x11B8D, s5;
	s6 =	sshll.u32 @p0 s4, $0x11  }
0xaa: {  	s5 =	sor.u32 @p0 s6, s5  }
0xab: {  	[sflag:s5] =	ssyncadd.remote.s32 @p0 $0x1;
	_ =	sdelay $0x1  }
0xac: {  	s5 =	simm.s32 @p0 $0x1B8D  }
0xad: {  	_ =	swait.eq @p0 [sflag:s5], $0x1  }
0xae: {  	[sflag:s5] =	ssyncadd.s32 @p0 $0xFFFFFFFF  }
0xaf: {  	s6 =	sshll.u32 @!p0 s1, $0xE  }
0xb0: {  	s6 =	sor.u32 @!p0 $0x4000, s6;
	s5 =	simm.s32 @!p0 $0x1B8D  }
0xb1: {  	s4 =	sshll.u32 @!p0 s4, $0x11;
	s6 =	sadd.s32 @!p0 $0x11B8D, s6;
	_ =	swait.eq @!p0 [sflag:s5], $0x1  }
0xb2: {  	s4 =	sor.u32 @!p0 s4, s6;
	[sflag:s5] =	ssyncadd.s32 @!p0 $0xFFFFFFFF  }
0xb3: {  	s25 =	simm.s32 $0x1B8E;
	s24 =	sld [smem:$0x3FFE];
	[sflag:s4] =	ssyncadd.remote.s32 @!p0 $0x1  }
0xb4: {  	s26 =	simm.s32 $execute0_lowered;
	[smem:$0x3FD2] =	sst s25  }
0xb5: {  	s5 =	sshll.u32 s26, $0x1;
	_ =	strace $0x80000049;
	[dreg:$0x1] =	wrdreg $0xFFFFFFFF  }
0xb6: {  	s28 =	simm.s32 $_size_execute0_lowered;
	s3 =	sadd.s32 s3, s5;
	[dreg:$0x0] =	wrdreg $0x0  }
0xb7: {  	s5 =	sshll.u32 s28, $0x1;
	[dreg:$0x2] =	wrdreg s3  }
0xb8: {  	[dreg:$0x3] =	wrdreg s5  }
0xb9: {  	[dreg:$0x4] =	wrdreg $0xC0  }
0xba: {  	_ =	task [dreg:s22], $0x5FFFF  }
0xbb: {  	[dreg:$0x1] =	wrdreg $0xFFFFFFFF  }
0xbc: {  	[dreg:$0x0] =	wrdreg $0x60  }
0xbd: {  	[dreg:$0x2] =	wrdreg s24  }
0xbe: {  	[dreg:$0x3] =	wrdreg $0xB  }
0xbf: {  	_ =	task.clear_ibuf [dreg:s22], $0x4FFFF;
	_ =	strace $0x90000049  }
0xc0: {  	s29 =	simm.s32 $0xB;
	_ =	strace $0x8000004B  }
0xc1: {  	_ =	swait.ge [sflag:s29], $0x1  }
0xc2: {  	[sflag:s29] =	ssyncadd.s32 $0xFFFFFFFF  }
0xc3: {  	_ =	strace $0x9000004B  }
0xc4: {  	_ =	sfence  }
0xc5: {  	s30 =	sld [smem:$0x0];
	_ =	sdelay $0x2  }
0xc6: {  	s31 =	sshll.u32 s1, $0xD;
	s1 =	sshrl.u32 s1, $0x2  }
0xc7: {  	s4 =	sand.u32 $0x4000, s31;
	s1 =	sadd.s32 s1, s30  }
0xc8: {  	s0 =	sor.u32 s4, s0;
	s1 =	sshll.u32 s1, $0x11  }
0xc9: {  	s0 =	sor.u32 s1, s0  }
0xca: {  	s0 =	sadd.s32 $0x8F2B, s0  }
0xcb: {  	[sflag:s0] =	ssyncadd.remote.s32 $0x1  }
0xcc: {  	_ =	sfence.sel $0xFFFF  }
0xcd: {  	[dreg:$0x0] =	wrdreg $0xFFFFFFFF;
	(pc) =	sbr.abs _section_cstart, $3  }
0xce: {  	[dreg:$0x1] =	wrdreg $0xFFFFFFFF  }
0xcf: {  	_ =	task.clear_ibuf [dreg:s22], $0x2FFFF;
	_ =	strace $0x9FFFFFFF  }
0xd0: {  	(tm) =	ssettm $0x7FFFFFFF  }
0xd1: {  	_ =	shalt  }
tec
execute0_lowered:
.L_overlay_start_1:
0x0: {  	(tag) =	ssettag $0x1  }
0x1: {  	s0 =	srdreg.scid  }
0x2: {  	s3 =	stileid.u32;
	s4 =	rddreg [dreg:$0x0]  }
0x3: {  	s2 =	simm.s32 $0x0;
	s12 =	simm.s32 $0x400;
	s0 =	sand.u32 $0x1, s0  }
0x4: {  	s13 =	simm.s32 $0x800;
	s14 =	simm.s32 $0xC00;
	s1 =	sor.u32 s0, s3  }
0x5: {  	s15 =	simm.s32 $0x2C00;
	p1 =	seq.s32 s0, $0x1;
	p0 =	seq.s32 s1, $0x0  }
0x6: {  	s16 =	simm.s32 $0x4C00;
	s17 =	simm.s32 $0x6C00;
	p0 =	por !p0, !p1  }
0x7: {  	[smem:$0x7FF] =	sst s2;
	s1 =	simm.s32 $0x1;
	p0 =	por !p0, !p0  }
0x8: {  	s18 =	simm.s32 $0x0;
	_ =	strace $0x8000004A;
	s1 =	simm.s32 @!p0 $0x0  }
0x9: {  	s6 =	sshll.u32 s0, $0xA;
	s0 =	ssub.s32 $0x2, s0;
	s1 =	ssub.s32 s3, s1  }
0xa: {  	s31 =	sshrl.u32 s0, $0x1;
	s5 =	sshll.u32 s1, $0x7;
	s1 =	sshll.u32 s1, $0xB  }
0xb: {  	s0 =	ssub.s32 s0, s31;
	s1 =	sand.u32 $0x1FFFF800, s1;
	s5 =	sand.u32 $0x1FFFFF80, s5  }
0xc: {  	s11 =	smax.u32 s0, $0x1;
	s1 =	sor.u32 s6, s1;
	s7 =	sadd.s32 s5, s4  }
0xd: {  	s3 =	simm.s32 $0x1;
	s1 =	sadd.s32 s1, s4;
	s4 =	sadd.s32 $0x55200, s7  }
0xe: {  	s5 =	sadd.s32 $0x55A00, s7;
	s6 =	sadd.s32 $0x56200, s7;
	s7 =	sadd.s32 $0x23A00, s1  }
0xf: {  	v0 =	vlaneseq.u32;
	s8 =	sadd.s32 $0xBA00, s1;
	s9 =	sadd.s32 $0x3CA00, s1;
	s10 =	sadd.s32 $0x56A00, s1  }
.LBB2_1:
0x10: {  	[tilespmem:s2], [sflag:$0x1] =	stream.linear.gather [hbm4b:s4+s2], $0x400, $0x38;
	[tilespmem:$0x8C00] =	vst v63  }
0x11: {  	_ =	swait.ge [sflag:s3], $0x400  }
0x12: {  	[sflag:s3] =	ssyncset.done $0x0  }
0x13: {  	[sflag:s3] =	ssyncadd.s32 $0xFFFFFC00  }
0x14: {  	[tilespmem:s12], [sflag:$0x1] =	stream.linear.gather [hbm4b:s5+s2], $0x400, $0x38;
	[tilespmem:$0x8C00] =	vst v63  }
0x15: {  	_ =	swait.ge [sflag:s3], $0x400  }
0x16: {  	[sflag:s3] =	ssyncset.done $0x0  }
0x17: {  	[sflag:s3] =	ssyncadd.s32 $0xFFFFFC00  }
0x18: {  	[tilespmem:s13], [sflag:$0x1] =	stream.linear.gather [hbm4b:s6+s2], $0x400, $0x38;
	[tilespmem:$0x8C00] =	vst v63  }
0x19: {  	_ =	swait.ge [sflag:s3], $0x400  }
0x1a: {  	[sflag:s3] =	ssyncset.done $0x0  }
0x1b: {  	[sflag:s3] =	ssyncadd.s32 $0xFFFFFC00  }
0x1c: {  	[tilespmem:s14], [sflag:$0x1] =	stream.linear.gather [hbm4b:s7+s2], $0x2000, $0x38;
	[tilespmem:$0x8C00] =	vst v63  }
0x1d: {  	_ =	swait.ge [sflag:s3], $0x2000  }
0x1e: {  	[sflag:s3] =	ssyncset.done $0x0  }
0x1f: {  	[sflag:s3] =	ssyncadd.s32 $0xFFFFE000  }
0x20: {  	[tilespmem:s15], [sflag:$0x1] =	stream.linear.gather [hbm4b:s8+s2], $0x2000, $0x38;
	[tilespmem:$0x8C00] =	vst v63  }
0x21: {  	_ =	swait.ge [sflag:s3], $0x2000  }
0x22: {  	[sflag:s3] =	ssyncset.done $0x0  }
0x23: {  	[sflag:s3] =	ssyncadd.s32 $0xFFFFE000  }
0x24: {  	[tilespmem:s16], [sflag:$0x1] =	stream.linear.gather [hbm4b:s9+s2], $0x2000, $0x38;
	[tilespmem:$0x8C00] =	vst v63  }
0x25: {  	_ =	swait.ge [sflag:s3], $0x2000  }
0x26: {  	[sflag:s3] =	ssyncset.done $0x0  }
0x27: {  	s19 =	simm.s32 $0x0;
	[sflag:s3] =	ssyncadd.s32 $0xFFFFE000  }
.LBB2_2:
0x28: {  	s20 =	sshll.u32 s19, $0x4  }
0x29: {  	v1 =	vld [tilespmem:s20+$0x1800]  }
0x2a: {  	s0 =	simm.s32 $0x400;
	v2 =	vld [tilespmem:s20+$0x3800]  }
0x2b: {  	s1 =	simm.s32 $0x0;
	v23 =	vld [tilespmem:s0+$0x0]  }
0x2c: {  	v24 =	vld [tilespmem:s1+$0x0];
	_ =	sdelay $0x2  }
0x2d: {  	v3 =	vld [tilespmem:s20+$0x1000]  }
0x2e: {  	v4 =	vld [tilespmem:s20+$0x3000]  }
0x2f: {  	v55 =	vld [tilespmem:s20+$0x5800];
	v8 =	vmul.f32 v24, v1;
	v9 =	vmul.f32 v23, v2  }
0x30: {  	v51 =	vld [tilespmem:s20+$0x2000]  }
0x31: {  	s21 =	simm.s32 $0x800;
	v5 =	vld [tilespmem:s20+$0x4000];
	v9 =	vadd.f32 v9, v8  }
0x32: {  	v27 =	vld [tilespmem:s21+$0x0]  }
0x33: {  	v12 =	vld [tilespmem:s20+$0x2800];
	v11 =	vadd.f32 v9, v9  }
0x34: {  	s22 =	simm.s32 $0x410;
	v58 =	vld [tilespmem:s20+$0x4800]  }
0x35: {  	s23 =	simm.s32 $0x10;
	v35 =	vld [tilespmem:s22+$0x0];
	v13 =	vsub.f32 v55, v11  }
0x36: {  	v36 =	vld [tilespmem:s23+$0x0]  }
0x37: {  	v56 =	vld [tilespmem:s20+$0x4400];
	v16 =	vmul.f32 v23, v5;
	v15 =	vadd.f32 v13, v27  }
0x38: {  	v6 =	vld [tilespmem:s20+$0x3400];
	v17 =	vmul.f32 v24, v51;
	v25 =	vmul.f32 v24, v12  }
0x39: {  	v60 =	vld [tilespmem:s20+$0x6000];
	v28 =	vmul.f32 v23, v58;
	v30 =	vmul.f32 v23, v4;
	v20 =	vadd.f32 $9.999999740e-06, v15  }
0x3a: {  	v26 =	vor.u32 s1, v0;
	v32 =	vmul.f32 v24, v3;
	v38 =	vmul.f32 v35, v5;
	v8 =	vld [tilespmem:s20+$0x2400]  }
0x3b: {  	v61 =	vld [tilespmem:s20+$0x6400];
	v42 =	vmul.f32 v36, v1;
	v43 =	vmul.f32 v35, v2;
	(xrf1) =	vsort.dscd.msk.f32 $0xffff, v20, v26  }
0x3c: {  	v14 =	vld [tilespmem:s20+$0x6800];
	v48 =	vmul.f32 v36, v51;
	v21 =	vadd.f32 v16, v17;
	v25 =	vadd.f32 v28, v25  }
0x3d: {  	v10 =	vld [tilespmem:s20+$0x5000];
	v19 =	vmul.f32 v23, v56;
	v30 =	vadd.f32 v30, v32;
	v42 =	vadd.f32 v43, v42  }
0x3e: {  	v7 =	vld [tilespmem:s20+$0x3C00];
	v52 =	vmul.f32 v35, v56;
	v38 =	vadd.f32 v38, v48;
	v21 =	vadd.f32 v21, v21  }
0x3f: {  	v9 =	vld [tilespmem:s20+$0x1400];
	v25 =	vadd.f32 v25, v25;
	v32 =	vadd.f32 v30, v30;
	v18 =	vmul.f32 v24, v8  }
0x40: {  	v53 =	vmul.f32 v35, v6;
	v50 =	vadd.f32 v42, v42;
	v38 =	vadd.f32 v38, v38;
	v11 =	vld [tilespmem:s20+$0xC00]  }
0x41: {  	v63 =	vld [tilespmem:s20+$0x1C00];
	v54 =	vmul.f32 v36, v3;
	v21 =	vsub.f32 v60, v21;
	v19 =	vadd.f32 v19, v18  }
0x42: {  	v45 =	vmul.f32 v36, v12;
	v25 =	vsub.f32 v14, v25;
	v46 =	vsub.f32 v10, v32  }
0x43: {  	v62 =	vld [tilespmem:s20+$0x2C00];
	v30 =	vimm.f32 $+Inf;
	v38 =	vsub.f32 v60, v38;
	v29 =	vadd.f32 v19, v19  }
0x44: {  	v32 =	vimm.s32 $0x0;
	v33 =	vadd.f32 v21, v27;
	v25 =	vadd.f32 v25, v27  }
0x45: {  	v22 =	vmul.f32 v24, v9;
	v34 =	vmul.f32 v24, v11;
	v28 =	vsub.f32 v61, v29  }
0x46: {  	v47 =	vadd.f32 v46, v27;
	v24 =	vmul.f32 v24, v63;
	v29 =	vmul.f32 v23, v7  }
0x47: {  	v33 =	vadd.f32 $9.999999740e-06, v33;
	v20 =	vmul.f32 v23, v6;
	v28 =	vadd.f32 v28, v27  }
0x48: {  	v15 =	vld [tilespmem:s20+$0x5C00];
	v44 =	vadd.f32 $9.999999740e-06, v47;
	v23 =	vmul.f32 v23, v62;
	v29 =	vadd.f32 v29, v24  }
0x49: {  	s24 =	simm.s32 $0x810;
	v13 =	vld [tilespmem:s20+$0x5400];
	v47 =	vmul.f32 v35, v58;
	(xrf1) =	vsort.dscd.msk.f32 $0xffff, v33, v26;
	v31 =	vadd.f32 v20, v22;
	v28 =	vadd.f32 $9.999999740e-06, v28;
	v40, v41, _ =	vpop (xrf1)  }
0x4a: {  	v33 =	vld [tilespmem:s24+$0x0];
	v23 =	vadd.f32 v23, v34;
	v29 =	vadd.f32 v29, v29;
	vm0 =	vlt.f32 v40, v30  }
0x4b: {  	v46 =	vadd.f32 $9.999999740e-06, v25;
	(xrf1) =	vsort.dscd.msk.f32 $0xffff, v28, v26;
	v41 =	vsel vm0, v41, v32;
	v40 =	vsel vm0, v40, v30  }
0x4c: {  	v45 =	vadd.f32 v47, v45;
	v31 =	vadd.f32 v31, v31;
	(xrf1) =	vsort.ascd.msk.f32 $0xffff, v40, v41  }
0x4d: {  	v16 =	vld [tilespmem:s20+$0x4C00];
	v37 =	vadd.f32 v23, v23;
	v29 =	vsub.f32 v15, v29;
	(xrf1) =	vsort.dscd.msk.f32 $0xffff, v44, v26  }
0x4e: {  	v49 =	vmul.f32 v36, v8;
	v31 =	vsub.f32 v13, v31;
	v41 =	vsub.f32 v55, v50  }
0x4f: {  	v57 =	vmul.f32 v36, v9;
	v38 =	vadd.f32 v38, v33;
	v29 =	vadd.f32 v29, v27  }
0x50: {  	v25 =	vor.u32 s23, v0;
	v31 =	vadd.f32 v31, v27;
	v41 =	vadd.f32 v41, v33  }
0x51: {  	v39 =	vmul.f32 v36, v11;
	v29 =	vadd.f32 $9.999999740e-06, v29;
	v40 =	vadd.f32 v52, v49  }
0x52: {  	v28 =	vmul.f32 v35, v4;
	v37 =	vsub.f32 v16, v37;
	v41 =	vadd.f32 $9.999999740e-06, v41  }
0x53: {  	v34 =	vmul.f32 v35, v7;
	v31 =	vadd.f32 $9.999999740e-06, v31;
	v40 =	vadd.f32 v40, v40;
	(xrf1) =	vsort.dscd.msk.f32 $0xffff, v29, v26  }
0x54: {  	v35 =	vmul.f32 v35, v62;
	v38 =	vadd.f32 $9.999999740e-06, v38;
	v28 =	vadd.f32 v28, v54;
	(xrf1) =	vsort.dscd.msk.f32 $0xffff, v41, v25  }
0x55: {  	s26 =	simm.s32 $0x20;
	v27 =	vadd.f32 v37, v27;
	v40 =	vsub.f32 v61, v40;
	(xrf1) =	vsort.dscd.msk.f32 $0xffff, v31, v26  }
0x56: {  	v35 =	vadd.f32 v35, v39;
	v28 =	vadd.f32 v28, v28;
	(xrf1) =	vsort.dscd.msk.f32 $0xffff, v46, v26;
	v46 =	vld [tilespmem:s26+$0x0]  }
0x57: {  	v36 =	vmul.f32 v36, v63;
	v42, v43, _ =	vpop (xrf1);
	v50 =	vadd.f32 v45, v45;
	v40 =	vadd.f32 v40, v33  }
0x58: {  	v35 =	vadd.f32 v35, v35;
	vm9 =	vlt.f32 v42, v30;
	v29 =	vadd.f32 v53, v57  }
0x59: {  	v49 =	vsel vm9, v43, v32;
	v52 =	vsub.f32 v14, v50;
	v48, v59, _ =	vpop (xrf1);
	v40 =	vadd.f32 $9.999999740e-06, v40  }
0x5a: {  	v27 =	vadd.f32 $9.999999740e-06, v27;
	v29 =	vadd.f32 v29, v29;
	vm1 =	vlt.f32 v48, v30;
	v39, v44, _ =	vpop (xrf1);
	(xrf1) =	vsort.dscd.msk.f32 $0xffff, v38, v25  }
0x5b: {  	s25 =	simm.s32 $0x420;
	v17 =	vmov v60;
	v31 =	vsel vm9, v42, v30;
	v47 =	vmul.f32 v46, v8;
	v53, v45, _ =	vpop (xrf1);
	(xrf1) =	vsort.dscd.msk.f32 $0xffff, v40, v25  }
0x5c: {  	v21 =	vmovc v62;
	v38 =	vmul.f32 v46, v3;
	v40 =	vld [tilespmem:s25+$0x0];
	(xrf1) =	vsort.dscd.msk.f32 $0xffff, v27, v26;
	v26 =	vsub.f32 v10, v28  }
0x5d: {  	v18 =	vmovc v61;
	vm10 =	vlt.f32 v53, v30;
	v27 =	vadd.f32 v34, v36;
	v28 =	vsub.f32 v13, v29  }
0x5e: {  	[tilespmem:$0x1FFE0] =	vst v13;
	v34 =	vadd.f32 v52, v33;
	v29 =	vsel vm1, v48, v30;
	(xrf1) =	vsort.ascd.msk.f32 $0xffff, v31, v49  }
0x5f: {  	v19 =	vmovc v7;
	v54 =	vsel vm10, v45, v32;
	v43 =	vsel vm10, v53, v30;
	v45 =	vsub.f32 v16, v35  }
0x60: {  	v24 =	vmovc v16;
	v49 =	vmul.f32 v46, v1;
	v26 =	vadd.f32 v26, v33;
	v31 =	vadd.f32 v27, v27  }
0x61: {  	v13 =	vmovc v9;
	v27 =	vsel vm1, v59, v32;
	v36 =	vadd.f32 v28, v33;
	v28 =	vmul.f32 v40, v5  }
0x62: {  	(xrf1) =	vsort.ascd.msk.f32 $0xffff, v29, v27;
	v42 =	vmul.f32 v40, v4;
	v48 =	vmul.f32 v40, v6;
	v50 =	vadd.f32 $9.999999740e-06, v26  }
0x63: {  	v37, v29, _ =	vpop (xrf1);
	(xrf1) =	vsort.ascd.msk.f32 $0xffff, v43, v54;
	v26 =	vmul.f32 v40, v2;
	v43 =	vmul.f32 v46, v9;
	v9 =	vmov v51  }
0x64: {  	[tilespmem:$0x1FFF0] =	vst v14;
	v51 =	vmul.f32 v46, v51;
	v31 =	vsub.f32 v15, v31;
	v54 =	vmul.f32 v46, v12;
	v59, v57, _ =	vpop (xrf1)  }
0x65: {  	v16 =	vmovc v58;
	v58 =	vmul.f32 v40, v58;
	vm11 =	vlt.f32 v37, v30;
	vm2 =	vlt.f32 v59, v39  }
0x66: {  	s29 =	simm.s32 $0x820;
	v22 =	vmovc v63;
	v49 =	vadd.f32 v26, v49;
	v31 =	vadd.f32 v31, v33;
	v44 =	vsel vm2, v57, v44  }
0x67: {  	[tilespmem:$0x1FFD0] =	vst v10;
	v52, v53, _ =	vpop (xrf1);
	v26 =	vld [tilespmem:s29+$0x0];
	v28 =	vadd.f32 v28, v51;
	v35 =	vsel vm11, v29, v32;
	v39 =	vsel vm2, v59, v39  }
0x68: {  	v20 =	vmovc v11;
	v43 =	vadd.f32 v48, v43;
	vm12 =	vlt.f32 v52, v30;
	v49 =	vadd.f32 v49, v49  }
0x69: {  	v23 =	vmovc v15;
	(xrf1) =	vsort.ascd.msk.f32 $0xffff, v39, v44;
	v51 =	vsel vm12, v52, v30;
	v52 =	vmul.f32 v40, v56  }
0x6a: {  	v14 =	vmov v6;
	v54 =	vadd.f32 v58, v54;
	v29 =	vsub.f32 v55, v49;
	v39, v44, _ =	vpop (xrf1);
	(xrf1) =	vsort.dscd.msk.f32 $0xffff, v50, v25  }
0x6b: {  	v41 =	vmul.f32 v46, v11;
	v11 =	vmovc v8;
	v33 =	vadd.f32 v45, v33;
	v47 =	vadd.f32 v52, v47  }
0x6c: {  	v8 =	vmovc v55;
	v27 =	vmul.f32 v40, v7;
	v42 =	vadd.f32 v42, v38;
	v57 =	vadd.f32 v29, v26  }
0x6d: {  	v10 =	vmovc v5;
	v7 =	vmovc v4;
	v37 =	vsel vm11, v37, v30;
	v49 =	vadd.f32 $9.999999740e-06, v31;
	v47 =	vadd.f32 v47, v47  }
0x6e: {  	v15 =	vmovc v12;
	v12 =	vmovc v56;
	v45 =	vmul.f32 v46, v63;
	v56 =	vadd.f32 v28, v28;
	v48 =	vadd.f32 $9.999999740e-06, v57  }
0x6f: {  	v28 =	vor.u32 s26, v0;
	v46 =	vadd.f32 v42, v42;
	(xrf1) =	vsort.dscd.msk.f32 $0xffff, v49, v25;
	v47 =	vsub.f32 v61, v47  }
0x70: {  	v36 =	vadd.f32 $9.999999740e-06, v36;
	v56 =	vsub.f32 v60, v56;
	v50, v55, _ =	vpop (xrf1);
	vm13 =	vlt.f32 v39, v30;
	(xrf1) =	vsort.dscd.msk.f32 $0xffff, v48, v28  }
0x71: {  	v4 =	vmovc v1;
	(xrf1) =	vsort.ascd.msk.f32 $0xffff, v37, v35;
	v37 =	vadd.f32 v43, v43;
	v43 =	vadd.f32 v47, v26  }
0x72: {  	v60 =	vsel vm12, v53, v32;
	v53 =	vadd.f32 $9.999999740e-06, v34;
	v44 =	vsel vm13, v44, v32;
	v31, v29, _ =	vpop (xrf1);
	(xrf1) =	vsort.dscd.msk.f32 $0xffff, v36, v25  }
0x73: {  	v0 =	vld [tilespmem:$0x1FFF0];
	v58 =	vsel vm13, v39, v30;
	v61 =	vadd.f32 v56, v26;
	v52, v59, _ =	vpop (xrf1);
	(xrf1) =	vsort.ascd.msk.f32 $0xffff, v51, v60;
	v43 =	vadd.f32 $9.999999740e-06, v43  }
0x74: {  	v5 =	vmov v2;
	v56 =	vmul.f32 v40, v62;
	v49, v57, _ =	vpop (xrf1);
	vm15 =	vlt.f32 v52, v30;
	(xrf1) =	vsort.ascd.msk.f32 $0xffff, v58, v44  }
0x75: {  	s30 =	simm.s32 $0x30;
	v61 =	vadd.f32 $9.999999740e-06, v61;
	v30 =	vsel vm15, v52, v30;
	v35, v34, _ =	vpop (xrf1);
	v60 =	vsel vm15, v59, v32;
	(xrf1) =	vsort.dscd.msk.f32 $0xffff, v53, v25  }
0x76: {  	s31 =	simm.s32 $0x30;
	s21 =	sor.u32 $0x400, s20;
	s22 =	sor.u32 $0x800, s20;
	v6 =	vmov v3;
	v62 =	vadd.f32 v54, v54;
	vm14 =	vlt.f32 v50, v49;
	v32, v36, _ =	vpop (xrf1);
	(xrf1) =	vsort.ascd.msk.f32 $0xffff, v30, v60  }
0x77: {  	s28 =	sor.u32 $0x1400, s20;
	s1 =	simm.s32 $0x430;
	s23 =	sor.u32 $0xC00, s20;
	v41 =	vadd.f32 v56, v41;
	v39 =	vsel vm14, v50, v49;
	v30 =	vadd.f32 $9.999999740e-06, v33;
	v33, v38, _ =	vpop (xrf1);
	(xrf1) =	vsort.dscd.msk.f32 $0xffff, v61, v28  }
0x78: {  	s24 =	sor.u32 $0x1000, s20;
	s25 =	sor.u32 $0x1C00, s20;
	s26 =	sor.u32 $0x1800, s20;
	v3 =	vmov v0;
	v40 =	vsel vm14, v55, v57;
	v44 =	vsub.f32 v0, v62;
	(xrf1) =	vsort.dscd.msk.f32 $0xffff, v43, v28;
	v42, v43, _ =	vpop (xrf1)  }
.LBB2_3:
0x79: {  	v47 =	vld [tilespmem:s1+$0x0]  }
0x7a: {  	v0 =	vld [tilespmem:$0x1FFD0];
	_ =	sdelay $0x1  }
0x7b: {  	vm0 =	vlt.f32 v42, v32;
	vm1 =	vlt.f32 v31, v35;
	v27 =	vadd.f32 v27, v45  }
0x7c: {  	(xrf1) =	vsort.dscd.msk.f32 $0xffff, v30, v25;
	v30 =	vld [tilespmem:s31+$0x0];
	v31 =	vsel vm1, v31, v35;
	v1 =	vsel vm0, v43, v36  }
0x7d: {  	v63 =	vadd.f32 v27, v27;
	v27 =	vsel vm1, v29, v34;
	v29 =	vadd.f32 v41, v41  }
0x7e: {  	v25 =	vmovc v28;
	v28 =	vsub.f32 v0, v46;
	v0 =	vld [tilespmem:$0x1FFE0];
	v48 =	vmul.f32 v47, v7;
	v50 =	vmul.f32 v47, v14  }
0x7f: {  	v45, v46, _ =	vpop (xrf1);
	(xrf1) =	vsort.ascd.msk.f32 $0xffff, v39, v40;
	v52 =	vmul.f32 v47, v5;
	v2 =	vmul.f32 v47, v16  }
0x80: {  	v34, v57, _ =	vpop (xrf1);
	(xrf1) =	vsort.ascd.msk.f32 $0xffff, v31, v27;
	v27 =	vmul.f32 v47, v19;
	v31 =	vmul.f32 v47, v10  }
0x81: {  	v39 =	vadd.f32 v44, v26;
	v44 =	vmul.f32 v30, v20;
	v51 =	vmul.f32 v30, v4  }
0x82: {  	v35 =	vsub.f32 v23, v63;
	v54 =	vmul.f32 v30, v6;
	v55 =	vmul.f32 v30, v13  }
0x83: {  	v59 =	vmul.f32 v30, v11;
	v41, v43, _ =	vpop (xrf1);
	v37 =	vsub.f32 v0, v37;
	v0 =	vsel vm0, v42, v32  }
0x84: {  	v60 =	vmul.f32 v30, v15;
	vm2 =	vlt.f32 v34, v33;
	v42, v49, _ =	vpop (xrf1);
	(xrf1) =	vsort.ascd.msk.f32 $0xffff, v0, v1  }
0x85: {  	v28 =	vadd.f32 v28, v26;
	vm11 =	vlt.f32 v45, v41;
	v38 =	vsel vm2, v57, v38;
	v32, v36, _ =	vpop (xrf1)  }
0x86: {  	v51 =	vadd.f32 v52, v51;
	v33 =	vsel vm2, v34, v33;
	v34 =	vadd.f32 v35, v26;
	v40, v56, _ =	vpop (xrf1)  }
0x87: {  	s29 =	sadd.s32 $0x10, s29;
	v52 =	vmul.f32 v30, v9;
	v50 =	vadd.f32 v50, v55;
	v2 =	vadd.f32 v2, v60;
	v57, v58, _ =	vpop (xrf1)  }
0x88: {  	v53 =	vld [tilespmem:s29+$0x0];
	v28 =	vadd.f32 $9.999999740e-06, v28;
	v43 =	vsel vm11, v46, v43;
	v51 =	vadd.f32 v51, v51;
	v61, v62, _ =	vpop (xrf1)  }
0x89: {  	v41 =	vsel vm11, v45, v41;
	v35 =	vadd.f32 v31, v52;
	v52 =	vsub.f32 v24, v29;
	v63, v0, _ =	vpop (xrf1)  }
0x8a: {  	v37 =	vadd.f32 v37, v26;
	vm12 =	vlt.f32 v42, v32;
	v31, v29, _ =	vpop (xrf1);
	(xrf1) =	vsort.ascd.msk.f32 $0xffff, v33, v38  }
0x8b: {  	v34 =	vadd.f32 $9.999999740e-06, v34;
	v46 =	vsub.f32 v8, v51;
	v33 =	vsel vm12, v42, v32;
	v38, v42, _ =	vpop (xrf1);
	(xrf1) =	vsort.dscd.msk.f32 $0xffff, v28, v25  }
0x8c: {  	v51 =	vadd.f32 $9.999999740e-06, v39;
	v32 =	vadd.f32 v35, v35;
	v35 =	vmul.f32 v47, v12  }
0x8d: {  	v49 =	vsel vm12, v49, v36;
	v46 =	vadd.f32 v46, v53;
	vm13 =	vlt.f32 v57, v40  }
0x8e: {  	v56 =	vsel vm13, v58, v56;
	v40 =	vsel vm13, v57, v40;
	v59 =	vadd.f32 v35, v59  }
0x8f: {  	s0 =	smov.u32 s30;
	v46 =	vadd.f32 $9.999999740e-06, v46;
	v28 =	vlaneseq.u32;
	v60 =	vsub.f32 v17, v32  }
0x90: {  	v28 =	vor.u32 s0, v28;
	vm15 =	vlt.f32 v38, v61;
	v39, v1, _ =	vpop (xrf1);
	(xrf1) =	vsort.dscd.msk.f32 $0xffff, v34, v25;
	v58 =	vadd.f32 v59, v59  }
0x91: {  	v42 =	vsel vm15, v42, v62;
	v62 =	vsel vm15, v38, v61;
	v35, v34, _ =	vpop (xrf1);
	(xrf1) =	vsort.dscd.msk.f32 $0xffff, v46, v28;
	v59 =	vadd.f32 $9.999999740e-06, v37  }
0x92: {  	vm14 =	vlt.f32 v63, v39;
	v45 =	vsub.f32 v18, v58;
	v32, v36, _ =	vpop (xrf1);
	(xrf1) =	vsort.ascd.msk.f32 $0xffff, v41, v43  }
0x93: {  	v37 =	vadd.f32 v50, v50;
	v55 =	vadd.f32 v60, v53;
	(xrf1) =	vsort.dscd.msk.f32 $0xffff, v59, v25  }
0x94: {  	p0 =	sne.s32 s30, $0x3F0;
	v39 =	vsel vm14, v63, v39;
	v57 =	vadd.f32 v45, v53;
	(xrf1) =	vsort.ascd.msk.f32 $0xffff, v33, v49  }
.Ltmp0:
0x95: {  	v63 =	vadd.f32 v52, v26;
	v58 =	vmul.f32 v47, v21;
	(xrf1) =	vsort.ascd.msk.f32 $0xffff, v40, v56;
	(pc) =	sbr.rel @p0 .LBB2_3-.Ltmp0, $4  }
0x96: {  	v59 =	vadd.f32 $9.999999740e-06, v55;
	v60 =	vadd.f32 $9.999999740e-06, v57;
	v40 =	vsel vm14, v0, v1;
	(xrf1) =	vsort.dscd.msk.f32 $0xffff, v51, v25  }
0x97: {  	v0 =	vadd.f32 v48, v54;
	v1 =	vadd.f32 v2, v2;
	(xrf1) =	vsort.ascd.msk.f32 $0xffff, v62, v42  }
0x98: {  	v45 =	vmul.f32 v30, v22;
	v30 =	vadd.f32 $9.999999740e-06, v63;
	v41 =	vadd.f32 v58, v44;
	v33, v38, _ =	vpop (xrf1);
	(xrf1) =	vsort.dscd.msk.f32 $0xffff, v59, v28  }
0x99: {  	s30 =	sadd.s32 $0x10, s30;
	s1 =	sadd.s32 $0x10, s1;
	s31 =	sadd.s32 $0x10, s31;
	v26 =	vmov v53;
	v46 =	vadd.f32 v0, v0;
	v44 =	vsub.f32 v3, v1;
	v42, v43, _ =	vpop (xrf1);
	(xrf1) =	vsort.dscd.msk.f32 $0xffff, v60, v28  }
0x9a: {  	v1 =	vld [tilespmem:$0x1FFD0];
	_ =	sdelay $0x1  }
0x9b: {  	(xrf1) =	vsort.dscd.msk.f32 $0xffff, v30, v25;
	v0 =	vadd.f32 v27, v45;
	v4 =	vld [tilespmem:$0x1FFE0]  }
0x9c: {  	vm0 =	vlt.f32 v42, v32  }
0x9d: {  	vm1 =	vlt.f32 v31, v35;
	(xrf1) =	vsort.ascd.msk.f32 $0xffff, v39, v40;
	v0 =	vadd.f32 v0, v0  }
0x9e: {  	v6 =	vsel vm1, v31, v35;
	v12 =	vsel vm0, v42, v32;
	v2, v3, _ =	vpop (xrf1);
	v1 =	vsub.f32 v1, v46  }
0x9f: {  	v7 =	vsel vm1, v29, v34;
	v36 =	vsel vm0, v43, v36;
	v0 =	vsub.f32 v23, v0;
	v8, v9, _ =	vpop (xrf1)  }
0xa0: {  	v4 =	vsub.f32 v4, v37;
	v37, v11, _ =	vpop (xrf1);
	vm5 =	vlt.f32 v8, v33;
	v1 =	vadd.f32 v1, v26  }
0xa1: {  	(xrf1) =	vsort.ascd.msk.f32 $0xffff, v6, v7;
	v0 =	vadd.f32 v0, v26;
	v13, v14, _ =	vpop (xrf1);
	v9 =	vsel vm5, v9, v38  }
0xa2: {  	v10 =	vadd.f32 v41, v41;
	(xrf1) =	vsort.ascd.msk.f32 $0xffff, v12, v36;
	v8 =	vsel vm5, v8, v33;
	v6, v12, _ =	vpop (xrf1);
	v1 =	vadd.f32 $9.999999740e-06, v1  }
0xa3: {  	v4 =	vadd.f32 v4, v26;
	vm6 =	vlt.f32 v2, v37;
	v0 =	vadd.f32 $9.999999740e-06, v0;
	v15, v16, _ =	vpop (xrf1);
	(xrf1) =	vsort.ascd.msk.f32 $0xffff, v8, v9  }
0xa4: {  	v3 =	vsel vm6, v3, v11;
	(xrf1) =	vsort.dscd.msk.f32 $0xffff, v1, v28  }
0xa5: {  	v10 =	vsub.f32 v24, v10;
	v8, v9, _ =	vpop (xrf1);
	(xrf1) =	vsort.dscd.msk.f32 $0xffff, v0, v28;
	v0 =	vsel vm6, v2, v37;
	v2 =	vadd.f32 $9.999999740e-06, v4  }
0xa6: {  	v1, v17, _ =	vpop (xrf1)  }
0xa7: {  	v5 =	vadd.f32 v44, v26;
	v42 =	vadd.f32 v10, v26;
	vm7 =	vlt.f32 v13, v6;
	v39, v38, _ =	vpop (xrf1)  }
0xa8: {  	v6 =	vsel vm7, v13, v6;
	vm8 =	vlt.f32 v8, v15;
	(xrf1) =	vsort.ascd.msk.f32 $0xffff, v0, v3;
	v0, v3, _ =	vpop (xrf1)  }
0xa9: {  	v40 =	vsel vm7, v14, v12;
	v9 =	vsel vm8, v9, v16;
	(xrf1) =	vsort.dscd.msk.f32 $0xffff, v2, v28;
	v2, v41, _ =	vpop (xrf1)  }
0xaa: {  	v5 =	vadd.f32 $9.999999740e-06, v5;
	v8 =	vsel vm8, v8, v15;
	(xrf1) =	vsort.ascd.msk.f32 $0xffff, v6, v40;
	vm9 =	vlt.f32 v2, v1  }
0xab: {  	(xrf1) =	vsort.ascd.msk.f32 $0xffff, v8, v9;
	v1 =	vsel vm9, v2, v1;
	v2 =	vadd.f32 $9.999999740e-06, v42  }
0xac: {  	(xrf1) =	vsort.dscd.msk.f32 $0xffff, v5, v28;
	v43 =	vsel vm9, v41, v17  }
0xad: {  	(xrf1) =	vsort.ascd.msk.f32 $0xffff, v1, v43  }
0xae: {  	(xrf1) =	vsort.dscd.msk.f32 $0xffff, v2, v28;
	_ =	sdelay $0x1  }
0xaf: {  	v1, v2, _ =	vpop (xrf1)  }
0xb0: {  	v44, v45, _ =	vpop (xrf1)  }
0xb1: {  	vm10 =	vlt.f32 v39, v1;
	v47, v46, _ =	vpop (xrf1)  }
0xb2: {  	v1 =	vsel vm10, v39, v1;
	v2 =	vsel vm10, v38, v2;
	vm11 =	vlt.f32 v0, v44;
	v49, v48, _ =	vpop (xrf1)  }
0xb3: {  	(xrf1) =	vsort.ascd.msk.f32 $0xffff, v1, v2;
	v1 =	vsel vm11, v3, v45;
	v10, v50, _ =	vpop (xrf1)  }
0xb4: {  	v0 =	vsel vm11, v0, v44;
	v51, v52, _ =	vpop (xrf1)  }
0xb5: {  	v53, v54, _ =	vpop (xrf1)  }
0xb6: {  	v2, v3, _ =	vpop (xrf1)  }
0xb7: {  	(xrf1) =	vsort.ascd.msk.f32 $0xffff, v0, v1;
	vm12 =	vlt.f32 v10, v47;
	v0, v1, _ =	vpop (xrf1)  }
0xb8: {  	v55 =	vsel vm12, v50, v46;
	v56 =	vsel vm12, v10, v47;
	vm13 =	vlt.f32 v51, v53;
	v58, v57, _ =	vpop (xrf1)  }
0xb9: {  	(xrf1) =	vsort.ascd.msk.f32 $0xffff, v56, v55;
	v7 =	vsel vm13, v52, v54;
	vm14 =	vlt.f32 v2, v0;
	v5, v6, _ =	vpop (xrf1)  }
0xba: {  	v0 =	vsel vm14, v2, v0;
	v2 =	vsel vm13, v51, v53;
	v60, v59, _ =	vpop (xrf1);
	vm2 =	vlt.f32 v5, v58  }
0xbb: {  	v1 =	vsel vm14, v3, v1;
	(xrf1) =	vsort.ascd.msk.f32 $0xffff, v2, v7;
	v4, v13, _ =	vpop (xrf1);
	v6 =	vsel vm2, v6, v57  }
0xbc: {  	v2 =	vsel vm2, v5, v58;
	(xrf1) =	vsort.ascd.msk.f32 $0xffff, v0, v1;
	vm15 =	vlt.f32 v4, v60  }
0xbd: {  	(xrf1) =	vsort.ascd.msk.f32 $0xffff, v2, v6;
	v0 =	vsel vm15, v13, v59;
	v1 =	vsel vm15, v4, v60  }
0xbe: {  	(xrf1) =	vsort.ascd.msk.f32 $0xffff, v1, v0;
	_ =	sdelay $0x7  }
0xbf: {  	[tilespmem:s23+$0x6C00] =	vst v48;
	v0, v1, _ =	vpop (xrf1)  }
0xc0: {  	s19 =	sadd.s32 $0x1, s19;
	v0, v2, _ =	vpop (xrf1);
	[tilespmem:s28+$0x6C00] =	vst v1  }
0xc1: {  	p0 =	sne.s32 s19, $0x40;
	[tilespmem:s26+$0x6C00] =	vst v2;
	v0, v3, _ =	vpop (xrf1)  }
.Ltmp1:
0xc2: {  	[tilespmem:s21+$0x6C00] =	vst v3;
	v0, v61, _ =	vpop (xrf1);
	(pc) =	sbr.rel @p0 .LBB2_2-.Ltmp1, $4  }
0xc3: {  	v0, v62, _ =	vpop (xrf1);
	[tilespmem:s24+$0x6C00] =	vst v61  }
0xc4: {  	v0, v6, _ =	vpop (xrf1);
	[tilespmem:s22+$0x6C00] =	vst v62  }
0xc5: {  	[tilespmem:s25+$0x6C00] =	vst v6;
	v0, v63, _ =	vpop (xrf1)  }
0xc6: {  	[tilespmem:s20+$0x6C00] =	vst v63;
	v0 =	vlaneseq.u32  }
0xc7: {  	s18 =	sadd.s32 $0x1, s18  }
0xc8: {  	p0 =	sne.s32 s18, s11  }
.Ltmp2:
0xc9: {  	_ = 	snop;
	(pc) =	sbr.rel @p0 .LBB2_1-.Ltmp2, $4  }
0xca: {  	[hbm4b:s10+s2] =	stream.linear.scatter [tilespmem:s17], [sflag:$0x1], $0x2000, $0x38;
	[tilespmem:$0x8C00] =	vst v63  }
0xcb: {  	_ =	swait.ge [sflag:s3], $0x2000  }
0xcc: {  	[sflag:s3] =	ssyncset.done $0x0  }
0xcd: {  	[sflag:s3] =	ssyncadd.s32 $0xFFFFE000  }
0xce: {  	_ =	sfence.sel $0x180000  }
0xcf: {  	[bflag:$0x0] =	sbarrier.arrive $0xFFFF  }
0xd0: {  	_ =	strace $0x9000004A  }
0xd1: {  	s0 =	stileid.u32;
	[bflag:$0x2] =	sbarrier.arrive $0xFFFF  }
0xd2: {  	p0 =	sne.s32 s0, $0x0;
	s0 =	rddreg [dreg:$0x1]  }
0xd3: {  	s0 =	sadd.s32 @!p0 $0x100000, s0  }
0xd4: {  	[sflag:s0] =	ssyncadd.tile.s32 @!p0 $0x1;
	_ =	shalt  }
.Lfunc_end2:
_tile_overlayer_lowered:
.L_overlay_start_2:
0xd5: {  	(tag) =	ssettag $0x2  }
0xd6: {  	s0 =	rddreg [dreg:$0x0];
	s2 =	stileid.u32  }
0xd7: {  	s1 =	rddreg [dreg:$0x1];
	p0 =	sne.s32 s2, $0x0  }
0xd8: {  	s3 =	rddreg [dreg:$0x2];
	[bflag:$0x3] =	sbarrier.arrive $0xFFFF;
	s2 =	simm.s32 @!p0 $0x1C01  }
0xd9: {  	[timem:s3], [sflag:s2] =	dma.local @!p0 [hbm:s0], s1  }
0xda: {  	s0 =	simm.s32 @!p0 $0x1  }
0xdb: {  	_ =	swait.ge @!p0 [sflag:s0], s1  }
0xdc: {  	s1 =	ssub.s32 @!p0 $0x0, s1;
	[sflag:s0] =	ssyncset.done @!p0 $0x0  }
0xdd: {  	[sflag:s0] =	ssyncadd.s32 @!p0 s1  }
0xde: {  	[bflag:$0x3] =	sbarrier.arrive $0xFFFF  }
0xdf: {  	_ =	shalt  }

// kernel: kernel.19.cloned.1.call-start
scs
__scs_entry_jumppad:
0x0: {  	(pc) =	sbr.rel $0x88, $3  }
0x1: {  	(tag) =	ssettag $0x0;
	lr =	simm.s32 $0x1  }
0x2: {  	[smem:$0x3F99] =	sst lr;
	_ =	strace $0xD0000000  }
0x3: {  	_ = 	snop  }
0x4: {  	_ = 	snop  }
0x5: {  	_ = 	snop  }
0x6: {  	_ = 	snop  }
0x7: {  	_ = 	snop  }
__scs_overlays_trampoline_lowered:
0x8: {  	[smem:$0x3FA8] =	sst s0  }
0x9: {  	[smem:$0x3FA9] =	sst s1  }
0xa: {  	[smem:$0x3FAA] =	sst s2  }
0xb: {  	[smem:$0x3FAB] =	sst s3  }
0xc: {  	[smem:$0x3FAC] =	sst s4  }
0xd: {  	[smem:$0x3FAD] =	sst s5  }
0xe: {  	[smem:$0x3FAE] =	sst s6  }
0xf: {  	[smem:$0x3FAF] =	sst s7  }
0x10: {  	[smem:$0x3FB0] =	sst s8  }
0x11: {  	[smem:$0x3FB1] =	sst s9;
	s0 =	simm.s32 @!p0 $0x0  }
0x12: {  	s1 =	sld [smem:$0x3F97];
	s0 =	simm.s32 @p0 $0x1  }
0x13: {  	[smem:$0x3FB2] =	sst s0;
	s0 =	simm.s32 @!p1 $0x0  }
0x14: {  	s2 =	sld [smem:$0x3F96];
	s0 =	simm.s32 @p1 $0x1  }
0x15: {  	[smem:$0x3FB3] =	sst s0;
	s0 =	simm.s32 @!p2 $0x0  }
0x16: {  	s3 =	sld [smem:$0x3FDB];
	s0 =	simm.s32 @p2 $0x1  }
0x17: {  	s4 =	simm.s32 $0x1BF5;
	[smem:$0x3FB5] =	sst s0  }
0x18: {  	s0 =	sld [smem:$0x3F98];
	_ =	swait.ge [sflag:s4], $0x0  }
0x19: {  	s7 =	sld [smem:$0x3F99]  }
0x1a: {  	s8 =	sadd.s32 $0xFFFFE003, lr  }
0x1b: {  	s9 =	sadd.s32 $0xFFFFFEF7, lr;
	s5 =	simm.s32 $0xFFFFFFFF;
	p2 =	slt.u32 s8, $0xFFFFF086  }
0x1c: {  	p1 =	slt.u32 s9, $0xF7A;
	s5 =	simm.s32 @!p2 $0x0  }
0x1d: {  	s5 =	simm.s32 @p1 $0x1;
	p0 =	seq.s32 s7, s2  }
0x1e: {  	s7 =	smul.u32 @!p0 $0xF7A, s2;
	p2 =	seq.s32 @!p0 s5, $0x0  }
0x1f: {  	s9 =	smul.u32 $0xF7A, s1;
	s8 =	simm.s32 @!p0 $0x1BF5;
	p2 =	por !p2, p0  }
0x20: {  	[sflag:s8] =	ssyncset.s32 @!p0 $0xFFFFF086;
	s6 =	sadd.s32 @!p0 s3, s7;
	s7 =	simm.s32 @!p0 $0x108  }
0x21: {  	s3 =	sadd.s32 s3, s9;
	s6 =	sadd.s32 @!p0 $0x88, s6;
	s7 =	simm.s32 @p2 $0x1082  }
0x22: {  	[simem:s7], [sflag:s8] =	dma.local @!p0 [hbm:s6], $0xF7A  }
0x23: {  	s9 =	sor.u32 $0xD0000000, s2;
	s6 =	simm.s32 $0x108;
	_ =	swait.ge @!p0 [sflag:s8], $0x0  }
0x24: {  	s3 =	sadd.s32 $0x88, s3;
	s6 =	simm.s32 @!p1 $0x1082;
	[sflag:s4] =	ssyncset.s32 $0xFFFFF086  }
0x25: {  	[simem:s6], [sflag:s4] =	dma.local [hbm:s3], $0xF7A  }
0x26: {  	[smem:$0x3F99] =	sst s1;
	(tag) =	ssettag s2;
	_ =	strace s9  }
0x27: {  	s1 =	sld [smem:$0x3FA9]  }
0x28: {  	s2 =	sld [smem:$0x3FAA]  }
0x29: {  	s4 =	sld [smem:$0x3FAC]  }
0x2a: {  	p0 =	seq.s32 s5, $0x0;
	s5 =	sld [smem:$0x3FAD]  }
0x2b: {  	s6 =	sld [smem:$0x3FAE]  }
0x2c: {  	s7 =	sld [smem:$0x3FAF]  }
0x2d: {  	s3 =	simm.s32 $0x108;
	s8 =	sld [smem:$0x3FB0]  }
0x2e: {  	s3 =	simm.s32 @!p0 $0x1082;
	s9 =	sld [smem:$0x3FB1]  }
0x2f: {  	lr =	sadd.s32 s0, s3;
	s0 =	sld [smem:$0x3FA8]  }
0x30: {  	s3 =	sld [smem:$0x3FAB]  }
0x31: {  	[smem:$0x3FB4] =	sst s10  }
0x32: {  	s10 =	sld [smem:$0x3FB2];
	_ =	sdelay $0x3  }
0x33: {  	p0 =	seq.s32 s10, $0x1;
	s10 =	sld [smem:$0x3FB4];
	_ =	sdelay $0x3  }
0x34: {  	[smem:$0x3FB4] =	sst s10  }
0x35: {  	s10 =	sld [smem:$0x3FB3];
	_ =	sdelay $0x3  }
0x36: {  	p1 =	seq.s32 s10, $0x1;
	s10 =	sld [smem:$0x3FB4];
	_ =	sdelay $0x3  }
0x37: {  	[smem:$0x3FB4] =	sst s10  }
0x38: {  	s10 =	sld [smem:$0x3FB5]  }
0x39: {  	_ = 	snop;
	(pc) =	sbr.ind lr, $3  }
0x3a: {  	_ = 	snop  }
0x3b: {  	_ = 	snop  }
0x3c: {  	p2 =	seq.s32 s10, $0x1;
	s10 =	sld [smem:$0x3FB4]  }
0x3d: {  	_ =	shalt  }
0x3e: {  	_ =	shalt  }
0x3f: {  	_ =	shalt  }
0x40: {  	_ =	shalt  }
0x41: {  	_ =	shalt  }
0x42: {  	_ =	shalt  }
0x43: {  	_ =	shalt  }
0x44: {  	_ =	shalt  }
0x45: {  	_ =	shalt  }
0x46: {  	_ =	shalt  }
0x47: {  	_ =	shalt  }
0x48: {  	_ =	shalt  }
0x49: {  	_ =	shalt  }
0x4a: {  	_ =	shalt  }
0x4b: {  	_ =	shalt  }
0x4c: {  	_ =	shalt  }
0x4d: {  	_ =	shalt  }
0x4e: {  	_ =	shalt  }
0x4f: {  	_ =	shalt  }
0x50: {  	_ =	shalt  }
0x51: {  	_ =	shalt  }
0x52: {  	_ =	shalt  }
0x53: {  	_ =	shalt  }
0x54: {  	_ =	shalt  }
0x55: {  	_ =	shalt  }
0x56: {  	_ =	shalt  }
0x57: {  	_ =	shalt  }
0x58: {  	_ =	shalt  }
0x59: {  	_ =	shalt  }
0x5a: {  	_ =	shalt  }
0x5b: {  	_ =	shalt  }
0x5c: {  	_ =	shalt  }
0x5d: {  	_ =	shalt  }
0x5e: {  	_ =	shalt  }
0x5f: {  	_ =	shalt  }
0x60: {  	_ =	shalt  }
0x61: {  	_ =	shalt  }
0x62: {  	_ =	shalt  }
0x63: {  	_ =	shalt  }
0x64: {  	_ =	shalt  }
0x65: {  	_ =	shalt  }
0x66: {  	_ =	shalt  }
0x67: {  	_ =	shalt  }
0x68: {  	_ =	shalt  }
0x69: {  	_ =	shalt  }
0x6a: {  	_ =	shalt  }
0x6b: {  	_ =	shalt  }
0x6c: {  	_ =	shalt  }
0x6d: {  	_ =	shalt  }
0x6e: {  	_ =	shalt  }
0x6f: {  	_ =	shalt  }
0x70: {  	_ =	shalt  }
0x71: {  	_ =	shalt  }
0x72: {  	_ =	shalt  }
0x73: {  	_ =	shalt  }
0x74: {  	_ =	shalt  }
0x75: {  	_ =	shalt  }
0x76: {  	_ =	shalt  }
0x77: {  	_ =	shalt  }
0x78: {  	_ =	shalt  }
0x79: {  	_ =	shalt  }
0x7a: {  	_ =	shalt  }
0x7b: {  	_ =	shalt  }
0x7c: {  	_ =	shalt  }
0x7d: {  	_ =	shalt  }
0x7e: {  	_ =	shalt  }
0x7f: {  	_ =	shalt  }
0x80: {  	_ =	shalt  }
0x81: {  	_ =	shalt  }
0x82: {  	_ =	shalt  }
0x83: {  	_ =	shalt  }
0x84: {  	_ =	shalt  }
0x85: {  	_ =	shalt  }
0x86: {  	_ =	shalt  }
0x87: {  	_ =	shalt  }
.Lfunc_end0:
.L_simem_size_0:
called_computation.3_lowered:
.L_overlay_start_0:
0x88: {  	s2 =	sld [smem:$0x3FD9]  }
0x89: {  	s3 =	sld [smem:$0x3FFE];
	_ =	sdelay $0x1  }
0x8a: {  	s1 =	srdreg.scid  }
0x8b: {  	s0 =	sand.u32 $0x1, s1  }
0x8c: {  	s17 =	sshll.u32 s0, $0xA;
	s2 =	sadd.s32 s3, s2  }
0x8d: {  	s2 =	sadd.s32 s2, s17  }
0x8e: {  	[smem:$0x3FC0] =	sst s2  }
0x8f: {  	_ = 	snop  }
0x90: {  	(tm) =	ssettm $0x1  }
0x91: {  	s18 =	sld [smem:$0x3FFB];
	_ =	sdelay $0x3  }
0x92: {  	_ =	strace s18  }
0x93: {  	s2 =	sld [smem:$0x3FFC];
	_ =	sdelay $0x3  }
0x94: {  	_ =	strace s2  }
0x95: {  	s2 =	sld [smem:$0x3FFD];
	_ =	sdelay $0x3  }
0x96: {  	_ =	strace s2  }
0x97: {  	_ =	strace $0x8FFFFFFF  }
0x98: {  	s19 =	sld [smem:$0x3FDB];
	_ =	sdelay $0x1  }
0x99: {  	s20 =	simm.s32 $_scs_section_size  }
0x9a: {  	s4 =	simm.s32 $_size__tile_overlayer_lowered;
	s5 =	simm.s32 $_tile_overlayer_lowered  }
0x9b: {  	s6 =	simm.s32 $0x1BFF;
	s21 =	sshll.u32 s5, $0x1;
	s3 =	sadd.s32 s20, s19  }
0x9c: {  	s22 =	simm.s32 $0x0;
	s4 =	sshll.u32 s4, $0x1;
	s5 =	sadd.s32 s21, s3  }
0x9d: {  	[timem:s22], [sflag:s6] =	dma.local [hbm:s5], s4  }
0x9e: {  	_ =	swait.ge [sflag:s6], s4  }
0x9f: {  	s4 =	ssub.s32 $0x0, s4;
	[sflag:s6] =	ssyncset.done $0x0  }
0xa0: {  	[sflag:s6] =	ssyncadd.s32 s4;
	_ =	sdelay $0x1  }
0xa1: {  	s23 =	simm.s32 $0x1B8B  }
0xa2: {  	_ =	swait.ge [sflag:s23], $0x1  }
0xa3: {  	[sflag:s23] =	ssyncset.done $0x0  }
0xa4: {  	[sflag:s23] =	ssyncadd.s32 $0xFFFFFFFF  }
0xa5: {  	s4 =	sld [smem:$0x0]  }
0xa6: {  	s5 =	sand.u32 $0xFFFFFFFE, s1  }
0xa7: {  	p0 =	sne.s32 s1, s5  }
0xa8: {  	s5 =	sshll.u32 @p0 s5, $0xE  }
0xa9: {  	s5 =	sadd.s32 @p0 $0x11B8D, s5;
	s6 =	sshll.u32 @p0 s4, $0x11  }
0xaa: {  	s5 =	sor.u32 @p0 s6, s5  }
0xab: {  	[sflag:s5] =	ssyncadd.remote.s32 @p0 $0x1;
	_ =	sdelay $0x1  }
0xac: {  	s5 =	simm.s32 @p0 $0x1B8D  }
0xad: {  	_ =	swait.eq @p0 [sflag:s5], $0x1  }
0xae: {  	[sflag:s5] =	ssyncadd.s32 @p0 $0xFFFFFFFF  }
0xaf: {  	s6 =	sshll.u32 @!p0 s1, $0xE  }
0xb0: {  	s6 =	sor.u32 @!p0 $0x4000, s6;
	s5 =	simm.s32 @!p0 $0x1B8D  }
0xb1: {  	s4 =	sshll.u32 @!p0 s4, $0x11;
	s6 =	sadd.s32 @!p0 $0x11B8D, s6;
	_ =	swait.eq @!p0 [sflag:s5], $0x1  }
0xb2: {  	s4 =	sor.u32 @!p0 s4, s6;
	[sflag:s5] =	ssyncadd.s32 @!p0 $0xFFFFFFFF  }
0xb3: {  	s25 =	simm.s32 $0x1B8E;
	s24 =	sld [smem:$0x3FFE];
	[sflag:s4] =	ssyncadd.remote.s32 @!p0 $0x1  }
0xb4: {  	s26 =	simm.s32 $execute0_lowered;
	[smem:$0x3FD2] =	sst s25  }
0xb5: {  	s5 =	sshll.u32 s26, $0x1;
	_ =	strace $0x8000004C;
	[dreg:$0x1] =	wrdreg $0xFFFFFFFF  }
0xb6: {  	s28 =	simm.s32 $_size_execute0_lowered;
	s3 =	sadd.s32 s3, s5;
	[dreg:$0x0] =	wrdreg $0x0  }
0xb7: {  	s5 =	sshll.u32 s28, $0x1;
	[dreg:$0x2] =	wrdreg s3  }
0xb8: {  	[dreg:$0x3] =	wrdreg s5  }
0xb9: {  	[dreg:$0x4] =	wrdreg $0xC0  }
0xba: {  	_ =	task [dreg:s22], $0x5FFFF  }
0xbb: {  	[dreg:$0x1] =	wrdreg $0xFFFFFFFF  }
0xbc: {  	[dreg:$0x0] =	wrdreg $0x60  }
0xbd: {  	[dreg:$0x2] =	wrdreg s24  }
0xbe: {  	[dreg:$0x3] =	wrdreg $0xC  }
0xbf: {  	_ =	task.clear_ibuf [dreg:s22], $0x4FFFF;
	_ =	strace $0x9000004C  }
0xc0: {  	s29 =	simm.s32 $0xC;
	_ =	strace $0x8000004E  }
0xc1: {  	_ =	swait.ge [sflag:s29], $0x1  }
0xc2: {  	[sflag:s29] =	ssyncadd.s32 $0xFFFFFFFF  }
0xc3: {  	_ =	strace $0x9000004E  }
0xc4: {  	_ =	sfence  }
0xc5: {  	s30 =	sld [smem:$0x0];
	_ =	sdelay $0x2  }
0xc6: {  	s31 =	sshll.u32 s1, $0xD;
	s1 =	sshrl.u32 s1, $0x2  }
0xc7: {  	s4 =	sand.u32 $0x4000, s31;
	s1 =	sadd.s32 s1, s30  }
0xc8: {  	s0 =	sor.u32 s4, s0;
	s1 =	sshll.u32 s1, $0x11  }
0xc9: {  	s0 =	sor.u32 s1, s0  }
0xca: {  	s0 =	sadd.s32 $0x8F2B, s0  }
0xcb: {  	[sflag:s0] =	ssyncadd.remote.s32 $0x1  }
0xcc: {  	_ =	sfence.sel $0xFFFF  }
0xcd: {  	[dreg:$0x0] =	wrdreg $0xFFFFFFFF;
	(pc) =	sbr.abs _section_cstart, $3  }
0xce: {  	[dreg:$0x1] =	wrdreg $0xFFFFFFFF  }
0xcf: {  	_ =	task.clear_ibuf [dreg:s22], $0x2FFFF;
	_ =	strace $0x9FFFFFFF  }
0xd0: {  	(tm) =	ssettm $0x7FFFFFFF  }
0xd1: {  	_ =	shalt  }
tec
execute0_lowered:
.L_overlay_start_1:
0x0: {  	(tag) =	ssettag $0x1  }
0x1: {  	s0 =	srdreg.scid  }
0x2: {  	s3 =	stileid.u32;
	s4 =	rddreg [dreg:$0x0]  }
0x3: {  	s2 =	simm.s32 $0x0;
	s12 =	simm.s32 $0x400;
	s0 =	sand.u32 $0x1, s0  }
0x4: {  	s13 =	simm.s32 $0x800;
	s14 =	simm.s32 $0xC00;
	s1 =	sor.u32 s0, s3  }
0x5: {  	s15 =	simm.s32 $0x2C00;
	p1 =	seq.s32 s0, $0x1;
	p0 =	seq.s32 s1, $0x0  }
0x6: {  	s16 =	simm.s32 $0x4C00;
	s17 =	simm.s32 $0x6C00;
	p0 =	por !p0, !p1  }
0x7: {  	[smem:$0x7FF] =	sst s2;
	s1 =	simm.s32 $0x1;
	p0 =	por !p0, !p0  }
0x8: {  	s18 =	simm.s32 $0x0;
	_ =	strace $0x8000004D;
	s1 =	simm.s32 @!p0 $0x0  }
0x9: {  	s6 =	sshll.u32 s0, $0xA;
	s0 =	ssub.s32 $0x2, s0;
	s1 =	ssub.s32 s3, s1  }
0xa: {  	s31 =	sshrl.u32 s0, $0x1;
	s5 =	sshll.u32 s1, $0x7;
	s1 =	sshll.u32 s1, $0xB  }
0xb: {  	s0 =	ssub.s32 s0, s31;
	s1 =	sand.u32 $0x1FFFF800, s1;
	s5 =	sand.u32 $0x1FFFFF80, s5  }
0xc: {  	s11 =	smax.u32 s0, $0x1;
	s1 =	sor.u32 s6, s1;
	s7 =	sadd.s32 s5, s4  }
0xd: {  	s3 =	simm.s32 $0x1;
	s1 =	sadd.s32 s1, s4;
	s4 =	sadd.s32 $0x5EA00, s7  }
0xe: {  	s5 =	sadd.s32 $0x5F200, s7;
	s6 =	sadd.s32 $0x5FA00, s7;
	s7 =	sadd.s32 $0x2BA00, s1  }
0xf: {  	v0 =	vlaneseq.u32;
	s8 =	sadd.s32 $0x13A00, s1;
	s9 =	sadd.s32 $0x44A00, s1;
	s10 =	sadd.s32 $0x60200, s1  }
.LBB2_1:
0x10: {  	[tilespmem:s2], [sflag:$0x1] =	stream.linear.gather [hbm4b:s4+s2], $0x400, $0x38;
	[tilespmem:$0x8C00] =	vst v63  }
0x11: {  	_ =	swait.ge [sflag:s3], $0x400  }
0x12: {  	[sflag:s3] =	ssyncset.done $0x0  }
0x13: {  	[sflag:s3] =	ssyncadd.s32 $0xFFFFFC00  }
0x14: {  	[tilespmem:s12], [sflag:$0x1] =	stream.linear.gather [hbm4b:s5+s2], $0x400, $0x38;
	[tilespmem:$0x8C00] =	vst v63  }
0x15: {  	_ =	swait.ge [sflag:s3], $0x400  }
0x16: {  	[sflag:s3] =	ssyncset.done $0x0  }
0x17: {  	[sflag:s3] =	ssyncadd.s32 $0xFFFFFC00  }
0x18: {  	[tilespmem:s13], [sflag:$0x1] =	stream.linear.gather [hbm4b:s6+s2], $0x400, $0x38;
	[tilespmem:$0x8C00] =	vst v63  }
0x19: {  	_ =	swait.ge [sflag:s3], $0x400  }
0x1a: {  	[sflag:s3] =	ssyncset.done $0x0  }
0x1b: {  	[sflag:s3] =	ssyncadd.s32 $0xFFFFFC00  }
0x1c: {  	[tilespmem:s14], [sflag:$0x1] =	stream.linear.gather [hbm4b:s7+s2], $0x2000, $0x38;
	[tilespmem:$0x8C00] =	vst v63  }
0x1d: {  	_ =	swait.ge [sflag:s3], $0x2000  }
0x1e: {  	[sflag:s3] =	ssyncset.done $0x0  }
0x1f: {  	[sflag:s3] =	ssyncadd.s32 $0xFFFFE000  }
0x20: {  	[tilespmem:s15], [sflag:$0x1] =	stream.linear.gather [hbm4b:s8+s2], $0x2000, $0x38;
	[tilespmem:$0x8C00] =	vst v63  }
0x21: {  	_ =	swait.ge [sflag:s3], $0x2000  }
0x22: {  	[sflag:s3] =	ssyncset.done $0x0  }
0x23: {  	[sflag:s3] =	ssyncadd.s32 $0xFFFFE000  }
0x24: {  	[tilespmem:s16], [sflag:$0x1] =	stream.linear.gather [hbm4b:s9+s2], $0x2000, $0x38;
	[tilespmem:$0x8C00] =	vst v63  }
0x25: {  	_ =	swait.ge [sflag:s3], $0x2000  }
0x26: {  	[sflag:s3] =	ssyncset.done $0x0  }
0x27: {  	s19 =	simm.s32 $0x0;
	[sflag:s3] =	ssyncadd.s32 $0xFFFFE000  }
.LBB2_2:
0x28: {  	s20 =	sshll.u32 s19, $0x4  }
0x29: {  	v1 =	vld [tilespmem:s20+$0x1800]  }
0x2a: {  	s0 =	simm.s32 $0x400;
	v2 =	vld [tilespmem:s20+$0x3800]  }
0x2b: {  	s1 =	simm.s32 $0x0;
	v23 =	vld [tilespmem:s0+$0x0]  }
0x2c: {  	v24 =	vld [tilespmem:s1+$0x0];
	_ =	sdelay $0x2  }
0x2d: {  	v3 =	vld [tilespmem:s20+$0x1000]  }
0x2e: {  	v4 =	vld [tilespmem:s20+$0x3000]  }
0x2f: {  	v55 =	vld [tilespmem:s20+$0x5800];
	v8 =	vmul.f32 v24, v1;
	v9 =	vmul.f32 v23, v2  }
0x30: {  	v51 =	vld [tilespmem:s20+$0x2000]  }
0x31: {  	s21 =	simm.s32 $0x800;
	v5 =	vld [tilespmem:s20+$0x4000];
	v9 =	vadd.f32 v9, v8  }
0x32: {  	v27 =	vld [tilespmem:s21+$0x0]  }
0x33: {  	v12 =	vld [tilespmem:s20+$0x2800];
	v11 =	vadd.f32 v9, v9  }
0x34: {  	s22 =	simm.s32 $0x410;
	v58 =	vld [tilespmem:s20+$0x4800]  }
0x35: {  	s23 =	simm.s32 $0x10;
	v35 =	vld [tilespmem:s22+$0x0];
	v13 =	vsub.f32 v55, v11  }
0x36: {  	v36 =	vld [tilespmem:s23+$0x0]  }
0x37: {  	v56 =	vld [tilespmem:s20+$0x4400];
	v16 =	vmul.f32 v23, v5;
	v15 =	vadd.f32 v13, v27  }
0x38: {  	v6 =	vld [tilespmem:s20+$0x3400];
	v17 =	vmul.f32 v24, v51;
	v25 =	vmul.f32 v24, v12  }
0x39: {  	v60 =	vld [tilespmem:s20+$0x6000];
	v28 =	vmul.f32 v23, v58;
	v30 =	vmul.f32 v23, v4;
	v20 =	vadd.f32 $9.999999740e-06, v15  }
0x3a: {  	v26 =	vor.u32 s1, v0;
	v32 =	vmul.f32 v24, v3;
	v38 =	vmul.f32 v35, v5;
	v8 =	vld [tilespmem:s20+$0x2400]  }
0x3b: {  	v61 =	vld [tilespmem:s20+$0x6400];
	v42 =	vmul.f32 v36, v1;
	v43 =	vmul.f32 v35, v2;
	(xrf1) =	vsort.dscd.msk.f32 $0xffff, v20, v26  }
0x3c: {  	v14 =	vld [tilespmem:s20+$0x6800];
	v48 =	vmul.f32 v36, v51;
	v21 =	vadd.f32 v16, v17;
	v25 =	vadd.f32 v28, v25  }
0x3d: {  	v10 =	vld [tilespmem:s20+$0x5000];
	v19 =	vmul.f32 v23, v56;
	v30 =	vadd.f32 v30, v32;
	v42 =	vadd.f32 v43, v42  }
0x3e: {  	v7 =	vld [tilespmem:s20+$0x3C00];
	v52 =	vmul.f32 v35, v56;
	v38 =	vadd.f32 v38, v48;
	v21 =	vadd.f32 v21, v21  }
0x3f: {  	v9 =	vld [tilespmem:s20+$0x1400];
	v25 =	vadd.f32 v25, v25;
	v32 =	vadd.f32 v30, v30;
	v18 =	vmul.f32 v24, v8  }
0x40: {  	v53 =	vmul.f32 v35, v6;
	v50 =	vadd.f32 v42, v42;
	v38 =	vadd.f32 v38, v38;
	v11 =	vld [tilespmem:s20+$0xC00]  }
0x41: {  	v63 =	vld [tilespmem:s20+$0x1C00];
	v54 =	vmul.f32 v36, v3;
	v21 =	vsub.f32 v60, v21;
	v19 =	vadd.f32 v19, v18  }
0x42: {  	v45 =	vmul.f32 v36, v12;
	v25 =	vsub.f32 v14, v25;
	v46 =	vsub.f32 v10, v32  }
0x43: {  	v62 =	vld [tilespmem:s20+$0x2C00];
	v30 =	vimm.f32 $+Inf;
	v38 =	vsub.f32 v60, v38;
	v29 =	vadd.f32 v19, v19  }
0x44: {  	v32 =	vimm.s32 $0x0;
	v33 =	vadd.f32 v21, v27;
	v25 =	vadd.f32 v25, v27  }
0x45: {  	v22 =	vmul.f32 v24, v9;
	v34 =	vmul.f32 v24, v11;
	v28 =	vsub.f32 v61, v29  }
0x46: {  	v47 =	vadd.f32 v46, v27;
	v24 =	vmul.f32 v24, v63;
	v29 =	vmul.f32 v23, v7  }
0x47: {  	v33 =	vadd.f32 $9.999999740e-06, v33;
	v20 =	vmul.f32 v23, v6;
	v28 =	vadd.f32 v28, v27  }
0x48: {  	v15 =	vld [tilespmem:s20+$0x5C00];
	v44 =	vadd.f32 $9.999999740e-06, v47;
	v23 =	vmul.f32 v23, v62;
	v29 =	vadd.f32 v29, v24  }
0x49: {  	s24 =	simm.s32 $0x810;
	v13 =	vld [tilespmem:s20+$0x5400];
	v47 =	vmul.f32 v35, v58;
	(xrf1) =	vsort.dscd.msk.f32 $0xffff, v33, v26;
	v31 =	vadd.f32 v20, v22;
	v28 =	vadd.f32 $9.999999740e-06, v28;
	v40, v41, _ =	vpop (xrf1)  }
0x4a: {  	v33 =	vld [tilespmem:s24+$0x0];
	v23 =	vadd.f32 v23, v34;
	v29 =	vadd.f32 v29, v29;
	vm0 =	vlt.f32 v40, v30  }
0x4b: {  	v46 =	vadd.f32 $9.999999740e-06, v25;
	(xrf1) =	vsort.dscd.msk.f32 $0xffff, v28, v26;
	v41 =	vsel vm0, v41, v32;
	v40 =	vsel vm0, v40, v30  }
0x4c: {  	v45 =	vadd.f32 v47, v45;
	v31 =	vadd.f32 v31, v31;
	(xrf1) =	vsort.ascd.msk.f32 $0xffff, v40, v41  }
0x4d: {  	v16 =	vld [tilespmem:s20+$0x4C00];
	v37 =	vadd.f32 v23, v23;
	v29 =	vsub.f32 v15, v29;
	(xrf1) =	vsort.dscd.msk.f32 $0xffff, v44, v26  }
0x4e: {  	v49 =	vmul.f32 v36, v8;
	v31 =	vsub.f32 v13, v31;
	v41 =	vsub.f32 v55, v50  }
0x4f: {  	v57 =	vmul.f32 v36, v9;
	v38 =	vadd.f32 v38, v33;
	v29 =	vadd.f32 v29, v27  }
0x50: {  	v25 =	vor.u32 s23, v0;
	v31 =	vadd.f32 v31, v27;
	v41 =	vadd.f32 v41, v33  }
0x51: {  	v39 =	vmul.f32 v36, v11;
	v29 =	vadd.f32 $9.999999740e-06, v29;
	v40 =	vadd.f32 v52, v49  }
0x52: {  	v28 =	vmul.f32 v35, v4;
	v37 =	vsub.f32 v16, v37;
	v41 =	vadd.f32 $9.999999740e-06, v41  }
0x53: {  	v34 =	vmul.f32 v35, v7;
	v31 =	vadd.f32 $9.999999740e-06, v31;
	v40 =	vadd.f32 v40, v40;
	(xrf1) =	vsort.dscd.msk.f32 $0xffff, v29, v26  }
0x54: {  	v35 =	vmul.f32 v35, v62;
	v38 =	vadd.f32 $9.999999740e-06, v38;
	v28 =	vadd.f32 v28, v54;
	(xrf1) =	vsort.dscd.msk.f32 $0xffff, v41, v25  }
0x55: {  	s26 =	simm.s32 $0x20;
	v27 =	vadd.f32 v37, v27;
	v40 =	vsub.f32 v61, v40;
	(xrf1) =	vsort.dscd.msk.f32 $0xffff, v31, v26  }
0x56: {  	v35 =	vadd.f32 v35, v39;
	v28 =	vadd.f32 v28, v28;
	(xrf1) =	vsort.dscd.msk.f32 $0xffff, v46, v26;
	v46 =	vld [tilespmem:s26+$0x0]  }
0x57: {  	v36 =	vmul.f32 v36, v63;
	v42, v43, _ =	vpop (xrf1);
	v50 =	vadd.f32 v45, v45;
	v40 =	vadd.f32 v40, v33  }
0x58: {  	v35 =	vadd.f32 v35, v35;
	vm9 =	vlt.f32 v42, v30;
	v29 =	vadd.f32 v53, v57  }
0x59: {  	v49 =	vsel vm9, v43, v32;
	v52 =	vsub.f32 v14, v50;
	v48, v59, _ =	vpop (xrf1);
	v40 =	vadd.f32 $9.999999740e-06, v40  }
0x5a: {  	v27 =	vadd.f32 $9.999999740e-06, v27;
	v29 =	vadd.f32 v29, v29;
	vm1 =	vlt.f32 v48, v30;
	v39, v44, _ =	vpop (xrf1);
	(xrf1) =	vsort.dscd.msk.f32 $0xffff, v38, v25  }
0x5b: {  	s25 =	simm.s32 $0x420;
	v17 =	vmov v60;
	v31 =	vsel vm9, v42, v30;
	v47 =	vmul.f32 v46, v8;
	v53, v45, _ =	vpop (xrf1);
	(xrf1) =	vsort.dscd.msk.f32 $0xffff, v40, v25  }
0x5c: {  	v21 =	vmovc v62;
	v38 =	vmul.f32 v46, v3;
	v40 =	vld [tilespmem:s25+$0x0];
	(xrf1) =	vsort.dscd.msk.f32 $0xffff, v27, v26;
	v26 =	vsub.f32 v10, v28  }
0x5d: {  	v18 =	vmovc v61;
	vm10 =	vlt.f32 v53, v30;
	v27 =	vadd.f32 v34, v36;
	v28 =	vsub.f32 v13, v29  }
0x5e: {  	[tilespmem:$0x1FFE0] =	vst v13;
	v34 =	vadd.f32 v52, v33;
	v29 =	vsel vm1, v48, v30;
	(xrf1) =	vsort.ascd.msk.f32 $0xffff, v31, v49  }
0x5f: {  	v19 =	vmovc v7;
	v54 =	vsel vm10, v45, v32;
	v43 =	vsel vm10, v53, v30;
	v45 =	vsub.f32 v16, v35  }
0x60: {  	v24 =	vmovc v16;
	v49 =	vmul.f32 v46, v1;
	v26 =	vadd.f32 v26, v33;
	v31 =	vadd.f32 v27, v27  }
0x61: {  	v13 =	vmovc v9;
	v27 =	vsel vm1, v59, v32;
	v36 =	vadd.f32 v28, v33;
	v28 =	vmul.f32 v40, v5  }
0x62: {  	(xrf1) =	vsort.ascd.msk.f32 $0xffff, v29, v27;
	v42 =	vmul.f32 v40, v4;
	v48 =	vmul.f32 v40, v6;
	v50 =	vadd.f32 $9.999999740e-06, v26  }
0x63: {  	v37, v29, _ =	vpop (xrf1);
	(xrf1) =	vsort.ascd.msk.f32 $0xffff, v43, v54;
	v26 =	vmul.f32 v40, v2;
	v43 =	vmul.f32 v46, v9;
	v9 =	vmov v51  }
0x64: {  	[tilespmem:$0x1FFF0] =	vst v14;
	v51 =	vmul.f32 v46, v51;
	v31 =	vsub.f32 v15, v31;
	v54 =	vmul.f32 v46, v12;
	v59, v57, _ =	vpop (xrf1)  }
0x65: {  	v16 =	vmovc v58;
	v58 =	vmul.f32 v40, v58;
	vm11 =	vlt.f32 v37, v30;
	vm2 =	vlt.f32 v59, v39  }
0x66: {  	s29 =	simm.s32 $0x820;
	v22 =	vmovc v63;
	v49 =	vadd.f32 v26, v49;
	v31 =	vadd.f32 v31, v33;
	v44 =	vsel vm2, v57, v44  }
0x67: {  	[tilespmem:$0x1FFD0] =	vst v10;
	v52, v53, _ =	vpop (xrf1);
	v26 =	vld [tilespmem:s29+$0x0];
	v28 =	vadd.f32 v28, v51;
	v35 =	vsel vm11, v29, v32;
	v39 =	vsel vm2, v59, v39  }
0x68: {  	v20 =	vmovc v11;
	v43 =	vadd.f32 v48, v43;
	vm12 =	vlt.f32 v52, v30;
	v49 =	vadd.f32 v49, v49  }
0x69: {  	v23 =	vmovc v15;
	(xrf1) =	vsort.ascd.msk.f32 $0xffff, v39, v44;
	v51 =	vsel vm12, v52, v30;
	v52 =	vmul.f32 v40, v56  }
0x6a: {  	v14 =	vmov v6;
	v54 =	vadd.f32 v58, v54;
	v29 =	vsub.f32 v55, v49;
	v39, v44, _ =	vpop (xrf1);
	(xrf1) =	vsort.dscd.msk.f32 $0xffff, v50, v25  }
0x6b: {  	v41 =	vmul.f32 v46, v11;
	v11 =	vmovc v8;
	v33 =	vadd.f32 v45, v33;
	v47 =	vadd.f32 v52, v47  }
0x6c: {  	v8 =	vmovc v55;
	v27 =	vmul.f32 v40, v7;
	v42 =	vadd.f32 v42, v38;
	v57 =	vadd.f32 v29, v26  }
0x6d: {  	v10 =	vmovc v5;
	v7 =	vmovc v4;
	v37 =	vsel vm11, v37, v30;
	v49 =	vadd.f32 $9.999999740e-06, v31;
	v47 =	vadd.f32 v47, v47  }
0x6e: {  	v15 =	vmovc v12;
	v12 =	vmovc v56;
	v45 =	vmul.f32 v46, v63;
	v56 =	vadd.f32 v28, v28;
	v48 =	vadd.f32 $9.999999740e-06, v57  }
0x6f: {  	v28 =	vor.u32 s26, v0;
	v46 =	vadd.f32 v42, v42;
	(xrf1) =	vsort.dscd.msk.f32 $0xffff, v49, v25;
	v47 =	vsub.f32 v61, v47  }
0x70: {  	v36 =	vadd.f32 $9.999999740e-06, v36;
	v56 =	vsub.f32 v60, v56;
	v50, v55, _ =	vpop (xrf1);
	vm13 =	vlt.f32 v39, v30;
	(xrf1) =	vsort.dscd.msk.f32 $0xffff, v48, v28  }
0x71: {  	v4 =	vmovc v1;
	(xrf1) =	vsort.ascd.msk.f32 $0xffff, v37, v35;
	v37 =	vadd.f32 v43, v43;
	v43 =	vadd.f32 v47, v26  }
0x72: {  	v60 =	vsel vm12, v53, v32;
	v53 =	vadd.f32 $9.999999740e-06, v34;
	v44 =	vsel vm13, v44, v32;
	v31, v29, _ =	vpop (xrf1);
	(xrf1) =	vsort.dscd.msk.f32 $0xffff, v36, v25  }
0x73: {  	v0 =	vld [tilespmem:$0x1FFF0];
	v58 =	vsel vm13, v39, v30;
	v61 =	vadd.f32 v56, v26;
	v52, v59, _ =	vpop (xrf1);
	(xrf1) =	vsort.ascd.msk.f32 $0xffff, v51, v60;
	v43 =	vadd.f32 $9.999999740e-06, v43  }
0x74: {  	v5 =	vmov v2;
	v56 =	vmul.f32 v40, v62;
	v49, v57, _ =	vpop (xrf1);
	vm15 =	vlt.f32 v52, v30;
	(xrf1) =	vsort.ascd.msk.f32 $0xffff, v58, v44  }
0x75: {  	s30 =	simm.s32 $0x30;
	v61 =	vadd.f32 $9.999999740e-06, v61;
	v30 =	vsel vm15, v52, v30;
	v35, v34, _ =	vpop (xrf1);
	v60 =	vsel vm15, v59, v32;
	(xrf1) =	vsort.dscd.msk.f32 $0xffff, v53, v25  }
0x76: {  	s31 =	simm.s32 $0x30;
	s21 =	sor.u32 $0x400, s20;
	s22 =	sor.u32 $0x800, s20;
	v6 =	vmov v3;
	v62 =	vadd.f32 v54, v54;
	vm14 =	vlt.f32 v50, v49;
	v32, v36, _ =	vpop (xrf1);
	(xrf1) =	vsort.ascd.msk.f32 $0xffff, v30, v60  }
0x77: {  	s28 =	sor.u32 $0x1400, s20;
	s1 =	simm.s32 $0x430;
	s23 =	sor.u32 $0xC00, s20;
	v41 =	vadd.f32 v56, v41;
	v39 =	vsel vm14, v50, v49;
	v30 =	vadd.f32 $9.999999740e-06, v33;
	v33, v38, _ =	vpop (xrf1);
	(xrf1) =	vsort.dscd.msk.f32 $0xffff, v61, v28  }
0x78: {  	s24 =	sor.u32 $0x1000, s20;
	s25 =	sor.u32 $0x1C00, s20;
	s26 =	sor.u32 $0x1800, s20;
	v3 =	vmov v0;
	v40 =	vsel vm14, v55, v57;
	v44 =	vsub.f32 v0, v62;
	(xrf1) =	vsort.dscd.msk.f32 $0xffff, v43, v28;
	v42, v43, _ =	vpop (xrf1)  }
.LBB2_3:
0x79: {  	v47 =	vld [tilespmem:s1+$0x0]  }
0x7a: {  	v0 =	vld [tilespmem:$0x1FFD0];
	_ =	sdelay $0x1  }
0x7b: {  	vm0 =	vlt.f32 v42, v32;
	vm1 =	vlt.f32 v31, v35;
	v27 =	vadd.f32 v27, v45  }
0x7c: {  	(xrf1) =	vsort.dscd.msk.f32 $0xffff, v30, v25;
	v30 =	vld [tilespmem:s31+$0x0];
	v31 =	vsel vm1, v31, v35;
	v1 =	vsel vm0, v43, v36  }
0x7d: {  	v63 =	vadd.f32 v27, v27;
	v27 =	vsel vm1, v29, v34;
	v29 =	vadd.f32 v41, v41  }
0x7e: {  	v25 =	vmovc v28;
	v28 =	vsub.f32 v0, v46;
	v0 =	vld [tilespmem:$0x1FFE0];
	v48 =	vmul.f32 v47, v7;
	v50 =	vmul.f32 v47, v14  }
0x7f: {  	v45, v46, _ =	vpop (xrf1);
	(xrf1) =	vsort.ascd.msk.f32 $0xffff, v39, v40;
	v52 =	vmul.f32 v47, v5;
	v2 =	vmul.f32 v47, v16  }
0x80: {  	v34, v57, _ =	vpop (xrf1);
	(xrf1) =	vsort.ascd.msk.f32 $0xffff, v31, v27;
	v27 =	vmul.f32 v47, v19;
	v31 =	vmul.f32 v47, v10  }
0x81: {  	v39 =	vadd.f32 v44, v26;
	v44 =	vmul.f32 v30, v20;
	v51 =	vmul.f32 v30, v4  }
0x82: {  	v35 =	vsub.f32 v23, v63;
	v54 =	vmul.f32 v30, v6;
	v55 =	vmul.f32 v30, v13  }
0x83: {  	v59 =	vmul.f32 v30, v11;
	v41, v43, _ =	vpop (xrf1);
	v37 =	vsub.f32 v0, v37;
	v0 =	vsel vm0, v42, v32  }
0x84: {  	v60 =	vmul.f32 v30, v15;
	vm2 =	vlt.f32 v34, v33;
	v42, v49, _ =	vpop (xrf1);
	(xrf1) =	vsort.ascd.msk.f32 $0xffff, v0, v1  }
0x85: {  	v28 =	vadd.f32 v28, v26;
	vm11 =	vlt.f32 v45, v41;
	v38 =	vsel vm2, v57, v38;
	v32, v36, _ =	vpop (xrf1)  }
0x86: {  	v51 =	vadd.f32 v52, v51;
	v33 =	vsel vm2, v34, v33;
	v34 =	vadd.f32 v35, v26;
	v40, v56, _ =	vpop (xrf1)  }
0x87: {  	s29 =	sadd.s32 $0x10, s29;
	v52 =	vmul.f32 v30, v9;
	v50 =	vadd.f32 v50, v55;
	v2 =	vadd.f32 v2, v60;
	v57, v58, _ =	vpop (xrf1)  }
0x88: {  	v53 =	vld [tilespmem:s29+$0x0];
	v28 =	vadd.f32 $9.999999740e-06, v28;
	v43 =	vsel vm11, v46, v43;
	v51 =	vadd.f32 v51, v51;
	v61, v62, _ =	vpop (xrf1)  }
0x89: {  	v41 =	vsel vm11, v45, v41;
	v35 =	vadd.f32 v31, v52;
	v52 =	vsub.f32 v24, v29;
	v63, v0, _ =	vpop (xrf1)  }
0x8a: {  	v37 =	vadd.f32 v37, v26;
	vm12 =	vlt.f32 v42, v32;
	v31, v29, _ =	vpop (xrf1);
	(xrf1) =	vsort.ascd.msk.f32 $0xffff, v33, v38  }
0x8b: {  	v34 =	vadd.f32 $9.999999740e-06, v34;
	v46 =	vsub.f32 v8, v51;
	v33 =	vsel vm12, v42, v32;
	v38, v42, _ =	vpop (xrf1);
	(xrf1) =	vsort.dscd.msk.f32 $0xffff, v28, v25  }
0x8c: {  	v51 =	vadd.f32 $9.999999740e-06, v39;
	v32 =	vadd.f32 v35, v35;
	v35 =	vmul.f32 v47, v12  }
0x8d: {  	v49 =	vsel vm12, v49, v36;
	v46 =	vadd.f32 v46, v53;
	vm13 =	vlt.f32 v57, v40  }
0x8e: {  	v56 =	vsel vm13, v58, v56;
	v40 =	vsel vm13, v57, v40;
	v59 =	vadd.f32 v35, v59  }
0x8f: {  	s0 =	smov.u32 s30;
	v46 =	vadd.f32 $9.999999740e-06, v46;
	v28 =	vlaneseq.u32;
	v60 =	vsub.f32 v17, v32  }
0x90: {  	v28 =	vor.u32 s0, v28;
	vm15 =	vlt.f32 v38, v61;
	v39, v1, _ =	vpop (xrf1);
	(xrf1) =	vsort.dscd.msk.f32 $0xffff, v34, v25;
	v58 =	vadd.f32 v59, v59  }
0x91: {  	v42 =	vsel vm15, v42, v62;
	v62 =	vsel vm15, v38, v61;
	v35, v34, _ =	vpop (xrf1);
	(xrf1) =	vsort.dscd.msk.f32 $0xffff, v46, v28;
	v59 =	vadd.f32 $9.999999740e-06, v37  }
0x92: {  	vm14 =	vlt.f32 v63, v39;
	v45 =	vsub.f32 v18, v58;
	v32, v36, _ =	vpop (xrf1);
	(xrf1) =	vsort.ascd.msk.f32 $0xffff, v41, v43  }
0x93: {  	v37 =	vadd.f32 v50, v50;
	v55 =	vadd.f32 v60, v53;
	(xrf1) =	vsort.dscd.msk.f32 $0xffff, v59, v25  }
0x94: {  	p0 =	sne.s32 s30, $0x3F0;
	v39 =	vsel vm14, v63, v39;
	v57 =	vadd.f32 v45, v53;
	(xrf1) =	vsort.ascd.msk.f32 $0xffff, v33, v49  }
.Ltmp0:
0x95: {  	v63 =	vadd.f32 v52, v26;
	v58 =	vmul.f32 v47, v21;
	(xrf1) =	vsort.ascd.msk.f32 $0xffff, v40, v56;
	(pc) =	sbr.rel @p0 .LBB2_3-.Ltmp0, $4  }
0x96: {  	v59 =	vadd.f32 $9.999999740e-06, v55;
	v60 =	vadd.f32 $9.999999740e-06, v57;
	v40 =	vsel vm14, v0, v1;
	(xrf1) =	vsort.dscd.msk.f32 $0xffff, v51, v25  }
0x97: {  	v0 =	vadd.f32 v48, v54;
	v1 =	vadd.f32 v2, v2;
	(xrf1) =	vsort.ascd.msk.f32 $0xffff, v62, v42  }
0x98: {  	v45 =	vmul.f32 v30, v22;
	v30 =	vadd.f32 $9.999999740e-06, v63;
	v41 =	vadd.f32 v58, v44;
	v33, v38, _ =	vpop (xrf1);
	(xrf1) =	vsort.dscd.msk.f32 $0xffff, v59, v28  }
0x99: {  	s30 =	sadd.s32 $0x10, s30;
	s1 =	sadd.s32 $0x10, s1;
	s31 =	sadd.s32 $0x10, s31;
	v26 =	vmov v53;
	v46 =	vadd.f32 v0, v0;
	v44 =	vsub.f32 v3, v1;
	v42, v43, _ =	vpop (xrf1);
	(xrf1) =	vsort.dscd.msk.f32 $0xffff, v60, v28  }
0x9a: {  	v1 =	vld [tilespmem:$0x1FFD0];
	_ =	sdelay $0x1  }
0x9b: {  	(xrf1) =	vsort.dscd.msk.f32 $0xffff, v30, v25;
	v0 =	vadd.f32 v27, v45;
	v4 =	vld [tilespmem:$0x1FFE0]  }
0x9c: {  	vm0 =	vlt.f32 v42, v32  }
0x9d: {  	vm1 =	vlt.f32 v31, v35;
	(xrf1) =	vsort.ascd.msk.f32 $0xffff, v39, v40;
	v0 =	vadd.f32 v0, v0  }
0x9e: {  	v6 =	vsel vm1, v31, v35;
	v12 =	vsel vm0, v42, v32;
	v2, v3, _ =	vpop (xrf1);
	v1 =	vsub.f32 v1, v46  }
0x9f: {  	v7 =	vsel vm1, v29, v34;
	v36 =	vsel vm0, v43, v36;
	v0 =	vsub.f32 v23, v0;
	v8, v9, _ =	vpop (xrf1)  }
0xa0: {  	v4 =	vsub.f32 v4, v37;
	v37, v11, _ =	vpop (xrf1);
	vm5 =	vlt.f32 v8, v33;
	v1 =	vadd.f32 v1, v26  }
0xa1: {  	(xrf1) =	vsort.ascd.msk.f32 $0xffff, v6, v7;
	v0 =	vadd.f32 v0, v26;
	v13, v14, _ =	vpop (xrf1);
	v9 =	vsel vm5, v9, v38  }
0xa2: {  	v10 =	vadd.f32 v41, v41;
	(xrf1) =	vsort.ascd.msk.f32 $0xffff, v12, v36;
	v8 =	vsel vm5, v8, v33;
	v6, v12, _ =	vpop (xrf1);
	v1 =	vadd.f32 $9.999999740e-06, v1  }
0xa3: {  	v4 =	vadd.f32 v4, v26;
	vm6 =	vlt.f32 v2, v37;
	v0 =	vadd.f32 $9.999999740e-06, v0;
	v15, v16, _ =	vpop (xrf1);
	(xrf1) =	vsort.ascd.msk.f32 $0xffff, v8, v9  }
0xa4: {  	v3 =	vsel vm6, v3, v11;
	(xrf1) =	vsort.dscd.msk.f32 $0xffff, v1, v28  }
0xa5: {  	v10 =	vsub.f32 v24, v10;
	v8, v9, _ =	vpop (xrf1);
	(xrf1) =	vsort.dscd.msk.f32 $0xffff, v0, v28;
	v0 =	vsel vm6, v2, v37;
	v2 =	vadd.f32 $9.999999740e-06, v4  }
0xa6: {  	v1, v17, _ =	vpop (xrf1)  }
0xa7: {  	v5 =	vadd.f32 v44, v26;
	v42 =	vadd.f32 v10, v26;
	vm7 =	vlt.f32 v13, v6;
	v39, v38, _ =	vpop (xrf1)  }
0xa8: {  	v6 =	vsel vm7, v13, v6;
	vm8 =	vlt.f32 v8, v15;
	(xrf1) =	vsort.ascd.msk.f32 $0xffff, v0, v3;
	v0, v3, _ =	vpop (xrf1)  }
0xa9: {  	v40 =	vsel vm7, v14, v12;
	v9 =	vsel vm8, v9, v16;
	(xrf1) =	vsort.dscd.msk.f32 $0xffff, v2, v28;
	v2, v41, _ =	vpop (xrf1)  }
0xaa: {  	v5 =	vadd.f32 $9.999999740e-06, v5;
	v8 =	vsel vm8, v8, v15;
	(xrf1) =	vsort.ascd.msk.f32 $0xffff, v6, v40;
	vm9 =	vlt.f32 v2, v1  }
0xab: {  	(xrf1) =	vsort.ascd.msk.f32 $0xffff, v8, v9;
	v1 =	vsel vm9, v2, v1;
	v2 =	vadd.f32 $9.999999740e-06, v42  }
0xac: {  	(xrf1) =	vsort.dscd.msk.f32 $0xffff, v5, v28;
	v43 =	vsel vm9, v41, v17  }
0xad: {  	(xrf1) =	vsort.ascd.msk.f32 $0xffff, v1, v43  }
0xae: {  	(xrf1) =	vsort.dscd.msk.f32 $0xffff, v2, v28;
	_ =	sdelay $0x1  }
0xaf: {  	v1, v2, _ =	vpop (xrf1)  }
0xb0: {  	v44, v45, _ =	vpop (xrf1)  }
0xb1: {  	vm10 =	vlt.f32 v39, v1;
	v47, v46, _ =	vpop (xrf1)  }
0xb2: {  	v1 =	vsel vm10, v39, v1;
	v2 =	vsel vm10, v38, v2;
	vm11 =	vlt.f32 v0, v44;
	v49, v48, _ =	vpop (xrf1)  }
0xb3: {  	(xrf1) =	vsort.ascd.msk.f32 $0xffff, v1, v2;
	v1 =	vsel vm11, v3, v45;
	v10, v50, _ =	vpop (xrf1)  }
0xb4: {  	v0 =	vsel vm11, v0, v44;
	v51, v52, _ =	vpop (xrf1)  }
0xb5: {  	v53, v54, _ =	vpop (xrf1)  }
0xb6: {  	v2, v3, _ =	vpop (xrf1)  }
0xb7: {  	(xrf1) =	vsort.ascd.msk.f32 $0xffff, v0, v1;
	vm12 =	vlt.f32 v10, v47;
	v0, v1, _ =	vpop (xrf1)  }
0xb8: {  	v55 =	vsel vm12, v50, v46;
	v56 =	vsel vm12, v10, v47;
	vm13 =	vlt.f32 v51, v53;
	v58, v57, _ =	vpop (xrf1)  }
0xb9: {  	(xrf1) =	vsort.ascd.msk.f32 $0xffff, v56, v55;
	v7 =	vsel vm13, v52, v54;
	vm14 =	vlt.f32 v2, v0;
	v5, v6, _ =	vpop (xrf1)  }
0xba: {  	v0 =	vsel vm14, v2, v0;
	v2 =	vsel vm13, v51, v53;
	v60, v59, _ =	vpop (xrf1);
	vm2 =	vlt.f32 v5, v58  }
0xbb: {  	v1 =	vsel vm14, v3, v1;
	(xrf1) =	vsort.ascd.msk.f32 $0xffff, v2, v7;
	v4, v13, _ =	vpop (xrf1);
	v6 =	vsel vm2, v6, v57  }
0xbc: {  	v2 =	vsel vm2, v5, v58;
	(xrf1) =	vsort.ascd.msk.f32 $0xffff, v0, v1;
	vm15 =	vlt.f32 v4, v60  }
0xbd: {  	(xrf1) =	vsort.ascd.msk.f32 $0xffff, v2, v6;
	v0 =	vsel vm15, v13, v59;
	v1 =	vsel vm15, v4, v60  }
0xbe: {  	(xrf1) =	vsort.ascd.msk.f32 $0xffff, v1, v0;
	_ =	sdelay $0x7  }
0xbf: {  	[tilespmem:s23+$0x6C00] =	vst v48;
	v0, v1, _ =	vpop (xrf1)  }
0xc0: {  	s19 =	sadd.s32 $0x1, s19;
	v0, v2, _ =	vpop (xrf1);
	[tilespmem:s28+$0x6C00] =	vst v1  }
0xc1: {  	p0 =	sne.s32 s19, $0x40;
	[tilespmem:s26+$0x6C00] =	vst v2;
	v0, v3, _ =	vpop (xrf1)  }
.Ltmp1:
0xc2: {  	[tilespmem:s21+$0x6C00] =	vst v3;
	v0, v61, _ =	vpop (xrf1);
	(pc) =	sbr.rel @p0 .LBB2_2-.Ltmp1, $4  }
0xc3: {  	v0, v62, _ =	vpop (xrf1);
	[tilespmem:s24+$0x6C00] =	vst v61  }
0xc4: {  	v0, v6, _ =	vpop (xrf1);
	[tilespmem:s22+$0x6C00] =	vst v62  }
0xc5: {  	[tilespmem:s25+$0x6C00] =	vst v6;
	v0, v63, _ =	vpop (xrf1)  }
0xc6: {  	[tilespmem:s20+$0x6C00] =	vst v63;
	v0 =	vlaneseq.u32  }
0xc7: {  	s18 =	sadd.s32 $0x1, s18  }
0xc8: {  	p0 =	sne.s32 s18, s11  }
.Ltmp2:
0xc9: {  	_ = 	snop;
	(pc) =	sbr.rel @p0 .LBB2_1-.Ltmp2, $4  }
0xca: {  	[hbm4b:s10+s2] =	stream.linear.scatter [tilespmem:s17], [sflag:$0x1], $0x2000, $0x38;
	[tilespmem:$0x8C00] =	vst v63  }
0xcb: {  	_ =	swait.ge [sflag:s3], $0x2000  }
0xcc: {  	[sflag:s3] =	ssyncset.done $0x0  }
0xcd: {  	[sflag:s3] =	ssyncadd.s32 $0xFFFFE000  }
0xce: {  	_ =	sfence.sel $0x180000  }
0xcf: {  	[bflag:$0x0] =	sbarrier.arrive $0xFFFF  }
0xd0: {  	_ =	strace $0x9000004D  }
0xd1: {  	s0 =	stileid.u32;
	[bflag:$0x2] =	sbarrier.arrive $0xFFFF  }
0xd2: {  	p0 =	sne.s32 s0, $0x0;
	s0 =	rddreg [dreg:$0x1]  }
0xd3: {  	s0 =	sadd.s32 @!p0 $0x100000, s0  }
0xd4: {  	[sflag:s0] =	ssyncadd.tile.s32 @!p0 $0x1;
	_ =	shalt  }
.Lfunc_end2:
_tile_overlayer_lowered:
.L_overlay_start_2:
0xd5: {  	(tag) =	ssettag $0x2  }
0xd6: {  	s0 =	rddreg [dreg:$0x0];
	s2 =	stileid.u32  }
0xd7: {  	s1 =	rddreg [dreg:$0x1];
	p0 =	sne.s32 s2, $0x0  }
0xd8: {  	s3 =	rddreg [dreg:$0x2];
	[bflag:$0x3] =	sbarrier.arrive $0xFFFF;
	s2 =	simm.s32 @!p0 $0x1C01  }
0xd9: {  	[timem:s3], [sflag:s2] =	dma.local @!p0 [hbm:s0], s1  }
0xda: {  	s0 =	simm.s32 @!p0 $0x1  }
0xdb: {  	_ =	swait.ge @!p0 [sflag:s0], s1  }
0xdc: {  	s1 =	ssub.s32 @!p0 $0x0, s1;
	[sflag:s0] =	ssyncset.done @!p0 $0x0  }
0xdd: {  	[sflag:s0] =	ssyncadd.s32 @!p0 s1  }
0xde: {  	[bflag:$0x3] =	sbarrier.arrive $0xFFFF  }
0xdf: {  	_ =	shalt  }

</sc_bundles>
